<compile_context>
chip_gen: v7x
topology: tpu7x:2x2x1
jax: 0.10.2.dev20260603
libtpu: 0.0.44.dev20260713+nightly
codegen_flags: <defaults>
</compile_context>

<pallas_src>
import functools

import jax
import jax.numpy as jnp
from jax import lax
from jax.experimental import pallas as pl
from jax.experimental.pallas import tpu as pltpu
from jax.experimental.pallas import tpu_sc as plsc

N = 10000
E = 320000
H = 128
G = 64
NC = 2
NS = 16
NW = NC * NS
NP = 10240
CK = 128
CHUNKS = 80
EPAD = NW * CHUNKS * CK
PAD_NODE = N + 128

f32 = jnp.float32
i32 = jnp.int32

_ZB = 2048


def _dot(a, b):
    return lax.dot_general(a, b, (((1,), (0,)), ((), ())),
                           precision=lax.Precision.HIGHEST,
                           preferred_element_type=f32)


def _sc_scalar_body(src_hbm, dst_hbm, w_hbm, x_hbm, batch_hbm,
                    a0_out, sa_out,
                    xv, bv, sbuf, dbuf, wbuf, msgbuf, saibuf, zbuf,
                    acc_a0, acc_sa):
    c = lax.axis_index("c")
    s = lax.axis_index("s")
    wid = s * NC + c

    zero16 = jnp.zeros((16,), f32)

    def _z(i, carry):
        zbuf[pl.ds(i * 16, 16)] = zero16
        return carry
    lax.fori_loop(0, _ZB // 16, _z, None)

    a0_seg = NP // NS
    pltpu.sync_copy(zbuf.at[pl.ds(0, a0_seg)],
                    acc_a0.at[pl.ds(s * a0_seg, a0_seg)])
    sa_seg = (G * NP) // NS
    for k in range(sa_seg // _ZB):
        pltpu.sync_copy(zbuf, acc_sa.at[pl.ds(s * sa_seg + k * _ZB, _ZB)])

    pltpu.sync_copy(x_hbm, xv)
    pltpu.sync_copy(batch_hbm, bv)
    plsc.subcore_barrier()

    def body(it, carry):
        base = wid * (CHUNKS * CK) + it * CK
        pltpu.sync_copy(src_hbm.at[pl.ds(base, CK)], sbuf)
        pltpu.sync_copy(dst_hbm.at[pl.ds(base, CK)], dbuf)
        pltpu.sync_copy(w_hbm.at[pl.ds(base, CK)], wbuf)
        for j in range(CK // 16):
            sv = sbuf[pl.ds(j * 16, 16)]
            dv = dbuf[pl.ds(j * 16, 16)]
            wv = wbuf[pl.ds(j * 16, 16)]
            xg = plsc.load_gather(xv, [sv])
            msgbuf[pl.ds(j * 16, 16)] = wv * xg
            gb = plsc.load_gather(bv, [dv])
            saibuf[pl.ds(j * 16, 16)] = gb * NP + sv
        pltpu.sync_copy(msgbuf, acc_a0.at[dbuf], add=True)
        pltpu.sync_copy(wbuf, acc_sa.at[saibuf], add=True)
        return carry
    lax.fori_loop(0, CHUNKS, body, None)

    plsc.subcore_barrier()
    pltpu.sync_copy(acc_a0.at[pl.ds(s * a0_seg, a0_seg)],
                    a0_out.at[c, pl.ds(s * a0_seg, a0_seg)])
    pltpu.sync_copy(acc_sa.at[pl.ds(s * sa_seg, sa_seg)],
                    sa_out.at[c, pl.ds(s * sa_seg, sa_seg)])


_sc_scalar = pl.kernel(
    _sc_scalar_body,
    out_type=[jax.ShapeDtypeStruct((NC, NP), f32),
              jax.ShapeDtypeStruct((NC, G * NP), f32)],
    mesh=plsc.VectorSubcoreMesh(core_axis_name="c", subcore_axis_name="s"),
    compiler_params=pltpu.CompilerParams(needs_layout_passes=False),
    scratch_types=[
        pltpu.VMEM((NP,), f32),
        pltpu.VMEM((NP,), i32),
        pltpu.VMEM((CK,), i32),
        pltpu.VMEM((CK,), i32),
        pltpu.VMEM((CK,), f32),
        pltpu.VMEM((CK,), f32),
        pltpu.VMEM((CK,), i32),
        pltpu.VMEM((_ZB,), f32),
        pltpu.VMEM_SHARED((NP,), f32),
        pltpu.VMEM_SHARED((G * NP,), f32),
    ],
)


def _sc_vec_body(src_hbm, dst_hbm, w_hbm, h1_hbm,
                 a1_out,
                 sbuf, dbuf, wbuf, rows, zrows, acc, gsem):
    c = lax.axis_index("c")
    s = lax.axis_index("s")
    wid = s * NC + c

    zero16 = jnp.zeros((16,), f32)
    for r in range(16):
        for q in range(H // 16):
            zrows[r, pl.ds(q * 16, 16)] = zero16

    row_seg = NP // NS
    for k in range(row_seg // 16):
        pltpu.sync_copy(zrows, acc.at[pl.ds(s * row_seg + k * 16, 16), :])
    plsc.subcore_barrier()

    def body(it, carry):
        base = wid * (CHUNKS * CK) + it * CK
        pltpu.sync_copy(src_hbm.at[pl.ds(base, CK)], sbuf)
        pltpu.sync_copy(dst_hbm.at[pl.ds(base, CK)], dbuf)
        pltpu.sync_copy(w_hbm.at[pl.ds(base, CK)], wbuf)
        pltpu.async_copy(h1_hbm.at[sbuf], rows, gsem).wait()

        def mul(e, carry2):
            wsp = plsc.load_gather(wbuf, [jnp.full((16,), e, i32)])
            for q in range(H // 16):
                rows[e, pl.ds(q * 16, 16)] = rows[e, pl.ds(q * 16, 16)] * wsp
            return carry2
        lax.fori_loop(0, CK, mul, None)

        pltpu.sync_copy(rows, acc.at[dbuf], add=True)
        return carry
    lax.fori_loop(0, CHUNKS, body, None)

    plsc.subcore_barrier()
    pltpu.sync_copy(acc.at[pl.ds(s * row_seg, row_seg), :],
                    a1_out.at[c, pl.ds(s * row_seg, row_seg), :])


_sc_vec = pl.kernel(
    _sc_vec_body,
    out_type=[jax.ShapeDtypeStruct((NC, NP, H), f32)],
    mesh=plsc.VectorSubcoreMesh(core_axis_name="c", subcore_axis_name="s"),
    compiler_params=pltpu.CompilerParams(needs_layout_passes=False),
    scratch_types=[
        pltpu.VMEM((CK,), i32),
        pltpu.VMEM((CK,), i32),
        pltpu.VMEM((CK,), f32),
        pltpu.VMEM((CK, H), f32),
        pltpu.VMEM((16, H), f32),
        pltpu.VMEM_SHARED((NP, H), f32),
        pltpu.SemaphoreType.DMA,
    ],
)


_BLK1 = 1280


def _tc1_body(a0p_ref, w1_ref, b1_ref, a0s_ref, h1_ref):
    p = a0p_ref[...]
    a0 = (p[0] + p[1])[:, None]
    a0s_ref[...] = a0
    h1_ref[...] = jnp.maximum(a0 * w1_ref[...] + b1_ref[...], 0.0)


def _tc1(a0p, w1, b1r):
    return pl.pallas_call(
        _tc1_body,
        grid=(NP // _BLK1,),
        in_specs=[
            pl.BlockSpec((2, _BLK1), lambda i: (0, i)),
            pl.BlockSpec((1, H), lambda i: (0, 0)),
            pl.BlockSpec((1, H), lambda i: (0, 0)),
        ],
        out_specs=[
            pl.BlockSpec((_BLK1, 1), lambda i: (i, 0)),
            pl.BlockSpec((_BLK1, H), lambda i: (i, 0)),
        ],
        out_shape=[jax.ShapeDtypeStruct((NP, 1), f32),
                   jax.ShapeDtypeStruct((NP, H), f32)],
    )(a0p, w1, b1r)


_BLK2 = 1280


def _tc2_body(a1p_ref, a0s_ref, w2a_ref, w2b_ref, b2_ref, h2_ref):
    a1 = a1p_ref[0] + a1p_ref[1]
    acc = _dot(a1, w2a_ref[...])
    h2_ref[...] = jnp.maximum(acc + a0s_ref[...] * w2b_ref[...] + b2_ref[...],
                              0.0)


def _tc2(a1p, a0s, w2a, w2b, b2r):
    return pl.pallas_call(
        _tc2_body,
        grid=(NP // _BLK2,),
        in_specs=[
            pl.BlockSpec((2, _BLK2, H), lambda i: (0, i, 0)),
            pl.BlockSpec((_BLK2, 1), lambda i: (i, 0)),
            pl.BlockSpec((H, H + 1), lambda i: (0, 0)),
            pl.BlockSpec((1, H + 1), lambda i: (0, 0)),
            pl.BlockSpec((1, H + 1), lambda i: (0, 0)),
        ],
        out_specs=pl.BlockSpec((_BLK2, H + 1), lambda i: (i, 0)),
        out_shape=jax.ShapeDtypeStruct((NP, H + 1), f32),
    )(a1p, a0s, w2a, w2b, b2r)


_BLK3 = 1280


def _tc3_body(sa_ref, h2_ref, h1_ref, bt_ref, w3a_ref, w3b_ref, b3_ref,
              gamma_ref, beta_ref, wl_ref, bl_ref, out_ref, acc1, acc2):
    i = pl.program_id(0)

    @pl.when(i == 0)
    def _():
        acc1[...] = jnp.zeros_like(acc1)
        acc2[...] = jnp.zeros_like(acc2)

    sa = sa_ref[0] + sa_ref[1]
    acc1[...] += _dot(sa, h2_ref[...])
    acc2[...] += _dot(sa, h1_ref[...])

    @pl.when(i == pl.num_programs(0) - 1)
    def _():
        bt = bt_ref[...]
        gi = lax.broadcasted_iota(i32, (G, NP // 128, 128), 0)
        eq = (bt[None] == gi).astype(f32)
        cnts = jnp.sum(eq, axis=(1, 2))
        sums = (_dot(acc1[...], w3a_ref[...]) + _dot(acc2[...], w3b_ref[...])
                + cnts[:, None] * b3_ref[...])
        gp = sums / jnp.maximum(cnts, 1.0)[:, None]
        mean = jnp.mean(gp, axis=0, keepdims=True)
        var = jnp.mean((gp - mean) ** 2, axis=0, keepdims=True)
        gn = (gp - mean) * lax.rsqrt(var + 1e-5) * gamma_ref[...] + beta_ref[...]
        out_ref[...] = _dot(gn, wl_ref[...]) + bl_ref[...]


def _tc3(sa3, h2, h1, bt, w3a, w3b, b3r, gammar, betar, wl, blr):
    d = 2 * H + 1
    return pl.pallas_call(
        _tc3_body,
        grid=(NP // _BLK3,),
        in_specs=[
            pl.BlockSpec((2, G, _BLK3), lambda i: (0, 0, i)),
            pl.BlockSpec((_BLK3, H + 1), lambda i: (i, 0)),
            pl.BlockSpec((_BLK3, H), lambda i: (i, 0)),
            pl.BlockSpec((NP // 128, 128), lambda i: (0, 0)),
            pl.BlockSpec((H + 1, d), lambda i: (0, 0)),
            pl.BlockSpec((H, d), lambda i: (0, 0)),
            pl.BlockSpec((1, d), lambda i: (0, 0)),
            pl.BlockSpec((1, d), lambda i: (0, 0)),
            pl.BlockSpec((1, d), lambda i: (0, 0)),
            pl.BlockSpec((d, 1), lambda i: (0, 0)),
            pl.BlockSpec((1, 1), lambda i: (0, 0)),
        ],
        out_specs=pl.BlockSpec((G, 1), lambda i: (0, 0)),
        out_shape=jax.ShapeDtypeStruct((G, 1), f32),
        scratch_shapes=[pltpu.VMEM((G, H + 1), f32),
                        pltpu.VMEM((G, H), f32)],
    )(sa3, h2, h1, bt, w3a, w3b, b3r, gammar, betar, wl, blr)


def kernel(x, edge_index, edge_weight, batch, W1, b1, W2, b2, W3, b3,
           gamma, beta, Wl, bl):
    pad_e = EPAD - E
    src = jnp.concatenate(
        [edge_index[0].astype(i32), jnp.full((pad_e,), PAD_NODE, i32)])
    dst = jnp.concatenate(
        [edge_index[1].astype(i32), jnp.full((pad_e,), PAD_NODE, i32)])
    wgt = jnp.concatenate([edge_weight.astype(f32), jnp.zeros((pad_e,), f32)])
    xp = jnp.pad(x[:, 0].astype(f32), (0, NP - N))
    batch_sc = jnp.pad(batch.astype(i32), (0, NP - N))
    batch_tc = jnp.pad(batch.astype(i32), (0, NP - N),
                       constant_values=-1).reshape(NP // 128, 128)

    a0p, sap = _sc_scalar(src, dst, wgt, xp, batch_sc)
    a0s, h1 = _tc1(a0p, W1.astype(f32), b1.reshape(1, H).astype(f32))
    (a1p,) = _sc_vec(src, dst, wgt, h1)
    h2 = _tc2(a1p, a0s, W2[:H].astype(f32), W2[H:H + 1].astype(f32),
              b2.reshape(1, H + 1).astype(f32))
    d = 2 * H + 1
    out = _tc3(sap.reshape(NC, G, NP), h2, h1, batch_tc,
               W3[:H + 1].astype(f32), W3[H + 1:].astype(f32),
               b3.reshape(1, d).astype(f32), gamma.reshape(1, d).astype(f32),
               beta.reshape(1, d).astype(f32), Wl.astype(f32),
               bl.reshape(1, 1).astype(f32))
    return out

# --- scband reference (transcript-rebuilt; emitter-appended) ---
"""Pipeline reference for scband-skip-gcn-3238405341965 (READ-ONLY COPY).

The authoritative reference and input builder live on the scoring server;
editing this copy changes nothing except your own understanding.
"""

import jax, jax.numpy as jnp
import numpy as np

N = 10000
E = 320000
H = 128
G = 64


def setup_inputs(seed: int = 0) -> dict:
    key = jax.random.key(seed)
    ks = jax.random.split(key, 16)
    x = jax.random.normal(ks[0], (N, 1), dtype=jnp.float32)
    edge_index = jax.random.randint(ks[1], (2, E), 0, N, dtype=jnp.int64) if jax.config.jax_enable_x64 else jax.random.randint(ks[1], (2, E), 0, N).astype(jnp.int32)
    edge_weight = jax.random.uniform(ks[2], (E,), dtype=jnp.float32)
    batch = jnp.sort(jax.random.randint(ks[3], (N,), 0, G).astype(jnp.int32))
    # GCNConv params (normalize=False): lin weight + bias
    W1 = jax.random.normal(ks[4], (1, H), dtype=jnp.float32) * (1.0 / np.sqrt(1.0))
    b1 = jnp.zeros((H,), jnp.float32)
    W2 = jax.random.normal(ks[5], (H + 1, H + 1), dtype=jnp.float32) * (1.0 / np.sqrt(H + 1))
    b2 = jnp.zeros((H + 1,), jnp.float32)
    W3 = jax.random.normal(ks[6], (2 * H + 1, 2 * H + 1), dtype=jnp.float32) * (1.0 / np.sqrt(2 * H + 1))
    b3 = jnp.zeros((2 * H + 1,), jnp.float32)
    gamma = jnp.ones((2 * H + 1,), jnp.float32)
    beta = jnp.zeros((2 * H + 1,), jnp.float32)
    Wl = jax.random.normal(ks[7], (2 * H + 1, 1), dtype=jnp.float32) * (1.0 / np.sqrt(2 * H + 1))
    bl = jnp.zeros((1,), jnp.float32)
    return {"x": x, "edge_index": edge_index, "edge_weight": edge_weight, "batch": batch,
            "W1": W1, "b1": b1, "W2": W2, "b2": b2, "W3": W3, "b3": b3,
            "gamma": gamma, "beta": beta, "Wl": Wl, "bl": bl}


def reference(x, edge_index, edge_weight, batch, W1, b1, W2, b2, W3, b3, gamma, beta, Wl, bl):
    src = edge_index[0]
    dst = edge_index[1]

    def gcn_conv(h, W, b):
        # GCNConv(normalize=False): linear transform, gather at src, weight edges, scatter-add at dst, add bias
        h = h @ W
        msg = jnp.take(h, src, axis=0) * edge_weight[:, None]
        agg = jax.ops.segment_sum(msg, dst, num_segments=N)
        return agg + b

    residual_0 = x
    h = jax.nn.relu(gcn_conv(x, W1, b1))
    residual_1 = h
    h = jnp.concatenate([h, residual_0], axis=1)
    h = jax.nn.relu(gcn_conv(h, W2, b2))
    h = jnp.concatenate([h, residual_1], axis=1)
    h = gcn_conv(h, W3, b3)
    # global mean pool over graphs in the batch
    sums = jax.ops.segment_sum(h, batch, num_segments=G)
    cnts = jax.ops.segment_sum(jnp.ones((N, 1), jnp.float32), batch, num_segments=G)
    g = sums / jnp.maximum(cnts, 1.0)
    # BatchNorm1d (training mode: batch statistics, biased variance)
    mean = jnp.mean(g, axis=0)
    var = jnp.mean((g - mean) ** 2, axis=0)
    g = (g - mean) / jnp.sqrt(var + 1e-5) * gamma + beta
    return g @ Wl + bl

if __name__ == "__main__":
    import jax
    _d = setup_inputs()
    print(jax.jit(kernel)(*tuple(_d.values())))

</pallas_src>

<mosaic_0001>
#map = affine_map<(d0, d1) -> (0)>
#map1 = affine_map<(d0, d1) -> (0, 0)>
module attributes {stable_mosaic.version = 14 : i64} {
  func.func @_sc_scalar_body(%arg0: i32, %arg1: i32, %arg2: memref<327680xi32, #tpu.memory_space<hbm>>, %arg3: memref<327680xi32, #tpu.memory_space<hbm>>, %arg4: memref<327680xf32, #tpu.memory_space<hbm>>, %arg5: memref<10240xf32, #tpu.memory_space<hbm>>, %arg6: memref<10240xi32, #tpu.memory_space<hbm>>, %arg7: memref<2x10240xf32, #tpu.memory_space<hbm>>, %arg8: memref<2x655360xf32, #tpu.memory_space<hbm>>, %arg9: memref<10240xf32, #tpu.memory_space<vmem>>, %arg10: memref<10240xi32, #tpu.memory_space<vmem>>, %arg11: memref<128xi32, #tpu.memory_space<vmem>>, %arg12: memref<128xi32, #tpu.memory_space<vmem>>, %arg13: memref<128xf32, #tpu.memory_space<vmem>>, %arg14: memref<128xf32, #tpu.memory_space<vmem>>, %arg15: memref<128xi32, #tpu.memory_space<vmem>>, %arg16: memref<2048xf32, #tpu.memory_space<vmem>>, %arg17: memref<10240xf32, #tpu.memory_space<vmem_shared>>, %arg18: memref<655360xf32, #tpu.memory_space<vmem_shared>>) attributes {dimension_semantics = [#tpu.dimension_semantics<core_parallel>, #tpu.dimension_semantics<subcore_parallel>], iteration_bounds = array<i64: 2, 16>, scalar_prefetch = 0 : i64, scratch_operands = 10 : i64, tpu.core_type = #tpu.core_type<sc_vector_subcore>, window_params = [{transform_indices = #map}, {transform_indices = #map}, {transform_indices = #map}, {transform_indices = #map}, {transform_indices = #map}, {transform_indices = #map1}, {transform_indices = #map1}]} {
    %mul3A = arith.constant 2 : i32
    %mul3A_0 = arith.muli %arg1, %mul3A : i32
    %add3A = arith.addi %mul3A_0, %arg0 : i32
    %broadcast_in_dim3A = arith.constant 0.000000e+00 : f32
    %broadcast_in_dim3A_1 = vector.broadcast %broadcast_in_dim3A : f32 to vector<16xf32>
    %scan3A = arith.constant 0 : i32
    %scan3A_2 = arith.constant 128 : i32
    %scan3A_3 = arith.addi %scan3A, %scan3A_2 : i32
    %scan3A_4 = arith.constant 1 : i32
    scf.for %scan3A_102 = %scan3A to %scan3A_3 step %scan3A_4  : i32 {
      %mul3A_103 = arith.constant 16 : i32
      %mul3A_104 = arith.muli %scan3A_102, %mul3A_103 : i32
      %swap3A = arith.index_cast %mul3A_104 : i32 to index
      %swap3A_105 = tpu.vector_load %arg16[%swap3A] {strides = array<i32>} : memref<2048xf32, #tpu.memory_space<vmem>>, vector<16xf32>,
      tpu.vector_store %arg16[%swap3A], %broadcast_in_dim3A_1 {strides = array<i32>} : memref<2048xf32, #tpu.memory_space<vmem>>, vector<16xf32>,
    }
    %scan3A_5 = arith.constant 128 : i32
    %mul3A_6 = arith.constant 640 : i32
    %mul3A_7 = arith.muli %arg1, %mul3A_6 : i32
    "tpu.region"() ({
      %run_scoped3A = tpu.sem_alloc : memref<!tpu.dma_semaphore, #tpu.memory_space<semaphore_mem>>
      %dma_start3A = arith.constant 0 : i32
      %dma_start3A_102 = tpu.memref_slice %arg16[%dma_start3A] : memref<2048xf32, #tpu.memory_space<vmem>> -> memref<640xf32, #tpu.memory_space<vmem>>
      %dma_start3A_103 = tpu.memref_slice %arg17[%mul3A_7] : memref<10240xf32, #tpu.memory_space<vmem_shared>> -> memref<640xf32, #tpu.memory_space<vmem_shared>>
      %dma_start3A_104 = tpu.memref_slice %arg17[%mul3A_7] : memref<10240xf32, #tpu.memory_space<vmem_shared>> -> memref<640xf32, #tpu.memory_space<vmem_shared>>
      %dma_start3A_105 = arith.constant 0 : i32
      %dma_start3A_106 = tpu.memref_slice %arg16[%dma_start3A_105] : memref<2048xf32, #tpu.memory_space<vmem>> -> memref<640xf32, #tpu.memory_space<vmem>>
      tpu.enqueue_dma source(%dma_start3A_106 : memref<640xf32, #tpu.memory_space<vmem>>) target(%dma_start3A_104 : memref<640xf32, #tpu.memory_space<vmem_shared>>) target_semaphore(%run_scoped3A : memref<!tpu.dma_semaphore, #tpu.memory_space<semaphore_mem>>)
      %dma_wait3A = arith.constant 0 : i32
      %dma_wait3A_107 = tpu.memref_slice %arg16[%dma_wait3A] : memref<2048xf32, #tpu.memory_space<vmem>> -> memref<640xf32, #tpu.memory_space<vmem>>
      %dma_wait3A_108 = tpu.memref_slice %arg17[%mul3A_7] : memref<10240xf32, #tpu.memory_space<vmem_shared>> -> memref<640xf32, #tpu.memory_space<vmem_shared>>
      %dma_wait3A_109 = tpu.memref_slice %arg17[%mul3A_7] : memref<10240xf32, #tpu.memory_space<vmem_shared>> -> memref<640xf32, #tpu.memory_space<vmem_shared>>
      %dma_wait3A_110 = arith.constant 0 : i32
      %dma_wait3A_111 = tpu.memref_slice %arg16[%dma_wait3A_110] : memref<2048xf32, #tpu.memory_space<vmem>> -> memref<640xf32, #tpu.memory_space<vmem>>
      tpu.wait_dma2 semaphore(%run_scoped3A : memref<!tpu.dma_semaphore, #tpu.memory_space<semaphore_mem>>) src(%dma_wait3A_111 : memref<640xf32, #tpu.memory_space<vmem>>) dst(%dma_wait3A_109 : memref<640xf32, #tpu.memory_space<vmem_shared>>)
      tpu.yield
    }) : () -> ()
    %mul3A_8 = arith.constant 40960 : i32
    %mul3A_9 = arith.muli %arg1, %mul3A_8 : i32
    %add3A_10 = arith.constant 0 : i32
    %add3A_11 = arith.addi %mul3A_9, %add3A_10 : i32
    "tpu.region"() ({
      %run_scoped3A = tpu.sem_alloc : memref<!tpu.dma_semaphore, #tpu.memory_space<semaphore_mem>>
      %dma_start3A = tpu.memref_slice %arg18[%add3A_11] : memref<655360xf32, #tpu.memory_space<vmem_shared>> -> memref<2048xf32, #tpu.memory_space<vmem_shared>>
      %dma_start3A_102 = tpu.memref_slice %arg18[%add3A_11] : memref<655360xf32, #tpu.memory_space<vmem_shared>> -> memref<2048xf32, #tpu.memory_space<vmem_shared>>
      tpu.enqueue_dma source(%arg16 : memref<2048xf32, #tpu.memory_space<vmem>>) target(%dma_start3A_102 : memref<2048xf32, #tpu.memory_space<vmem_shared>>) target_semaphore(%run_scoped3A : memref<!tpu.dma_semaphore, #tpu.memory_space<semaphore_mem>>)
      %dma_wait3A = tpu.memref_slice %arg18[%add3A_11] : memref<655360xf32, #tpu.memory_space<vmem_shared>> -> memref<2048xf32, #tpu.memory_space<vmem_shared>>
      %dma_wait3A_103 = tpu.memref_slice %arg18[%add3A_11] : memref<655360xf32, #tpu.memory_space<vmem_shared>> -> memref<2048xf32, #tpu.memory_space<vmem_shared>>
      tpu.wait_dma2 semaphore(%run_scoped3A : memref<!tpu.dma_semaphore, #tpu.memory_space<semaphore_mem>>) src(%arg16 : memref<2048xf32, #tpu.memory_space<vmem>>) dst(%dma_wait3A_103 : memref<2048xf32, #tpu.memory_space<vmem_shared>>)
      tpu.yield
    }) : () -> ()
    %mul3A_12 = arith.constant 40960 : i32
    %mul3A_13 = arith.muli %arg1, %mul3A_12 : i32
    %add3A_14 = arith.constant 2048 : i32
    %add3A_15 = arith.addi %mul3A_13, %add3A_14 : i32
    "tpu.region"() ({
      %run_scoped3A = tpu.sem_alloc : memref<!tpu.dma_semaphore, #tpu.memory_space<semaphore_mem>>
      %dma_start3A = tpu.memref_slice %arg18[%add3A_15] : memref<655360xf32, #tpu.memory_space<vmem_shared>> -> memref<2048xf32, #tpu.memory_space<vmem_shared>>
      %dma_start3A_102 = tpu.memref_slice %arg18[%add3A_15] : memref<655360xf32, #tpu.memory_space<vmem_shared>> -> memref<2048xf32, #tpu.memory_space<vmem_shared>>
      tpu.enqueue_dma source(%arg16 : memref<2048xf32, #tpu.memory_space<vmem>>) target(%dma_start3A_102 : memref<2048xf32, #tpu.memory_space<vmem_shared>>) target_semaphore(%run_scoped3A : memref<!tpu.dma_semaphore, #tpu.memory_space<semaphore_mem>>)
      %dma_wait3A = tpu.memref_slice %arg18[%add3A_15] : memref<655360xf32, #tpu.memory_space<vmem_shared>> -> memref<2048xf32, #tpu.memory_space<vmem_shared>>
      %dma_wait3A_103 = tpu.memref_slice %arg18[%add3A_15] : memref<655360xf32, #tpu.memory_space<vmem_shared>> -> memref<2048xf32, #tpu.memory_space<vmem_shared>>
      tpu.wait_dma2 semaphore(%run_scoped3A : memref<!tpu.dma_semaphore, #tpu.memory_space<semaphore_mem>>) src(%arg16 : memref<2048xf32, #tpu.memory_space<vmem>>) dst(%dma_wait3A_103 : memref<2048xf32, #tpu.memory_space<vmem_shared>>)
      tpu.yield
    }) : () -> ()
    %mul3A_16 = arith.constant 40960 : i32
    %mul3A_17 = arith.muli %arg1, %mul3A_16 : i32
    %add3A_18 = arith.constant 4096 : i32
    %add3A_19 = arith.addi %mul3A_17, %add3A_18 : i32
    "tpu.region"() ({
      %run_scoped3A = tpu.sem_alloc : memref<!tpu.dma_semaphore, #tpu.memory_space<semaphore_mem>>
      %dma_start3A = tpu.memref_slice %arg18[%add3A_19] : memref<655360xf32, #tpu.memory_space<vmem_shared>> -> memref<2048xf32, #tpu.memory_space<vmem_shared>>
      %dma_start3A_102 = tpu.memref_slice %arg18[%add3A_19] : memref<655360xf32, #tpu.memory_space<vmem_shared>> -> memref<2048xf32, #tpu.memory_space<vmem_shared>>
      tpu.enqueue_dma source(%arg16 : memref<2048xf32, #tpu.memory_space<vmem>>) target(%dma_start3A_102 : memref<2048xf32, #tpu.memory_space<vmem_shared>>) target_semaphore(%run_scoped3A : memref<!tpu.dma_semaphore, #tpu.memory_space<semaphore_mem>>)
      %dma_wait3A = tpu.memref_slice %arg18[%add3A_19] : memref<655360xf32, #tpu.memory_space<vmem_shared>> -> memref<2048xf32, #tpu.memory_space<vmem_shared>>
      %dma_wait3A_103 = tpu.memref_slice %arg18[%add3A_19] : memref<655360xf32, #tpu.memory_space<vmem_shared>> -> memref<2048xf32, #tpu.memory_space<vmem_shared>>
      tpu.wait_dma2 semaphore(%run_scoped3A : memref<!tpu.dma_semaphore, #tpu.memory_space<semaphore_mem>>) src(%arg16 : memref<2048xf32, #tpu.memory_space<vmem>>) dst(%dma_wait3A_103 : memref<2048xf32, #tpu.memory_space<vmem_shared>>)
      tpu.yield
    }) : () -> ()
    %mul3A_20 = arith.constant 40960 : i32
    %mul3A_21 = arith.muli %arg1, %mul3A_20 : i32
    %add3A_22 = arith.constant 6144 : i32
    %add3A_23 = arith.addi %mul3A_21, %add3A_22 : i32
    "tpu.region"() ({
      %run_scoped3A = tpu.sem_alloc : memref<!tpu.dma_semaphore, #tpu.memory_space<semaphore_mem>>
      %dma_start3A = tpu.memref_slice %arg18[%add3A_23] : memref<655360xf32, #tpu.memory_space<vmem_shared>> -> memref<2048xf32, #tpu.memory_space<vmem_shared>>
      %dma_start3A_102 = tpu.memref_slice %arg18[%add3A_23] : memref<655360xf32, #tpu.memory_space<vmem_shared>> -> memref<2048xf32, #tpu.memory_space<vmem_shared>>
      tpu.enqueue_dma source(%arg16 : memref<2048xf32, #tpu.memory_space<vmem>>) target(%dma_start3A_102 : memref<2048xf32, #tpu.memory_space<vmem_shared>>) target_semaphore(%run_scoped3A : memref<!tpu.dma_semaphore, #tpu.memory_space<semaphore_mem>>)
      %dma_wait3A = tpu.memref_slice %arg18[%add3A_23] : memref<655360xf32, #tpu.memory_space<vmem_shared>> -> memref<2048xf32, #tpu.memory_space<vmem_shared>>
      %dma_wait3A_103 = tpu.memref_slice %arg18[%add3A_23] : memref<655360xf32, #tpu.memory_space<vmem_shared>> -> memref<2048xf32, #tpu.memory_space<vmem_shared>>
      tpu.wait_dma2 semaphore(%run_scoped3A : memref<!tpu.dma_semaphore, #tpu.memory_space<semaphore_mem>>) src(%arg16 : memref<2048xf32, #tpu.memory_space<vmem>>) dst(%dma_wait3A_103 : memref<2048xf32, #tpu.memory_space<vmem_shared>>)
      tpu.yield
    }) : () -> ()
    %mul3A_24 = arith.constant 40960 : i32
    %mul3A_25 = arith.muli %arg1, %mul3A_24 : i32
    %add3A_26 = arith.constant 8192 : i32
    %add3A_27 = arith.addi %mul3A_25, %add3A_26 : i32
    "tpu.region"() ({
      %run_scoped3A = tpu.sem_alloc : memref<!tpu.dma_semaphore, #tpu.memory_space<semaphore_mem>>
      %dma_start3A = tpu.memref_slice %arg18[%add3A_27] : memref<655360xf32, #tpu.memory_space<vmem_shared>> -> memref<2048xf32, #tpu.memory_space<vmem_shared>>
      %dma_start3A_102 = tpu.memref_slice %arg18[%add3A_27] : memref<655360xf32, #tpu.memory_space<vmem_shared>> -> memref<2048xf32, #tpu.memory_space<vmem_shared>>
      tpu.enqueue_dma source(%arg16 : memref<2048xf32, #tpu.memory_space<vmem>>) target(%dma_start3A_102 : memref<2048xf32, #tpu.memory_space<vmem_shared>>) target_semaphore(%run_scoped3A : memref<!tpu.dma_semaphore, #tpu.memory_space<semaphore_mem>>)
      %dma_wait3A = tpu.memref_slice %arg18[%add3A_27] : memref<655360xf32, #tpu.memory_space<vmem_shared>> -> memref<2048xf32, #tpu.memory_space<vmem_shared>>
      %dma_wait3A_103 = tpu.memref_slice %arg18[%add3A_27] : memref<655360xf32, #tpu.memory_space<vmem_shared>> -> memref<2048xf32, #tpu.memory_space<vmem_shared>>
      tpu.wait_dma2 semaphore(%run_scoped3A : memref<!tpu.dma_semaphore, #tpu.memory_space<semaphore_mem>>) src(%arg16 : memref<2048xf32, #tpu.memory_space<vmem>>) dst(%dma_wait3A_103 : memref<2048xf32, #tpu.memory_space<vmem_shared>>)
      tpu.yield
    }) : () -> ()
    %mul3A_28 = arith.constant 40960 : i32
    %mul3A_29 = arith.muli %arg1, %mul3A_28 : i32
    %add3A_30 = arith.constant 10240 : i32
    %add3A_31 = arith.addi %mul3A_29, %add3A_30 : i32
    "tpu.region"() ({
      %run_scoped3A = tpu.sem_alloc : memref<!tpu.dma_semaphore, #tpu.memory_space<semaphore_mem>>
      %dma_start3A = tpu.memref_slice %arg18[%add3A_31] : memref<655360xf32, #tpu.memory_space<vmem_shared>> -> memref<2048xf32, #tpu.memory_space<vmem_shared>>
      %dma_start3A_102 = tpu.memref_slice %arg18[%add3A_31] : memref<655360xf32, #tpu.memory_space<vmem_shared>> -> memref<2048xf32, #tpu.memory_space<vmem_shared>>
      tpu.enqueue_dma source(%arg16 : memref<2048xf32, #tpu.memory_space<vmem>>) target(%dma_start3A_102 : memref<2048xf32, #tpu.memory_space<vmem_shared>>) target_semaphore(%run_scoped3A : memref<!tpu.dma_semaphore, #tpu.memory_space<semaphore_mem>>)
      %dma_wait3A = tpu.memref_slice %arg18[%add3A_31] : memref<655360xf32, #tpu.memory_space<vmem_shared>> -> memref<2048xf32, #tpu.memory_space<vmem_shared>>
      %dma_wait3A_103 = tpu.memref_slice %arg18[%add3A_31] : memref<655360xf32, #tpu.memory_space<vmem_shared>> -> memref<2048xf32, #tpu.memory_space<vmem_shared>>
      tpu.wait_dma2 semaphore(%run_scoped3A : memref<!tpu.dma_semaphore, #tpu.memory_space<semaphore_mem>>) src(%arg16 : memref<2048xf32, #tpu.memory_space<vmem>>) dst(%dma_wait3A_103 : memref<2048xf32, #tpu.memory_space<vmem_shared>>)
      tpu.yield
    }) : () -> ()
    %mul3A_32 = arith.constant 40960 : i32
    %mul3A_33 = arith.muli %arg1, %mul3A_32 : i32
    %add3A_34 = arith.constant 12288 : i32
    %add3A_35 = arith.addi %mul3A_33, %add3A_34 : i32
    "tpu.region"() ({
      %run_scoped3A = tpu.sem_alloc : memref<!tpu.dma_semaphore, #tpu.memory_space<semaphore_mem>>
      %dma_start3A = tpu.memref_slice %arg18[%add3A_35] : memref<655360xf32, #tpu.memory_space<vmem_shared>> -> memref<2048xf32, #tpu.memory_space<vmem_shared>>
      %dma_start3A_102 = tpu.memref_slice %arg18[%add3A_35] : memref<655360xf32, #tpu.memory_space<vmem_shared>> -> memref<2048xf32, #tpu.memory_space<vmem_shared>>
      tpu.enqueue_dma source(%arg16 : memref<2048xf32, #tpu.memory_space<vmem>>) target(%dma_start3A_102 : memref<2048xf32, #tpu.memory_space<vmem_shared>>) target_semaphore(%run_scoped3A : memref<!tpu.dma_semaphore, #tpu.memory_space<semaphore_mem>>)
      %dma_wait3A = tpu.memref_slice %arg18[%add3A_35] : memref<655360xf32, #tpu.memory_space<vmem_shared>> -> memref<2048xf32, #tpu.memory_space<vmem_shared>>
      %dma_wait3A_103 = tpu.memref_slice %arg18[%add3A_35] : memref<655360xf32, #tpu.memory_space<vmem_shared>> -> memref<2048xf32, #tpu.memory_space<vmem_shared>>
      tpu.wait_dma2 semaphore(%run_scoped3A : memref<!tpu.dma_semaphore, #tpu.memory_space<semaphore_mem>>) src(%arg16 : memref<2048xf32, #tpu.memory_space<vmem>>) dst(%dma_wait3A_103 : memref<2048xf32, #tpu.memory_space<vmem_shared>>)
      tpu.yield
    }) : () -> ()
    %mul3A_36 = arith.constant 40960 : i32
    %mul3A_37 = arith.muli %arg1, %mul3A_36 : i32
    %add3A_38 = arith.constant 14336 : i32
    %add3A_39 = arith.addi %mul3A_37, %add3A_38 : i32
    "tpu.region"() ({
      %run_scoped3A = tpu.sem_alloc : memref<!tpu.dma_semaphore, #tpu.memory_space<semaphore_mem>>
      %dma_start3A = tpu.memref_slice %arg18[%add3A_39] : memref<655360xf32, #tpu.memory_space<vmem_shared>> -> memref<2048xf32, #tpu.memory_space<vmem_shared>>
      %dma_start3A_102 = tpu.memref_slice %arg18[%add3A_39] : memref<655360xf32, #tpu.memory_space<vmem_shared>> -> memref<2048xf32, #tpu.memory_space<vmem_shared>>
      tpu.enqueue_dma source(%arg16 : memref<2048xf32, #tpu.memory_space<vmem>>) target(%dma_start3A_102 : memref<2048xf32, #tpu.memory_space<vmem_shared>>) target_semaphore(%run_scoped3A : memref<!tpu.dma_semaphore, #tpu.memory_space<semaphore_mem>>)
      %dma_wait3A = tpu.memref_slice %arg18[%add3A_39] : memref<655360xf32, #tpu.memory_space<vmem_shared>> -> memref<2048xf32, #tpu.memory_space<vmem_shared>>
      %dma_wait3A_103 = tpu.memref_slice %arg18[%add3A_39] : memref<655360xf32, #tpu.memory_space<vmem_shared>> -> memref<2048xf32, #tpu.memory_space<vmem_shared>>
      tpu.wait_dma2 semaphore(%run_scoped3A : memref<!tpu.dma_semaphore, #tpu.memory_space<semaphore_mem>>) src(%arg16 : memref<2048xf32, #tpu.memory_space<vmem>>) dst(%dma_wait3A_103 : memref<2048xf32, #tpu.memory_space<vmem_shared>>)
      tpu.yield
    }) : () -> ()
    %mul3A_40 = arith.constant 40960 : i32
    %mul3A_41 = arith.muli %arg1, %mul3A_40 : i32
    %add3A_42 = arith.constant 16384 : i32
    %add3A_43 = arith.addi %mul3A_41, %add3A_42 : i32
    "tpu.region"() ({
      %run_scoped3A = tpu.sem_alloc : memref<!tpu.dma_semaphore, #tpu.memory_space<semaphore_mem>>
      %dma_start3A = tpu.memref_slice %arg18[%add3A_43] : memref<655360xf32, #tpu.memory_space<vmem_shared>> -> memref<2048xf32, #tpu.memory_space<vmem_shared>>
      %dma_start3A_102 = tpu.memref_slice %arg18[%add3A_43] : memref<655360xf32, #tpu.memory_space<vmem_shared>> -> memref<2048xf32, #tpu.memory_space<vmem_shared>>
      tpu.enqueue_dma source(%arg16 : memref<2048xf32, #tpu.memory_space<vmem>>) target(%dma_start3A_102 : memref<2048xf32, #tpu.memory_space<vmem_shared>>) target_semaphore(%run_scoped3A : memref<!tpu.dma_semaphore, #tpu.memory_space<semaphore_mem>>)
      %dma_wait3A = tpu.memref_slice %arg18[%add3A_43] : memref<655360xf32, #tpu.memory_space<vmem_shared>> -> memref<2048xf32, #tpu.memory_space<vmem_shared>>
      %dma_wait3A_103 = tpu.memref_slice %arg18[%add3A_43] : memref<655360xf32, #tpu.memory_space<vmem_shared>> -> memref<2048xf32, #tpu.memory_space<vmem_shared>>
      tpu.wait_dma2 semaphore(%run_scoped3A : memref<!tpu.dma_semaphore, #tpu.memory_space<semaphore_mem>>) src(%arg16 : memref<2048xf32, #tpu.memory_space<vmem>>) dst(%dma_wait3A_103 : memref<2048xf32, #tpu.memory_space<vmem_shared>>)
      tpu.yield
    }) : () -> ()
    %mul3A_44 = arith.constant 40960 : i32
    %mul3A_45 = arith.muli %arg1, %mul3A_44 : i32
    %add3A_46 = arith.constant 18432 : i32
    %add3A_47 = arith.addi %mul3A_45, %add3A_46 : i32
    "tpu.region"() ({
      %run_scoped3A = tpu.sem_alloc : memref<!tpu.dma_semaphore, #tpu.memory_space<semaphore_mem>>
      %dma_start3A = tpu.memref_slice %arg18[%add3A_47] : memref<655360xf32, #tpu.memory_space<vmem_shared>> -> memref<2048xf32, #tpu.memory_space<vmem_shared>>
      %dma_start3A_102 = tpu.memref_slice %arg18[%add3A_47] : memref<655360xf32, #tpu.memory_space<vmem_shared>> -> memref<2048xf32, #tpu.memory_space<vmem_shared>>
      tpu.enqueue_dma source(%arg16 : memref<2048xf32, #tpu.memory_space<vmem>>) target(%dma_start3A_102 : memref<2048xf32, #tpu.memory_space<vmem_shared>>) target_semaphore(%run_scoped3A : memref<!tpu.dma_semaphore, #tpu.memory_space<semaphore_mem>>)
      %dma_wait3A = tpu.memref_slice %arg18[%add3A_47] : memref<655360xf32, #tpu.memory_space<vmem_shared>> -> memref<2048xf32, #tpu.memory_space<vmem_shared>>
      %dma_wait3A_103 = tpu.memref_slice %arg18[%add3A_47] : memref<655360xf32, #tpu.memory_space<vmem_shared>> -> memref<2048xf32, #tpu.memory_space<vmem_shared>>
      tpu.wait_dma2 semaphore(%run_scoped3A : memref<!tpu.dma_semaphore, #tpu.memory_space<semaphore_mem>>) src(%arg16 : memref<2048xf32, #tpu.memory_space<vmem>>) dst(%dma_wait3A_103 : memref<2048xf32, #tpu.memory_space<vmem_shared>>)
      tpu.yield
    }) : () -> ()
    %mul3A_48 = arith.constant 40960 : i32
    %mul3A_49 = arith.muli %arg1, %mul3A_48 : i32
    %add3A_50 = arith.constant 20480 : i32
    %add3A_51 = arith.addi %mul3A_49, %add3A_50 : i32
    "tpu.region"() ({
      %run_scoped3A = tpu.sem_alloc : memref<!tpu.dma_semaphore, #tpu.memory_space<semaphore_mem>>
      %dma_start3A = tpu.memref_slice %arg18[%add3A_51] : memref<655360xf32, #tpu.memory_space<vmem_shared>> -> memref<2048xf32, #tpu.memory_space<vmem_shared>>
      %dma_start3A_102 = tpu.memref_slice %arg18[%add3A_51] : memref<655360xf32, #tpu.memory_space<vmem_shared>> -> memref<2048xf32, #tpu.memory_space<vmem_shared>>
      tpu.enqueue_dma source(%arg16 : memref<2048xf32, #tpu.memory_space<vmem>>) target(%dma_start3A_102 : memref<2048xf32, #tpu.memory_space<vmem_shared>>) target_semaphore(%run_scoped3A : memref<!tpu.dma_semaphore, #tpu.memory_space<semaphore_mem>>)
      %dma_wait3A = tpu.memref_slice %arg18[%add3A_51] : memref<655360xf32, #tpu.memory_space<vmem_shared>> -> memref<2048xf32, #tpu.memory_space<vmem_shared>>
      %dma_wait3A_103 = tpu.memref_slice %arg18[%add3A_51] : memref<655360xf32, #tpu.memory_space<vmem_shared>> -> memref<2048xf32, #tpu.memory_space<vmem_shared>>
      tpu.wait_dma2 semaphore(%run_scoped3A : memref<!tpu.dma_semaphore, #tpu.memory_space<semaphore_mem>>) src(%arg16 : memref<2048xf32, #tpu.memory_space<vmem>>) dst(%dma_wait3A_103 : memref<2048xf32, #tpu.memory_space<vmem_shared>>)
      tpu.yield
    }) : () -> ()
    %mul3A_52 = arith.constant 40960 : i32
    %mul3A_53 = arith.muli %arg1, %mul3A_52 : i32
    %add3A_54 = arith.constant 22528 : i32
    %add3A_55 = arith.addi %mul3A_53, %add3A_54 : i32
    "tpu.region"() ({
      %run_scoped3A = tpu.sem_alloc : memref<!tpu.dma_semaphore, #tpu.memory_space<semaphore_mem>>
      %dma_start3A = tpu.memref_slice %arg18[%add3A_55] : memref<655360xf32, #tpu.memory_space<vmem_shared>> -> memref<2048xf32, #tpu.memory_space<vmem_shared>>
      %dma_start3A_102 = tpu.memref_slice %arg18[%add3A_55] : memref<655360xf32, #tpu.memory_space<vmem_shared>> -> memref<2048xf32, #tpu.memory_space<vmem_shared>>
      tpu.enqueue_dma source(%arg16 : memref<2048xf32, #tpu.memory_space<vmem>>) target(%dma_start3A_102 : memref<2048xf32, #tpu.memory_space<vmem_shared>>) target_semaphore(%run_scoped3A : memref<!tpu.dma_semaphore, #tpu.memory_space<semaphore_mem>>)
      %dma_wait3A = tpu.memref_slice %arg18[%add3A_55] : memref<655360xf32, #tpu.memory_space<vmem_shared>> -> memref<2048xf32, #tpu.memory_space<vmem_shared>>
      %dma_wait3A_103 = tpu.memref_slice %arg18[%add3A_55] : memref<655360xf32, #tpu.memory_space<vmem_shared>> -> memref<2048xf32, #tpu.memory_space<vmem_shared>>
      tpu.wait_dma2 semaphore(%run_scoped3A : memref<!tpu.dma_semaphore, #tpu.memory_space<semaphore_mem>>) src(%arg16 : memref<2048xf32, #tpu.memory_space<vmem>>) dst(%dma_wait3A_103 : memref<2048xf32, #tpu.memory_space<vmem_shared>>)
      tpu.yield
    }) : () -> ()
    %mul3A_56 = arith.constant 40960 : i32
    %mul3A_57 = arith.muli %arg1, %mul3A_56 : i32
    %add3A_58 = arith.constant 24576 : i32
    %add3A_59 = arith.addi %mul3A_57, %add3A_58 : i32
    "tpu.region"() ({
      %run_scoped3A = tpu.sem_alloc : memref<!tpu.dma_semaphore, #tpu.memory_space<semaphore_mem>>
      %dma_start3A = tpu.memref_slice %arg18[%add3A_59] : memref<655360xf32, #tpu.memory_space<vmem_shared>> -> memref<2048xf32, #tpu.memory_space<vmem_shared>>
      %dma_start3A_102 = tpu.memref_slice %arg18[%add3A_59] : memref<655360xf32, #tpu.memory_space<vmem_shared>> -> memref<2048xf32, #tpu.memory_space<vmem_shared>>
      tpu.enqueue_dma source(%arg16 : memref<2048xf32, #tpu.memory_space<vmem>>) target(%dma_start3A_102 : memref<2048xf32, #tpu.memory_space<vmem_shared>>) target_semaphore(%run_scoped3A : memref<!tpu.dma_semaphore, #tpu.memory_space<semaphore_mem>>)
      %dma_wait3A = tpu.memref_slice %arg18[%add3A_59] : memref<655360xf32, #tpu.memory_space<vmem_shared>> -> memref<2048xf32, #tpu.memory_space<vmem_shared>>
      %dma_wait3A_103 = tpu.memref_slice %arg18[%add3A_59] : memref<655360xf32, #tpu.memory_space<vmem_shared>> -> memref<2048xf32, #tpu.memory_space<vmem_shared>>
      tpu.wait_dma2 semaphore(%run_scoped3A : memref<!tpu.dma_semaphore, #tpu.memory_space<semaphore_mem>>) src(%arg16 : memref<2048xf32, #tpu.memory_space<vmem>>) dst(%dma_wait3A_103 : memref<2048xf32, #tpu.memory_space<vmem_shared>>)
      tpu.yield
    }) : () -> ()
    %mul3A_60 = arith.constant 40960 : i32
    %mul3A_61 = arith.muli %arg1, %mul3A_60 : i32
    %add3A_62 = arith.constant 26624 : i32
    %add3A_63 = arith.addi %mul3A_61, %add3A_62 : i32
    "tpu.region"() ({
      %run_scoped3A = tpu.sem_alloc : memref<!tpu.dma_semaphore, #tpu.memory_space<semaphore_mem>>
      %dma_start3A = tpu.memref_slice %arg18[%add3A_63] : memref<655360xf32, #tpu.memory_space<vmem_shared>> -> memref<2048xf32, #tpu.memory_space<vmem_shared>>
      %dma_start3A_102 = tpu.memref_slice %arg18[%add3A_63] : memref<655360xf32, #tpu.memory_space<vmem_shared>> -> memref<2048xf32, #tpu.memory_space<vmem_shared>>
      tpu.enqueue_dma source(%arg16 : memref<2048xf32, #tpu.memory_space<vmem>>) target(%dma_start3A_102 : memref<2048xf32, #tpu.memory_space<vmem_shared>>) target_semaphore(%run_scoped3A : memref<!tpu.dma_semaphore, #tpu.memory_space<semaphore_mem>>)
      %dma_wait3A = tpu.memref_slice %arg18[%add3A_63] : memref<655360xf32, #tpu.memory_space<vmem_shared>> -> memref<2048xf32, #tpu.memory_space<vmem_shared>>
      %dma_wait3A_103 = tpu.memref_slice %arg18[%add3A_63] : memref<655360xf32, #tpu.memory_space<vmem_shared>> -> memref<2048xf32, #tpu.memory_space<vmem_shared>>
      tpu.wait_dma2 semaphore(%run_scoped3A : memref<!tpu.dma_semaphore, #tpu.memory_space<semaphore_mem>>) src(%arg16 : memref<2048xf32, #tpu.memory_space<vmem>>) dst(%dma_wait3A_103 : memref<2048xf32, #tpu.memory_space<vmem_shared>>)
      tpu.yield
    }) : () -> ()
    %mul3A_64 = arith.constant 40960 : i32
    %mul3A_65 = arith.muli %arg1, %mul3A_64 : i32
    %add3A_66 = arith.constant 28672 : i32
    %add3A_67 = arith.addi %mul3A_65, %add3A_66 : i32
    "tpu.region"() ({
      %run_scoped3A = tpu.sem_alloc : memref<!tpu.dma_semaphore, #tpu.memory_space<semaphore_mem>>
      %dma_start3A = tpu.memref_slice %arg18[%add3A_67] : memref<655360xf32, #tpu.memory_space<vmem_shared>> -> memref<2048xf32, #tpu.memory_space<vmem_shared>>
      %dma_start3A_102 = tpu.memref_slice %arg18[%add3A_67] : memref<655360xf32, #tpu.memory_space<vmem_shared>> -> memref<2048xf32, #tpu.memory_space<vmem_shared>>
      tpu.enqueue_dma source(%arg16 : memref<2048xf32, #tpu.memory_space<vmem>>) target(%dma_start3A_102 : memref<2048xf32, #tpu.memory_space<vmem_shared>>) target_semaphore(%run_scoped3A : memref<!tpu.dma_semaphore, #tpu.memory_space<semaphore_mem>>)
      %dma_wait3A = tpu.memref_slice %arg18[%add3A_67] : memref<655360xf32, #tpu.memory_space<vmem_shared>> -> memref<2048xf32, #tpu.memory_space<vmem_shared>>
      %dma_wait3A_103 = tpu.memref_slice %arg18[%add3A_67] : memref<655360xf32, #tpu.memory_space<vmem_shared>> -> memref<2048xf32, #tpu.memory_space<vmem_shared>>
      tpu.wait_dma2 semaphore(%run_scoped3A : memref<!tpu.dma_semaphore, #tpu.memory_space<semaphore_mem>>) src(%arg16 : memref<2048xf32, #tpu.memory_space<vmem>>) dst(%dma_wait3A_103 : memref<2048xf32, #tpu.memory_space<vmem_shared>>)
      tpu.yield
    }) : () -> ()
    %mul3A_68 = arith.constant 40960 : i32
    %mul3A_69 = arith.muli %arg1, %mul3A_68 : i32
    %add3A_70 = arith.constant 30720 : i32
    %add3A_71 = arith.addi %mul3A_69, %add3A_70 : i32
    "tpu.region"() ({
      %run_scoped3A = tpu.sem_alloc : memref<!tpu.dma_semaphore, #tpu.memory_space<semaphore_mem>>
      %dma_start3A = tpu.memref_slice %arg18[%add3A_71] : memref<655360xf32, #tpu.memory_space<vmem_shared>> -> memref<2048xf32, #tpu.memory_space<vmem_shared>>
      %dma_start3A_102 = tpu.memref_slice %arg18[%add3A_71] : memref<655360xf32, #tpu.memory_space<vmem_shared>> -> memref<2048xf32, #tpu.memory_space<vmem_shared>>
      tpu.enqueue_dma source(%arg16 : memref<2048xf32, #tpu.memory_space<vmem>>) target(%dma_start3A_102 : memref<2048xf32, #tpu.memory_space<vmem_shared>>) target_semaphore(%run_scoped3A : memref<!tpu.dma_semaphore, #tpu.memory_space<semaphore_mem>>)
      %dma_wait3A = tpu.memref_slice %arg18[%add3A_71] : memref<655360xf32, #tpu.memory_space<vmem_shared>> -> memref<2048xf32, #tpu.memory_space<vmem_shared>>
      %dma_wait3A_103 = tpu.memref_slice %arg18[%add3A_71] : memref<655360xf32, #tpu.memory_space<vmem_shared>> -> memref<2048xf32, #tpu.memory_space<vmem_shared>>
      tpu.wait_dma2 semaphore(%run_scoped3A : memref<!tpu.dma_semaphore, #tpu.memory_space<semaphore_mem>>) src(%arg16 : memref<2048xf32, #tpu.memory_space<vmem>>) dst(%dma_wait3A_103 : memref<2048xf32, #tpu.memory_space<vmem_shared>>)
      tpu.yield
    }) : () -> ()
    %mul3A_72 = arith.constant 40960 : i32
    %mul3A_73 = arith.muli %arg1, %mul3A_72 : i32
    %add3A_74 = arith.constant 32768 : i32
    %add3A_75 = arith.addi %mul3A_73, %add3A_74 : i32
    "tpu.region"() ({
      %run_scoped3A = tpu.sem_alloc : memref<!tpu.dma_semaphore, #tpu.memory_space<semaphore_mem>>
      %dma_start3A = tpu.memref_slice %arg18[%add3A_75] : memref<655360xf32, #tpu.memory_space<vmem_shared>> -> memref<2048xf32, #tpu.memory_space<vmem_shared>>
      %dma_start3A_102 = tpu.memref_slice %arg18[%add3A_75] : memref<655360xf32, #tpu.memory_space<vmem_shared>> -> memref<2048xf32, #tpu.memory_space<vmem_shared>>
      tpu.enqueue_dma source(%arg16 : memref<2048xf32, #tpu.memory_space<vmem>>) target(%dma_start3A_102 : memref<2048xf32, #tpu.memory_space<vmem_shared>>) target_semaphore(%run_scoped3A : memref<!tpu.dma_semaphore, #tpu.memory_space<semaphore_mem>>)
      %dma_wait3A = tpu.memref_slice %arg18[%add3A_75] : memref<655360xf32, #tpu.memory_space<vmem_shared>> -> memref<2048xf32, #tpu.memory_space<vmem_shared>>
      %dma_wait3A_103 = tpu.memref_slice %arg18[%add3A_75] : memref<655360xf32, #tpu.memory_space<vmem_shared>> -> memref<2048xf32, #tpu.memory_space<vmem_shared>>
      tpu.wait_dma2 semaphore(%run_scoped3A : memref<!tpu.dma_semaphore, #tpu.memory_space<semaphore_mem>>) src(%arg16 : memref<2048xf32, #tpu.memory_space<vmem>>) dst(%dma_wait3A_103 : memref<2048xf32, #tpu.memory_space<vmem_shared>>)
      tpu.yield
    }) : () -> ()
    %mul3A_76 = arith.constant 40960 : i32
    %mul3A_77 = arith.muli %arg1, %mul3A_76 : i32
    %add3A_78 = arith.constant 34816 : i32
    %add3A_79 = arith.addi %mul3A_77, %add3A_78 : i32
    "tpu.region"() ({
      %run_scoped3A = tpu.sem_alloc : memref<!tpu.dma_semaphore, #tpu.memory_space<semaphore_mem>>
      %dma_start3A = tpu.memref_slice %arg18[%add3A_79] : memref<655360xf32, #tpu.memory_space<vmem_shared>> -> memref<2048xf32, #tpu.memory_space<vmem_shared>>
      %dma_start3A_102 = tpu.memref_slice %arg18[%add3A_79] : memref<655360xf32, #tpu.memory_space<vmem_shared>> -> memref<2048xf32, #tpu.memory_space<vmem_shared>>
      tpu.enqueue_dma source(%arg16 : memref<2048xf32, #tpu.memory_space<vmem>>) target(%dma_start3A_102 : memref<2048xf32, #tpu.memory_space<vmem_shared>>) target_semaphore(%run_scoped3A : memref<!tpu.dma_semaphore, #tpu.memory_space<semaphore_mem>>)
      %dma_wait3A = tpu.memref_slice %arg18[%add3A_79] : memref<655360xf32, #tpu.memory_space<vmem_shared>> -> memref<2048xf32, #tpu.memory_space<vmem_shared>>
      %dma_wait3A_103 = tpu.memref_slice %arg18[%add3A_79] : memref<655360xf32, #tpu.memory_space<vmem_shared>> -> memref<2048xf32, #tpu.memory_space<vmem_shared>>
      tpu.wait_dma2 semaphore(%run_scoped3A : memref<!tpu.dma_semaphore, #tpu.memory_space<semaphore_mem>>) src(%arg16 : memref<2048xf32, #tpu.memory_space<vmem>>) dst(%dma_wait3A_103 : memref<2048xf32, #tpu.memory_space<vmem_shared>>)
      tpu.yield
    }) : () -> ()
    %mul3A_80 = arith.constant 40960 : i32
    %mul3A_81 = arith.muli %arg1, %mul3A_80 : i32
    %add3A_82 = arith.constant 36864 : i32
    %add3A_83 = arith.addi %mul3A_81, %add3A_82 : i32
    "tpu.region"() ({
      %run_scoped3A = tpu.sem_alloc : memref<!tpu.dma_semaphore, #tpu.memory_space<semaphore_mem>>
      %dma_start3A = tpu.memref_slice %arg18[%add3A_83] : memref<655360xf32, #tpu.memory_space<vmem_shared>> -> memref<2048xf32, #tpu.memory_space<vmem_shared>>
      %dma_start3A_102 = tpu.memref_slice %arg18[%add3A_83] : memref<655360xf32, #tpu.memory_space<vmem_shared>> -> memref<2048xf32, #tpu.memory_space<vmem_shared>>
      tpu.enqueue_dma source(%arg16 : memref<2048xf32, #tpu.memory_space<vmem>>) target(%dma_start3A_102 : memref<2048xf32, #tpu.memory_space<vmem_shared>>) target_semaphore(%run_scoped3A : memref<!tpu.dma_semaphore, #tpu.memory_space<semaphore_mem>>)
      %dma_wait3A = tpu.memref_slice %arg18[%add3A_83] : memref<655360xf32, #tpu.memory_space<vmem_shared>> -> memref<2048xf32, #tpu.memory_space<vmem_shared>>
      %dma_wait3A_103 = tpu.memref_slice %arg18[%add3A_83] : memref<655360xf32, #tpu.memory_space<vmem_shared>> -> memref<2048xf32, #tpu.memory_space<vmem_shared>>
      tpu.wait_dma2 semaphore(%run_scoped3A : memref<!tpu.dma_semaphore, #tpu.memory_space<semaphore_mem>>) src(%arg16 : memref<2048xf32, #tpu.memory_space<vmem>>) dst(%dma_wait3A_103 : memref<2048xf32, #tpu.memory_space<vmem_shared>>)
      tpu.yield
    }) : () -> ()
    %mul3A_84 = arith.constant 40960 : i32
    %mul3A_85 = arith.muli %arg1, %mul3A_84 : i32
    %add3A_86 = arith.constant 38912 : i32
    %add3A_87 = arith.addi %mul3A_85, %add3A_86 : i32
    "tpu.region"() ({
      %run_scoped3A = tpu.sem_alloc : memref<!tpu.dma_semaphore, #tpu.memory_space<semaphore_mem>>
      %dma_start3A = tpu.memref_slice %arg18[%add3A_87] : memref<655360xf32, #tpu.memory_space<vmem_shared>> -> memref<2048xf32, #tpu.memory_space<vmem_shared>>
      %dma_start3A_102 = tpu.memref_slice %arg18[%add3A_87] : memref<655360xf32, #tpu.memory_space<vmem_shared>> -> memref<2048xf32, #tpu.memory_space<vmem_shared>>
      tpu.enqueue_dma source(%arg16 : memref<2048xf32, #tpu.memory_space<vmem>>) target(%dma_start3A_102 : memref<2048xf32, #tpu.memory_space<vmem_shared>>) target_semaphore(%run_scoped3A : memref<!tpu.dma_semaphore, #tpu.memory_space<semaphore_mem>>)
      %dma_wait3A = tpu.memref_slice %arg18[%add3A_87] : memref<655360xf32, #tpu.memory_space<vmem_shared>> -> memref<2048xf32, #tpu.memory_space<vmem_shared>>
      %dma_wait3A_103 = tpu.memref_slice %arg18[%add3A_87] : memref<655360xf32, #tpu.memory_space<vmem_shared>> -> memref<2048xf32, #tpu.memory_space<vmem_shared>>
      tpu.wait_dma2 semaphore(%run_scoped3A : memref<!tpu.dma_semaphore, #tpu.memory_space<semaphore_mem>>) src(%arg16 : memref<2048xf32, #tpu.memory_space<vmem>>) dst(%dma_wait3A_103 : memref<2048xf32, #tpu.memory_space<vmem_shared>>)
      tpu.yield
    }) : () -> ()
    "tpu.region"() ({
      %run_scoped3A = tpu.sem_alloc : memref<!tpu.dma_semaphore, #tpu.memory_space<semaphore_mem>>
      tpu.enqueue_dma source(%arg5 : memref<10240xf32, #tpu.memory_space<hbm>>) target(%arg9 : memref<10240xf32, #tpu.memory_space<vmem>>) target_semaphore(%run_scoped3A : memref<!tpu.dma_semaphore, #tpu.memory_space<semaphore_mem>>)
      tpu.wait_dma2 semaphore(%run_scoped3A : memref<!tpu.dma_semaphore, #tpu.memory_space<semaphore_mem>>) src(%arg5 : memref<10240xf32, #tpu.memory_space<hbm>>) dst(%arg9 : memref<10240xf32, #tpu.memory_space<vmem>>)
      tpu.yield
    }) : () -> ()
    "tpu.region"() ({
      %run_scoped3A = tpu.sem_alloc : memref<!tpu.dma_semaphore, #tpu.memory_space<semaphore_mem>>
      tpu.enqueue_dma source(%arg6 : memref<10240xi32, #tpu.memory_space<hbm>>) target(%arg10 : memref<10240xi32, #tpu.memory_space<vmem>>) target_semaphore(%run_scoped3A : memref<!tpu.dma_semaphore, #tpu.memory_space<semaphore_mem>>)
      tpu.wait_dma2 semaphore(%run_scoped3A : memref<!tpu.dma_semaphore, #tpu.memory_space<semaphore_mem>>) src(%arg6 : memref<10240xi32, #tpu.memory_space<hbm>>) dst(%arg10 : memref<10240xi32, #tpu.memory_space<vmem>>)
      tpu.yield
    }) : () -> ()
    %barrier3A = arith.constant 0 : index
    tpu.barrier barrier_id(%barrier3A)
    %scan3A_88 = arith.constant 0 : i32
    %scan3A_89 = arith.constant 80 : i32
    %scan3A_90 = arith.addi %scan3A_88, %scan3A_89 : i32
    %scan3A_91 = arith.constant 1 : i32
    scf.for %scan3A_102 = %scan3A_88 to %scan3A_90 step %scan3A_91  : i32 {
      %mul3A_103 = arith.constant 10240 : i32
      %mul3A_104 = arith.muli %add3A, %mul3A_103 : i32
      %mul3A_105 = arith.constant 128 : i32
      %mul3A_106 = arith.muli %scan3A_102, %mul3A_105 : i32
      %add3A_107 = arith.addi %mul3A_104, %mul3A_106 : i32
      "tpu.region"() ({
        %run_scoped3A = tpu.sem_alloc : memref<!tpu.dma_semaphore, #tpu.memory_space<semaphore_mem>>
        %dma_start3A = tpu.memref_slice %arg2[%add3A_107] : memref<327680xi32, #tpu.memory_space<hbm>> -> memref<128xi32, #tpu.memory_space<hbm>>
        %dma_start3A_241 = tpu.memref_slice %arg2[%add3A_107] : memref<327680xi32, #tpu.memory_space<hbm>> -> memref<128xi32, #tpu.memory_space<hbm>>
        tpu.enqueue_dma source(%dma_start3A_241 : memref<128xi32, #tpu.memory_space<hbm>>) target(%arg11 : memref<128xi32, #tpu.memory_space<vmem>>) target_semaphore(%run_scoped3A : memref<!tpu.dma_semaphore, #tpu.memory_space<semaphore_mem>>)
        %dma_wait3A = tpu.memref_slice %arg2[%add3A_107] : memref<327680xi32, #tpu.memory_space<hbm>> -> memref<128xi32, #tpu.memory_space<hbm>>
        %dma_wait3A_242 = tpu.memref_slice %arg2[%add3A_107] : memref<327680xi32, #tpu.memory_space<hbm>> -> memref<128xi32, #tpu.memory_space<hbm>>
        tpu.wait_dma2 semaphore(%run_scoped3A : memref<!tpu.dma_semaphore, #tpu.memory_space<semaphore_mem>>) src(%dma_wait3A_242 : memref<128xi32, #tpu.memory_space<hbm>>) dst(%arg11 : memref<128xi32, #tpu.memory_space<vmem>>)
        tpu.yield
      }) : () -> ()
      "tpu.region"() ({
        %run_scoped3A = tpu.sem_alloc : memref<!tpu.dma_semaphore, #tpu.memory_space<semaphore_mem>>
        %dma_start3A = tpu.memref_slice %arg3[%add3A_107] : memref<327680xi32, #tpu.memory_space<hbm>> -> memref<128xi32, #tpu.memory_space<hbm>>
        %dma_start3A_241 = tpu.memref_slice %arg3[%add3A_107] : memref<327680xi32, #tpu.memory_space<hbm>> -> memref<128xi32, #tpu.memory_space<hbm>>
        tpu.enqueue_dma source(%dma_start3A_241 : memref<128xi32, #tpu.memory_space<hbm>>) target(%arg12 : memref<128xi32, #tpu.memory_space<vmem>>) target_semaphore(%run_scoped3A : memref<!tpu.dma_semaphore, #tpu.memory_space<semaphore_mem>>)
        %dma_wait3A = tpu.memref_slice %arg3[%add3A_107] : memref<327680xi32, #tpu.memory_space<hbm>> -> memref<128xi32, #tpu.memory_space<hbm>>
        %dma_wait3A_242 = tpu.memref_slice %arg3[%add3A_107] : memref<327680xi32, #tpu.memory_space<hbm>> -> memref<128xi32, #tpu.memory_space<hbm>>
        tpu.wait_dma2 semaphore(%run_scoped3A : memref<!tpu.dma_semaphore, #tpu.memory_space<semaphore_mem>>) src(%dma_wait3A_242 : memref<128xi32, #tpu.memory_space<hbm>>) dst(%arg12 : memref<128xi32, #tpu.memory_space<vmem>>)
        tpu.yield
      }) : () -> ()
      "tpu.region"() ({
        %run_scoped3A = tpu.sem_alloc : memref<!tpu.dma_semaphore, #tpu.memory_space<semaphore_mem>>
        %dma_start3A = tpu.memref_slice %arg4[%add3A_107] : memref<327680xf32, #tpu.memory_space<hbm>> -> memref<128xf32, #tpu.memory_space<hbm>>
        %dma_start3A_241 = tpu.memref_slice %arg4[%add3A_107] : memref<327680xf32, #tpu.memory_space<hbm>> -> memref<128xf32, #tpu.memory_space<hbm>>
        tpu.enqueue_dma source(%dma_start3A_241 : memref<128xf32, #tpu.memory_space<hbm>>) target(%arg13 : memref<128xf32, #tpu.memory_space<vmem>>) target_semaphore(%run_scoped3A : memref<!tpu.dma_semaphore, #tpu.memory_space<semaphore_mem>>)
        %dma_wait3A = tpu.memref_slice %arg4[%add3A_107] : memref<327680xf32, #tpu.memory_space<hbm>> -> memref<128xf32, #tpu.memory_space<hbm>>
        %dma_wait3A_242 = tpu.memref_slice %arg4[%add3A_107] : memref<327680xf32, #tpu.memory_space<hbm>> -> memref<128xf32, #tpu.memory_space<hbm>>
        tpu.wait_dma2 semaphore(%run_scoped3A : memref<!tpu.dma_semaphore, #tpu.memory_space<semaphore_mem>>) src(%dma_wait3A_242 : memref<128xf32, #tpu.memory_space<hbm>>) dst(%arg13 : memref<128xf32, #tpu.memory_space<vmem>>)
        tpu.yield
      }) : () -> ()
      %get3A = arith.constant 0 : index
      %get3A_108 = tpu.vector_load %arg11[%get3A] {strides = array<i32>} : memref<128xi32, #tpu.memory_space<vmem>>, vector<16xi32>,
      %get3A_109 = arith.constant 0 : index
      %get3A_110 = tpu.vector_load %arg12[%get3A_109] {strides = array<i32>} : memref<128xi32, #tpu.memory_space<vmem>>, vector<16xi32>,
      %get3A_111 = arith.constant 0 : index
      %get3A_112 = tpu.vector_load %arg13[%get3A_111] {strides = array<i32>} : memref<128xf32, #tpu.memory_space<vmem>>, vector<16xf32>,
      %gather3A = tpu.vector_load_idx %arg9[%get3A_108] : memref<10240xf32, #tpu.memory_space<vmem>>[vector<16xi32>], vector<16xf32>,
      %mul3A_113 = arith.mulf %get3A_112, %gather3A : vector<16xf32>
      %swap3A = arith.constant 0 : index
      %swap3A_114 = tpu.vector_load %arg14[%swap3A] {strides = array<i32>} : memref<128xf32, #tpu.memory_space<vmem>>, vector<16xf32>,
      tpu.vector_store %arg14[%swap3A], %mul3A_113 {strides = array<i32>} : memref<128xf32, #tpu.memory_space<vmem>>, vector<16xf32>,
      %gather3A_115 = tpu.vector_load_idx %arg10[%get3A_110] : memref<10240xi32, #tpu.memory_space<vmem>>[vector<16xi32>], vector<16xi32>,
      %mul3A_116 = arith.constant 10240 : i32
      %mul3A_117 = vector.broadcast %mul3A_116 : i32 to vector<16xi32>
      %mul3A_118 = arith.muli %gather3A_115, %mul3A_117 : vector<16xi32>
      %add3A_119 = arith.addi %mul3A_118, %get3A_108 : vector<16xi32>
      %swap3A_120 = arith.constant 0 : index
      %swap3A_121 = tpu.vector_load %arg15[%swap3A_120] {strides = array<i32>} : memref<128xi32, #tpu.memory_space<vmem>>, vector<16xi32>,
      tpu.vector_store %arg15[%swap3A_120], %add3A_119 {strides = array<i32>} : memref<128xi32, #tpu.memory_space<vmem>>, vector<16xi32>,
      %get3A_122 = arith.constant 16 : index
      %get3A_123 = tpu.vector_load %arg11[%get3A_122] {strides = array<i32>} : memref<128xi32, #tpu.memory_space<vmem>>, vector<16xi32>,
      %get3A_124 = arith.constant 16 : index
      %get3A_125 = tpu.vector_load %arg12[%get3A_124] {strides = array<i32>} : memref<128xi32, #tpu.memory_space<vmem>>, vector<16xi32>,
      %get3A_126 = arith.constant 16 : index
      %get3A_127 = tpu.vector_load %arg13[%get3A_126] {strides = array<i32>} : memref<128xf32, #tpu.memory_space<vmem>>, vector<16xf32>,
      %gather3A_128 = tpu.vector_load_idx %arg9[%get3A_123] : memref<10240xf32, #tpu.memory_space<vmem>>[vector<16xi32>], vector<16xf32>,
      %mul3A_129 = arith.mulf %get3A_127, %gather3A_128 : vector<16xf32>
      %swap3A_130 = arith.constant 16 : index
      %swap3A_131 = tpu.vector_load %arg14[%swap3A_130] {strides = array<i32>} : memref<128xf32, #tpu.memory_space<vmem>>, vector<16xf32>,
      tpu.vector_store %arg14[%swap3A_130], %mul3A_129 {strides = array<i32>} : memref<128xf32, #tpu.memory_space<vmem>>, vector<16xf32>,
      %gather3A_132 = tpu.vector_load_idx %arg10[%get3A_125] : memref<10240xi32, #tpu.memory_space<vmem>>[vector<16xi32>], vector<16xi32>,
      %mul3A_133 = arith.constant 10240 : i32
      %mul3A_134 = vector.broadcast %mul3A_133 : i32 to vector<16xi32>
      %mul3A_135 = arith.muli %gather3A_132, %mul3A_134 : vector<16xi32>
      %add3A_136 = arith.addi %mul3A_135, %get3A_123 : vector<16xi32>
      %swap3A_137 = arith.constant 16 : index
      %swap3A_138 = tpu.vector_load %arg15[%swap3A_137] {strides = array<i32>} : memref<128xi32, #tpu.memory_space<vmem>>, vector<16xi32>,
      tpu.vector_store %arg15[%swap3A_137], %add3A_136 {strides = array<i32>} : memref<128xi32, #tpu.memory_space<vmem>>, vector<16xi32>,
      %get3A_139 = arith.constant 32 : index
      %get3A_140 = tpu.vector_load %arg11[%get3A_139] {strides = array<i32>} : memref<128xi32, #tpu.memory_space<vmem>>, vector<16xi32>,
      %get3A_141 = arith.constant 32 : index
      %get3A_142 = tpu.vector_load %arg12[%get3A_141] {strides = array<i32>} : memref<128xi32, #tpu.memory_space<vmem>>, vector<16xi32>,
      %get3A_143 = arith.constant 32 : index
      %get3A_144 = tpu.vector_load %arg13[%get3A_143] {strides = array<i32>} : memref<128xf32, #tpu.memory_space<vmem>>, vector<16xf32>,
      %gather3A_145 = tpu.vector_load_idx %arg9[%get3A_140] : memref<10240xf32, #tpu.memory_space<vmem>>[vector<16xi32>], vector<16xf32>,
      %mul3A_146 = arith.mulf %get3A_144, %gather3A_145 : vector<16xf32>
      %swap3A_147 = arith.constant 32 : index
      %swap3A_148 = tpu.vector_load %arg14[%swap3A_147] {strides = array<i32>} : memref<128xf32, #tpu.memory_space<vmem>>, vector<16xf32>,
      tpu.vector_store %arg14[%swap3A_147], %mul3A_146 {strides = array<i32>} : memref<128xf32, #tpu.memory_space<vmem>>, vector<16xf32>,
      %gather3A_149 = tpu.vector_load_idx %arg10[%get3A_142] : memref<10240xi32, #tpu.memory_space<vmem>>[vector<16xi32>], vector<16xi32>,
      %mul3A_150 = arith.constant 10240 : i32
      %mul3A_151 = vector.broadcast %mul3A_150 : i32 to vector<16xi32>
      %mul3A_152 = arith.muli %gather3A_149, %mul3A_151 : vector<16xi32>
      %add3A_153 = arith.addi %mul3A_152, %get3A_140 : vector<16xi32>
      %swap3A_154 = arith.constant 32 : index
      %swap3A_155 = tpu.vector_load %arg15[%swap3A_154] {strides = array<i32>} : memref<128xi32, #tpu.memory_space<vmem>>, vector<16xi32>,
      tpu.vector_store %arg15[%swap3A_154], %add3A_153 {strides = array<i32>} : memref<128xi32, #tpu.memory_space<vmem>>, vector<16xi32>,
      %get3A_156 = arith.constant 48 : index
      %get3A_157 = tpu.vector_load %arg11[%get3A_156] {strides = array<i32>} : memref<128xi32, #tpu.memory_space<vmem>>, vector<16xi32>,
      %get3A_158 = arith.constant 48 : index
      %get3A_159 = tpu.vector_load %arg12[%get3A_158] {strides = array<i32>} : memref<128xi32, #tpu.memory_space<vmem>>, vector<16xi32>,
      %get3A_160 = arith.constant 48 : index
      %get3A_161 = tpu.vector_load %arg13[%get3A_160] {strides = array<i32>} : memref<128xf32, #tpu.memory_space<vmem>>, vector<16xf32>,
      %gather3A_162 = tpu.vector_load_idx %arg9[%get3A_157] : memref<10240xf32, #tpu.memory_space<vmem>>[vector<16xi32>], vector<16xf32>,
      %mul3A_163 = arith.mulf %get3A_161, %gather3A_162 : vector<16xf32>
      %swap3A_164 = arith.constant 48 : index
      %swap3A_165 = tpu.vector_load %arg14[%swap3A_164] {strides = array<i32>} : memref<128xf32, #tpu.memory_space<vmem>>, vector<16xf32>,
      tpu.vector_store %arg14[%swap3A_164], %mul3A_163 {strides = array<i32>} : memref<128xf32, #tpu.memory_space<vmem>>, vector<16xf32>,
      %gather3A_166 = tpu.vector_load_idx %arg10[%get3A_159] : memref<10240xi32, #tpu.memory_space<vmem>>[vector<16xi32>], vector<16xi32>,
      %mul3A_167 = arith.constant 10240 : i32
      %mul3A_168 = vector.broadcast %mul3A_167 : i32 to vector<16xi32>
      %mul3A_169 = arith.muli %gather3A_166, %mul3A_168 : vector<16xi32>
      %add3A_170 = arith.addi %mul3A_169, %get3A_157 : vector<16xi32>
      %swap3A_171 = arith.constant 48 : index
      %swap3A_172 = tpu.vector_load %arg15[%swap3A_171] {strides = array<i32>} : memref<128xi32, #tpu.memory_space<vmem>>, vector<16xi32>,
      tpu.vector_store %arg15[%swap3A_171], %add3A_170 {strides = array<i32>} : memref<128xi32, #tpu.memory_space<vmem>>, vector<16xi32>,
      %get3A_173 = arith.constant 64 : index
      %get3A_174 = tpu.vector_load %arg11[%get3A_173] {strides = array<i32>} : memref<128xi32, #tpu.memory_space<vmem>>, vector<16xi32>,
      %get3A_175 = arith.constant 64 : index
      %get3A_176 = tpu.vector_load %arg12[%get3A_175] {strides = array<i32>} : memref<128xi32, #tpu.memory_space<vmem>>, vector<16xi32>,
      %get3A_177 = arith.constant 64 : index
      %get3A_178 = tpu.vector_load %arg13[%get3A_177] {strides = array<i32>} : memref<128xf32, #tpu.memory_space<vmem>>, vector<16xf32>,
      %gather3A_179 = tpu.vector_load_idx %arg9[%get3A_174] : memref<10240xf32, #tpu.memory_space<vmem>>[vector<16xi32>], vector<16xf32>,
      %mul3A_180 = arith.mulf %get3A_178, %gather3A_179 : vector<16xf32>
      %swap3A_181 = arith.constant 64 : index
      %swap3A_182 = tpu.vector_load %arg14[%swap3A_181] {strides = array<i32>} : memref<128xf32, #tpu.memory_space<vmem>>, vector<16xf32>,
      tpu.vector_store %arg14[%swap3A_181], %mul3A_180 {strides = array<i32>} : memref<128xf32, #tpu.memory_space<vmem>>, vector<16xf32>,
      %gather3A_183 = tpu.vector_load_idx %arg10[%get3A_176] : memref<10240xi32, #tpu.memory_space<vmem>>[vector<16xi32>], vector<16xi32>,
      %mul3A_184 = arith.constant 10240 : i32
      %mul3A_185 = vector.broadcast %mul3A_184 : i32 to vector<16xi32>
      %mul3A_186 = arith.muli %gather3A_183, %mul3A_185 : vector<16xi32>
      %add3A_187 = arith.addi %mul3A_186, %get3A_174 : vector<16xi32>
      %swap3A_188 = arith.constant 64 : index
      %swap3A_189 = tpu.vector_load %arg15[%swap3A_188] {strides = array<i32>} : memref<128xi32, #tpu.memory_space<vmem>>, vector<16xi32>,
      tpu.vector_store %arg15[%swap3A_188], %add3A_187 {strides = array<i32>} : memref<128xi32, #tpu.memory_space<vmem>>, vector<16xi32>,
      %get3A_190 = arith.constant 80 : index
      %get3A_191 = tpu.vector_load %arg11[%get3A_190] {strides = array<i32>} : memref<128xi32, #tpu.memory_space<vmem>>, vector<16xi32>,
      %get3A_192 = arith.constant 80 : index
      %get3A_193 = tpu.vector_load %arg12[%get3A_192] {strides = array<i32>} : memref<128xi32, #tpu.memory_space<vmem>>, vector<16xi32>,
      %get3A_194 = arith.constant 80 : index
      %get3A_195 = tpu.vector_load %arg13[%get3A_194] {strides = array<i32>} : memref<128xf32, #tpu.memory_space<vmem>>, vector<16xf32>,
      %gather3A_196 = tpu.vector_load_idx %arg9[%get3A_191] : memref<10240xf32, #tpu.memory_space<vmem>>[vector<16xi32>], vector<16xf32>,
      %mul3A_197 = arith.mulf %get3A_195, %gather3A_196 : vector<16xf32>
      %swap3A_198 = arith.constant 80 : index
      %swap3A_199 = tpu.vector_load %arg14[%swap3A_198] {strides = array<i32>} : memref<128xf32, #tpu.memory_space<vmem>>, vector<16xf32>,
      tpu.vector_store %arg14[%swap3A_198], %mul3A_197 {strides = array<i32>} : memref<128xf32, #tpu.memory_space<vmem>>, vector<16xf32>,
      %gather3A_200 = tpu.vector_load_idx %arg10[%get3A_193] : memref<10240xi32, #tpu.memory_space<vmem>>[vector<16xi32>], vector<16xi32>,
      %mul3A_201 = arith.constant 10240 : i32
      %mul3A_202 = vector.broadcast %mul3A_201 : i32 to vector<16xi32>
      %mul3A_203 = arith.muli %gather3A_200, %mul3A_202 : vector<16xi32>
      %add3A_204 = arith.addi %mul3A_203, %get3A_191 : vector<16xi32>
      %swap3A_205 = arith.constant 80 : index
      %swap3A_206 = tpu.vector_load %arg15[%swap3A_205] {strides = array<i32>} : memref<128xi32, #tpu.memory_space<vmem>>, vector<16xi32>,
      tpu.vector_store %arg15[%swap3A_205], %add3A_204 {strides = array<i32>} : memref<128xi32, #tpu.memory_space<vmem>>, vector<16xi32>,
      %get3A_207 = arith.constant 96 : index
      %get3A_208 = tpu.vector_load %arg11[%get3A_207] {strides = array<i32>} : memref<128xi32, #tpu.memory_space<vmem>>, vector<16xi32>,
      %get3A_209 = arith.constant 96 : index
      %get3A_210 = tpu.vector_load %arg12[%get3A_209] {strides = array<i32>} : memref<128xi32, #tpu.memory_space<vmem>>, vector<16xi32>,
      %get3A_211 = arith.constant 96 : index
      %get3A_212 = tpu.vector_load %arg13[%get3A_211] {strides = array<i32>} : memref<128xf32, #tpu.memory_space<vmem>>, vector<16xf32>,
      %gather3A_213 = tpu.vector_load_idx %arg9[%get3A_208] : memref<10240xf32, #tpu.memory_space<vmem>>[vector<16xi32>], vector<16xf32>,
      %mul3A_214 = arith.mulf %get3A_212, %gather3A_213 : vector<16xf32>
      %swap3A_215 = arith.constant 96 : index
      %swap3A_216 = tpu.vector_load %arg14[%swap3A_215] {strides = array<i32>} : memref<128xf32, #tpu.memory_space<vmem>>, vector<16xf32>,
      tpu.vector_store %arg14[%swap3A_215], %mul3A_214 {strides = array<i32>} : memref<128xf32, #tpu.memory_space<vmem>>, vector<16xf32>,
      %gather3A_217 = tpu.vector_load_idx %arg10[%get3A_210] : memref<10240xi32, #tpu.memory_space<vmem>>[vector<16xi32>], vector<16xi32>,
      %mul3A_218 = arith.constant 10240 : i32
      %mul3A_219 = vector.broadcast %mul3A_218 : i32 to vector<16xi32>
      %mul3A_220 = arith.muli %gather3A_217, %mul3A_219 : vector<16xi32>
      %add3A_221 = arith.addi %mul3A_220, %get3A_208 : vector<16xi32>
      %swap3A_222 = arith.constant 96 : index
      %swap3A_223 = tpu.vector_load %arg15[%swap3A_222] {strides = array<i32>} : memref<128xi32, #tpu.memory_space<vmem>>, vector<16xi32>,
      tpu.vector_store %arg15[%swap3A_222], %add3A_221 {strides = array<i32>} : memref<128xi32, #tpu.memory_space<vmem>>, vector<16xi32>,
      %get3A_224 = arith.constant 112 : index
      %get3A_225 = tpu.vector_load %arg11[%get3A_224] {strides = array<i32>} : memref<128xi32, #tpu.memory_space<vmem>>, vector<16xi32>,
      %get3A_226 = arith.constant 112 : index
      %get3A_227 = tpu.vector_load %arg12[%get3A_226] {strides = array<i32>} : memref<128xi32, #tpu.memory_space<vmem>>, vector<16xi32>,
      %get3A_228 = arith.constant 112 : index
      %get3A_229 = tpu.vector_load %arg13[%get3A_228] {strides = array<i32>} : memref<128xf32, #tpu.memory_space<vmem>>, vector<16xf32>,
      %gather3A_230 = tpu.vector_load_idx %arg9[%get3A_225] : memref<10240xf32, #tpu.memory_space<vmem>>[vector<16xi32>], vector<16xf32>,
      %mul3A_231 = arith.mulf %get3A_229, %gather3A_230 : vector<16xf32>
      %swap3A_232 = arith.constant 112 : index
      %swap3A_233 = tpu.vector_load %arg14[%swap3A_232] {strides = array<i32>} : memref<128xf32, #tpu.memory_space<vmem>>, vector<16xf32>,
      tpu.vector_store %arg14[%swap3A_232], %mul3A_231 {strides = array<i32>} : memref<128xf32, #tpu.memory_space<vmem>>, vector<16xf32>,
      %gather3A_234 = tpu.vector_load_idx %arg10[%get3A_227] : memref<10240xi32, #tpu.memory_space<vmem>>[vector<16xi32>], vector<16xi32>,
      %mul3A_235 = arith.constant 10240 : i32
      %mul3A_236 = vector.broadcast %mul3A_235 : i32 to vector<16xi32>
      %mul3A_237 = arith.muli %gather3A_234, %mul3A_236 : vector<16xi32>
      %add3A_238 = arith.addi %mul3A_237, %get3A_225 : vector<16xi32>
      %swap3A_239 = arith.constant 112 : index
      %swap3A_240 = tpu.vector_load %arg15[%swap3A_239] {strides = array<i32>} : memref<128xi32, #tpu.memory_space<vmem>>, vector<16xi32>,
      tpu.vector_store %arg15[%swap3A_239], %add3A_238 {strides = array<i32>} : memref<128xi32, #tpu.memory_space<vmem>>, vector<16xi32>,
      "tpu.region"() ({
        %run_scoped3A = tpu.sem_alloc : memref<!tpu.dma_semaphore, #tpu.memory_space<semaphore_mem>>
        %dma_start3A = arith.constant 0 : i32
        %dma_start3A_241 = tpu.memref_slice %arg17[%dma_start3A] : memref<10240xf32, #tpu.memory_space<vmem_shared>> -> memref<10240xf32, #tpu.memory_space<vmem_shared>>
        tpu.enqueue_indirect_dma source(%arg14 : memref<128xf32, #tpu.memory_space<vmem>>) target(%dma_start3A_241 : memref<10240xf32, #tpu.memory_space<vmem_shared>>) offsets(%arg12 : memref<128xi32, #tpu.memory_space<vmem>>) semaphore(%run_scoped3A : memref<!tpu.dma_semaphore, #tpu.memory_space<semaphore_mem>>) {add = true}
        %dma_wait3A = arith.constant 0 : i32
        %dma_wait3A_242 = tpu.memref_slice %arg17[%dma_wait3A] : memref<10240xf32, #tpu.memory_space<vmem_shared>> -> memref<10240xf32, #tpu.memory_space<vmem_shared>>
        tpu.wait_indirect_dma semaphore(%run_scoped3A : memref<!tpu.dma_semaphore, #tpu.memory_space<semaphore_mem>>) src(%arg14 : memref<128xf32, #tpu.memory_space<vmem>>) dst(%dma_wait3A_242 : memref<10240xf32, #tpu.memory_space<vmem_shared>>)
        tpu.yield
      }) : () -> ()
      "tpu.region"() ({
        %run_scoped3A = tpu.sem_alloc : memref<!tpu.dma_semaphore, #tpu.memory_space<semaphore_mem>>
        %dma_start3A = arith.constant 0 : i32
        %dma_start3A_241 = tpu.memref_slice %arg18[%dma_start3A] : memref<655360xf32, #tpu.memory_space<vmem_shared>> -> memref<655360xf32, #tpu.memory_space<vmem_shared>>
        tpu.enqueue_indirect_dma source(%arg13 : memref<128xf32, #tpu.memory_space<vmem>>) target(%dma_start3A_241 : memref<655360xf32, #tpu.memory_space<vmem_shared>>) offsets(%arg15 : memref<128xi32, #tpu.memory_space<vmem>>) semaphore(%run_scoped3A : memref<!tpu.dma_semaphore, #tpu.memory_space<semaphore_mem>>) {add = true}
        %dma_wait3A = arith.constant 0 : i32
        %dma_wait3A_242 = tpu.memref_slice %arg18[%dma_wait3A] : memref<655360xf32, #tpu.memory_space<vmem_shared>> -> memref<655360xf32, #tpu.memory_space<vmem_shared>>
        tpu.wait_indirect_dma semaphore(%run_scoped3A : memref<!tpu.dma_semaphore, #tpu.memory_space<semaphore_mem>>) src(%arg13 : memref<128xf32, #tpu.memory_space<vmem>>) dst(%dma_wait3A_242 : memref<655360xf32, #tpu.memory_space<vmem_shared>>)
        tpu.yield
      }) : () -> ()
    }
    %scan3A_92 = arith.constant 80 : i32
    %barrier3A_93 = arith.constant 0 : index
    tpu.barrier barrier_id(%barrier3A_93)
    %mul3A_94 = arith.constant 640 : i32
    %mul3A_95 = arith.muli %arg1, %mul3A_94 : i32
    %mul3A_96 = arith.constant 640 : i32
    %mul3A_97 = arith.muli %arg1, %mul3A_96 : i32
    "tpu.region"() ({
      %run_scoped3A = tpu.sem_alloc : memref<!tpu.dma_semaphore, #tpu.memory_space<semaphore_mem>>
      %dma_start3A = tpu.memref_slice %arg7[%arg0, %mul3A_97] : memref<2x10240xf32, #tpu.memory_space<hbm>> -> memref<1x640xf32, #tpu.memory_space<hbm>>
      %dma_start3A_102 = tpu.memref_squeeze %dma_start3A : memref<1x640xf32, #tpu.memory_space<hbm>> -> memref<640xf32, #tpu.memory_space<hbm>>
      %dma_start3A_103 = tpu.memref_slice %arg17[%mul3A_95] : memref<10240xf32, #tpu.memory_space<vmem_shared>> -> memref<640xf32, #tpu.memory_space<vmem_shared>>
      tpu.enqueue_dma source(%dma_start3A_103 : memref<640xf32, #tpu.memory_space<vmem_shared>>) target(%dma_start3A_102 : memref<640xf32, #tpu.memory_space<hbm>>) target_semaphore(%run_scoped3A : memref<!tpu.dma_semaphore, #tpu.memory_space<semaphore_mem>>)
      %dma_wait3A = tpu.memref_slice %arg7[%arg0, %mul3A_97] : memref<2x10240xf32, #tpu.memory_space<hbm>> -> memref<1x640xf32, #tpu.memory_space<hbm>>
      %dma_wait3A_104 = tpu.memref_squeeze %dma_wait3A : memref<1x640xf32, #tpu.memory_space<hbm>> -> memref<640xf32, #tpu.memory_space<hbm>>
      %dma_wait3A_105 = tpu.memref_slice %arg17[%mul3A_95] : memref<10240xf32, #tpu.memory_space<vmem_shared>> -> memref<640xf32, #tpu.memory_space<vmem_shared>>
      tpu.wait_dma2 semaphore(%run_scoped3A : memref<!tpu.dma_semaphore, #tpu.memory_space<semaphore_mem>>) src(%dma_wait3A_105 : memref<640xf32, #tpu.memory_space<vmem_shared>>) dst(%dma_wait3A_104 : memref<640xf32, #tpu.memory_space<hbm>>)
      tpu.yield
    }) : () -> ()
    %mul3A_98 = arith.constant 40960 : i32
    %mul3A_99 = arith.muli %arg1, %mul3A_98 : i32
    %mul3A_100 = arith.constant 40960 : i32
    %mul3A_101 = arith.muli %arg1, %mul3A_100 : i32
    "tpu.region"() ({
      %run_scoped3A = tpu.sem_alloc : memref<!tpu.dma_semaphore, #tpu.memory_space<semaphore_mem>>
      %dma_start3A = tpu.memref_slice %arg8[%arg0, %mul3A_101] : memref<2x655360xf32, #tpu.memory_space<hbm>> -> memref<1x40960xf32, #tpu.memory_space<hbm>>
      %dma_start3A_102 = tpu.memref_squeeze %dma_start3A : memref<1x40960xf32, #tpu.memory_space<hbm>> -> memref<40960xf32, #tpu.memory_space<hbm>>
      %dma_start3A_103 = tpu.memref_slice %arg18[%mul3A_99] : memref<655360xf32, #tpu.memory_space<vmem_shared>> -> memref<40960xf32, #tpu.memory_space<vmem_shared>>
      tpu.enqueue_dma source(%dma_start3A_103 : memref<40960xf32, #tpu.memory_space<vmem_shared>>) target(%dma_start3A_102 : memref<40960xf32, #tpu.memory_space<hbm>>) target_semaphore(%run_scoped3A : memref<!tpu.dma_semaphore, #tpu.memory_space<semaphore_mem>>)
      %dma_wait3A = tpu.memref_slice %arg8[%arg0, %mul3A_101] : memref<2x655360xf32, #tpu.memory_space<hbm>> -> memref<1x40960xf32, #tpu.memory_space<hbm>>
      %dma_wait3A_104 = tpu.memref_squeeze %dma_wait3A : memref<1x40960xf32, #tpu.memory_space<hbm>> -> memref<40960xf32, #tpu.memory_space<hbm>>
      %dma_wait3A_105 = tpu.memref_slice %arg18[%mul3A_99] : memref<655360xf32, #tpu.memory_space<vmem_shared>> -> memref<40960xf32, #tpu.memory_space<vmem_shared>>
      tpu.wait_dma2 semaphore(%run_scoped3A : memref<!tpu.dma_semaphore, #tpu.memory_space<semaphore_mem>>) src(%dma_wait3A_105 : memref<40960xf32, #tpu.memory_space<vmem_shared>>) dst(%dma_wait3A_104 : memref<40960xf32, #tpu.memory_space<hbm>>)
      tpu.yield
    }) : () -> ()
    return
  }
}

#map = affine_map<(d0, d1) -> (0)>
#map1 = affine_map<(d0, d1) -> (0, 0)>
#map2 = affine_map<(d0, d1) -> (0, 0, 0)>
module attributes {stable_mosaic.version = 14 : i64} {
  func.func @_sc_vec_body(%arg0: i32, %arg1: i32, %arg2: memref<327680xi32, #tpu.memory_space<hbm>>, %arg3: memref<327680xi32, #tpu.memory_space<hbm>>, %arg4: memref<327680xf32, #tpu.memory_space<hbm>>, %arg5: memref<10240x128xf32, #tpu.memory_space<hbm>>, %arg6: memref<2x10240x128xf32, #tpu.memory_space<hbm>>, %arg7: memref<128xi32, #tpu.memory_space<vmem>>, %arg8: memref<128xi32, #tpu.memory_space<vmem>>, %arg9: memref<128xf32, #tpu.memory_space<vmem>>, %arg10: memref<128x128xf32, #tpu.memory_space<vmem>>, %arg11: memref<16x128xf32, #tpu.memory_space<vmem>>, %arg12: memref<10240x128xf32, #tpu.memory_space<vmem_shared>>, %arg13: memref<!tpu.dma_semaphore, #tpu.memory_space<semaphore_mem>>) attributes {dimension_semantics = [#tpu.dimension_semantics<core_parallel>, #tpu.dimension_semantics<subcore_parallel>], iteration_bounds = array<i64: 2, 16>, scalar_prefetch = 0 : i64, scratch_operands = 7 : i64, tpu.core_type = #tpu.core_type<sc_vector_subcore>, window_params = [{transform_indices = #map}, {transform_indices = #map}, {transform_indices = #map}, {transform_indices = #map1}, {transform_indices = #map2}]} {
    %mul3A = arith.constant 2 : i32
    %mul3A_0 = arith.muli %arg1, %mul3A : i32
    %add3A = arith.addi %mul3A_0, %arg0 : i32
    %broadcast_in_dim3A = arith.constant 0.000000e+00 : f32
    %broadcast_in_dim3A_1 = vector.broadcast %broadcast_in_dim3A : f32 to vector<16xf32>
    %swap3A = arith.constant 0 : i32
    %swap3A_2 = arith.index_cast %swap3A : i32 to index
    %swap3A_3 = arith.constant 0 : index
    %swap3A_4 = tpu.vector_load %arg11[%swap3A_2, %swap3A_3] {strides = array<i32>} : memref<16x128xf32, #tpu.memory_space<vmem>>, vector<16xf32>,
    tpu.vector_store %arg11[%swap3A_2, %swap3A_3], %broadcast_in_dim3A_1 {strides = array<i32>} : memref<16x128xf32, #tpu.memory_space<vmem>>, vector<16xf32>,
    %swap3A_5 = arith.constant 0 : i32
    %swap3A_6 = arith.index_cast %swap3A_5 : i32 to index
    %swap3A_7 = arith.constant 16 : index
    %swap3A_8 = tpu.vector_load %arg11[%swap3A_6, %swap3A_7] {strides = array<i32>} : memref<16x128xf32, #tpu.memory_space<vmem>>, vector<16xf32>,
    tpu.vector_store %arg11[%swap3A_6, %swap3A_7], %broadcast_in_dim3A_1 {strides = array<i32>} : memref<16x128xf32, #tpu.memory_space<vmem>>, vector<16xf32>,
    %swap3A_9 = arith.constant 0 : i32
    %swap3A_10 = arith.index_cast %swap3A_9 : i32 to index
    %swap3A_11 = arith.constant 32 : index
    %swap3A_12 = tpu.vector_load %arg11[%swap3A_10, %swap3A_11] {strides = array<i32>} : memref<16x128xf32, #tpu.memory_space<vmem>>, vector<16xf32>,
    tpu.vector_store %arg11[%swap3A_10, %swap3A_11], %broadcast_in_dim3A_1 {strides = array<i32>} : memref<16x128xf32, #tpu.memory_space<vmem>>, vector<16xf32>,
    %swap3A_13 = arith.constant 0 : i32
    %swap3A_14 = arith.index_cast %swap3A_13 : i32 to index
    %swap3A_15 = arith.constant 48 : index
    %swap3A_16 = tpu.vector_load %arg11[%swap3A_14, %swap3A_15] {strides = array<i32>} : memref<16x128xf32, #tpu.memory_space<vmem>>, vector<16xf32>,
    tpu.vector_store %arg11[%swap3A_14, %swap3A_15], %broadcast_in_dim3A_1 {strides = array<i32>} : memref<16x128xf32, #tpu.memory_space<vmem>>, vector<16xf32>,
    %swap3A_17 = arith.constant 0 : i32
    %swap3A_18 = arith.index_cast %swap3A_17 : i32 to index
    %swap3A_19 = arith.constant 64 : index
    %swap3A_20 = tpu.vector_load %arg11[%swap3A_18, %swap3A_19] {strides = array<i32>} : memref<16x128xf32, #tpu.memory_space<vmem>>, vector<16xf32>,
    tpu.vector_store %arg11[%swap3A_18, %swap3A_19], %broadcast_in_dim3A_1 {strides = array<i32>} : memref<16x128xf32, #tpu.memory_space<vmem>>, vector<16xf32>,
    %swap3A_21 = arith.constant 0 : i32
    %swap3A_22 = arith.index_cast %swap3A_21 : i32 to index
    %swap3A_23 = arith.constant 80 : index
    %swap3A_24 = tpu.vector_load %arg11[%swap3A_22, %swap3A_23] {strides = array<i32>} : memref<16x128xf32, #tpu.memory_space<vmem>>, vector<16xf32>,
    tpu.vector_store %arg11[%swap3A_22, %swap3A_23], %broadcast_in_dim3A_1 {strides = array<i32>} : memref<16x128xf32, #tpu.memory_space<vmem>>, vector<16xf32>,
    %swap3A_25 = arith.constant 0 : i32
    %swap3A_26 = arith.index_cast %swap3A_25 : i32 to index
    %swap3A_27 = arith.constant 96 : index
    %swap3A_28 = tpu.vector_load %arg11[%swap3A_26, %swap3A_27] {strides = array<i32>} : memref<16x128xf32, #tpu.memory_space<vmem>>, vector<16xf32>,
    tpu.vector_store %arg11[%swap3A_26, %swap3A_27], %broadcast_in_dim3A_1 {strides = array<i32>} : memref<16x128xf32, #tpu.memory_space<vmem>>, vector<16xf32>,
    %swap3A_29 = arith.constant 0 : i32
    %swap3A_30 = arith.index_cast %swap3A_29 : i32 to index
    %swap3A_31 = arith.constant 112 : index
    %swap3A_32 = tpu.vector_load %arg11[%swap3A_30, %swap3A_31] {strides = array<i32>} : memref<16x128xf32, #tpu.memory_space<vmem>>, vector<16xf32>,
    tpu.vector_store %arg11[%swap3A_30, %swap3A_31], %broadcast_in_dim3A_1 {strides = array<i32>} : memref<16x128xf32, #tpu.memory_space<vmem>>, vector<16xf32>,
    %swap3A_33 = arith.constant 1 : i32
    %swap3A_34 = arith.index_cast %swap3A_33 : i32 to index
    %swap3A_35 = arith.constant 0 : index
    %swap3A_36 = tpu.vector_load %arg11[%swap3A_34, %swap3A_35] {strides = array<i32>} : memref<16x128xf32, #tpu.memory_space<vmem>>, vector<16xf32>,
    tpu.vector_store %arg11[%swap3A_34, %swap3A_35], %broadcast_in_dim3A_1 {strides = array<i32>} : memref<16x128xf32, #tpu.memory_space<vmem>>, vector<16xf32>,
    %swap3A_37 = arith.constant 1 : i32
    %swap3A_38 = arith.index_cast %swap3A_37 : i32 to index
    %swap3A_39 = arith.constant 16 : index
    %swap3A_40 = tpu.vector_load %arg11[%swap3A_38, %swap3A_39] {strides = array<i32>} : memref<16x128xf32, #tpu.memory_space<vmem>>, vector<16xf32>,
    tpu.vector_store %arg11[%swap3A_38, %swap3A_39], %broadcast_in_dim3A_1 {strides = array<i32>} : memref<16x128xf32, #tpu.memory_space<vmem>>, vector<16xf32>,
    %swap3A_41 = arith.constant 1 : i32
    %swap3A_42 = arith.index_cast %swap3A_41 : i32 to index
    %swap3A_43 = arith.constant 32 : index
    %swap3A_44 = tpu.vector_load %arg11[%swap3A_42, %swap3A_43] {strides = array<i32>} : memref<16x128xf32, #tpu.memory_space<vmem>>, vector<16xf32>,
    tpu.vector_store %arg11[%swap3A_42, %swap3A_43], %broadcast_in_dim3A_1 {strides = array<i32>} : memref<16x128xf32, #tpu.memory_space<vmem>>, vector<16xf32>,
    %swap3A_45 = arith.constant 1 : i32
    %swap3A_46 = arith.index_cast %swap3A_45 : i32 to index
    %swap3A_47 = arith.constant 48 : index
    %swap3A_48 = tpu.vector_load %arg11[%swap3A_46, %swap3A_47] {strides = array<i32>} : memref<16x128xf32, #tpu.memory_space<vmem>>, vector<16xf32>,
    tpu.vector_store %arg11[%swap3A_46, %swap3A_47], %broadcast_in_dim3A_1 {strides = array<i32>} : memref<16x128xf32, #tpu.memory_space<vmem>>, vector<16xf32>,
    %swap3A_49 = arith.constant 1 : i32
    %swap3A_50 = arith.index_cast %swap3A_49 : i32 to index
    %swap3A_51 = arith.constant 64 : index
    %swap3A_52 = tpu.vector_load %arg11[%swap3A_50, %swap3A_51] {strides = array<i32>} : memref<16x128xf32, #tpu.memory_space<vmem>>, vector<16xf32>,
    tpu.vector_store %arg11[%swap3A_50, %swap3A_51], %broadcast_in_dim3A_1 {strides = array<i32>} : memref<16x128xf32, #tpu.memory_space<vmem>>, vector<16xf32>,
    %swap3A_53 = arith.constant 1 : i32
    %swap3A_54 = arith.index_cast %swap3A_53 : i32 to index
    %swap3A_55 = arith.constant 80 : index
    %swap3A_56 = tpu.vector_load %arg11[%swap3A_54, %swap3A_55] {strides = array<i32>} : memref<16x128xf32, #tpu.memory_space<vmem>>, vector<16xf32>,
    tpu.vector_store %arg11[%swap3A_54, %swap3A_55], %broadcast_in_dim3A_1 {strides = array<i32>} : memref<16x128xf32, #tpu.memory_space<vmem>>, vector<16xf32>,
    %swap3A_57 = arith.constant 1 : i32
    %swap3A_58 = arith.index_cast %swap3A_57 : i32 to index
    %swap3A_59 = arith.constant 96 : index
    %swap3A_60 = tpu.vector_load %arg11[%swap3A_58, %swap3A_59] {strides = array<i32>} : memref<16x128xf32, #tpu.memory_space<vmem>>, vector<16xf32>,
    tpu.vector_store %arg11[%swap3A_58, %swap3A_59], %broadcast_in_dim3A_1 {strides = array<i32>} : memref<16x128xf32, #tpu.memory_space<vmem>>, vector<16xf32>,
    %swap3A_61 = arith.constant 1 : i32
    %swap3A_62 = arith.index_cast %swap3A_61 : i32 to index
    %swap3A_63 = arith.constant 112 : index
    %swap3A_64 = tpu.vector_load %arg11[%swap3A_62, %swap3A_63] {strides = array<i32>} : memref<16x128xf32, #tpu.memory_space<vmem>>, vector<16xf32>,
    tpu.vector_store %arg11[%swap3A_62, %swap3A_63], %broadcast_in_dim3A_1 {strides = array<i32>} : memref<16x128xf32, #tpu.memory_space<vmem>>, vector<16xf32>,
    %swap3A_65 = arith.constant 2 : i32
    %swap3A_66 = arith.index_cast %swap3A_65 : i32 to index
    %swap3A_67 = arith.constant 0 : index
    %swap3A_68 = tpu.vector_load %arg11[%swap3A_66, %swap3A_67] {strides = array<i32>} : memref<16x128xf32, #tpu.memory_space<vmem>>, vector<16xf32>,
    tpu.vector_store %arg11[%swap3A_66, %swap3A_67], %broadcast_in_dim3A_1 {strides = array<i32>} : memref<16x128xf32, #tpu.memory_space<vmem>>, vector<16xf32>,
    %swap3A_69 = arith.constant 2 : i32
    %swap3A_70 = arith.index_cast %swap3A_69 : i32 to index
    %swap3A_71 = arith.constant 16 : index
    %swap3A_72 = tpu.vector_load %arg11[%swap3A_70, %swap3A_71] {strides = array<i32>} : memref<16x128xf32, #tpu.memory_space<vmem>>, vector<16xf32>,
    tpu.vector_store %arg11[%swap3A_70, %swap3A_71], %broadcast_in_dim3A_1 {strides = array<i32>} : memref<16x128xf32, #tpu.memory_space<vmem>>, vector<16xf32>,
    %swap3A_73 = arith.constant 2 : i32
    %swap3A_74 = arith.index_cast %swap3A_73 : i32 to index
    %swap3A_75 = arith.constant 32 : index
    %swap3A_76 = tpu.vector_load %arg11[%swap3A_74, %swap3A_75] {strides = array<i32>} : memref<16x128xf32, #tpu.memory_space<vmem>>, vector<16xf32>,
    tpu.vector_store %arg11[%swap3A_74, %swap3A_75], %broadcast_in_dim3A_1 {strides = array<i32>} : memref<16x128xf32, #tpu.memory_space<vmem>>, vector<16xf32>,
    %swap3A_77 = arith.constant 2 : i32
    %swap3A_78 = arith.index_cast %swap3A_77 : i32 to index
    %swap3A_79 = arith.constant 48 : index
    %swap3A_80 = tpu.vector_load %arg11[%swap3A_78, %swap3A_79] {strides = array<i32>} : memref<16x128xf32, #tpu.memory_space<vmem>>, vector<16xf32>,
    tpu.vector_store %arg11[%swap3A_78, %swap3A_79], %broadcast_in_dim3A_1 {strides = array<i32>} : memref<16x128xf32, #tpu.memory_space<vmem>>, vector<16xf32>,
    %swap3A_81 = arith.constant 2 : i32
    %swap3A_82 = arith.index_cast %swap3A_81 : i32 to index
    %swap3A_83 = arith.constant 64 : index
    %swap3A_84 = tpu.vector_load %arg11[%swap3A_82, %swap3A_83] {strides = array<i32>} : memref<16x128xf32, #tpu.memory_space<vmem>>, vector<16xf32>,
    tpu.vector_store %arg11[%swap3A_82, %swap3A_83], %broadcast_in_dim3A_1 {strides = array<i32>} : memref<16x128xf32, #tpu.memory_space<vmem>>, vector<16xf32>,
    %swap3A_85 = arith.constant 2 : i32
    %swap3A_86 = arith.index_cast %swap3A_85 : i32 to index
    %swap3A_87 = arith.constant 80 : index
    %swap3A_88 = tpu.vector_load %arg11[%swap3A_86, %swap3A_87] {strides = array<i32>} : memref<16x128xf32, #tpu.memory_space<vmem>>, vector<16xf32>,
    tpu.vector_store %arg11[%swap3A_86, %swap3A_87], %broadcast_in_dim3A_1 {strides = array<i32>} : memref<16x128xf32, #tpu.memory_space<vmem>>, vector<16xf32>,
    %swap3A_89 = arith.constant 2 : i32
    %swap3A_90 = arith.index_cast %swap3A_89 : i32 to index
    %swap3A_91 = arith.constant 96 : index
    %swap3A_92 = tpu.vector_load %arg11[%swap3A_90, %swap3A_91] {strides = array<i32>} : memref<16x128xf32, #tpu.memory_space<vmem>>, vector<16xf32>,
    tpu.vector_store %arg11[%swap3A_90, %swap3A_91], %broadcast_in_dim3A_1 {strides = array<i32>} : memref<16x128xf32, #tpu.memory_space<vmem>>, vector<16xf32>,
    %swap3A_93 = arith.constant 2 : i32
    %swap3A_94 = arith.index_cast %swap3A_93 : i32 to index
    %swap3A_95 = arith.constant 112 : index
    %swap3A_96 = tpu.vector_load %arg11[%swap3A_94, %swap3A_95] {strides = array<i32>} : memref<16x128xf32, #tpu.memory_space<vmem>>, vector<16xf32>,
    tpu.vector_store %arg11[%swap3A_94, %swap3A_95], %broadcast_in_dim3A_1 {strides = array<i32>} : memref<16x128xf32, #tpu.memory_space<vmem>>, vector<16xf32>,
    %swap3A_97 = arith.constant 3 : i32
    %swap3A_98 = arith.index_cast %swap3A_97 : i32 to index
    %swap3A_99 = arith.constant 0 : index
    %swap3A_100 = tpu.vector_load %arg11[%swap3A_98, %swap3A_99] {strides = array<i32>} : memref<16x128xf32, #tpu.memory_space<vmem>>, vector<16xf32>,
    tpu.vector_store %arg11[%swap3A_98, %swap3A_99], %broadcast_in_dim3A_1 {strides = array<i32>} : memref<16x128xf32, #tpu.memory_space<vmem>>, vector<16xf32>,
    %swap3A_101 = arith.constant 3 : i32
    %swap3A_102 = arith.index_cast %swap3A_101 : i32 to index
    %swap3A_103 = arith.constant 16 : index
    %swap3A_104 = tpu.vector_load %arg11[%swap3A_102, %swap3A_103] {strides = array<i32>} : memref<16x128xf32, #tpu.memory_space<vmem>>, vector<16xf32>,
    tpu.vector_store %arg11[%swap3A_102, %swap3A_103], %broadcast_in_dim3A_1 {strides = array<i32>} : memref<16x128xf32, #tpu.memory_space<vmem>>, vector<16xf32>,
    %swap3A_105 = arith.constant 3 : i32
    %swap3A_106 = arith.index_cast %swap3A_105 : i32 to index
    %swap3A_107 = arith.constant 32 : index
    %swap3A_108 = tpu.vector_load %arg11[%swap3A_106, %swap3A_107] {strides = array<i32>} : memref<16x128xf32, #tpu.memory_space<vmem>>, vector<16xf32>,
    tpu.vector_store %arg11[%swap3A_106, %swap3A_107], %broadcast_in_dim3A_1 {strides = array<i32>} : memref<16x128xf32, #tpu.memory_space<vmem>>, vector<16xf32>,
    %swap3A_109 = arith.constant 3 : i32
    %swap3A_110 = arith.index_cast %swap3A_109 : i32 to index
    %swap3A_111 = arith.constant 48 : index
    %swap3A_112 = tpu.vector_load %arg11[%swap3A_110, %swap3A_111] {strides = array<i32>} : memref<16x128xf32, #tpu.memory_space<vmem>>, vector<16xf32>,
    tpu.vector_store %arg11[%swap3A_110, %swap3A_111], %broadcast_in_dim3A_1 {strides = array<i32>} : memref<16x128xf32, #tpu.memory_space<vmem>>, vector<16xf32>,
    %swap3A_113 = arith.constant 3 : i32
    %swap3A_114 = arith.index_cast %swap3A_113 : i32 to index
    %swap3A_115 = arith.constant 64 : index
    %swap3A_116 = tpu.vector_load %arg11[%swap3A_114, %swap3A_115] {strides = array<i32>} : memref<16x128xf32, #tpu.memory_space<vmem>>, vector<16xf32>,
    tpu.vector_store %arg11[%swap3A_114, %swap3A_115], %broadcast_in_dim3A_1 {strides = array<i32>} : memref<16x128xf32, #tpu.memory_space<vmem>>, vector<16xf32>,
    %swap3A_117 = arith.constant 3 : i32
    %swap3A_118 = arith.index_cast %swap3A_117 : i32 to index
    %swap3A_119 = arith.constant 80 : index
    %swap3A_120 = tpu.vector_load %arg11[%swap3A_118, %swap3A_119] {strides = array<i32>} : memref<16x128xf32, #tpu.memory_space<vmem>>, vector<16xf32>,
    tpu.vector_store %arg11[%swap3A_118, %swap3A_119], %broadcast_in_dim3A_1 {strides = array<i32>} : memref<16x128xf32, #tpu.memory_space<vmem>>, vector<16xf32>,
    %swap3A_121 = arith.constant 3 : i32
    %swap3A_122 = arith.index_cast %swap3A_121 : i32 to index
    %swap3A_123 = arith.constant 96 : index
    %swap3A_124 = tpu.vector_load %arg11[%swap3A_122, %swap3A_123] {strides = array<i32>} : memref<16x128xf32, #tpu.memory_space<vmem>>, vector<16xf32>,
    tpu.vector_store %arg11[%swap3A_122, %swap3A_123], %broadcast_in_dim3A_1 {strides = array<i32>} : memref<16x128xf32, #tpu.memory_space<vmem>>, vector<16xf32>,
    %swap3A_125 = arith.constant 3 : i32
    %swap3A_126 = arith.index_cast %swap3A_125 : i32 to index
    %swap3A_127 = arith.constant 112 : index
    %swap3A_128 = tpu.vector_load %arg11[%swap3A_126, %swap3A_127] {strides = array<i32>} : memref<16x128xf32, #tpu.memory_space<vmem>>, vector<16xf32>,
    tpu.vector_store %arg11[%swap3A_126, %swap3A_127], %broadcast_in_dim3A_1 {strides = array<i32>} : memref<16x128xf32, #tpu.memory_space<vmem>>, vector<16xf32>,
    %swap3A_129 = arith.constant 4 : i32
    %swap3A_130 = arith.index_cast %swap3A_129 : i32 to index
    %swap3A_131 = arith.constant 0 : index
    %swap3A_132 = tpu.vector_load %arg11[%swap3A_130, %swap3A_131] {strides = array<i32>} : memref<16x128xf32, #tpu.memory_space<vmem>>, vector<16xf32>,
    tpu.vector_store %arg11[%swap3A_130, %swap3A_131], %broadcast_in_dim3A_1 {strides = array<i32>} : memref<16x128xf32, #tpu.memory_space<vmem>>, vector<16xf32>,
    %swap3A_133 = arith.constant 4 : i32
    %swap3A_134 = arith.index_cast %swap3A_133 : i32 to index
    %swap3A_135 = arith.constant 16 : index
    %swap3A_136 = tpu.vector_load %arg11[%swap3A_134, %swap3A_135] {strides = array<i32>} : memref<16x128xf32, #tpu.memory_space<vmem>>, vector<16xf32>,
    tpu.vector_store %arg11[%swap3A_134, %swap3A_135], %broadcast_in_dim3A_1 {strides = array<i32>} : memref<16x128xf32, #tpu.memory_space<vmem>>, vector<16xf32>,
    %swap3A_137 = arith.constant 4 : i32
    %swap3A_138 = arith.index_cast %swap3A_137 : i32 to index
    %swap3A_139 = arith.constant 32 : index
    %swap3A_140 = tpu.vector_load %arg11[%swap3A_138, %swap3A_139] {strides = array<i32>} : memref<16x128xf32, #tpu.memory_space<vmem>>, vector<16xf32>,
    tpu.vector_store %arg11[%swap3A_138, %swap3A_139], %broadcast_in_dim3A_1 {strides = array<i32>} : memref<16x128xf32, #tpu.memory_space<vmem>>, vector<16xf32>,
    %swap3A_141 = arith.constant 4 : i32
    %swap3A_142 = arith.index_cast %swap3A_141 : i32 to index
    %swap3A_143 = arith.constant 48 : index
    %swap3A_144 = tpu.vector_load %arg11[%swap3A_142, %swap3A_143] {strides = array<i32>} : memref<16x128xf32, #tpu.memory_space<vmem>>, vector<16xf32>,
    tpu.vector_store %arg11[%swap3A_142, %swap3A_143], %broadcast_in_dim3A_1 {strides = array<i32>} : memref<16x128xf32, #tpu.memory_space<vmem>>, vector<16xf32>,
    %swap3A_145 = arith.constant 4 : i32
    %swap3A_146 = arith.index_cast %swap3A_145 : i32 to index
    %swap3A_147 = arith.constant 64 : index
    %swap3A_148 = tpu.vector_load %arg11[%swap3A_146, %swap3A_147] {strides = array<i32>} : memref<16x128xf32, #tpu.memory_space<vmem>>, vector<16xf32>,
    tpu.vector_store %arg11[%swap3A_146, %swap3A_147], %broadcast_in_dim3A_1 {strides = array<i32>} : memref<16x128xf32, #tpu.memory_space<vmem>>, vector<16xf32>,
    %swap3A_149 = arith.constant 4 : i32
    %swap3A_150 = arith.index_cast %swap3A_149 : i32 to index
    %swap3A_151 = arith.constant 80 : index
    %swap3A_152 = tpu.vector_load %arg11[%swap3A_150, %swap3A_151] {strides = array<i32>} : memref<16x128xf32, #tpu.memory_space<vmem>>, vector<16xf32>,
    tpu.vector_store %arg11[%swap3A_150, %swap3A_151], %broadcast_in_dim3A_1 {strides = array<i32>} : memref<16x128xf32, #tpu.memory_space<vmem>>, vector<16xf32>,
    %swap3A_153 = arith.constant 4 : i32
    %swap3A_154 = arith.index_cast %swap3A_153 : i32 to index
    %swap3A_155 = arith.constant 96 : index
    %swap3A_156 = tpu.vector_load %arg11[%swap3A_154, %swap3A_155] {strides = array<i32>} : memref<16x128xf32, #tpu.memory_space<vmem>>, vector<16xf32>,
    tpu.vector_store %arg11[%swap3A_154, %swap3A_155], %broadcast_in_dim3A_1 {strides = array<i32>} : memref<16x128xf32, #tpu.memory_space<vmem>>, vector<16xf32>,
    %swap3A_157 = arith.constant 4 : i32
    %swap3A_158 = arith.index_cast %swap3A_157 : i32 to index
    %swap3A_159 = arith.constant 112 : index
    %swap3A_160 = tpu.vector_load %arg11[%swap3A_158, %swap3A_159] {strides = array<i32>} : memref<16x128xf32, #tpu.memory_space<vmem>>, vector<16xf32>,
    tpu.vector_store %arg11[%swap3A_158, %swap3A_159], %broadcast_in_dim3A_1 {strides = array<i32>} : memref<16x128xf32, #tpu.memory_space<vmem>>, vector<16xf32>,
    %swap3A_161 = arith.constant 5 : i32
    %swap3A_162 = arith.index_cast %swap3A_161 : i32 to index
    %swap3A_163 = arith.constant 0 : index
    %swap3A_164 = tpu.vector_load %arg11[%swap3A_162, %swap3A_163] {strides = array<i32>} : memref<16x128xf32, #tpu.memory_space<vmem>>, vector<16xf32>,
    tpu.vector_store %arg11[%swap3A_162, %swap3A_163], %broadcast_in_dim3A_1 {strides = array<i32>} : memref<16x128xf32, #tpu.memory_space<vmem>>, vector<16xf32>,
    %swap3A_165 = arith.constant 5 : i32
    %swap3A_166 = arith.index_cast %swap3A_165 : i32 to index
    %swap3A_167 = arith.constant 16 : index
    %swap3A_168 = tpu.vector_load %arg11[%swap3A_166, %swap3A_167] {strides = array<i32>} : memref<16x128xf32, #tpu.memory_space<vmem>>, vector<16xf32>,
    tpu.vector_store %arg11[%swap3A_166, %swap3A_167], %broadcast_in_dim3A_1 {strides = array<i32>} : memref<16x128xf32, #tpu.memory_space<vmem>>, vector<16xf32>,
    %swap3A_169 = arith.constant 5 : i32
    %swap3A_170 = arith.index_cast %swap3A_169 : i32 to index
    %swap3A_171 = arith.constant 32 : index
    %swap3A_172 = tpu.vector_load %arg11[%swap3A_170, %swap3A_171] {strides = array<i32>} : memref<16x128xf32, #tpu.memory_space<vmem>>, vector<16xf32>,
    tpu.vector_store %arg11[%swap3A_170, %swap3A_171], %broadcast_in_dim3A_1 {strides = array<i32>} : memref<16x128xf32, #tpu.memory_space<vmem>>, vector<16xf32>,
    %swap3A_173 = arith.constant 5 : i32
    %swap3A_174 = arith.index_cast %swap3A_173 : i32 to index
    %swap3A_175 = arith.constant 48 : index
    %swap3A_176 = tpu.vector_load %arg11[%swap3A_174, %swap3A_175] {strides = array<i32>} : memref<16x128xf32, #tpu.memory_space<vmem>>, vector<16xf32>,
    tpu.vector_store %arg11[%swap3A_174, %swap3A_175], %broadcast_in_dim3A_1 {strides = array<i32>} : memref<16x128xf32, #tpu.memory_space<vmem>>, vector<16xf32>,
    %swap3A_177 = arith.constant 5 : i32
    %swap3A_178 = arith.index_cast %swap3A_177 : i32 to index
    %swap3A_179 = arith.constant 64 : index
    %swap3A_180 = tpu.vector_load %arg11[%swap3A_178, %swap3A_179] {strides = array<i32>} : memref<16x128xf32, #tpu.memory_space<vmem>>, vector<16xf32>,
    tpu.vector_store %arg11[%swap3A_178, %swap3A_179], %broadcast_in_dim3A_1 {strides = array<i32>} : memref<16x128xf32, #tpu.memory_space<vmem>>, vector<16xf32>,
    %swap3A_181 = arith.constant 5 : i32
    %swap3A_182 = arith.index_cast %swap3A_181 : i32 to index
    %swap3A_183 = arith.constant 80 : index
    %swap3A_184 = tpu.vector_load %arg11[%swap3A_182, %swap3A_183] {strides = array<i32>} : memref<16x128xf32, #tpu.memory_space<vmem>>, vector<16xf32>,
    tpu.vector_store %arg11[%swap3A_182, %swap3A_183], %broadcast_in_dim3A_1 {strides = array<i32>} : memref<16x128xf32, #tpu.memory_space<vmem>>, vector<16xf32>,
    %swap3A_185 = arith.constant 5 : i32
    %swap3A_186 = arith.index_cast %swap3A_185 : i32 to index
    %swap3A_187 = arith.constant 96 : index
    %swap3A_188 = tpu.vector_load %arg11[%swap3A_186, %swap3A_187] {strides = array<i32>} : memref<16x128xf32, #tpu.memory_space<vmem>>, vector<16xf32>,
    tpu.vector_store %arg11[%swap3A_186, %swap3A_187], %broadcast_in_dim3A_1 {strides = array<i32>} : memref<16x128xf32, #tpu.memory_space<vmem>>, vector<16xf32>,
    %swap3A_189 = arith.constant 5 : i32
    %swap3A_190 = arith.index_cast %swap3A_189 : i32 to index
    %swap3A_191 = arith.constant 112 : index
    %swap3A_192 = tpu.vector_load %arg11[%swap3A_190, %swap3A_191] {strides = array<i32>} : memref<16x128xf32, #tpu.memory_space<vmem>>, vector<16xf32>,
    tpu.vector_store %arg11[%swap3A_190, %swap3A_191], %broadcast_in_dim3A_1 {strides = array<i32>} : memref<16x128xf32, #tpu.memory_space<vmem>>, vector<16xf32>,
    %swap3A_193 = arith.constant 6 : i32
    %swap3A_194 = arith.index_cast %swap3A_193 : i32 to index
    %swap3A_195 = arith.constant 0 : index
    %swap3A_196 = tpu.vector_load %arg11[%swap3A_194, %swap3A_195] {strides = array<i32>} : memref<16x128xf32, #tpu.memory_space<vmem>>, vector<16xf32>,
    tpu.vector_store %arg11[%swap3A_194, %swap3A_195], %broadcast_in_dim3A_1 {strides = array<i32>} : memref<16x128xf32, #tpu.memory_space<vmem>>, vector<16xf32>,
    %swap3A_197 = arith.constant 6 : i32
    %swap3A_198 = arith.index_cast %swap3A_197 : i32 to index
    %swap3A_199 = arith.constant 16 : index
    %swap3A_200 = tpu.vector_load %arg11[%swap3A_198, %swap3A_199] {strides = array<i32>} : memref<16x128xf32, #tpu.memory_space<vmem>>, vector<16xf32>,
    tpu.vector_store %arg11[%swap3A_198, %swap3A_199], %broadcast_in_dim3A_1 {strides = array<i32>} : memref<16x128xf32, #tpu.memory_space<vmem>>, vector<16xf32>,
    %swap3A_201 = arith.constant 6 : i32
    %swap3A_202 = arith.index_cast %swap3A_201 : i32 to index
    %swap3A_203 = arith.constant 32 : index
    %swap3A_204 = tpu.vector_load %arg11[%swap3A_202, %swap3A_203] {strides = array<i32>} : memref<16x128xf32, #tpu.memory_space<vmem>>, vector<16xf32>,
    tpu.vector_store %arg11[%swap3A_202, %swap3A_203], %broadcast_in_dim3A_1 {strides = array<i32>} : memref<16x128xf32, #tpu.memory_space<vmem>>, vector<16xf32>,
    %swap3A_205 = arith.constant 6 : i32
    %swap3A_206 = arith.index_cast %swap3A_205 : i32 to index
    %swap3A_207 = arith.constant 48 : index
    %swap3A_208 = tpu.vector_load %arg11[%swap3A_206, %swap3A_207] {strides = array<i32>} : memref<16x128xf32, #tpu.memory_space<vmem>>, vector<16xf32>,
    tpu.vector_store %arg11[%swap3A_206, %swap3A_207], %broadcast_in_dim3A_1 {strides = array<i32>} : memref<16x128xf32, #tpu.memory_space<vmem>>, vector<16xf32>,
    %swap3A_209 = arith.constant 6 : i32
    %swap3A_210 = arith.index_cast %swap3A_209 : i32 to index
    %swap3A_211 = arith.constant 64 : index
    %swap3A_212 = tpu.vector_load %arg11[%swap3A_210, %swap3A_211] {strides = array<i32>} : memref<16x128xf32, #tpu.memory_space<vmem>>, vector<16xf32>,
    tpu.vector_store %arg11[%swap3A_210, %swap3A_211], %broadcast_in_dim3A_1 {strides = array<i32>} : memref<16x128xf32, #tpu.memory_space<vmem>>, vector<16xf32>,
    %swap3A_213 = arith.constant 6 : i32
    %swap3A_214 = arith.index_cast %swap3A_213 : i32 to index
    %swap3A_215 = arith.constant 80 : index
    %swap3A_216 = tpu.vector_load %arg11[%swap3A_214, %swap3A_215] {strides = array<i32>} : memref<16x128xf32, #tpu.memory_space<vmem>>, vector<16xf32>,
    tpu.vector_store %arg11[%swap3A_214, %swap3A_215], %broadcast_in_dim3A_1 {strides = array<i32>} : memref<16x128xf32, #tpu.memory_space<vmem>>, vector<16xf32>,
    %swap3A_217 = arith.constant 6 : i32
    %swap3A_218 = arith.index_cast %swap3A_217 : i32 to index
    %swap3A_219 = arith.constant 96 : index
    %swap3A_220 = tpu.vector_load %arg11[%swap3A_218, %swap3A_219] {strides = array<i32>} : memref<16x128xf32, #tpu.memory_space<vmem>>, vector<16xf32>,
    tpu.vector_store %arg11[%swap3A_218, %swap3A_219], %broadcast_in_dim3A_1 {strides = array<i32>} : memref<16x128xf32, #tpu.memory_space<vmem>>, vector<16xf32>,
    %swap3A_221 = arith.constant 6 : i32
    %swap3A_222 = arith.index_cast %swap3A_221 : i32 to index
    %swap3A_223 = arith.constant 112 : index
    %swap3A_224 = tpu.vector_load %arg11[%swap3A_222, %swap3A_223] {strides = array<i32>} : memref<16x128xf32, #tpu.memory_space<vmem>>, vector<16xf32>,
    tpu.vector_store %arg11[%swap3A_222, %swap3A_223], %broadcast_in_dim3A_1 {strides = array<i32>} : memref<16x128xf32, #tpu.memory_space<vmem>>, vector<16xf32>,
    %swap3A_225 = arith.constant 7 : i32
    %swap3A_226 = arith.index_cast %swap3A_225 : i32 to index
    %swap3A_227 = arith.constant 0 : index
    %swap3A_228 = tpu.vector_load %arg11[%swap3A_226, %swap3A_227] {strides = array<i32>} : memref<16x128xf32, #tpu.memory_space<vmem>>, vector<16xf32>,
    tpu.vector_store %arg11[%swap3A_226, %swap3A_227], %broadcast_in_dim3A_1 {strides = array<i32>} : memref<16x128xf32, #tpu.memory_space<vmem>>, vector<16xf32>,
    %swap3A_229 = arith.constant 7 : i32
    %swap3A_230 = arith.index_cast %swap3A_229 : i32 to index
    %swap3A_231 = arith.constant 16 : index
    %swap3A_232 = tpu.vector_load %arg11[%swap3A_230, %swap3A_231] {strides = array<i32>} : memref<16x128xf32, #tpu.memory_space<vmem>>, vector<16xf32>,
    tpu.vector_store %arg11[%swap3A_230, %swap3A_231], %broadcast_in_dim3A_1 {strides = array<i32>} : memref<16x128xf32, #tpu.memory_space<vmem>>, vector<16xf32>,
    %swap3A_233 = arith.constant 7 : i32
    %swap3A_234 = arith.index_cast %swap3A_233 : i32 to index
    %swap3A_235 = arith.constant 32 : index
    %swap3A_236 = tpu.vector_load %arg11[%swap3A_234, %swap3A_235] {strides = array<i32>} : memref<16x128xf32, #tpu.memory_space<vmem>>, vector<16xf32>,
    tpu.vector_store %arg11[%swap3A_234, %swap3A_235], %broadcast_in_dim3A_1 {strides = array<i32>} : memref<16x128xf32, #tpu.memory_space<vmem>>, vector<16xf32>,
    %swap3A_237 = arith.constant 7 : i32
    %swap3A_238 = arith.index_cast %swap3A_237 : i32 to index
    %swap3A_239 = arith.constant 48 : index
    %swap3A_240 = tpu.vector_load %arg11[%swap3A_238, %swap3A_239] {strides = array<i32>} : memref<16x128xf32, #tpu.memory_space<vmem>>, vector<16xf32>,
    tpu.vector_store %arg11[%swap3A_238, %swap3A_239], %broadcast_in_dim3A_1 {strides = array<i32>} : memref<16x128xf32, #tpu.memory_space<vmem>>, vector<16xf32>,
    %swap3A_241 = arith.constant 7 : i32
    %swap3A_242 = arith.index_cast %swap3A_241 : i32 to index
    %swap3A_243 = arith.constant 64 : index
    %swap3A_244 = tpu.vector_load %arg11[%swap3A_242, %swap3A_243] {strides = array<i32>} : memref<16x128xf32, #tpu.memory_space<vmem>>, vector<16xf32>,
    tpu.vector_store %arg11[%swap3A_242, %swap3A_243], %broadcast_in_dim3A_1 {strides = array<i32>} : memref<16x128xf32, #tpu.memory_space<vmem>>, vector<16xf32>,
    %swap3A_245 = arith.constant 7 : i32
    %swap3A_246 = arith.index_cast %swap3A_245 : i32 to index
    %swap3A_247 = arith.constant 80 : index
    %swap3A_248 = tpu.vector_load %arg11[%swap3A_246, %swap3A_247] {strides = array<i32>} : memref<16x128xf32, #tpu.memory_space<vmem>>, vector<16xf32>,
    tpu.vector_store %arg11[%swap3A_246, %swap3A_247], %broadcast_in_dim3A_1 {strides = array<i32>} : memref<16x128xf32, #tpu.memory_space<vmem>>, vector<16xf32>,
    %swap3A_249 = arith.constant 7 : i32
    %swap3A_250 = arith.index_cast %swap3A_249 : i32 to index
    %swap3A_251 = arith.constant 96 : index
    %swap3A_252 = tpu.vector_load %arg11[%swap3A_250, %swap3A_251] {strides = array<i32>} : memref<16x128xf32, #tpu.memory_space<vmem>>, vector<16xf32>,
    tpu.vector_store %arg11[%swap3A_250, %swap3A_251], %broadcast_in_dim3A_1 {strides = array<i32>} : memref<16x128xf32, #tpu.memory_space<vmem>>, vector<16xf32>,
    %swap3A_253 = arith.constant 7 : i32
    %swap3A_254 = arith.index_cast %swap3A_253 : i32 to index
    %swap3A_255 = arith.constant 112 : index
    %swap3A_256 = tpu.vector_load %arg11[%swap3A_254, %swap3A_255] {strides = array<i32>} : memref<16x128xf32, #tpu.memory_space<vmem>>, vector<16xf32>,
    tpu.vector_store %arg11[%swap3A_254, %swap3A_255], %broadcast_in_dim3A_1 {strides = array<i32>} : memref<16x128xf32, #tpu.memory_space<vmem>>, vector<16xf32>,
    %swap3A_257 = arith.constant 8 : i32
    %swap3A_258 = arith.index_cast %swap3A_257 : i32 to index
    %swap3A_259 = arith.constant 0 : index
    %swap3A_260 = tpu.vector_load %arg11[%swap3A_258, %swap3A_259] {strides = array<i32>} : memref<16x128xf32, #tpu.memory_space<vmem>>, vector<16xf32>,
    tpu.vector_store %arg11[%swap3A_258, %swap3A_259], %broadcast_in_dim3A_1 {strides = array<i32>} : memref<16x128xf32, #tpu.memory_space<vmem>>, vector<16xf32>,
    %swap3A_261 = arith.constant 8 : i32
    %swap3A_262 = arith.index_cast %swap3A_261 : i32 to index
    %swap3A_263 = arith.constant 16 : index
    %swap3A_264 = tpu.vector_load %arg11[%swap3A_262, %swap3A_263] {strides = array<i32>} : memref<16x128xf32, #tpu.memory_space<vmem>>, vector<16xf32>,
    tpu.vector_store %arg11[%swap3A_262, %swap3A_263], %broadcast_in_dim3A_1 {strides = array<i32>} : memref<16x128xf32, #tpu.memory_space<vmem>>, vector<16xf32>,
    %swap3A_265 = arith.constant 8 : i32
    %swap3A_266 = arith.index_cast %swap3A_265 : i32 to index
    %swap3A_267 = arith.constant 32 : index
    %swap3A_268 = tpu.vector_load %arg11[%swap3A_266, %swap3A_267] {strides = array<i32>} : memref<16x128xf32, #tpu.memory_space<vmem>>, vector<16xf32>,
    tpu.vector_store %arg11[%swap3A_266, %swap3A_267], %broadcast_in_dim3A_1 {strides = array<i32>} : memref<16x128xf32, #tpu.memory_space<vmem>>, vector<16xf32>,
    %swap3A_269 = arith.constant 8 : i32
    %swap3A_270 = arith.index_cast %swap3A_269 : i32 to index
    %swap3A_271 = arith.constant 48 : index
    %swap3A_272 = tpu.vector_load %arg11[%swap3A_270, %swap3A_271] {strides = array<i32>} : memref<16x128xf32, #tpu.memory_space<vmem>>, vector<16xf32>,
    tpu.vector_store %arg11[%swap3A_270, %swap3A_271], %broadcast_in_dim3A_1 {strides = array<i32>} : memref<16x128xf32, #tpu.memory_space<vmem>>, vector<16xf32>,
    %swap3A_273 = arith.constant 8 : i32
    %swap3A_274 = arith.index_cast %swap3A_273 : i32 to index
    %swap3A_275 = arith.constant 64 : index
    %swap3A_276 = tpu.vector_load %arg11[%swap3A_274, %swap3A_275] {strides = array<i32>} : memref<16x128xf32, #tpu.memory_space<vmem>>, vector<16xf32>,
    tpu.vector_store %arg11[%swap3A_274, %swap3A_275], %broadcast_in_dim3A_1 {strides = array<i32>} : memref<16x128xf32, #tpu.memory_space<vmem>>, vector<16xf32>,
    %swap3A_277 = arith.constant 8 : i32
    %swap3A_278 = arith.index_cast %swap3A_277 : i32 to index
    %swap3A_279 = arith.constant 80 : index
    %swap3A_280 = tpu.vector_load %arg11[%swap3A_278, %swap3A_279] {strides = array<i32>} : memref<16x128xf32, #tpu.memory_space<vmem>>, vector<16xf32>,
    tpu.vector_store %arg11[%swap3A_278, %swap3A_279], %broadcast_in_dim3A_1 {strides = array<i32>} : memref<16x128xf32, #tpu.memory_space<vmem>>, vector<16xf32>,
    %swap3A_281 = arith.constant 8 : i32
    %swap3A_282 = arith.index_cast %swap3A_281 : i32 to index
    %swap3A_283 = arith.constant 96 : index
    %swap3A_284 = tpu.vector_load %arg11[%swap3A_282, %swap3A_283] {strides = array<i32>} : memref<16x128xf32, #tpu.memory_space<vmem>>, vector<16xf32>,
    tpu.vector_store %arg11[%swap3A_282, %swap3A_283], %broadcast_in_dim3A_1 {strides = array<i32>} : memref<16x128xf32, #tpu.memory_space<vmem>>, vector<16xf32>,
    %swap3A_285 = arith.constant 8 : i32
    %swap3A_286 = arith.index_cast %swap3A_285 : i32 to index
    %swap3A_287 = arith.constant 112 : index
    %swap3A_288 = tpu.vector_load %arg11[%swap3A_286, %swap3A_287] {strides = array<i32>} : memref<16x128xf32, #tpu.memory_space<vmem>>, vector<16xf32>,
    tpu.vector_store %arg11[%swap3A_286, %swap3A_287], %broadcast_in_dim3A_1 {strides = array<i32>} : memref<16x128xf32, #tpu.memory_space<vmem>>, vector<16xf32>,
    %swap3A_289 = arith.constant 9 : i32
    %swap3A_290 = arith.index_cast %swap3A_289 : i32 to index
    %swap3A_291 = arith.constant 0 : index
    %swap3A_292 = tpu.vector_load %arg11[%swap3A_290, %swap3A_291] {strides = array<i32>} : memref<16x128xf32, #tpu.memory_space<vmem>>, vector<16xf32>,
    tpu.vector_store %arg11[%swap3A_290, %swap3A_291], %broadcast_in_dim3A_1 {strides = array<i32>} : memref<16x128xf32, #tpu.memory_space<vmem>>, vector<16xf32>,
    %swap3A_293 = arith.constant 9 : i32
    %swap3A_294 = arith.index_cast %swap3A_293 : i32 to index
    %swap3A_295 = arith.constant 16 : index
    %swap3A_296 = tpu.vector_load %arg11[%swap3A_294, %swap3A_295] {strides = array<i32>} : memref<16x128xf32, #tpu.memory_space<vmem>>, vector<16xf32>,
    tpu.vector_store %arg11[%swap3A_294, %swap3A_295], %broadcast_in_dim3A_1 {strides = array<i32>} : memref<16x128xf32, #tpu.memory_space<vmem>>, vector<16xf32>,
    %swap3A_297 = arith.constant 9 : i32
    %swap3A_298 = arith.index_cast %swap3A_297 : i32 to index
    %swap3A_299 = arith.constant 32 : index
    %swap3A_300 = tpu.vector_load %arg11[%swap3A_298, %swap3A_299] {strides = array<i32>} : memref<16x128xf32, #tpu.memory_space<vmem>>, vector<16xf32>,
    tpu.vector_store %arg11[%swap3A_298, %swap3A_299], %broadcast_in_dim3A_1 {strides = array<i32>} : memref<16x128xf32, #tpu.memory_space<vmem>>, vector<16xf32>,
    %swap3A_301 = arith.constant 9 : i32
    %swap3A_302 = arith.index_cast %swap3A_301 : i32 to index
    %swap3A_303 = arith.constant 48 : index
    %swap3A_304 = tpu.vector_load %arg11[%swap3A_302, %swap3A_303] {strides = array<i32>} : memref<16x128xf32, #tpu.memory_space<vmem>>, vector<16xf32>,
    tpu.vector_store %arg11[%swap3A_302, %swap3A_303], %broadcast_in_dim3A_1 {strides = array<i32>} : memref<16x128xf32, #tpu.memory_space<vmem>>, vector<16xf32>,
    %swap3A_305 = arith.constant 9 : i32
    %swap3A_306 = arith.index_cast %swap3A_305 : i32 to index
    %swap3A_307 = arith.constant 64 : index
    %swap3A_308 = tpu.vector_load %arg11[%swap3A_306, %swap3A_307] {strides = array<i32>} : memref<16x128xf32, #tpu.memory_space<vmem>>, vector<16xf32>,
    tpu.vector_store %arg11[%swap3A_306, %swap3A_307], %broadcast_in_dim3A_1 {strides = array<i32>} : memref<16x128xf32, #tpu.memory_space<vmem>>, vector<16xf32>,
    %swap3A_309 = arith.constant 9 : i32
    %swap3A_310 = arith.index_cast %swap3A_309 : i32 to index
    %swap3A_311 = arith.constant 80 : index
    %swap3A_312 = tpu.vector_load %arg11[%swap3A_310, %swap3A_311] {strides = array<i32>} : memref<16x128xf32, #tpu.memory_space<vmem>>, vector<16xf32>,
    tpu.vector_store %arg11[%swap3A_310, %swap3A_311], %broadcast_in_dim3A_1 {strides = array<i32>} : memref<16x128xf32, #tpu.memory_space<vmem>>, vector<16xf32>,
    %swap3A_313 = arith.constant 9 : i32
    %swap3A_314 = arith.index_cast %swap3A_313 : i32 to index
    %swap3A_315 = arith.constant 96 : index
    %swap3A_316 = tpu.vector_load %arg11[%swap3A_314, %swap3A_315] {strides = array<i32>} : memref<16x128xf32, #tpu.memory_space<vmem>>, vector<16xf32>,
    tpu.vector_store %arg11[%swap3A_314, %swap3A_315], %broadcast_in_dim3A_1 {strides = array<i32>} : memref<16x128xf32, #tpu.memory_space<vmem>>, vector<16xf32>,
    %swap3A_317 = arith.constant 9 : i32
    %swap3A_318 = arith.index_cast %swap3A_317 : i32 to index
    %swap3A_319 = arith.constant 112 : index
    %swap3A_320 = tpu.vector_load %arg11[%swap3A_318, %swap3A_319] {strides = array<i32>} : memref<16x128xf32, #tpu.memory_space<vmem>>, vector<16xf32>,
    tpu.vector_store %arg11[%swap3A_318, %swap3A_319], %broadcast_in_dim3A_1 {strides = array<i32>} : memref<16x128xf32, #tpu.memory_space<vmem>>, vector<16xf32>,
    %swap3A_321 = arith.constant 10 : i32
    %swap3A_322 = arith.index_cast %swap3A_321 : i32 to index
    %swap3A_323 = arith.constant 0 : index
    %swap3A_324 = tpu.vector_load %arg11[%swap3A_322, %swap3A_323] {strides = array<i32>} : memref<16x128xf32, #tpu.memory_space<vmem>>, vector<16xf32>,
    tpu.vector_store %arg11[%swap3A_322, %swap3A_323], %broadcast_in_dim3A_1 {strides = array<i32>} : memref<16x128xf32, #tpu.memory_space<vmem>>, vector<16xf32>,
    %swap3A_325 = arith.constant 10 : i32
    %swap3A_326 = arith.index_cast %swap3A_325 : i32 to index
    %swap3A_327 = arith.constant 16 : index
    %swap3A_328 = tpu.vector_load %arg11[%swap3A_326, %swap3A_327] {strides = array<i32>} : memref<16x128xf32, #tpu.memory_space<vmem>>, vector<16xf32>,
    tpu.vector_store %arg11[%swap3A_326, %swap3A_327], %broadcast_in_dim3A_1 {strides = array<i32>} : memref<16x128xf32, #tpu.memory_space<vmem>>, vector<16xf32>,
    %swap3A_329 = arith.constant 10 : i32
    %swap3A_330 = arith.index_cast %swap3A_329 : i32 to index
    %swap3A_331 = arith.constant 32 : index
    %swap3A_332 = tpu.vector_load %arg11[%swap3A_330, %swap3A_331] {strides = array<i32>} : memref<16x128xf32, #tpu.memory_space<vmem>>, vector<16xf32>,
    tpu.vector_store %arg11[%swap3A_330, %swap3A_331], %broadcast_in_dim3A_1 {strides = array<i32>} : memref<16x128xf32, #tpu.memory_space<vmem>>, vector<16xf32>,
    %swap3A_333 = arith.constant 10 : i32
    %swap3A_334 = arith.index_cast %swap3A_333 : i32 to index
    %swap3A_335 = arith.constant 48 : index
    %swap3A_336 = tpu.vector_load %arg11[%swap3A_334, %swap3A_335] {strides = array<i32>} : memref<16x128xf32, #tpu.memory_space<vmem>>, vector<16xf32>,
    tpu.vector_store %arg11[%swap3A_334, %swap3A_335], %broadcast_in_dim3A_1 {strides = array<i32>} : memref<16x128xf32, #tpu.memory_space<vmem>>, vector<16xf32>,
    %swap3A_337 = arith.constant 10 : i32
    %swap3A_338 = arith.index_cast %swap3A_337 : i32 to index
    %swap3A_339 = arith.constant 64 : index
    %swap3A_340 = tpu.vector_load %arg11[%swap3A_338, %swap3A_339] {strides = array<i32>} : memref<16x128xf32, #tpu.memory_space<vmem>>, vector<16xf32>,
    tpu.vector_store %arg11[%swap3A_338, %swap3A_339], %broadcast_in_dim3A_1 {strides = array<i32>} : memref<16x128xf32, #tpu.memory_space<vmem>>, vector<16xf32>,
    %swap3A_341 = arith.constant 10 : i32
    %swap3A_342 = arith.index_cast %swap3A_341 : i32 to index
    %swap3A_343 = arith.constant 80 : index
    %swap3A_344 = tpu.vector_load %arg11[%swap3A_342, %swap3A_343] {strides = array<i32>} : memref<16x128xf32, #tpu.memory_space<vmem>>, vector<16xf32>,
    tpu.vector_store %arg11[%swap3A_342, %swap3A_343], %broadcast_in_dim3A_1 {strides = array<i32>} : memref<16x128xf32, #tpu.memory_space<vmem>>, vector<16xf32>,
    %swap3A_345 = arith.constant 10 : i32
    %swap3A_346 = arith.index_cast %swap3A_345 : i32 to index
    %swap3A_347 = arith.constant 96 : index
    %swap3A_348 = tpu.vector_load %arg11[%swap3A_346, %swap3A_347] {strides = array<i32>} : memref<16x128xf32, #tpu.memory_space<vmem>>, vector<16xf32>,
    tpu.vector_store %arg11[%swap3A_346, %swap3A_347], %broadcast_in_dim3A_1 {strides = array<i32>} : memref<16x128xf32, #tpu.memory_space<vmem>>, vector<16xf32>,
    %swap3A_349 = arith.constant 10 : i32
    %swap3A_350 = arith.index_cast %swap3A_349 : i32 to index
    %swap3A_351 = arith.constant 112 : index
    %swap3A_352 = tpu.vector_load %arg11[%swap3A_350, %swap3A_351] {strides = array<i32>} : memref<16x128xf32, #tpu.memory_space<vmem>>, vector<16xf32>,
    tpu.vector_store %arg11[%swap3A_350, %swap3A_351], %broadcast_in_dim3A_1 {strides = array<i32>} : memref<16x128xf32, #tpu.memory_space<vmem>>, vector<16xf32>,
    %swap3A_353 = arith.constant 11 : i32
    %swap3A_354 = arith.index_cast %swap3A_353 : i32 to index
    %swap3A_355 = arith.constant 0 : index
    %swap3A_356 = tpu.vector_load %arg11[%swap3A_354, %swap3A_355] {strides = array<i32>} : memref<16x128xf32, #tpu.memory_space<vmem>>, vector<16xf32>,
    tpu.vector_store %arg11[%swap3A_354, %swap3A_355], %broadcast_in_dim3A_1 {strides = array<i32>} : memref<16x128xf32, #tpu.memory_space<vmem>>, vector<16xf32>,
    %swap3A_357 = arith.constant 11 : i32
    %swap3A_358 = arith.index_cast %swap3A_357 : i32 to index
    %swap3A_359 = arith.constant 16 : index
    %swap3A_360 = tpu.vector_load %arg11[%swap3A_358, %swap3A_359] {strides = array<i32>} : memref<16x128xf32, #tpu.memory_space<vmem>>, vector<16xf32>,
    tpu.vector_store %arg11[%swap3A_358, %swap3A_359], %broadcast_in_dim3A_1 {strides = array<i32>} : memref<16x128xf32, #tpu.memory_space<vmem>>, vector<16xf32>,
    %swap3A_361 = arith.constant 11 : i32
    %swap3A_362 = arith.index_cast %swap3A_361 : i32 to index
    %swap3A_363 = arith.constant 32 : index
    %swap3A_364 = tpu.vector_load %arg11[%swap3A_362, %swap3A_363] {strides = array<i32>} : memref<16x128xf32, #tpu.memory_space<vmem>>, vector<16xf32>,
    tpu.vector_store %arg11[%swap3A_362, %swap3A_363], %broadcast_in_dim3A_1 {strides = array<i32>} : memref<16x128xf32, #tpu.memory_space<vmem>>, vector<16xf32>,
    %swap3A_365 = arith.constant 11 : i32
    %swap3A_366 = arith.index_cast %swap3A_365 : i32 to index
    %swap3A_367 = arith.constant 48 : index
    %swap3A_368 = tpu.vector_load %arg11[%swap3A_366, %swap3A_367] {strides = array<i32>} : memref<16x128xf32, #tpu.memory_space<vmem>>, vector<16xf32>,
    tpu.vector_store %arg11[%swap3A_366, %swap3A_367], %broadcast_in_dim3A_1 {strides = array<i32>} : memref<16x128xf32, #tpu.memory_space<vmem>>, vector<16xf32>,
    %swap3A_369 = arith.constant 11 : i32
    %swap3A_370 = arith.index_cast %swap3A_369 : i32 to index
    %swap3A_371 = arith.constant 64 : index
    %swap3A_372 = tpu.vector_load %arg11[%swap3A_370, %swap3A_371] {strides = array<i32>} : memref<16x128xf32, #tpu.memory_space<vmem>>, vector<16xf32>,
    tpu.vector_store %arg11[%swap3A_370, %swap3A_371], %broadcast_in_dim3A_1 {strides = array<i32>} : memref<16x128xf32, #tpu.memory_space<vmem>>, vector<16xf32>,
    %swap3A_373 = arith.constant 11 : i32
    %swap3A_374 = arith.index_cast %swap3A_373 : i32 to index
    %swap3A_375 = arith.constant 80 : index
    %swap3A_376 = tpu.vector_load %arg11[%swap3A_374, %swap3A_375] {strides = array<i32>} : memref<16x128xf32, #tpu.memory_space<vmem>>, vector<16xf32>,
    tpu.vector_store %arg11[%swap3A_374, %swap3A_375], %broadcast_in_dim3A_1 {strides = array<i32>} : memref<16x128xf32, #tpu.memory_space<vmem>>, vector<16xf32>,
    %swap3A_377 = arith.constant 11 : i32
    %swap3A_378 = arith.index_cast %swap3A_377 : i32 to index
    %swap3A_379 = arith.constant 96 : index
    %swap3A_380 = tpu.vector_load %arg11[%swap3A_378, %swap3A_379] {strides = array<i32>} : memref<16x128xf32, #tpu.memory_space<vmem>>, vector<16xf32>,
    tpu.vector_store %arg11[%swap3A_378, %swap3A_379], %broadcast_in_dim3A_1 {strides = array<i32>} : memref<16x128xf32, #tpu.memory_space<vmem>>, vector<16xf32>,
    %swap3A_381 = arith.constant 11 : i32
    %swap3A_382 = arith.index_cast %swap3A_381 : i32 to index
    %swap3A_383 = arith.constant 112 : index
    %swap3A_384 = tpu.vector_load %arg11[%swap3A_382, %swap3A_383] {strides = array<i32>} : memref<16x128xf32, #tpu.memory_space<vmem>>, vector<16xf32>,
    tpu.vector_store %arg11[%swap3A_382, %swap3A_383], %broadcast_in_dim3A_1 {strides = array<i32>} : memref<16x128xf32, #tpu.memory_space<vmem>>, vector<16xf32>,
    %swap3A_385 = arith.constant 12 : i32
    %swap3A_386 = arith.index_cast %swap3A_385 : i32 to index
    %swap3A_387 = arith.constant 0 : index
    %swap3A_388 = tpu.vector_load %arg11[%swap3A_386, %swap3A_387] {strides = array<i32>} : memref<16x128xf32, #tpu.memory_space<vmem>>, vector<16xf32>,
    tpu.vector_store %arg11[%swap3A_386, %swap3A_387], %broadcast_in_dim3A_1 {strides = array<i32>} : memref<16x128xf32, #tpu.memory_space<vmem>>, vector<16xf32>,
    %swap3A_389 = arith.constant 12 : i32
    %swap3A_390 = arith.index_cast %swap3A_389 : i32 to index
    %swap3A_391 = arith.constant 16 : index
    %swap3A_392 = tpu.vector_load %arg11[%swap3A_390, %swap3A_391] {strides = array<i32>} : memref<16x128xf32, #tpu.memory_space<vmem>>, vector<16xf32>,
    tpu.vector_store %arg11[%swap3A_390, %swap3A_391], %broadcast_in_dim3A_1 {strides = array<i32>} : memref<16x128xf32, #tpu.memory_space<vmem>>, vector<16xf32>,
    %swap3A_393 = arith.constant 12 : i32
    %swap3A_394 = arith.index_cast %swap3A_393 : i32 to index
    %swap3A_395 = arith.constant 32 : index
    %swap3A_396 = tpu.vector_load %arg11[%swap3A_394, %swap3A_395] {strides = array<i32>} : memref<16x128xf32, #tpu.memory_space<vmem>>, vector<16xf32>,
    tpu.vector_store %arg11[%swap3A_394, %swap3A_395], %broadcast_in_dim3A_1 {strides = array<i32>} : memref<16x128xf32, #tpu.memory_space<vmem>>, vector<16xf32>,
    %swap3A_397 = arith.constant 12 : i32
    %swap3A_398 = arith.index_cast %swap3A_397 : i32 to index
    %swap3A_399 = arith.constant 48 : index
    %swap3A_400 = tpu.vector_load %arg11[%swap3A_398, %swap3A_399] {strides = array<i32>} : memref<16x128xf32, #tpu.memory_space<vmem>>, vector<16xf32>,
    tpu.vector_store %arg11[%swap3A_398, %swap3A_399], %broadcast_in_dim3A_1 {strides = array<i32>} : memref<16x128xf32, #tpu.memory_space<vmem>>, vector<16xf32>,
    %swap3A_401 = arith.constant 12 : i32
    %swap3A_402 = arith.index_cast %swap3A_401 : i32 to index
    %swap3A_403 = arith.constant 64 : index
    %swap3A_404 = tpu.vector_load %arg11[%swap3A_402, %swap3A_403] {strides = array<i32>} : memref<16x128xf32, #tpu.memory_space<vmem>>, vector<16xf32>,
    tpu.vector_store %arg11[%swap3A_402, %swap3A_403], %broadcast_in_dim3A_1 {strides = array<i32>} : memref<16x128xf32, #tpu.memory_space<vmem>>, vector<16xf32>,
    %swap3A_405 = arith.constant 12 : i32
    %swap3A_406 = arith.index_cast %swap3A_405 : i32 to index
    %swap3A_407 = arith.constant 80 : index
    %swap3A_408 = tpu.vector_load %arg11[%swap3A_406, %swap3A_407] {strides = array<i32>} : memref<16x128xf32, #tpu.memory_space<vmem>>, vector<16xf32>,
    tpu.vector_store %arg11[%swap3A_406, %swap3A_407], %broadcast_in_dim3A_1 {strides = array<i32>} : memref<16x128xf32, #tpu.memory_space<vmem>>, vector<16xf32>,
    %swap3A_409 = arith.constant 12 : i32
    %swap3A_410 = arith.index_cast %swap3A_409 : i32 to index
    %swap3A_411 = arith.constant 96 : index
    %swap3A_412 = tpu.vector_load %arg11[%swap3A_410, %swap3A_411] {strides = array<i32>} : memref<16x128xf32, #tpu.memory_space<vmem>>, vector<16xf32>,
    tpu.vector_store %arg11[%swap3A_410, %swap3A_411], %broadcast_in_dim3A_1 {strides = array<i32>} : memref<16x128xf32, #tpu.memory_space<vmem>>, vector<16xf32>,
    %swap3A_413 = arith.constant 12 : i32
    %swap3A_414 = arith.index_cast %swap3A_413 : i32 to index
    %swap3A_415 = arith.constant 112 : index
    %swap3A_416 = tpu.vector_load %arg11[%swap3A_414, %swap3A_415] {strides = array<i32>} : memref<16x128xf32, #tpu.memory_space<vmem>>, vector<16xf32>,
    tpu.vector_store %arg11[%swap3A_414, %swap3A_415], %broadcast_in_dim3A_1 {strides = array<i32>} : memref<16x128xf32, #tpu.memory_space<vmem>>, vector<16xf32>,
    %swap3A_417 = arith.constant 13 : i32
    %swap3A_418 = arith.index_cast %swap3A_417 : i32 to index
    %swap3A_419 = arith.constant 0 : index
    %swap3A_420 = tpu.vector_load %arg11[%swap3A_418, %swap3A_419] {strides = array<i32>} : memref<16x128xf32, #tpu.memory_space<vmem>>, vector<16xf32>,
    tpu.vector_store %arg11[%swap3A_418, %swap3A_419], %broadcast_in_dim3A_1 {strides = array<i32>} : memref<16x128xf32, #tpu.memory_space<vmem>>, vector<16xf32>,
    %swap3A_421 = arith.constant 13 : i32
    %swap3A_422 = arith.index_cast %swap3A_421 : i32 to index
    %swap3A_423 = arith.constant 16 : index
    %swap3A_424 = tpu.vector_load %arg11[%swap3A_422, %swap3A_423] {strides = array<i32>} : memref<16x128xf32, #tpu.memory_space<vmem>>, vector<16xf32>,
    tpu.vector_store %arg11[%swap3A_422, %swap3A_423], %broadcast_in_dim3A_1 {strides = array<i32>} : memref<16x128xf32, #tpu.memory_space<vmem>>, vector<16xf32>,
    %swap3A_425 = arith.constant 13 : i32
    %swap3A_426 = arith.index_cast %swap3A_425 : i32 to index
    %swap3A_427 = arith.constant 32 : index
    %swap3A_428 = tpu.vector_load %arg11[%swap3A_426, %swap3A_427] {strides = array<i32>} : memref<16x128xf32, #tpu.memory_space<vmem>>, vector<16xf32>,
    tpu.vector_store %arg11[%swap3A_426, %swap3A_427], %broadcast_in_dim3A_1 {strides = array<i32>} : memref<16x128xf32, #tpu.memory_space<vmem>>, vector<16xf32>,
    %swap3A_429 = arith.constant 13 : i32
    %swap3A_430 = arith.index_cast %swap3A_429 : i32 to index
    %swap3A_431 = arith.constant 48 : index
    %swap3A_432 = tpu.vector_load %arg11[%swap3A_430, %swap3A_431] {strides = array<i32>} : memref<16x128xf32, #tpu.memory_space<vmem>>, vector<16xf32>,
    tpu.vector_store %arg11[%swap3A_430, %swap3A_431], %broadcast_in_dim3A_1 {strides = array<i32>} : memref<16x128xf32, #tpu.memory_space<vmem>>, vector<16xf32>,
    %swap3A_433 = arith.constant 13 : i32
    %swap3A_434 = arith.index_cast %swap3A_433 : i32 to index
    %swap3A_435 = arith.constant 64 : index
    %swap3A_436 = tpu.vector_load %arg11[%swap3A_434, %swap3A_435] {strides = array<i32>} : memref<16x128xf32, #tpu.memory_space<vmem>>, vector<16xf32>,
    tpu.vector_store %arg11[%swap3A_434, %swap3A_435], %broadcast_in_dim3A_1 {strides = array<i32>} : memref<16x128xf32, #tpu.memory_space<vmem>>, vector<16xf32>,
    %swap3A_437 = arith.constant 13 : i32
    %swap3A_438 = arith.index_cast %swap3A_437 : i32 to index
    %swap3A_439 = arith.constant 80 : index
    %swap3A_440 = tpu.vector_load %arg11[%swap3A_438, %swap3A_439] {strides = array<i32>} : memref<16x128xf32, #tpu.memory_space<vmem>>, vector<16xf32>,
    tpu.vector_store %arg11[%swap3A_438, %swap3A_439], %broadcast_in_dim3A_1 {strides = array<i32>} : memref<16x128xf32, #tpu.memory_space<vmem>>, vector<16xf32>,
    %swap3A_441 = arith.constant 13 : i32
    %swap3A_442 = arith.index_cast %swap3A_441 : i32 to index
    %swap3A_443 = arith.constant 96 : index
    %swap3A_444 = tpu.vector_load %arg11[%swap3A_442, %swap3A_443] {strides = array<i32>} : memref<16x128xf32, #tpu.memory_space<vmem>>, vector<16xf32>,
    tpu.vector_store %arg11[%swap3A_442, %swap3A_443], %broadcast_in_dim3A_1 {strides = array<i32>} : memref<16x128xf32, #tpu.memory_space<vmem>>, vector<16xf32>,
    %swap3A_445 = arith.constant 13 : i32
    %swap3A_446 = arith.index_cast %swap3A_445 : i32 to index
    %swap3A_447 = arith.constant 112 : index
    %swap3A_448 = tpu.vector_load %arg11[%swap3A_446, %swap3A_447] {strides = array<i32>} : memref<16x128xf32, #tpu.memory_space<vmem>>, vector<16xf32>,
    tpu.vector_store %arg11[%swap3A_446, %swap3A_447], %broadcast_in_dim3A_1 {strides = array<i32>} : memref<16x128xf32, #tpu.memory_space<vmem>>, vector<16xf32>,
    %swap3A_449 = arith.constant 14 : i32
    %swap3A_450 = arith.index_cast %swap3A_449 : i32 to index
    %swap3A_451 = arith.constant 0 : index
    %swap3A_452 = tpu.vector_load %arg11[%swap3A_450, %swap3A_451] {strides = array<i32>} : memref<16x128xf32, #tpu.memory_space<vmem>>, vector<16xf32>,
    tpu.vector_store %arg11[%swap3A_450, %swap3A_451], %broadcast_in_dim3A_1 {strides = array<i32>} : memref<16x128xf32, #tpu.memory_space<vmem>>, vector<16xf32>,
    %swap3A_453 = arith.constant 14 : i32
    %swap3A_454 = arith.index_cast %swap3A_453 : i32 to index
    %swap3A_455 = arith.constant 16 : index
    %swap3A_456 = tpu.vector_load %arg11[%swap3A_454, %swap3A_455] {strides = array<i32>} : memref<16x128xf32, #tpu.memory_space<vmem>>, vector<16xf32>,
    tpu.vector_store %arg11[%swap3A_454, %swap3A_455], %broadcast_in_dim3A_1 {strides = array<i32>} : memref<16x128xf32, #tpu.memory_space<vmem>>, vector<16xf32>,
    %swap3A_457 = arith.constant 14 : i32
    %swap3A_458 = arith.index_cast %swap3A_457 : i32 to index
    %swap3A_459 = arith.constant 32 : index
    %swap3A_460 = tpu.vector_load %arg11[%swap3A_458, %swap3A_459] {strides = array<i32>} : memref<16x128xf32, #tpu.memory_space<vmem>>, vector<16xf32>,
    tpu.vector_store %arg11[%swap3A_458, %swap3A_459], %broadcast_in_dim3A_1 {strides = array<i32>} : memref<16x128xf32, #tpu.memory_space<vmem>>, vector<16xf32>,
    %swap3A_461 = arith.constant 14 : i32
    %swap3A_462 = arith.index_cast %swap3A_461 : i32 to index
    %swap3A_463 = arith.constant 48 : index
    %swap3A_464 = tpu.vector_load %arg11[%swap3A_462, %swap3A_463] {strides = array<i32>} : memref<16x128xf32, #tpu.memory_space<vmem>>, vector<16xf32>,
    tpu.vector_store %arg11[%swap3A_462, %swap3A_463], %broadcast_in_dim3A_1 {strides = array<i32>} : memref<16x128xf32, #tpu.memory_space<vmem>>, vector<16xf32>,
    %swap3A_465 = arith.constant 14 : i32
    %swap3A_466 = arith.index_cast %swap3A_465 : i32 to index
    %swap3A_467 = arith.constant 64 : index
    %swap3A_468 = tpu.vector_load %arg11[%swap3A_466, %swap3A_467] {strides = array<i32>} : memref<16x128xf32, #tpu.memory_space<vmem>>, vector<16xf32>,
    tpu.vector_store %arg11[%swap3A_466, %swap3A_467], %broadcast_in_dim3A_1 {strides = array<i32>} : memref<16x128xf32, #tpu.memory_space<vmem>>, vector<16xf32>,
    %swap3A_469 = arith.constant 14 : i32
    %swap3A_470 = arith.index_cast %swap3A_469 : i32 to index
    %swap3A_471 = arith.constant 80 : index
    %swap3A_472 = tpu.vector_load %arg11[%swap3A_470, %swap3A_471] {strides = array<i32>} : memref<16x128xf32, #tpu.memory_space<vmem>>, vector<16xf32>,
    tpu.vector_store %arg11[%swap3A_470, %swap3A_471], %broadcast_in_dim3A_1 {strides = array<i32>} : memref<16x128xf32, #tpu.memory_space<vmem>>, vector<16xf32>,
    %swap3A_473 = arith.constant 14 : i32
    %swap3A_474 = arith.index_cast %swap3A_473 : i32 to index
    %swap3A_475 = arith.constant 96 : index
    %swap3A_476 = tpu.vector_load %arg11[%swap3A_474, %swap3A_475] {strides = array<i32>} : memref<16x128xf32, #tpu.memory_space<vmem>>, vector<16xf32>,
    tpu.vector_store %arg11[%swap3A_474, %swap3A_475], %broadcast_in_dim3A_1 {strides = array<i32>} : memref<16x128xf32, #tpu.memory_space<vmem>>, vector<16xf32>,
    %swap3A_477 = arith.constant 14 : i32
    %swap3A_478 = arith.index_cast %swap3A_477 : i32 to index
    %swap3A_479 = arith.constant 112 : index
    %swap3A_480 = tpu.vector_load %arg11[%swap3A_478, %swap3A_479] {strides = array<i32>} : memref<16x128xf32, #tpu.memory_space<vmem>>, vector<16xf32>,
    tpu.vector_store %arg11[%swap3A_478, %swap3A_479], %broadcast_in_dim3A_1 {strides = array<i32>} : memref<16x128xf32, #tpu.memory_space<vmem>>, vector<16xf32>,
    %swap3A_481 = arith.constant 15 : i32
    %swap3A_482 = arith.index_cast %swap3A_481 : i32 to index
    %swap3A_483 = arith.constant 0 : index
    %swap3A_484 = tpu.vector_load %arg11[%swap3A_482, %swap3A_483] {strides = array<i32>} : memref<16x128xf32, #tpu.memory_space<vmem>>, vector<16xf32>,
    tpu.vector_store %arg11[%swap3A_482, %swap3A_483], %broadcast_in_dim3A_1 {strides = array<i32>} : memref<16x128xf32, #tpu.memory_space<vmem>>, vector<16xf32>,
    %swap3A_485 = arith.constant 15 : i32
    %swap3A_486 = arith.index_cast %swap3A_485 : i32 to index
    %swap3A_487 = arith.constant 16 : index
    %swap3A_488 = tpu.vector_load %arg11[%swap3A_486, %swap3A_487] {strides = array<i32>} : memref<16x128xf32, #tpu.memory_space<vmem>>, vector<16xf32>,
    tpu.vector_store %arg11[%swap3A_486, %swap3A_487], %broadcast_in_dim3A_1 {strides = array<i32>} : memref<16x128xf32, #tpu.memory_space<vmem>>, vector<16xf32>,
    %swap3A_489 = arith.constant 15 : i32
    %swap3A_490 = arith.index_cast %swap3A_489 : i32 to index
    %swap3A_491 = arith.constant 32 : index
    %swap3A_492 = tpu.vector_load %arg11[%swap3A_490, %swap3A_491] {strides = array<i32>} : memref<16x128xf32, #tpu.memory_space<vmem>>, vector<16xf32>,
    tpu.vector_store %arg11[%swap3A_490, %swap3A_491], %broadcast_in_dim3A_1 {strides = array<i32>} : memref<16x128xf32, #tpu.memory_space<vmem>>, vector<16xf32>,
    %swap3A_493 = arith.constant 15 : i32
    %swap3A_494 = arith.index_cast %swap3A_493 : i32 to index
    %swap3A_495 = arith.constant 48 : index
    %swap3A_496 = tpu.vector_load %arg11[%swap3A_494, %swap3A_495] {strides = array<i32>} : memref<16x128xf32, #tpu.memory_space<vmem>>, vector<16xf32>,
    tpu.vector_store %arg11[%swap3A_494, %swap3A_495], %broadcast_in_dim3A_1 {strides = array<i32>} : memref<16x128xf32, #tpu.memory_space<vmem>>, vector<16xf32>,
    %swap3A_497 = arith.constant 15 : i32
    %swap3A_498 = arith.index_cast %swap3A_497 : i32 to index
    %swap3A_499 = arith.constant 64 : index
    %swap3A_500 = tpu.vector_load %arg11[%swap3A_498, %swap3A_499] {strides = array<i32>} : memref<16x128xf32, #tpu.memory_space<vmem>>, vector<16xf32>,
    tpu.vector_store %arg11[%swap3A_498, %swap3A_499], %broadcast_in_dim3A_1 {strides = array<i32>} : memref<16x128xf32, #tpu.memory_space<vmem>>, vector<16xf32>,
    %swap3A_501 = arith.constant 15 : i32
    %swap3A_502 = arith.index_cast %swap3A_501 : i32 to index
    %swap3A_503 = arith.constant 80 : index
    %swap3A_504 = tpu.vector_load %arg11[%swap3A_502, %swap3A_503] {strides = array<i32>} : memref<16x128xf32, #tpu.memory_space<vmem>>, vector<16xf32>,
    tpu.vector_store %arg11[%swap3A_502, %swap3A_503], %broadcast_in_dim3A_1 {strides = array<i32>} : memref<16x128xf32, #tpu.memory_space<vmem>>, vector<16xf32>,
    %swap3A_505 = arith.constant 15 : i32
    %swap3A_506 = arith.index_cast %swap3A_505 : i32 to index
    %swap3A_507 = arith.constant 96 : index
    %swap3A_508 = tpu.vector_load %arg11[%swap3A_506, %swap3A_507] {strides = array<i32>} : memref<16x128xf32, #tpu.memory_space<vmem>>, vector<16xf32>,
    tpu.vector_store %arg11[%swap3A_506, %swap3A_507], %broadcast_in_dim3A_1 {strides = array<i32>} : memref<16x128xf32, #tpu.memory_space<vmem>>, vector<16xf32>,
    %swap3A_509 = arith.constant 15 : i32
    %swap3A_510 = arith.index_cast %swap3A_509 : i32 to index
    %swap3A_511 = arith.constant 112 : index
    %swap3A_512 = tpu.vector_load %arg11[%swap3A_510, %swap3A_511] {strides = array<i32>} : memref<16x128xf32, #tpu.memory_space<vmem>>, vector<16xf32>,
    tpu.vector_store %arg11[%swap3A_510, %swap3A_511], %broadcast_in_dim3A_1 {strides = array<i32>} : memref<16x128xf32, #tpu.memory_space<vmem>>, vector<16xf32>,
    %mul3A_513 = arith.constant 640 : i32
    %mul3A_514 = arith.muli %arg1, %mul3A_513 : i32
    %add3A_515 = arith.constant 0 : i32
    %add3A_516 = arith.addi %mul3A_514, %add3A_515 : i32
    "tpu.region"() ({
      %run_scoped3A = tpu.sem_alloc : memref<!tpu.dma_semaphore, #tpu.memory_space<semaphore_mem>>
      %dma_start3A = arith.constant 0 : i32
      %dma_start3A_682 = tpu.memref_slice %arg12[%add3A_516, %dma_start3A] : memref<10240x128xf32, #tpu.memory_space<vmem_shared>> -> memref<16x128xf32, #tpu.memory_space<vmem_shared>>
      %dma_start3A_683 = arith.constant 0 : i32
      %dma_start3A_684 = tpu.memref_slice %arg12[%add3A_516, %dma_start3A_683] : memref<10240x128xf32, #tpu.memory_space<vmem_shared>> -> memref<16x128xf32, #tpu.memory_space<vmem_shared>>
      tpu.enqueue_dma source(%arg11 : memref<16x128xf32, #tpu.memory_space<vmem>>) target(%dma_start3A_684 : memref<16x128xf32, #tpu.memory_space<vmem_shared>>) target_semaphore(%run_scoped3A : memref<!tpu.dma_semaphore, #tpu.memory_space<semaphore_mem>>)
      %dma_wait3A = arith.constant 0 : i32
      %dma_wait3A_685 = tpu.memref_slice %arg12[%add3A_516, %dma_wait3A] : memref<10240x128xf32, #tpu.memory_space<vmem_shared>> -> memref<16x128xf32, #tpu.memory_space<vmem_shared>>
      %dma_wait3A_686 = arith.constant 0 : i32
      %dma_wait3A_687 = tpu.memref_slice %arg12[%add3A_516, %dma_wait3A_686] : memref<10240x128xf32, #tpu.memory_space<vmem_shared>> -> memref<16x128xf32, #tpu.memory_space<vmem_shared>>
      tpu.wait_dma2 semaphore(%run_scoped3A : memref<!tpu.dma_semaphore, #tpu.memory_space<semaphore_mem>>) src(%arg11 : memref<16x128xf32, #tpu.memory_space<vmem>>) dst(%dma_wait3A_687 : memref<16x128xf32, #tpu.memory_space<vmem_shared>>)
      tpu.yield
    }) : () -> ()
    %mul3A_517 = arith.constant 640 : i32
    %mul3A_518 = arith.muli %arg1, %mul3A_517 : i32
    %add3A_519 = arith.constant 16 : i32
    %add3A_520 = arith.addi %mul3A_518, %add3A_519 : i32
    "tpu.region"() ({
      %run_scoped3A = tpu.sem_alloc : memref<!tpu.dma_semaphore, #tpu.memory_space<semaphore_mem>>
      %dma_start3A = arith.constant 0 : i32
      %dma_start3A_682 = tpu.memref_slice %arg12[%add3A_520, %dma_start3A] : memref<10240x128xf32, #tpu.memory_space<vmem_shared>> -> memref<16x128xf32, #tpu.memory_space<vmem_shared>>
      %dma_start3A_683 = arith.constant 0 : i32
      %dma_start3A_684 = tpu.memref_slice %arg12[%add3A_520, %dma_start3A_683] : memref<10240x128xf32, #tpu.memory_space<vmem_shared>> -> memref<16x128xf32, #tpu.memory_space<vmem_shared>>
      tpu.enqueue_dma source(%arg11 : memref<16x128xf32, #tpu.memory_space<vmem>>) target(%dma_start3A_684 : memref<16x128xf32, #tpu.memory_space<vmem_shared>>) target_semaphore(%run_scoped3A : memref<!tpu.dma_semaphore, #tpu.memory_space<semaphore_mem>>)
      %dma_wait3A = arith.constant 0 : i32
      %dma_wait3A_685 = tpu.memref_slice %arg12[%add3A_520, %dma_wait3A] : memref<10240x128xf32, #tpu.memory_space<vmem_shared>> -> memref<16x128xf32, #tpu.memory_space<vmem_shared>>
      %dma_wait3A_686 = arith.constant 0 : i32
      %dma_wait3A_687 = tpu.memref_slice %arg12[%add3A_520, %dma_wait3A_686] : memref<10240x128xf32, #tpu.memory_space<vmem_shared>> -> memref<16x128xf32, #tpu.memory_space<vmem_shared>>
      tpu.wait_dma2 semaphore(%run_scoped3A : memref<!tpu.dma_semaphore, #tpu.memory_space<semaphore_mem>>) src(%arg11 : memref<16x128xf32, #tpu.memory_space<vmem>>) dst(%dma_wait3A_687 : memref<16x128xf32, #tpu.memory_space<vmem_shared>>)
      tpu.yield
    }) : () -> ()
    %mul3A_521 = arith.constant 640 : i32
    %mul3A_522 = arith.muli %arg1, %mul3A_521 : i32
    %add3A_523 = arith.constant 32 : i32
    %add3A_524 = arith.addi %mul3A_522, %add3A_523 : i32
    "tpu.region"() ({
      %run_scoped3A = tpu.sem_alloc : memref<!tpu.dma_semaphore, #tpu.memory_space<semaphore_mem>>
      %dma_start3A = arith.constant 0 : i32
      %dma_start3A_682 = tpu.memref_slice %arg12[%add3A_524, %dma_start3A] : memref<10240x128xf32, #tpu.memory_space<vmem_shared>> -> memref<16x128xf32, #tpu.memory_space<vmem_shared>>
      %dma_start3A_683 = arith.constant 0 : i32
      %dma_start3A_684 = tpu.memref_slice %arg12[%add3A_524, %dma_start3A_683] : memref<10240x128xf32, #tpu.memory_space<vmem_shared>> -> memref<16x128xf32, #tpu.memory_space<vmem_shared>>
      tpu.enqueue_dma source(%arg11 : memref<16x128xf32, #tpu.memory_space<vmem>>) target(%dma_start3A_684 : memref<16x128xf32, #tpu.memory_space<vmem_shared>>) target_semaphore(%run_scoped3A : memref<!tpu.dma_semaphore, #tpu.memory_space<semaphore_mem>>)
      %dma_wait3A = arith.constant 0 : i32
      %dma_wait3A_685 = tpu.memref_slice %arg12[%add3A_524, %dma_wait3A] : memref<10240x128xf32, #tpu.memory_space<vmem_shared>> -> memref<16x128xf32, #tpu.memory_space<vmem_shared>>
      %dma_wait3A_686 = arith.constant 0 : i32
      %dma_wait3A_687 = tpu.memref_slice %arg12[%add3A_524, %dma_wait3A_686] : memref<10240x128xf32, #tpu.memory_space<vmem_shared>> -> memref<16x128xf32, #tpu.memory_space<vmem_shared>>
      tpu.wait_dma2 semaphore(%run_scoped3A : memref<!tpu.dma_semaphore, #tpu.memory_space<semaphore_mem>>) src(%arg11 : memref<16x128xf32, #tpu.memory_space<vmem>>) dst(%dma_wait3A_687 : memref<16x128xf32, #tpu.memory_space<vmem_shared>>)
      tpu.yield
    }) : () -> ()
    %mul3A_525 = arith.constant 640 : i32
    %mul3A_526 = arith.muli %arg1, %mul3A_525 : i32
    %add3A_527 = arith.constant 48 : i32
    %add3A_528 = arith.addi %mul3A_526, %add3A_527 : i32
    "tpu.region"() ({
      %run_scoped3A = tpu.sem_alloc : memref<!tpu.dma_semaphore, #tpu.memory_space<semaphore_mem>>
      %dma_start3A = arith.constant 0 : i32
      %dma_start3A_682 = tpu.memref_slice %arg12[%add3A_528, %dma_start3A] : memref<10240x128xf32, #tpu.memory_space<vmem_shared>> -> memref<16x128xf32, #tpu.memory_space<vmem_shared>>
      %dma_start3A_683 = arith.constant 0 : i32
      %dma_start3A_684 = tpu.memref_slice %arg12[%add3A_528, %dma_start3A_683] : memref<10240x128xf32, #tpu.memory_space<vmem_shared>> -> memref<16x128xf32, #tpu.memory_space<vmem_shared>>
      tpu.enqueue_dma source(%arg11 : memref<16x128xf32, #tpu.memory_space<vmem>>) target(%dma_start3A_684 : memref<16x128xf32, #tpu.memory_space<vmem_shared>>) target_semaphore(%run_scoped3A : memref<!tpu.dma_semaphore, #tpu.memory_space<semaphore_mem>>)
      %dma_wait3A = arith.constant 0 : i32
      %dma_wait3A_685 = tpu.memref_slice %arg12[%add3A_528, %dma_wait3A] : memref<10240x128xf32, #tpu.memory_space<vmem_shared>> -> memref<16x128xf32, #tpu.memory_space<vmem_shared>>
      %dma_wait3A_686 = arith.constant 0 : i32
      %dma_wait3A_687 = tpu.memref_slice %arg12[%add3A_528, %dma_wait3A_686] : memref<10240x128xf32, #tpu.memory_space<vmem_shared>> -> memref<16x128xf32, #tpu.memory_space<vmem_shared>>
      tpu.wait_dma2 semaphore(%run_scoped3A : memref<!tpu.dma_semaphore, #tpu.memory_space<semaphore_mem>>) src(%arg11 : memref<16x128xf32, #tpu.memory_space<vmem>>) dst(%dma_wait3A_687 : memref<16x128xf32, #tpu.memory_space<vmem_shared>>)
      tpu.yield
    }) : () -> ()
    %mul3A_529 = arith.constant 640 : i32
    %mul3A_530 = arith.muli %arg1, %mul3A_529 : i32
    %add3A_531 = arith.constant 64 : i32
    %add3A_532 = arith.addi %mul3A_530, %add3A_531 : i32
    "tpu.region"() ({
      %run_scoped3A = tpu.sem_alloc : memref<!tpu.dma_semaphore, #tpu.memory_space<semaphore_mem>>
      %dma_start3A = arith.constant 0 : i32
      %dma_start3A_682 = tpu.memref_slice %arg12[%add3A_532, %dma_start3A] : memref<10240x128xf32, #tpu.memory_space<vmem_shared>> -> memref<16x128xf32, #tpu.memory_space<vmem_shared>>
      %dma_start3A_683 = arith.constant 0 : i32
      %dma_start3A_684 = tpu.memref_slice %arg12[%add3A_532, %dma_start3A_683] : memref<10240x128xf32, #tpu.memory_space<vmem_shared>> -> memref<16x128xf32, #tpu.memory_space<vmem_shared>>
      tpu.enqueue_dma source(%arg11 : memref<16x128xf32, #tpu.memory_space<vmem>>) target(%dma_start3A_684 : memref<16x128xf32, #tpu.memory_space<vmem_shared>>) target_semaphore(%run_scoped3A : memref<!tpu.dma_semaphore, #tpu.memory_space<semaphore_mem>>)
      %dma_wait3A = arith.constant 0 : i32
      %dma_wait3A_685 = tpu.memref_slice %arg12[%add3A_532, %dma_wait3A] : memref<10240x128xf32, #tpu.memory_space<vmem_shared>> -> memref<16x128xf32, #tpu.memory_space<vmem_shared>>
      %dma_wait3A_686 = arith.constant 0 : i32
      %dma_wait3A_687 = tpu.memref_slice %arg12[%add3A_532, %dma_wait3A_686] : memref<10240x128xf32, #tpu.memory_space<vmem_shared>> -> memref<16x128xf32, #tpu.memory_space<vmem_shared>>
      tpu.wait_dma2 semaphore(%run_scoped3A : memref<!tpu.dma_semaphore, #tpu.memory_space<semaphore_mem>>) src(%arg11 : memref<16x128xf32, #tpu.memory_space<vmem>>) dst(%dma_wait3A_687 : memref<16x128xf32, #tpu.memory_space<vmem_shared>>)
      tpu.yield
    }) : () -> ()
    %mul3A_533 = arith.constant 640 : i32
    %mul3A_534 = arith.muli %arg1, %mul3A_533 : i32
    %add3A_535 = arith.constant 80 : i32
    %add3A_536 = arith.addi %mul3A_534, %add3A_535 : i32
    "tpu.region"() ({
      %run_scoped3A = tpu.sem_alloc : memref<!tpu.dma_semaphore, #tpu.memory_space<semaphore_mem>>
      %dma_start3A = arith.constant 0 : i32
      %dma_start3A_682 = tpu.memref_slice %arg12[%add3A_536, %dma_start3A] : memref<10240x128xf32, #tpu.memory_space<vmem_shared>> -> memref<16x128xf32, #tpu.memory_space<vmem_shared>>
      %dma_start3A_683 = arith.constant 0 : i32
      %dma_start3A_684 = tpu.memref_slice %arg12[%add3A_536, %dma_start3A_683] : memref<10240x128xf32, #tpu.memory_space<vmem_shared>> -> memref<16x128xf32, #tpu.memory_space<vmem_shared>>
      tpu.enqueue_dma source(%arg11 : memref<16x128xf32, #tpu.memory_space<vmem>>) target(%dma_start3A_684 : memref<16x128xf32, #tpu.memory_space<vmem_shared>>) target_semaphore(%run_scoped3A : memref<!tpu.dma_semaphore, #tpu.memory_space<semaphore_mem>>)
      %dma_wait3A = arith.constant 0 : i32
      %dma_wait3A_685 = tpu.memref_slice %arg12[%add3A_536, %dma_wait3A] : memref<10240x128xf32, #tpu.memory_space<vmem_shared>> -> memref<16x128xf32, #tpu.memory_space<vmem_shared>>
      %dma_wait3A_686 = arith.constant 0 : i32
      %dma_wait3A_687 = tpu.memref_slice %arg12[%add3A_536, %dma_wait3A_686] : memref<10240x128xf32, #tpu.memory_space<vmem_shared>> -> memref<16x128xf32, #tpu.memory_space<vmem_shared>>
      tpu.wait_dma2 semaphore(%run_scoped3A : memref<!tpu.dma_semaphore, #tpu.memory_space<semaphore_mem>>) src(%arg11 : memref<16x128xf32, #tpu.memory_space<vmem>>) dst(%dma_wait3A_687 : memref<16x128xf32, #tpu.memory_space<vmem_shared>>)
      tpu.yield
    }) : () -> ()
    %mul3A_537 = arith.constant 640 : i32
    %mul3A_538 = arith.muli %arg1, %mul3A_537 : i32
    %add3A_539 = arith.constant 96 : i32
    %add3A_540 = arith.addi %mul3A_538, %add3A_539 : i32
    "tpu.region"() ({
      %run_scoped3A = tpu.sem_alloc : memref<!tpu.dma_semaphore, #tpu.memory_space<semaphore_mem>>
      %dma_start3A = arith.constant 0 : i32
      %dma_start3A_682 = tpu.memref_slice %arg12[%add3A_540, %dma_start3A] : memref<10240x128xf32, #tpu.memory_space<vmem_shared>> -> memref<16x128xf32, #tpu.memory_space<vmem_shared>>
      %dma_start3A_683 = arith.constant 0 : i32
      %dma_start3A_684 = tpu.memref_slice %arg12[%add3A_540, %dma_start3A_683] : memref<10240x128xf32, #tpu.memory_space<vmem_shared>> -> memref<16x128xf32, #tpu.memory_space<vmem_shared>>
      tpu.enqueue_dma source(%arg11 : memref<16x128xf32, #tpu.memory_space<vmem>>) target(%dma_start3A_684 : memref<16x128xf32, #tpu.memory_space<vmem_shared>>) target_semaphore(%run_scoped3A : memref<!tpu.dma_semaphore, #tpu.memory_space<semaphore_mem>>)
      %dma_wait3A = arith.constant 0 : i32
      %dma_wait3A_685 = tpu.memref_slice %arg12[%add3A_540, %dma_wait3A] : memref<10240x128xf32, #tpu.memory_space<vmem_shared>> -> memref<16x128xf32, #tpu.memory_space<vmem_shared>>
      %dma_wait3A_686 = arith.constant 0 : i32
      %dma_wait3A_687 = tpu.memref_slice %arg12[%add3A_540, %dma_wait3A_686] : memref<10240x128xf32, #tpu.memory_space<vmem_shared>> -> memref<16x128xf32, #tpu.memory_space<vmem_shared>>
      tpu.wait_dma2 semaphore(%run_scoped3A : memref<!tpu.dma_semaphore, #tpu.memory_space<semaphore_mem>>) src(%arg11 : memref<16x128xf32, #tpu.memory_space<vmem>>) dst(%dma_wait3A_687 : memref<16x128xf32, #tpu.memory_space<vmem_shared>>)
      tpu.yield
    }) : () -> ()
    %mul3A_541 = arith.constant 640 : i32
    %mul3A_542 = arith.muli %arg1, %mul3A_541 : i32
    %add3A_543 = arith.constant 112 : i32
    %add3A_544 = arith.addi %mul3A_542, %add3A_543 : i32
    "tpu.region"() ({
      %run_scoped3A = tpu.sem_alloc : memref<!tpu.dma_semaphore, #tpu.memory_space<semaphore_mem>>
      %dma_start3A = arith.constant 0 : i32
      %dma_start3A_682 = tpu.memref_slice %arg12[%add3A_544, %dma_start3A] : memref<10240x128xf32, #tpu.memory_space<vmem_shared>> -> memref<16x128xf32, #tpu.memory_space<vmem_shared>>
      %dma_start3A_683 = arith.constant 0 : i32
      %dma_start3A_684 = tpu.memref_slice %arg12[%add3A_544, %dma_start3A_683] : memref<10240x128xf32, #tpu.memory_space<vmem_shared>> -> memref<16x128xf32, #tpu.memory_space<vmem_shared>>
      tpu.enqueue_dma source(%arg11 : memref<16x128xf32, #tpu.memory_space<vmem>>) target(%dma_start3A_684 : memref<16x128xf32, #tpu.memory_space<vmem_shared>>) target_semaphore(%run_scoped3A : memref<!tpu.dma_semaphore, #tpu.memory_space<semaphore_mem>>)
      %dma_wait3A = arith.constant 0 : i32
      %dma_wait3A_685 = tpu.memref_slice %arg12[%add3A_544, %dma_wait3A] : memref<10240x128xf32, #tpu.memory_space<vmem_shared>> -> memref<16x128xf32, #tpu.memory_space<vmem_shared>>
      %dma_wait3A_686 = arith.constant 0 : i32
      %dma_wait3A_687 = tpu.memref_slice %arg12[%add3A_544, %dma_wait3A_686] : memref<10240x128xf32, #tpu.memory_space<vmem_shared>> -> memref<16x128xf32, #tpu.memory_space<vmem_shared>>
      tpu.wait_dma2 semaphore(%run_scoped3A : memref<!tpu.dma_semaphore, #tpu.memory_space<semaphore_mem>>) src(%arg11 : memref<16x128xf32, #tpu.memory_space<vmem>>) dst(%dma_wait3A_687 : memref<16x128xf32, #tpu.memory_space<vmem_shared>>)
      tpu.yield
    }) : () -> ()
    %mul3A_545 = arith.constant 640 : i32
    %mul3A_546 = arith.muli %arg1, %mul3A_545 : i32
    %add3A_547 = arith.constant 128 : i32
    %add3A_548 = arith.addi %mul3A_546, %add3A_547 : i32
    "tpu.region"() ({
      %run_scoped3A = tpu.sem_alloc : memref<!tpu.dma_semaphore, #tpu.memory_space<semaphore_mem>>
      %dma_start3A = arith.constant 0 : i32
      %dma_start3A_682 = tpu.memref_slice %arg12[%add3A_548, %dma_start3A] : memref<10240x128xf32, #tpu.memory_space<vmem_shared>> -> memref<16x128xf32, #tpu.memory_space<vmem_shared>>
      %dma_start3A_683 = arith.constant 0 : i32
      %dma_start3A_684 = tpu.memref_slice %arg12[%add3A_548, %dma_start3A_683] : memref<10240x128xf32, #tpu.memory_space<vmem_shared>> -> memref<16x128xf32, #tpu.memory_space<vmem_shared>>
      tpu.enqueue_dma source(%arg11 : memref<16x128xf32, #tpu.memory_space<vmem>>) target(%dma_start3A_684 : memref<16x128xf32, #tpu.memory_space<vmem_shared>>) target_semaphore(%run_scoped3A : memref<!tpu.dma_semaphore, #tpu.memory_space<semaphore_mem>>)
      %dma_wait3A = arith.constant 0 : i32
      %dma_wait3A_685 = tpu.memref_slice %arg12[%add3A_548, %dma_wait3A] : memref<10240x128xf32, #tpu.memory_space<vmem_shared>> -> memref<16x128xf32, #tpu.memory_space<vmem_shared>>
      %dma_wait3A_686 = arith.constant 0 : i32
      %dma_wait3A_687 = tpu.memref_slice %arg12[%add3A_548, %dma_wait3A_686] : memref<10240x128xf32, #tpu.memory_space<vmem_shared>> -> memref<16x128xf32, #tpu.memory_space<vmem_shared>>
      tpu.wait_dma2 semaphore(%run_scoped3A : memref<!tpu.dma_semaphore, #tpu.memory_space<semaphore_mem>>) src(%arg11 : memref<16x128xf32, #tpu.memory_space<vmem>>) dst(%dma_wait3A_687 : memref<16x128xf32, #tpu.memory_space<vmem_shared>>)
      tpu.yield
    }) : () -> ()
    %mul3A_549 = arith.constant 640 : i32
    %mul3A_550 = arith.muli %arg1, %mul3A_549 : i32
    %add3A_551 = arith.constant 144 : i32
    %add3A_552 = arith.addi %mul3A_550, %add3A_551 : i32
    "tpu.region"() ({
      %run_scoped3A = tpu.sem_alloc : memref<!tpu.dma_semaphore, #tpu.memory_space<semaphore_mem>>
      %dma_start3A = arith.constant 0 : i32
      %dma_start3A_682 = tpu.memref_slice %arg12[%add3A_552, %dma_start3A] : memref<10240x128xf32, #tpu.memory_space<vmem_shared>> -> memref<16x128xf32, #tpu.memory_space<vmem_shared>>
      %dma_start3A_683 = arith.constant 0 : i32
      %dma_start3A_684 = tpu.memref_slice %arg12[%add3A_552, %dma_start3A_683] : memref<10240x128xf32, #tpu.memory_space<vmem_shared>> -> memref<16x128xf32, #tpu.memory_space<vmem_shared>>
      tpu.enqueue_dma source(%arg11 : memref<16x128xf32, #tpu.memory_space<vmem>>) target(%dma_start3A_684 : memref<16x128xf32, #tpu.memory_space<vmem_shared>>) target_semaphore(%run_scoped3A : memref<!tpu.dma_semaphore, #tpu.memory_space<semaphore_mem>>)
      %dma_wait3A = arith.constant 0 : i32
      %dma_wait3A_685 = tpu.memref_slice %arg12[%add3A_552, %dma_wait3A] : memref<10240x128xf32, #tpu.memory_space<vmem_shared>> -> memref<16x128xf32, #tpu.memory_space<vmem_shared>>
      %dma_wait3A_686 = arith.constant 0 : i32
      %dma_wait3A_687 = tpu.memref_slice %arg12[%add3A_552, %dma_wait3A_686] : memref<10240x128xf32, #tpu.memory_space<vmem_shared>> -> memref<16x128xf32, #tpu.memory_space<vmem_shared>>
      tpu.wait_dma2 semaphore(%run_scoped3A : memref<!tpu.dma_semaphore, #tpu.memory_space<semaphore_mem>>) src(%arg11 : memref<16x128xf32, #tpu.memory_space<vmem>>) dst(%dma_wait3A_687 : memref<16x128xf32, #tpu.memory_space<vmem_shared>>)
      tpu.yield
    }) : () -> ()
    %mul3A_553 = arith.constant 640 : i32
    %mul3A_554 = arith.muli %arg1, %mul3A_553 : i32
    %add3A_555 = arith.constant 160 : i32
    %add3A_556 = arith.addi %mul3A_554, %add3A_555 : i32
    "tpu.region"() ({
      %run_scoped3A = tpu.sem_alloc : memref<!tpu.dma_semaphore, #tpu.memory_space<semaphore_mem>>
      %dma_start3A = arith.constant 0 : i32
      %dma_start3A_682 = tpu.memref_slice %arg12[%add3A_556, %dma_start3A] : memref<10240x128xf32, #tpu.memory_space<vmem_shared>> -> memref<16x128xf32, #tpu.memory_space<vmem_shared>>
      %dma_start3A_683 = arith.constant 0 : i32
      %dma_start3A_684 = tpu.memref_slice %arg12[%add3A_556, %dma_start3A_683] : memref<10240x128xf32, #tpu.memory_space<vmem_shared>> -> memref<16x128xf32, #tpu.memory_space<vmem_shared>>
      tpu.enqueue_dma source(%arg11 : memref<16x128xf32, #tpu.memory_space<vmem>>) target(%dma_start3A_684 : memref<16x128xf32, #tpu.memory_space<vmem_shared>>) target_semaphore(%run_scoped3A : memref<!tpu.dma_semaphore, #tpu.memory_space<semaphore_mem>>)
      %dma_wait3A = arith.constant 0 : i32
      %dma_wait3A_685 = tpu.memref_slice %arg12[%add3A_556, %dma_wait3A] : memref<10240x128xf32, #tpu.memory_space<vmem_shared>> -> memref<16x128xf32, #tpu.memory_space<vmem_shared>>
      %dma_wait3A_686 = arith.constant 0 : i32
      %dma_wait3A_687 = tpu.memref_slice %arg12[%add3A_556, %dma_wait3A_686] : memref<10240x128xf32, #tpu.memory_space<vmem_shared>> -> memref<16x128xf32, #tpu.memory_space<vmem_shared>>
      tpu.wait_dma2 semaphore(%run_scoped3A : memref<!tpu.dma_semaphore, #tpu.memory_space<semaphore_mem>>) src(%arg11 : memref<16x128xf32, #tpu.memory_space<vmem>>) dst(%dma_wait3A_687 : memref<16x128xf32, #tpu.memory_space<vmem_shared>>)
      tpu.yield
    }) : () -> ()
    %mul3A_557 = arith.constant 640 : i32
    %mul3A_558 = arith.muli %arg1, %mul3A_557 : i32
    %add3A_559 = arith.constant 176 : i32
    %add3A_560 = arith.addi %mul3A_558, %add3A_559 : i32
    "tpu.region"() ({
      %run_scoped3A = tpu.sem_alloc : memref<!tpu.dma_semaphore, #tpu.memory_space<semaphore_mem>>
      %dma_start3A = arith.constant 0 : i32
      %dma_start3A_682 = tpu.memref_slice %arg12[%add3A_560, %dma_start3A] : memref<10240x128xf32, #tpu.memory_space<vmem_shared>> -> memref<16x128xf32, #tpu.memory_space<vmem_shared>>
      %dma_start3A_683 = arith.constant 0 : i32
      %dma_start3A_684 = tpu.memref_slice %arg12[%add3A_560, %dma_start3A_683] : memref<10240x128xf32, #tpu.memory_space<vmem_shared>> -> memref<16x128xf32, #tpu.memory_space<vmem_shared>>
      tpu.enqueue_dma source(%arg11 : memref<16x128xf32, #tpu.memory_space<vmem>>) target(%dma_start3A_684 : memref<16x128xf32, #tpu.memory_space<vmem_shared>>) target_semaphore(%run_scoped3A : memref<!tpu.dma_semaphore, #tpu.memory_space<semaphore_mem>>)
      %dma_wait3A = arith.constant 0 : i32
      %dma_wait3A_685 = tpu.memref_slice %arg12[%add3A_560, %dma_wait3A] : memref<10240x128xf32, #tpu.memory_space<vmem_shared>> -> memref<16x128xf32, #tpu.memory_space<vmem_shared>>
      %dma_wait3A_686 = arith.constant 0 : i32
      %dma_wait3A_687 = tpu.memref_slice %arg12[%add3A_560, %dma_wait3A_686] : memref<10240x128xf32, #tpu.memory_space<vmem_shared>> -> memref<16x128xf32, #tpu.memory_space<vmem_shared>>
      tpu.wait_dma2 semaphore(%run_scoped3A : memref<!tpu.dma_semaphore, #tpu.memory_space<semaphore_mem>>) src(%arg11 : memref<16x128xf32, #tpu.memory_space<vmem>>) dst(%dma_wait3A_687 : memref<16x128xf32, #tpu.memory_space<vmem_shared>>)
      tpu.yield
    }) : () -> ()
    %mul3A_561 = arith.constant 640 : i32
    %mul3A_562 = arith.muli %arg1, %mul3A_561 : i32
    %add3A_563 = arith.constant 192 : i32
    %add3A_564 = arith.addi %mul3A_562, %add3A_563 : i32
    "tpu.region"() ({
      %run_scoped3A = tpu.sem_alloc : memref<!tpu.dma_semaphore, #tpu.memory_space<semaphore_mem>>
      %dma_start3A = arith.constant 0 : i32
      %dma_start3A_682 = tpu.memref_slice %arg12[%add3A_564, %dma_start3A] : memref<10240x128xf32, #tpu.memory_space<vmem_shared>> -> memref<16x128xf32, #tpu.memory_space<vmem_shared>>
      %dma_start3A_683 = arith.constant 0 : i32
      %dma_start3A_684 = tpu.memref_slice %arg12[%add3A_564, %dma_start3A_683] : memref<10240x128xf32, #tpu.memory_space<vmem_shared>> -> memref<16x128xf32, #tpu.memory_space<vmem_shared>>
      tpu.enqueue_dma source(%arg11 : memref<16x128xf32, #tpu.memory_space<vmem>>) target(%dma_start3A_684 : memref<16x128xf32, #tpu.memory_space<vmem_shared>>) target_semaphore(%run_scoped3A : memref<!tpu.dma_semaphore, #tpu.memory_space<semaphore_mem>>)
      %dma_wait3A = arith.constant 0 : i32
      %dma_wait3A_685 = tpu.memref_slice %arg12[%add3A_564, %dma_wait3A] : memref<10240x128xf32, #tpu.memory_space<vmem_shared>> -> memref<16x128xf32, #tpu.memory_space<vmem_shared>>
      %dma_wait3A_686 = arith.constant 0 : i32
      %dma_wait3A_687 = tpu.memref_slice %arg12[%add3A_564, %dma_wait3A_686] : memref<10240x128xf32, #tpu.memory_space<vmem_shared>> -> memref<16x128xf32, #tpu.memory_space<vmem_shared>>
      tpu.wait_dma2 semaphore(%run_scoped3A : memref<!tpu.dma_semaphore, #tpu.memory_space<semaphore_mem>>) src(%arg11 : memref<16x128xf32, #tpu.memory_space<vmem>>) dst(%dma_wait3A_687 : memref<16x128xf32, #tpu.memory_space<vmem_shared>>)
      tpu.yield
    }) : () -> ()
    %mul3A_565 = arith.constant 640 : i32
    %mul3A_566 = arith.muli %arg1, %mul3A_565 : i32
    %add3A_567 = arith.constant 208 : i32
    %add3A_568 = arith.addi %mul3A_566, %add3A_567 : i32
    "tpu.region"() ({
      %run_scoped3A = tpu.sem_alloc : memref<!tpu.dma_semaphore, #tpu.memory_space<semaphore_mem>>
      %dma_start3A = arith.constant 0 : i32
      %dma_start3A_682 = tpu.memref_slice %arg12[%add3A_568, %dma_start3A] : memref<10240x128xf32, #tpu.memory_space<vmem_shared>> -> memref<16x128xf32, #tpu.memory_space<vmem_shared>>
      %dma_start3A_683 = arith.constant 0 : i32
      %dma_start3A_684 = tpu.memref_slice %arg12[%add3A_568, %dma_start3A_683] : memref<10240x128xf32, #tpu.memory_space<vmem_shared>> -> memref<16x128xf32, #tpu.memory_space<vmem_shared>>
      tpu.enqueue_dma source(%arg11 : memref<16x128xf32, #tpu.memory_space<vmem>>) target(%dma_start3A_684 : memref<16x128xf32, #tpu.memory_space<vmem_shared>>) target_semaphore(%run_scoped3A : memref<!tpu.dma_semaphore, #tpu.memory_space<semaphore_mem>>)
      %dma_wait3A = arith.constant 0 : i32
      %dma_wait3A_685 = tpu.memref_slice %arg12[%add3A_568, %dma_wait3A] : memref<10240x128xf32, #tpu.memory_space<vmem_shared>> -> memref<16x128xf32, #tpu.memory_space<vmem_shared>>
      %dma_wait3A_686 = arith.constant 0 : i32
      %dma_wait3A_687 = tpu.memref_slice %arg12[%add3A_568, %dma_wait3A_686] : memref<10240x128xf32, #tpu.memory_space<vmem_shared>> -> memref<16x128xf32, #tpu.memory_space<vmem_shared>>
      tpu.wait_dma2 semaphore(%run_scoped3A : memref<!tpu.dma_semaphore, #tpu.memory_space<semaphore_mem>>) src(%arg11 : memref<16x128xf32, #tpu.memory_space<vmem>>) dst(%dma_wait3A_687 : memref<16x128xf32, #tpu.memory_space<vmem_shared>>)
      tpu.yield
    }) : () -> ()
    %mul3A_569 = arith.constant 640 : i32
    %mul3A_570 = arith.muli %arg1, %mul3A_569 : i32
    %add3A_571 = arith.constant 224 : i32
    %add3A_572 = arith.addi %mul3A_570, %add3A_571 : i32
    "tpu.region"() ({
      %run_scoped3A = tpu.sem_alloc : memref<!tpu.dma_semaphore, #tpu.memory_space<semaphore_mem>>
      %dma_start3A = arith.constant 0 : i32
      %dma_start3A_682 = tpu.memref_slice %arg12[%add3A_572, %dma_start3A] : memref<10240x128xf32, #tpu.memory_space<vmem_shared>> -> memref<16x128xf32, #tpu.memory_space<vmem_shared>>
      %dma_start3A_683 = arith.constant 0 : i32
      %dma_start3A_684 = tpu.memref_slice %arg12[%add3A_572, %dma_start3A_683] : memref<10240x128xf32, #tpu.memory_space<vmem_shared>> -> memref<16x128xf32, #tpu.memory_space<vmem_shared>>
      tpu.enqueue_dma source(%arg11 : memref<16x128xf32, #tpu.memory_space<vmem>>) target(%dma_start3A_684 : memref<16x128xf32, #tpu.memory_space<vmem_shared>>) target_semaphore(%run_scoped3A : memref<!tpu.dma_semaphore, #tpu.memory_space<semaphore_mem>>)
      %dma_wait3A = arith.constant 0 : i32
      %dma_wait3A_685 = tpu.memref_slice %arg12[%add3A_572, %dma_wait3A] : memref<10240x128xf32, #tpu.memory_space<vmem_shared>> -> memref<16x128xf32, #tpu.memory_space<vmem_shared>>
      %dma_wait3A_686 = arith.constant 0 : i32
      %dma_wait3A_687 = tpu.memref_slice %arg12[%add3A_572, %dma_wait3A_686] : memref<10240x128xf32, #tpu.memory_space<vmem_shared>> -> memref<16x128xf32, #tpu.memory_space<vmem_shared>>
      tpu.wait_dma2 semaphore(%run_scoped3A : memref<!tpu.dma_semaphore, #tpu.memory_space<semaphore_mem>>) src(%arg11 : memref<16x128xf32, #tpu.memory_space<vmem>>) dst(%dma_wait3A_687 : memref<16x128xf32, #tpu.memory_space<vmem_shared>>)
      tpu.yield
    }) : () -> ()
    %mul3A_573 = arith.constant 640 : i32
    %mul3A_574 = arith.muli %arg1, %mul3A_573 : i32
    %add3A_575 = arith.constant 240 : i32
    %add3A_576 = arith.addi %mul3A_574, %add3A_575 : i32
    "tpu.region"() ({
      %run_scoped3A = tpu.sem_alloc : memref<!tpu.dma_semaphore, #tpu.memory_space<semaphore_mem>>
      %dma_start3A = arith.constant 0 : i32
      %dma_start3A_682 = tpu.memref_slice %arg12[%add3A_576, %dma_start3A] : memref<10240x128xf32, #tpu.memory_space<vmem_shared>> -> memref<16x128xf32, #tpu.memory_space<vmem_shared>>
      %dma_start3A_683 = arith.constant 0 : i32
      %dma_start3A_684 = tpu.memref_slice %arg12[%add3A_576, %dma_start3A_683] : memref<10240x128xf32, #tpu.memory_space<vmem_shared>> -> memref<16x128xf32, #tpu.memory_space<vmem_shared>>
      tpu.enqueue_dma source(%arg11 : memref<16x128xf32, #tpu.memory_space<vmem>>) target(%dma_start3A_684 : memref<16x128xf32, #tpu.memory_space<vmem_shared>>) target_semaphore(%run_scoped3A : memref<!tpu.dma_semaphore, #tpu.memory_space<semaphore_mem>>)
      %dma_wait3A = arith.constant 0 : i32
      %dma_wait3A_685 = tpu.memref_slice %arg12[%add3A_576, %dma_wait3A] : memref<10240x128xf32, #tpu.memory_space<vmem_shared>> -> memref<16x128xf32, #tpu.memory_space<vmem_shared>>
      %dma_wait3A_686 = arith.constant 0 : i32
      %dma_wait3A_687 = tpu.memref_slice %arg12[%add3A_576, %dma_wait3A_686] : memref<10240x128xf32, #tpu.memory_space<vmem_shared>> -> memref<16x128xf32, #tpu.memory_space<vmem_shared>>
      tpu.wait_dma2 semaphore(%run_scoped3A : memref<!tpu.dma_semaphore, #tpu.memory_space<semaphore_mem>>) src(%arg11 : memref<16x128xf32, #tpu.memory_space<vmem>>) dst(%dma_wait3A_687 : memref<16x128xf32, #tpu.memory_space<vmem_shared>>)
      tpu.yield
    }) : () -> ()
    %mul3A_577 = arith.constant 640 : i32
    %mul3A_578 = arith.muli %arg1, %mul3A_577 : i32
    %add3A_579 = arith.constant 256 : i32
    %add3A_580 = arith.addi %mul3A_578, %add3A_579 : i32
    "tpu.region"() ({
      %run_scoped3A = tpu.sem_alloc : memref<!tpu.dma_semaphore, #tpu.memory_space<semaphore_mem>>
      %dma_start3A = arith.constant 0 : i32
      %dma_start3A_682 = tpu.memref_slice %arg12[%add3A_580, %dma_start3A] : memref<10240x128xf32, #tpu.memory_space<vmem_shared>> -> memref<16x128xf32, #tpu.memory_space<vmem_shared>>
      %dma_start3A_683 = arith.constant 0 : i32
      %dma_start3A_684 = tpu.memref_slice %arg12[%add3A_580, %dma_start3A_683] : memref<10240x128xf32, #tpu.memory_space<vmem_shared>> -> memref<16x128xf32, #tpu.memory_space<vmem_shared>>
      tpu.enqueue_dma source(%arg11 : memref<16x128xf32, #tpu.memory_space<vmem>>) target(%dma_start3A_684 : memref<16x128xf32, #tpu.memory_space<vmem_shared>>) target_semaphore(%run_scoped3A : memref<!tpu.dma_semaphore, #tpu.memory_space<semaphore_mem>>)
      %dma_wait3A = arith.constant 0 : i32
      %dma_wait3A_685 = tpu.memref_slice %arg12[%add3A_580, %dma_wait3A] : memref<10240x128xf32, #tpu.memory_space<vmem_shared>> -> memref<16x128xf32, #tpu.memory_space<vmem_shared>>
      %dma_wait3A_686 = arith.constant 0 : i32
      %dma_wait3A_687 = tpu.memref_slice %arg12[%add3A_580, %dma_wait3A_686] : memref<10240x128xf32, #tpu.memory_space<vmem_shared>> -> memref<16x128xf32, #tpu.memory_space<vmem_shared>>
      tpu.wait_dma2 semaphore(%run_scoped3A : memref<!tpu.dma_semaphore, #tpu.memory_space<semaphore_mem>>) src(%arg11 : memref<16x128xf32, #tpu.memory_space<vmem>>) dst(%dma_wait3A_687 : memref<16x128xf32, #tpu.memory_space<vmem_shared>>)
      tpu.yield
    }) : () -> ()
    %mul3A_581 = arith.constant 640 : i32
    %mul3A_582 = arith.muli %arg1, %mul3A_581 : i32
    %add3A_583 = arith.constant 272 : i32
    %add3A_584 = arith.addi %mul3A_582, %add3A_583 : i32
    "tpu.region"() ({
      %run_scoped3A = tpu.sem_alloc : memref<!tpu.dma_semaphore, #tpu.memory_space<semaphore_mem>>
      %dma_start3A = arith.constant 0 : i32
      %dma_start3A_682 = tpu.memref_slice %arg12[%add3A_584, %dma_start3A] : memref<10240x128xf32, #tpu.memory_space<vmem_shared>> -> memref<16x128xf32, #tpu.memory_space<vmem_shared>>
      %dma_start3A_683 = arith.constant 0 : i32
      %dma_start3A_684 = tpu.memref_slice %arg12[%add3A_584, %dma_start3A_683] : memref<10240x128xf32, #tpu.memory_space<vmem_shared>> -> memref<16x128xf32, #tpu.memory_space<vmem_shared>>
      tpu.enqueue_dma source(%arg11 : memref<16x128xf32, #tpu.memory_space<vmem>>) target(%dma_start3A_684 : memref<16x128xf32, #tpu.memory_space<vmem_shared>>) target_semaphore(%run_scoped3A : memref<!tpu.dma_semaphore, #tpu.memory_space<semaphore_mem>>)
      %dma_wait3A = arith.constant 0 : i32
      %dma_wait3A_685 = tpu.memref_slice %arg12[%add3A_584, %dma_wait3A] : memref<10240x128xf32, #tpu.memory_space<vmem_shared>> -> memref<16x128xf32, #tpu.memory_space<vmem_shared>>
      %dma_wait3A_686 = arith.constant 0 : i32
      %dma_wait3A_687 = tpu.memref_slice %arg12[%add3A_584, %dma_wait3A_686] : memref<10240x128xf32, #tpu.memory_space<vmem_shared>> -> memref<16x128xf32, #tpu.memory_space<vmem_shared>>
      tpu.wait_dma2 semaphore(%run_scoped3A : memref<!tpu.dma_semaphore, #tpu.memory_space<semaphore_mem>>) src(%arg11 : memref<16x128xf32, #tpu.memory_space<vmem>>) dst(%dma_wait3A_687 : memref<16x128xf32, #tpu.memory_space<vmem_shared>>)
      tpu.yield
    }) : () -> ()
    %mul3A_585 = arith.constant 640 : i32
    %mul3A_586 = arith.muli %arg1, %mul3A_585 : i32
    %add3A_587 = arith.constant 288 : i32
    %add3A_588 = arith.addi %mul3A_586, %add3A_587 : i32
    "tpu.region"() ({
      %run_scoped3A = tpu.sem_alloc : memref<!tpu.dma_semaphore, #tpu.memory_space<semaphore_mem>>
      %dma_start3A = arith.constant 0 : i32
      %dma_start3A_682 = tpu.memref_slice %arg12[%add3A_588, %dma_start3A] : memref<10240x128xf32, #tpu.memory_space<vmem_shared>> -> memref<16x128xf32, #tpu.memory_space<vmem_shared>>
      %dma_start3A_683 = arith.constant 0 : i32
      %dma_start3A_684 = tpu.memref_slice %arg12[%add3A_588, %dma_start3A_683] : memref<10240x128xf32, #tpu.memory_space<vmem_shared>> -> memref<16x128xf32, #tpu.memory_space<vmem_shared>>
      tpu.enqueue_dma source(%arg11 : memref<16x128xf32, #tpu.memory_space<vmem>>) target(%dma_start3A_684 : memref<16x128xf32, #tpu.memory_space<vmem_shared>>) target_semaphore(%run_scoped3A : memref<!tpu.dma_semaphore, #tpu.memory_space<semaphore_mem>>)
      %dma_wait3A = arith.constant 0 : i32
      %dma_wait3A_685 = tpu.memref_slice %arg12[%add3A_588, %dma_wait3A] : memref<10240x128xf32, #tpu.memory_space<vmem_shared>> -> memref<16x128xf32, #tpu.memory_space<vmem_shared>>
      %dma_wait3A_686 = arith.constant 0 : i32
      %dma_wait3A_687 = tpu.memref_slice %arg12[%add3A_588, %dma_wait3A_686] : memref<10240x128xf32, #tpu.memory_space<vmem_shared>> -> memref<16x128xf32, #tpu.memory_space<vmem_shared>>
      tpu.wait_dma2 semaphore(%run_scoped3A : memref<!tpu.dma_semaphore, #tpu.memory_space<semaphore_mem>>) src(%arg11 : memref<16x128xf32, #tpu.memory_space<vmem>>) dst(%dma_wait3A_687 : memref<16x128xf32, #tpu.memory_space<vmem_shared>>)
      tpu.yield
    }) : () -> ()
    %mul3A_589 = arith.constant 640 : i32
    %mul3A_590 = arith.muli %arg1, %mul3A_589 : i32
    %add3A_591 = arith.constant 304 : i32
    %add3A_592 = arith.addi %mul3A_590, %add3A_591 : i32
    "tpu.region"() ({
      %run_scoped3A = tpu.sem_alloc : memref<!tpu.dma_semaphore, #tpu.memory_space<semaphore_mem>>
      %dma_start3A = arith.constant 0 : i32
      %dma_start3A_682 = tpu.memref_slice %arg12[%add3A_592, %dma_start3A] : memref<10240x128xf32, #tpu.memory_space<vmem_shared>> -> memref<16x128xf32, #tpu.memory_space<vmem_shared>>
      %dma_start3A_683 = arith.constant 0 : i32
      %dma_start3A_684 = tpu.memref_slice %arg12[%add3A_592, %dma_start3A_683] : memref<10240x128xf32, #tpu.memory_space<vmem_shared>> -> memref<16x128xf32, #tpu.memory_space<vmem_shared>>
      tpu.enqueue_dma source(%arg11 : memref<16x128xf32, #tpu.memory_space<vmem>>) target(%dma_start3A_684 : memref<16x128xf32, #tpu.memory_space<vmem_shared>>) target_semaphore(%run_scoped3A : memref<!tpu.dma_semaphore, #tpu.memory_space<semaphore_mem>>)
      %dma_wait3A = arith.constant 0 : i32
      %dma_wait3A_685 = tpu.memref_slice %arg12[%add3A_592, %dma_wait3A] : memref<10240x128xf32, #tpu.memory_space<vmem_shared>> -> memref<16x128xf32, #tpu.memory_space<vmem_shared>>
      %dma_wait3A_686 = arith.constant 0 : i32
      %dma_wait3A_687 = tpu.memref_slice %arg12[%add3A_592, %dma_wait3A_686] : memref<10240x128xf32, #tpu.memory_space<vmem_shared>> -> memref<16x128xf32, #tpu.memory_space<vmem_shared>>
      tpu.wait_dma2 semaphore(%run_scoped3A : memref<!tpu.dma_semaphore, #tpu.memory_space<semaphore_mem>>) src(%arg11 : memref<16x128xf32, #tpu.memory_space<vmem>>) dst(%dma_wait3A_687 : memref<16x128xf32, #tpu.memory_space<vmem_shared>>)
      tpu.yield
    }) : () -> ()
    %mul3A_593 = arith.constant 640 : i32
    %mul3A_594 = arith.muli %arg1, %mul3A_593 : i32
    %add3A_595 = arith.constant 320 : i32
    %add3A_596 = arith.addi %mul3A_594, %add3A_595 : i32
    "tpu.region"() ({
      %run_scoped3A = tpu.sem_alloc : memref<!tpu.dma_semaphore, #tpu.memory_space<semaphore_mem>>
      %dma_start3A = arith.constant 0 : i32
      %dma_start3A_682 = tpu.memref_slice %arg12[%add3A_596, %dma_start3A] : memref<10240x128xf32, #tpu.memory_space<vmem_shared>> -> memref<16x128xf32, #tpu.memory_space<vmem_shared>>
      %dma_start3A_683 = arith.constant 0 : i32
      %dma_start3A_684 = tpu.memref_slice %arg12[%add3A_596, %dma_start3A_683] : memref<10240x128xf32, #tpu.memory_space<vmem_shared>> -> memref<16x128xf32, #tpu.memory_space<vmem_shared>>
      tpu.enqueue_dma source(%arg11 : memref<16x128xf32, #tpu.memory_space<vmem>>) target(%dma_start3A_684 : memref<16x128xf32, #tpu.memory_space<vmem_shared>>) target_semaphore(%run_scoped3A : memref<!tpu.dma_semaphore, #tpu.memory_space<semaphore_mem>>)
      %dma_wait3A = arith.constant 0 : i32
      %dma_wait3A_685 = tpu.memref_slice %arg12[%add3A_596, %dma_wait3A] : memref<10240x128xf32, #tpu.memory_space<vmem_shared>> -> memref<16x128xf32, #tpu.memory_space<vmem_shared>>
      %dma_wait3A_686 = arith.constant 0 : i32
      %dma_wait3A_687 = tpu.memref_slice %arg12[%add3A_596, %dma_wait3A_686] : memref<10240x128xf32, #tpu.memory_space<vmem_shared>> -> memref<16x128xf32, #tpu.memory_space<vmem_shared>>
      tpu.wait_dma2 semaphore(%run_scoped3A : memref<!tpu.dma_semaphore, #tpu.memory_space<semaphore_mem>>) src(%arg11 : memref<16x128xf32, #tpu.memory_space<vmem>>) dst(%dma_wait3A_687 : memref<16x128xf32, #tpu.memory_space<vmem_shared>>)
      tpu.yield
    }) : () -> ()
    %mul3A_597 = arith.constant 640 : i32
    %mul3A_598 = arith.muli %arg1, %mul3A_597 : i32
    %add3A_599 = arith.constant 336 : i32
    %add3A_600 = arith.addi %mul3A_598, %add3A_599 : i32
    "tpu.region"() ({
      %run_scoped3A = tpu.sem_alloc : memref<!tpu.dma_semaphore, #tpu.memory_space<semaphore_mem>>
      %dma_start3A = arith.constant 0 : i32
      %dma_start3A_682 = tpu.memref_slice %arg12[%add3A_600, %dma_start3A] : memref<10240x128xf32, #tpu.memory_space<vmem_shared>> -> memref<16x128xf32, #tpu.memory_space<vmem_shared>>
      %dma_start3A_683 = arith.constant 0 : i32
      %dma_start3A_684 = tpu.memref_slice %arg12[%add3A_600, %dma_start3A_683] : memref<10240x128xf32, #tpu.memory_space<vmem_shared>> -> memref<16x128xf32, #tpu.memory_space<vmem_shared>>
      tpu.enqueue_dma source(%arg11 : memref<16x128xf32, #tpu.memory_space<vmem>>) target(%dma_start3A_684 : memref<16x128xf32, #tpu.memory_space<vmem_shared>>) target_semaphore(%run_scoped3A : memref<!tpu.dma_semaphore, #tpu.memory_space<semaphore_mem>>)
      %dma_wait3A = arith.constant 0 : i32
      %dma_wait3A_685 = tpu.memref_slice %arg12[%add3A_600, %dma_wait3A] : memref<10240x128xf32, #tpu.memory_space<vmem_shared>> -> memref<16x128xf32, #tpu.memory_space<vmem_shared>>
      %dma_wait3A_686 = arith.constant 0 : i32
      %dma_wait3A_687 = tpu.memref_slice %arg12[%add3A_600, %dma_wait3A_686] : memref<10240x128xf32, #tpu.memory_space<vmem_shared>> -> memref<16x128xf32, #tpu.memory_space<vmem_shared>>
      tpu.wait_dma2 semaphore(%run_scoped3A : memref<!tpu.dma_semaphore, #tpu.memory_space<semaphore_mem>>) src(%arg11 : memref<16x128xf32, #tpu.memory_space<vmem>>) dst(%dma_wait3A_687 : memref<16x128xf32, #tpu.memory_space<vmem_shared>>)
      tpu.yield
    }) : () -> ()
    %mul3A_601 = arith.constant 640 : i32
    %mul3A_602 = arith.muli %arg1, %mul3A_601 : i32
    %add3A_603 = arith.constant 352 : i32
    %add3A_604 = arith.addi %mul3A_602, %add3A_603 : i32
    "tpu.region"() ({
      %run_scoped3A = tpu.sem_alloc : memref<!tpu.dma_semaphore, #tpu.memory_space<semaphore_mem>>
      %dma_start3A = arith.constant 0 : i32
      %dma_start3A_682 = tpu.memref_slice %arg12[%add3A_604, %dma_start3A] : memref<10240x128xf32, #tpu.memory_space<vmem_shared>> -> memref<16x128xf32, #tpu.memory_space<vmem_shared>>
      %dma_start3A_683 = arith.constant 0 : i32
      %dma_start3A_684 = tpu.memref_slice %arg12[%add3A_604, %dma_start3A_683] : memref<10240x128xf32, #tpu.memory_space<vmem_shared>> -> memref<16x128xf32, #tpu.memory_space<vmem_shared>>
      tpu.enqueue_dma source(%arg11 : memref<16x128xf32, #tpu.memory_space<vmem>>) target(%dma_start3A_684 : memref<16x128xf32, #tpu.memory_space<vmem_shared>>) target_semaphore(%run_scoped3A : memref<!tpu.dma_semaphore, #tpu.memory_space<semaphore_mem>>)
      %dma_wait3A = arith.constant 0 : i32
      %dma_wait3A_685 = tpu.memref_slice %arg12[%add3A_604, %dma_wait3A] : memref<10240x128xf32, #tpu.memory_space<vmem_shared>> -> memref<16x128xf32, #tpu.memory_space<vmem_shared>>
      %dma_wait3A_686 = arith.constant 0 : i32
      %dma_wait3A_687 = tpu.memref_slice %arg12[%add3A_604, %dma_wait3A_686] : memref<10240x128xf32, #tpu.memory_space<vmem_shared>> -> memref<16x128xf32, #tpu.memory_space<vmem_shared>>
      tpu.wait_dma2 semaphore(%run_scoped3A : memref<!tpu.dma_semaphore, #tpu.memory_space<semaphore_mem>>) src(%arg11 : memref<16x128xf32, #tpu.memory_space<vmem>>) dst(%dma_wait3A_687 : memref<16x128xf32, #tpu.memory_space<vmem_shared>>)
      tpu.yield
    }) : () -> ()
    %mul3A_605 = arith.constant 640 : i32
    %mul3A_606 = arith.muli %arg1, %mul3A_605 : i32
    %add3A_607 = arith.constant 368 : i32
    %add3A_608 = arith.addi %mul3A_606, %add3A_607 : i32
    "tpu.region"() ({
      %run_scoped3A = tpu.sem_alloc : memref<!tpu.dma_semaphore, #tpu.memory_space<semaphore_mem>>
      %dma_start3A = arith.constant 0 : i32
      %dma_start3A_682 = tpu.memref_slice %arg12[%add3A_608, %dma_start3A] : memref<10240x128xf32, #tpu.memory_space<vmem_shared>> -> memref<16x128xf32, #tpu.memory_space<vmem_shared>>
      %dma_start3A_683 = arith.constant 0 : i32
      %dma_start3A_684 = tpu.memref_slice %arg12[%add3A_608, %dma_start3A_683] : memref<10240x128xf32, #tpu.memory_space<vmem_shared>> -> memref<16x128xf32, #tpu.memory_space<vmem_shared>>
      tpu.enqueue_dma source(%arg11 : memref<16x128xf32, #tpu.memory_space<vmem>>) target(%dma_start3A_684 : memref<16x128xf32, #tpu.memory_space<vmem_shared>>) target_semaphore(%run_scoped3A : memref<!tpu.dma_semaphore, #tpu.memory_space<semaphore_mem>>)
      %dma_wait3A = arith.constant 0 : i32
      %dma_wait3A_685 = tpu.memref_slice %arg12[%add3A_608, %dma_wait3A] : memref<10240x128xf32, #tpu.memory_space<vmem_shared>> -> memref<16x128xf32, #tpu.memory_space<vmem_shared>>
      %dma_wait3A_686 = arith.constant 0 : i32
      %dma_wait3A_687 = tpu.memref_slice %arg12[%add3A_608, %dma_wait3A_686] : memref<10240x128xf32, #tpu.memory_space<vmem_shared>> -> memref<16x128xf32, #tpu.memory_space<vmem_shared>>
      tpu.wait_dma2 semaphore(%run_scoped3A : memref<!tpu.dma_semaphore, #tpu.memory_space<semaphore_mem>>) src(%arg11 : memref<16x128xf32, #tpu.memory_space<vmem>>) dst(%dma_wait3A_687 : memref<16x128xf32, #tpu.memory_space<vmem_shared>>)
      tpu.yield
    }) : () -> ()
    %mul3A_609 = arith.constant 640 : i32
    %mul3A_610 = arith.muli %arg1, %mul3A_609 : i32
    %add3A_611 = arith.constant 384 : i32
    %add3A_612 = arith.addi %mul3A_610, %add3A_611 : i32
    "tpu.region"() ({
      %run_scoped3A = tpu.sem_alloc : memref<!tpu.dma_semaphore, #tpu.memory_space<semaphore_mem>>
      %dma_start3A = arith.constant 0 : i32
      %dma_start3A_682 = tpu.memref_slice %arg12[%add3A_612, %dma_start3A] : memref<10240x128xf32, #tpu.memory_space<vmem_shared>> -> memref<16x128xf32, #tpu.memory_space<vmem_shared>>
      %dma_start3A_683 = arith.constant 0 : i32
      %dma_start3A_684 = tpu.memref_slice %arg12[%add3A_612, %dma_start3A_683] : memref<10240x128xf32, #tpu.memory_space<vmem_shared>> -> memref<16x128xf32, #tpu.memory_space<vmem_shared>>
      tpu.enqueue_dma source(%arg11 : memref<16x128xf32, #tpu.memory_space<vmem>>) target(%dma_start3A_684 : memref<16x128xf32, #tpu.memory_space<vmem_shared>>) target_semaphore(%run_scoped3A : memref<!tpu.dma_semaphore, #tpu.memory_space<semaphore_mem>>)
      %dma_wait3A = arith.constant 0 : i32
      %dma_wait3A_685 = tpu.memref_slice %arg12[%add3A_612, %dma_wait3A] : memref<10240x128xf32, #tpu.memory_space<vmem_shared>> -> memref<16x128xf32, #tpu.memory_space<vmem_shared>>
      %dma_wait3A_686 = arith.constant 0 : i32
      %dma_wait3A_687 = tpu.memref_slice %arg12[%add3A_612, %dma_wait3A_686] : memref<10240x128xf32, #tpu.memory_space<vmem_shared>> -> memref<16x128xf32, #tpu.memory_space<vmem_shared>>
      tpu.wait_dma2 semaphore(%run_scoped3A : memref<!tpu.dma_semaphore, #tpu.memory_space<semaphore_mem>>) src(%arg11 : memref<16x128xf32, #tpu.memory_space<vmem>>) dst(%dma_wait3A_687 : memref<16x128xf32, #tpu.memory_space<vmem_shared>>)
      tpu.yield
    }) : () -> ()
    %mul3A_613 = arith.constant 640 : i32
    %mul3A_614 = arith.muli %arg1, %mul3A_613 : i32
    %add3A_615 = arith.constant 400 : i32
    %add3A_616 = arith.addi %mul3A_614, %add3A_615 : i32
    "tpu.region"() ({
      %run_scoped3A = tpu.sem_alloc : memref<!tpu.dma_semaphore, #tpu.memory_space<semaphore_mem>>
      %dma_start3A = arith.constant 0 : i32
      %dma_start3A_682 = tpu.memref_slice %arg12[%add3A_616, %dma_start3A] : memref<10240x128xf32, #tpu.memory_space<vmem_shared>> -> memref<16x128xf32, #tpu.memory_space<vmem_shared>>
      %dma_start3A_683 = arith.constant 0 : i32
      %dma_start3A_684 = tpu.memref_slice %arg12[%add3A_616, %dma_start3A_683] : memref<10240x128xf32, #tpu.memory_space<vmem_shared>> -> memref<16x128xf32, #tpu.memory_space<vmem_shared>>
      tpu.enqueue_dma source(%arg11 : memref<16x128xf32, #tpu.memory_space<vmem>>) target(%dma_start3A_684 : memref<16x128xf32, #tpu.memory_space<vmem_shared>>) target_semaphore(%run_scoped3A : memref<!tpu.dma_semaphore, #tpu.memory_space<semaphore_mem>>)
      %dma_wait3A = arith.constant 0 : i32
      %dma_wait3A_685 = tpu.memref_slice %arg12[%add3A_616, %dma_wait3A] : memref<10240x128xf32, #tpu.memory_space<vmem_shared>> -> memref<16x128xf32, #tpu.memory_space<vmem_shared>>
      %dma_wait3A_686 = arith.constant 0 : i32
      %dma_wait3A_687 = tpu.memref_slice %arg12[%add3A_616, %dma_wait3A_686] : memref<10240x128xf32, #tpu.memory_space<vmem_shared>> -> memref<16x128xf32, #tpu.memory_space<vmem_shared>>
      tpu.wait_dma2 semaphore(%run_scoped3A : memref<!tpu.dma_semaphore, #tpu.memory_space<semaphore_mem>>) src(%arg11 : memref<16x128xf32, #tpu.memory_space<vmem>>) dst(%dma_wait3A_687 : memref<16x128xf32, #tpu.memory_space<vmem_shared>>)
      tpu.yield
    }) : () -> ()
    %mul3A_617 = arith.constant 640 : i32
    %mul3A_618 = arith.muli %arg1, %mul3A_617 : i32
    %add3A_619 = arith.constant 416 : i32
    %add3A_620 = arith.addi %mul3A_618, %add3A_619 : i32
    "tpu.region"() ({
      %run_scoped3A = tpu.sem_alloc : memref<!tpu.dma_semaphore, #tpu.memory_space<semaphore_mem>>
      %dma_start3A = arith.constant 0 : i32
      %dma_start3A_682 = tpu.memref_slice %arg12[%add3A_620, %dma_start3A] : memref<10240x128xf32, #tpu.memory_space<vmem_shared>> -> memref<16x128xf32, #tpu.memory_space<vmem_shared>>
      %dma_start3A_683 = arith.constant 0 : i32
      %dma_start3A_684 = tpu.memref_slice %arg12[%add3A_620, %dma_start3A_683] : memref<10240x128xf32, #tpu.memory_space<vmem_shared>> -> memref<16x128xf32, #tpu.memory_space<vmem_shared>>
      tpu.enqueue_dma source(%arg11 : memref<16x128xf32, #tpu.memory_space<vmem>>) target(%dma_start3A_684 : memref<16x128xf32, #tpu.memory_space<vmem_shared>>) target_semaphore(%run_scoped3A : memref<!tpu.dma_semaphore, #tpu.memory_space<semaphore_mem>>)
      %dma_wait3A = arith.constant 0 : i32
      %dma_wait3A_685 = tpu.memref_slice %arg12[%add3A_620, %dma_wait3A] : memref<10240x128xf32, #tpu.memory_space<vmem_shared>> -> memref<16x128xf32, #tpu.memory_space<vmem_shared>>
      %dma_wait3A_686 = arith.constant 0 : i32
      %dma_wait3A_687 = tpu.memref_slice %arg12[%add3A_620, %dma_wait3A_686] : memref<10240x128xf32, #tpu.memory_space<vmem_shared>> -> memref<16x128xf32, #tpu.memory_space<vmem_shared>>
      tpu.wait_dma2 semaphore(%run_scoped3A : memref<!tpu.dma_semaphore, #tpu.memory_space<semaphore_mem>>) src(%arg11 : memref<16x128xf32, #tpu.memory_space<vmem>>) dst(%dma_wait3A_687 : memref<16x128xf32, #tpu.memory_space<vmem_shared>>)
      tpu.yield
    }) : () -> ()
    %mul3A_621 = arith.constant 640 : i32
    %mul3A_622 = arith.muli %arg1, %mul3A_621 : i32
    %add3A_623 = arith.constant 432 : i32
    %add3A_624 = arith.addi %mul3A_622, %add3A_623 : i32
    "tpu.region"() ({
      %run_scoped3A = tpu.sem_alloc : memref<!tpu.dma_semaphore, #tpu.memory_space<semaphore_mem>>
      %dma_start3A = arith.constant 0 : i32
      %dma_start3A_682 = tpu.memref_slice %arg12[%add3A_624, %dma_start3A] : memref<10240x128xf32, #tpu.memory_space<vmem_shared>> -> memref<16x128xf32, #tpu.memory_space<vmem_shared>>
      %dma_start3A_683 = arith.constant 0 : i32
      %dma_start3A_684 = tpu.memref_slice %arg12[%add3A_624, %dma_start3A_683] : memref<10240x128xf32, #tpu.memory_space<vmem_shared>> -> memref<16x128xf32, #tpu.memory_space<vmem_shared>>
      tpu.enqueue_dma source(%arg11 : memref<16x128xf32, #tpu.memory_space<vmem>>) target(%dma_start3A_684 : memref<16x128xf32, #tpu.memory_space<vmem_shared>>) target_semaphore(%run_scoped3A : memref<!tpu.dma_semaphore, #tpu.memory_space<semaphore_mem>>)
      %dma_wait3A = arith.constant 0 : i32
      %dma_wait3A_685 = tpu.memref_slice %arg12[%add3A_624, %dma_wait3A] : memref<10240x128xf32, #tpu.memory_space<vmem_shared>> -> memref<16x128xf32, #tpu.memory_space<vmem_shared>>
      %dma_wait3A_686 = arith.constant 0 : i32
      %dma_wait3A_687 = tpu.memref_slice %arg12[%add3A_624, %dma_wait3A_686] : memref<10240x128xf32, #tpu.memory_space<vmem_shared>> -> memref<16x128xf32, #tpu.memory_space<vmem_shared>>
      tpu.wait_dma2 semaphore(%run_scoped3A : memref<!tpu.dma_semaphore, #tpu.memory_space<semaphore_mem>>) src(%arg11 : memref<16x128xf32, #tpu.memory_space<vmem>>) dst(%dma_wait3A_687 : memref<16x128xf32, #tpu.memory_space<vmem_shared>>)
      tpu.yield
    }) : () -> ()
    %mul3A_625 = arith.constant 640 : i32
    %mul3A_626 = arith.muli %arg1, %mul3A_625 : i32
    %add3A_627 = arith.constant 448 : i32
    %add3A_628 = arith.addi %mul3A_626, %add3A_627 : i32
    "tpu.region"() ({
      %run_scoped3A = tpu.sem_alloc : memref<!tpu.dma_semaphore, #tpu.memory_space<semaphore_mem>>
      %dma_start3A = arith.constant 0 : i32
      %dma_start3A_682 = tpu.memref_slice %arg12[%add3A_628, %dma_start3A] : memref<10240x128xf32, #tpu.memory_space<vmem_shared>> -> memref<16x128xf32, #tpu.memory_space<vmem_shared>>
      %dma_start3A_683 = arith.constant 0 : i32
      %dma_start3A_684 = tpu.memref_slice %arg12[%add3A_628, %dma_start3A_683] : memref<10240x128xf32, #tpu.memory_space<vmem_shared>> -> memref<16x128xf32, #tpu.memory_space<vmem_shared>>
      tpu.enqueue_dma source(%arg11 : memref<16x128xf32, #tpu.memory_space<vmem>>) target(%dma_start3A_684 : memref<16x128xf32, #tpu.memory_space<vmem_shared>>) target_semaphore(%run_scoped3A : memref<!tpu.dma_semaphore, #tpu.memory_space<semaphore_mem>>)
      %dma_wait3A = arith.constant 0 : i32
      %dma_wait3A_685 = tpu.memref_slice %arg12[%add3A_628, %dma_wait3A] : memref<10240x128xf32, #tpu.memory_space<vmem_shared>> -> memref<16x128xf32, #tpu.memory_space<vmem_shared>>
      %dma_wait3A_686 = arith.constant 0 : i32
      %dma_wait3A_687 = tpu.memref_slice %arg12[%add3A_628, %dma_wait3A_686] : memref<10240x128xf32, #tpu.memory_space<vmem_shared>> -> memref<16x128xf32, #tpu.memory_space<vmem_shared>>
      tpu.wait_dma2 semaphore(%run_scoped3A : memref<!tpu.dma_semaphore, #tpu.memory_space<semaphore_mem>>) src(%arg11 : memref<16x128xf32, #tpu.memory_space<vmem>>) dst(%dma_wait3A_687 : memref<16x128xf32, #tpu.memory_space<vmem_shared>>)
      tpu.yield
    }) : () -> ()
    %mul3A_629 = arith.constant 640 : i32
    %mul3A_630 = arith.muli %arg1, %mul3A_629 : i32
    %add3A_631 = arith.constant 464 : i32
    %add3A_632 = arith.addi %mul3A_630, %add3A_631 : i32
    "tpu.region"() ({
      %run_scoped3A = tpu.sem_alloc : memref<!tpu.dma_semaphore, #tpu.memory_space<semaphore_mem>>
      %dma_start3A = arith.constant 0 : i32
      %dma_start3A_682 = tpu.memref_slice %arg12[%add3A_632, %dma_start3A] : memref<10240x128xf32, #tpu.memory_space<vmem_shared>> -> memref<16x128xf32, #tpu.memory_space<vmem_shared>>
      %dma_start3A_683 = arith.constant 0 : i32
      %dma_start3A_684 = tpu.memref_slice %arg12[%add3A_632, %dma_start3A_683] : memref<10240x128xf32, #tpu.memory_space<vmem_shared>> -> memref<16x128xf32, #tpu.memory_space<vmem_shared>>
      tpu.enqueue_dma source(%arg11 : memref<16x128xf32, #tpu.memory_space<vmem>>) target(%dma_start3A_684 : memref<16x128xf32, #tpu.memory_space<vmem_shared>>) target_semaphore(%run_scoped3A : memref<!tpu.dma_semaphore, #tpu.memory_space<semaphore_mem>>)
      %dma_wait3A = arith.constant 0 : i32
      %dma_wait3A_685 = tpu.memref_slice %arg12[%add3A_632, %dma_wait3A] : memref<10240x128xf32, #tpu.memory_space<vmem_shared>> -> memref<16x128xf32, #tpu.memory_space<vmem_shared>>
      %dma_wait3A_686 = arith.constant 0 : i32
      %dma_wait3A_687 = tpu.memref_slice %arg12[%add3A_632, %dma_wait3A_686] : memref<10240x128xf32, #tpu.memory_space<vmem_shared>> -> memref<16x128xf32, #tpu.memory_space<vmem_shared>>
      tpu.wait_dma2 semaphore(%run_scoped3A : memref<!tpu.dma_semaphore, #tpu.memory_space<semaphore_mem>>) src(%arg11 : memref<16x128xf32, #tpu.memory_space<vmem>>) dst(%dma_wait3A_687 : memref<16x128xf32, #tpu.memory_space<vmem_shared>>)
      tpu.yield
    }) : () -> ()
    %mul3A_633 = arith.constant 640 : i32
    %mul3A_634 = arith.muli %arg1, %mul3A_633 : i32
    %add3A_635 = arith.constant 480 : i32
    %add3A_636 = arith.addi %mul3A_634, %add3A_635 : i32
    "tpu.region"() ({
      %run_scoped3A = tpu.sem_alloc : memref<!tpu.dma_semaphore, #tpu.memory_space<semaphore_mem>>
      %dma_start3A = arith.constant 0 : i32
      %dma_start3A_682 = tpu.memref_slice %arg12[%add3A_636, %dma_start3A] : memref<10240x128xf32, #tpu.memory_space<vmem_shared>> -> memref<16x128xf32, #tpu.memory_space<vmem_shared>>
      %dma_start3A_683 = arith.constant 0 : i32
      %dma_start3A_684 = tpu.memref_slice %arg12[%add3A_636, %dma_start3A_683] : memref<10240x128xf32, #tpu.memory_space<vmem_shared>> -> memref<16x128xf32, #tpu.memory_space<vmem_shared>>
      tpu.enqueue_dma source(%arg11 : memref<16x128xf32, #tpu.memory_space<vmem>>) target(%dma_start3A_684 : memref<16x128xf32, #tpu.memory_space<vmem_shared>>) target_semaphore(%run_scoped3A : memref<!tpu.dma_semaphore, #tpu.memory_space<semaphore_mem>>)
      %dma_wait3A = arith.constant 0 : i32
      %dma_wait3A_685 = tpu.memref_slice %arg12[%add3A_636, %dma_wait3A] : memref<10240x128xf32, #tpu.memory_space<vmem_shared>> -> memref<16x128xf32, #tpu.memory_space<vmem_shared>>
      %dma_wait3A_686 = arith.constant 0 : i32
      %dma_wait3A_687 = tpu.memref_slice %arg12[%add3A_636, %dma_wait3A_686] : memref<10240x128xf32, #tpu.memory_space<vmem_shared>> -> memref<16x128xf32, #tpu.memory_space<vmem_shared>>
      tpu.wait_dma2 semaphore(%run_scoped3A : memref<!tpu.dma_semaphore, #tpu.memory_space<semaphore_mem>>) src(%arg11 : memref<16x128xf32, #tpu.memory_space<vmem>>) dst(%dma_wait3A_687 : memref<16x128xf32, #tpu.memory_space<vmem_shared>>)
      tpu.yield
    }) : () -> ()
    %mul3A_637 = arith.constant 640 : i32
    %mul3A_638 = arith.muli %arg1, %mul3A_637 : i32
    %add3A_639 = arith.constant 496 : i32
    %add3A_640 = arith.addi %mul3A_638, %add3A_639 : i32
    "tpu.region"() ({
      %run_scoped3A = tpu.sem_alloc : memref<!tpu.dma_semaphore, #tpu.memory_space<semaphore_mem>>
      %dma_start3A = arith.constant 0 : i32
      %dma_start3A_682 = tpu.memref_slice %arg12[%add3A_640, %dma_start3A] : memref<10240x128xf32, #tpu.memory_space<vmem_shared>> -> memref<16x128xf32, #tpu.memory_space<vmem_shared>>
      %dma_start3A_683 = arith.constant 0 : i32
      %dma_start3A_684 = tpu.memref_slice %arg12[%add3A_640, %dma_start3A_683] : memref<10240x128xf32, #tpu.memory_space<vmem_shared>> -> memref<16x128xf32, #tpu.memory_space<vmem_shared>>
      tpu.enqueue_dma source(%arg11 : memref<16x128xf32, #tpu.memory_space<vmem>>) target(%dma_start3A_684 : memref<16x128xf32, #tpu.memory_space<vmem_shared>>) target_semaphore(%run_scoped3A : memref<!tpu.dma_semaphore, #tpu.memory_space<semaphore_mem>>)
      %dma_wait3A = arith.constant 0 : i32
      %dma_wait3A_685 = tpu.memref_slice %arg12[%add3A_640, %dma_wait3A] : memref<10240x128xf32, #tpu.memory_space<vmem_shared>> -> memref<16x128xf32, #tpu.memory_space<vmem_shared>>
      %dma_wait3A_686 = arith.constant 0 : i32
      %dma_wait3A_687 = tpu.memref_slice %arg12[%add3A_640, %dma_wait3A_686] : memref<10240x128xf32, #tpu.memory_space<vmem_shared>> -> memref<16x128xf32, #tpu.memory_space<vmem_shared>>
      tpu.wait_dma2 semaphore(%run_scoped3A : memref<!tpu.dma_semaphore, #tpu.memory_space<semaphore_mem>>) src(%arg11 : memref<16x128xf32, #tpu.memory_space<vmem>>) dst(%dma_wait3A_687 : memref<16x128xf32, #tpu.memory_space<vmem_shared>>)
      tpu.yield
    }) : () -> ()
    %mul3A_641 = arith.constant 640 : i32
    %mul3A_642 = arith.muli %arg1, %mul3A_641 : i32
    %add3A_643 = arith.constant 512 : i32
    %add3A_644 = arith.addi %mul3A_642, %add3A_643 : i32
    "tpu.region"() ({
      %run_scoped3A = tpu.sem_alloc : memref<!tpu.dma_semaphore, #tpu.memory_space<semaphore_mem>>
      %dma_start3A = arith.constant 0 : i32
      %dma_start3A_682 = tpu.memref_slice %arg12[%add3A_644, %dma_start3A] : memref<10240x128xf32, #tpu.memory_space<vmem_shared>> -> memref<16x128xf32, #tpu.memory_space<vmem_shared>>
      %dma_start3A_683 = arith.constant 0 : i32
      %dma_start3A_684 = tpu.memref_slice %arg12[%add3A_644, %dma_start3A_683] : memref<10240x128xf32, #tpu.memory_space<vmem_shared>> -> memref<16x128xf32, #tpu.memory_space<vmem_shared>>
      tpu.enqueue_dma source(%arg11 : memref<16x128xf32, #tpu.memory_space<vmem>>) target(%dma_start3A_684 : memref<16x128xf32, #tpu.memory_space<vmem_shared>>) target_semaphore(%run_scoped3A : memref<!tpu.dma_semaphore, #tpu.memory_space<semaphore_mem>>)
      %dma_wait3A = arith.constant 0 : i32
      %dma_wait3A_685 = tpu.memref_slice %arg12[%add3A_644, %dma_wait3A] : memref<10240x128xf32, #tpu.memory_space<vmem_shared>> -> memref<16x128xf32, #tpu.memory_space<vmem_shared>>
      %dma_wait3A_686 = arith.constant 0 : i32
      %dma_wait3A_687 = tpu.memref_slice %arg12[%add3A_644, %dma_wait3A_686] : memref<10240x128xf32, #tpu.memory_space<vmem_shared>> -> memref<16x128xf32, #tpu.memory_space<vmem_shared>>
      tpu.wait_dma2 semaphore(%run_scoped3A : memref<!tpu.dma_semaphore, #tpu.memory_space<semaphore_mem>>) src(%arg11 : memref<16x128xf32, #tpu.memory_space<vmem>>) dst(%dma_wait3A_687 : memref<16x128xf32, #tpu.memory_space<vmem_shared>>)
      tpu.yield
    }) : () -> ()
    %mul3A_645 = arith.constant 640 : i32
    %mul3A_646 = arith.muli %arg1, %mul3A_645 : i32
    %add3A_647 = arith.constant 528 : i32
    %add3A_648 = arith.addi %mul3A_646, %add3A_647 : i32
    "tpu.region"() ({
      %run_scoped3A = tpu.sem_alloc : memref<!tpu.dma_semaphore, #tpu.memory_space<semaphore_mem>>
      %dma_start3A = arith.constant 0 : i32
      %dma_start3A_682 = tpu.memref_slice %arg12[%add3A_648, %dma_start3A] : memref<10240x128xf32, #tpu.memory_space<vmem_shared>> -> memref<16x128xf32, #tpu.memory_space<vmem_shared>>
      %dma_start3A_683 = arith.constant 0 : i32
      %dma_start3A_684 = tpu.memref_slice %arg12[%add3A_648, %dma_start3A_683] : memref<10240x128xf32, #tpu.memory_space<vmem_shared>> -> memref<16x128xf32, #tpu.memory_space<vmem_shared>>
      tpu.enqueue_dma source(%arg11 : memref<16x128xf32, #tpu.memory_space<vmem>>) target(%dma_start3A_684 : memref<16x128xf32, #tpu.memory_space<vmem_shared>>) target_semaphore(%run_scoped3A : memref<!tpu.dma_semaphore, #tpu.memory_space<semaphore_mem>>)
      %dma_wait3A = arith.constant 0 : i32
      %dma_wait3A_685 = tpu.memref_slice %arg12[%add3A_648, %dma_wait3A] : memref<10240x128xf32, #tpu.memory_space<vmem_shared>> -> memref<16x128xf32, #tpu.memory_space<vmem_shared>>
      %dma_wait3A_686 = arith.constant 0 : i32
      %dma_wait3A_687 = tpu.memref_slice %arg12[%add3A_648, %dma_wait3A_686] : memref<10240x128xf32, #tpu.memory_space<vmem_shared>> -> memref<16x128xf32, #tpu.memory_space<vmem_shared>>
      tpu.wait_dma2 semaphore(%run_scoped3A : memref<!tpu.dma_semaphore, #tpu.memory_space<semaphore_mem>>) src(%arg11 : memref<16x128xf32, #tpu.memory_space<vmem>>) dst(%dma_wait3A_687 : memref<16x128xf32, #tpu.memory_space<vmem_shared>>)
      tpu.yield
    }) : () -> ()
    %mul3A_649 = arith.constant 640 : i32
    %mul3A_650 = arith.muli %arg1, %mul3A_649 : i32
    %add3A_651 = arith.constant 544 : i32
    %add3A_652 = arith.addi %mul3A_650, %add3A_651 : i32
    "tpu.region"() ({
      %run_scoped3A = tpu.sem_alloc : memref<!tpu.dma_semaphore, #tpu.memory_space<semaphore_mem>>
      %dma_start3A = arith.constant 0 : i32
      %dma_start3A_682 = tpu.memref_slice %arg12[%add3A_652, %dma_start3A] : memref<10240x128xf32, #tpu.memory_space<vmem_shared>> -> memref<16x128xf32, #tpu.memory_space<vmem_shared>>
      %dma_start3A_683 = arith.constant 0 : i32
      %dma_start3A_684 = tpu.memref_slice %arg12[%add3A_652, %dma_start3A_683] : memref<10240x128xf32, #tpu.memory_space<vmem_shared>> -> memref<16x128xf32, #tpu.memory_space<vmem_shared>>
      tpu.enqueue_dma source(%arg11 : memref<16x128xf32, #tpu.memory_space<vmem>>) target(%dma_start3A_684 : memref<16x128xf32, #tpu.memory_space<vmem_shared>>) target_semaphore(%run_scoped3A : memref<!tpu.dma_semaphore, #tpu.memory_space<semaphore_mem>>)
      %dma_wait3A = arith.constant 0 : i32
      %dma_wait3A_685 = tpu.memref_slice %arg12[%add3A_652, %dma_wait3A] : memref<10240x128xf32, #tpu.memory_space<vmem_shared>> -> memref<16x128xf32, #tpu.memory_space<vmem_shared>>
      %dma_wait3A_686 = arith.constant 0 : i32
      %dma_wait3A_687 = tpu.memref_slice %arg12[%add3A_652, %dma_wait3A_686] : memref<10240x128xf32, #tpu.memory_space<vmem_shared>> -> memref<16x128xf32, #tpu.memory_space<vmem_shared>>
      tpu.wait_dma2 semaphore(%run_scoped3A : memref<!tpu.dma_semaphore, #tpu.memory_space<semaphore_mem>>) src(%arg11 : memref<16x128xf32, #tpu.memory_space<vmem>>) dst(%dma_wait3A_687 : memref<16x128xf32, #tpu.memory_space<vmem_shared>>)
      tpu.yield
    }) : () -> ()
    %mul3A_653 = arith.constant 640 : i32
    %mul3A_654 = arith.muli %arg1, %mul3A_653 : i32
    %add3A_655 = arith.constant 560 : i32
    %add3A_656 = arith.addi %mul3A_654, %add3A_655 : i32
    "tpu.region"() ({
      %run_scoped3A = tpu.sem_alloc : memref<!tpu.dma_semaphore, #tpu.memory_space<semaphore_mem>>
      %dma_start3A = arith.constant 0 : i32
      %dma_start3A_682 = tpu.memref_slice %arg12[%add3A_656, %dma_start3A] : memref<10240x128xf32, #tpu.memory_space<vmem_shared>> -> memref<16x128xf32, #tpu.memory_space<vmem_shared>>
      %dma_start3A_683 = arith.constant 0 : i32
      %dma_start3A_684 = tpu.memref_slice %arg12[%add3A_656, %dma_start3A_683] : memref<10240x128xf32, #tpu.memory_space<vmem_shared>> -> memref<16x128xf32, #tpu.memory_space<vmem_shared>>
      tpu.enqueue_dma source(%arg11 : memref<16x128xf32, #tpu.memory_space<vmem>>) target(%dma_start3A_684 : memref<16x128xf32, #tpu.memory_space<vmem_shared>>) target_semaphore(%run_scoped3A : memref<!tpu.dma_semaphore, #tpu.memory_space<semaphore_mem>>)
      %dma_wait3A = arith.constant 0 : i32
      %dma_wait3A_685 = tpu.memref_slice %arg12[%add3A_656, %dma_wait3A] : memref<10240x128xf32, #tpu.memory_space<vmem_shared>> -> memref<16x128xf32, #tpu.memory_space<vmem_shared>>
      %dma_wait3A_686 = arith.constant 0 : i32
      %dma_wait3A_687 = tpu.memref_slice %arg12[%add3A_656, %dma_wait3A_686] : memref<10240x128xf32, #tpu.memory_space<vmem_shared>> -> memref<16x128xf32, #tpu.memory_space<vmem_shared>>
      tpu.wait_dma2 semaphore(%run_scoped3A : memref<!tpu.dma_semaphore, #tpu.memory_space<semaphore_mem>>) src(%arg11 : memref<16x128xf32, #tpu.memory_space<vmem>>) dst(%dma_wait3A_687 : memref<16x128xf32, #tpu.memory_space<vmem_shared>>)
      tpu.yield
    }) : () -> ()
    %mul3A_657 = arith.constant 640 : i32
    %mul3A_658 = arith.muli %arg1, %mul3A_657 : i32
    %add3A_659 = arith.constant 576 : i32
    %add3A_660 = arith.addi %mul3A_658, %add3A_659 : i32
    "tpu.region"() ({
      %run_scoped3A = tpu.sem_alloc : memref<!tpu.dma_semaphore, #tpu.memory_space<semaphore_mem>>
      %dma_start3A = arith.constant 0 : i32
      %dma_start3A_682 = tpu.memref_slice %arg12[%add3A_660, %dma_start3A] : memref<10240x128xf32, #tpu.memory_space<vmem_shared>> -> memref<16x128xf32, #tpu.memory_space<vmem_shared>>
      %dma_start3A_683 = arith.constant 0 : i32
      %dma_start3A_684 = tpu.memref_slice %arg12[%add3A_660, %dma_start3A_683] : memref<10240x128xf32, #tpu.memory_space<vmem_shared>> -> memref<16x128xf32, #tpu.memory_space<vmem_shared>>
      tpu.enqueue_dma source(%arg11 : memref<16x128xf32, #tpu.memory_space<vmem>>) target(%dma_start3A_684 : memref<16x128xf32, #tpu.memory_space<vmem_shared>>) target_semaphore(%run_scoped3A : memref<!tpu.dma_semaphore, #tpu.memory_space<semaphore_mem>>)
      %dma_wait3A = arith.constant 0 : i32
      %dma_wait3A_685 = tpu.memref_slice %arg12[%add3A_660, %dma_wait3A] : memref<10240x128xf32, #tpu.memory_space<vmem_shared>> -> memref<16x128xf32, #tpu.memory_space<vmem_shared>>
      %dma_wait3A_686 = arith.constant 0 : i32
      %dma_wait3A_687 = tpu.memref_slice %arg12[%add3A_660, %dma_wait3A_686] : memref<10240x128xf32, #tpu.memory_space<vmem_shared>> -> memref<16x128xf32, #tpu.memory_space<vmem_shared>>
      tpu.wait_dma2 semaphore(%run_scoped3A : memref<!tpu.dma_semaphore, #tpu.memory_space<semaphore_mem>>) src(%arg11 : memref<16x128xf32, #tpu.memory_space<vmem>>) dst(%dma_wait3A_687 : memref<16x128xf32, #tpu.memory_space<vmem_shared>>)
      tpu.yield
    }) : () -> ()
    %mul3A_661 = arith.constant 640 : i32
    %mul3A_662 = arith.muli %arg1, %mul3A_661 : i32
    %add3A_663 = arith.constant 592 : i32
    %add3A_664 = arith.addi %mul3A_662, %add3A_663 : i32
    "tpu.region"() ({
      %run_scoped3A = tpu.sem_alloc : memref<!tpu.dma_semaphore, #tpu.memory_space<semaphore_mem>>
      %dma_start3A = arith.constant 0 : i32
      %dma_start3A_682 = tpu.memref_slice %arg12[%add3A_664, %dma_start3A] : memref<10240x128xf32, #tpu.memory_space<vmem_shared>> -> memref<16x128xf32, #tpu.memory_space<vmem_shared>>
      %dma_start3A_683 = arith.constant 0 : i32
      %dma_start3A_684 = tpu.memref_slice %arg12[%add3A_664, %dma_start3A_683] : memref<10240x128xf32, #tpu.memory_space<vmem_shared>> -> memref<16x128xf32, #tpu.memory_space<vmem_shared>>
      tpu.enqueue_dma source(%arg11 : memref<16x128xf32, #tpu.memory_space<vmem>>) target(%dma_start3A_684 : memref<16x128xf32, #tpu.memory_space<vmem_shared>>) target_semaphore(%run_scoped3A : memref<!tpu.dma_semaphore, #tpu.memory_space<semaphore_mem>>)
      %dma_wait3A = arith.constant 0 : i32
      %dma_wait3A_685 = tpu.memref_slice %arg12[%add3A_664, %dma_wait3A] : memref<10240x128xf32, #tpu.memory_space<vmem_shared>> -> memref<16x128xf32, #tpu.memory_space<vmem_shared>>
      %dma_wait3A_686 = arith.constant 0 : i32
      %dma_wait3A_687 = tpu.memref_slice %arg12[%add3A_664, %dma_wait3A_686] : memref<10240x128xf32, #tpu.memory_space<vmem_shared>> -> memref<16x128xf32, #tpu.memory_space<vmem_shared>>
      tpu.wait_dma2 semaphore(%run_scoped3A : memref<!tpu.dma_semaphore, #tpu.memory_space<semaphore_mem>>) src(%arg11 : memref<16x128xf32, #tpu.memory_space<vmem>>) dst(%dma_wait3A_687 : memref<16x128xf32, #tpu.memory_space<vmem_shared>>)
      tpu.yield
    }) : () -> ()
    %mul3A_665 = arith.constant 640 : i32
    %mul3A_666 = arith.muli %arg1, %mul3A_665 : i32
    %add3A_667 = arith.constant 608 : i32
    %add3A_668 = arith.addi %mul3A_666, %add3A_667 : i32
    "tpu.region"() ({
      %run_scoped3A = tpu.sem_alloc : memref<!tpu.dma_semaphore, #tpu.memory_space<semaphore_mem>>
      %dma_start3A = arith.constant 0 : i32
      %dma_start3A_682 = tpu.memref_slice %arg12[%add3A_668, %dma_start3A] : memref<10240x128xf32, #tpu.memory_space<vmem_shared>> -> memref<16x128xf32, #tpu.memory_space<vmem_shared>>
      %dma_start3A_683 = arith.constant 0 : i32
      %dma_start3A_684 = tpu.memref_slice %arg12[%add3A_668, %dma_start3A_683] : memref<10240x128xf32, #tpu.memory_space<vmem_shared>> -> memref<16x128xf32, #tpu.memory_space<vmem_shared>>
      tpu.enqueue_dma source(%arg11 : memref<16x128xf32, #tpu.memory_space<vmem>>) target(%dma_start3A_684 : memref<16x128xf32, #tpu.memory_space<vmem_shared>>) target_semaphore(%run_scoped3A : memref<!tpu.dma_semaphore, #tpu.memory_space<semaphore_mem>>)
      %dma_wait3A = arith.constant 0 : i32
      %dma_wait3A_685 = tpu.memref_slice %arg12[%add3A_668, %dma_wait3A] : memref<10240x128xf32, #tpu.memory_space<vmem_shared>> -> memref<16x128xf32, #tpu.memory_space<vmem_shared>>
      %dma_wait3A_686 = arith.constant 0 : i32
      %dma_wait3A_687 = tpu.memref_slice %arg12[%add3A_668, %dma_wait3A_686] : memref<10240x128xf32, #tpu.memory_space<vmem_shared>> -> memref<16x128xf32, #tpu.memory_space<vmem_shared>>
      tpu.wait_dma2 semaphore(%run_scoped3A : memref<!tpu.dma_semaphore, #tpu.memory_space<semaphore_mem>>) src(%arg11 : memref<16x128xf32, #tpu.memory_space<vmem>>) dst(%dma_wait3A_687 : memref<16x128xf32, #tpu.memory_space<vmem_shared>>)
      tpu.yield
    }) : () -> ()
    %mul3A_669 = arith.constant 640 : i32
    %mul3A_670 = arith.muli %arg1, %mul3A_669 : i32
    %add3A_671 = arith.constant 624 : i32
    %add3A_672 = arith.addi %mul3A_670, %add3A_671 : i32
    "tpu.region"() ({
      %run_scoped3A = tpu.sem_alloc : memref<!tpu.dma_semaphore, #tpu.memory_space<semaphore_mem>>
      %dma_start3A = arith.constant 0 : i32
      %dma_start3A_682 = tpu.memref_slice %arg12[%add3A_672, %dma_start3A] : memref<10240x128xf32, #tpu.memory_space<vmem_shared>> -> memref<16x128xf32, #tpu.memory_space<vmem_shared>>
      %dma_start3A_683 = arith.constant 0 : i32
      %dma_start3A_684 = tpu.memref_slice %arg12[%add3A_672, %dma_start3A_683] : memref<10240x128xf32, #tpu.memory_space<vmem_shared>> -> memref<16x128xf32, #tpu.memory_space<vmem_shared>>
      tpu.enqueue_dma source(%arg11 : memref<16x128xf32, #tpu.memory_space<vmem>>) target(%dma_start3A_684 : memref<16x128xf32, #tpu.memory_space<vmem_shared>>) target_semaphore(%run_scoped3A : memref<!tpu.dma_semaphore, #tpu.memory_space<semaphore_mem>>)
      %dma_wait3A = arith.constant 0 : i32
      %dma_wait3A_685 = tpu.memref_slice %arg12[%add3A_672, %dma_wait3A] : memref<10240x128xf32, #tpu.memory_space<vmem_shared>> -> memref<16x128xf32, #tpu.memory_space<vmem_shared>>
      %dma_wait3A_686 = arith.constant 0 : i32
      %dma_wait3A_687 = tpu.memref_slice %arg12[%add3A_672, %dma_wait3A_686] : memref<10240x128xf32, #tpu.memory_space<vmem_shared>> -> memref<16x128xf32, #tpu.memory_space<vmem_shared>>
      tpu.wait_dma2 semaphore(%run_scoped3A : memref<!tpu.dma_semaphore, #tpu.memory_space<semaphore_mem>>) src(%arg11 : memref<16x128xf32, #tpu.memory_space<vmem>>) dst(%dma_wait3A_687 : memref<16x128xf32, #tpu.memory_space<vmem_shared>>)
      tpu.yield
    }) : () -> ()
    %barrier3A = arith.constant 0 : index
    tpu.barrier barrier_id(%barrier3A)
    %scan3A = arith.constant 0 : i32
    %scan3A_673 = arith.constant 80 : i32
    %scan3A_674 = arith.addi %scan3A, %scan3A_673 : i32
    %scan3A_675 = arith.constant 1 : i32
    scf.for %scan3A_682 = %scan3A to %scan3A_674 step %scan3A_675  : i32 {
      %mul3A_683 = arith.constant 10240 : i32
      %mul3A_684 = arith.muli %add3A, %mul3A_683 : i32
      %mul3A_685 = arith.constant 128 : i32
      %mul3A_686 = arith.muli %scan3A_682, %mul3A_685 : i32
      %add3A_687 = arith.addi %mul3A_684, %mul3A_686 : i32
      "tpu.region"() ({
        %run_scoped3A = tpu.sem_alloc : memref<!tpu.dma_semaphore, #tpu.memory_space<semaphore_mem>>
        %dma_start3A_697 = tpu.memref_slice %arg2[%add3A_687] : memref<327680xi32, #tpu.memory_space<hbm>> -> memref<128xi32, #tpu.memory_space<hbm>>
        %dma_start3A_698 = tpu.memref_slice %arg2[%add3A_687] : memref<327680xi32, #tpu.memory_space<hbm>> -> memref<128xi32, #tpu.memory_space<hbm>>
        tpu.enqueue_dma source(%dma_start3A_698 : memref<128xi32, #tpu.memory_space<hbm>>) target(%arg7 : memref<128xi32, #tpu.memory_space<vmem>>) target_semaphore(%run_scoped3A : memref<!tpu.dma_semaphore, #tpu.memory_space<semaphore_mem>>)
        %dma_wait3A_699 = tpu.memref_slice %arg2[%add3A_687] : memref<327680xi32, #tpu.memory_space<hbm>> -> memref<128xi32, #tpu.memory_space<hbm>>
        %dma_wait3A_700 = tpu.memref_slice %arg2[%add3A_687] : memref<327680xi32, #tpu.memory_space<hbm>> -> memref<128xi32, #tpu.memory_space<hbm>>
        tpu.wait_dma2 semaphore(%run_scoped3A : memref<!tpu.dma_semaphore, #tpu.memory_space<semaphore_mem>>) src(%dma_wait3A_700 : memref<128xi32, #tpu.memory_space<hbm>>) dst(%arg7 : memref<128xi32, #tpu.memory_space<vmem>>)
        tpu.yield
      }) : () -> ()
      "tpu.region"() ({
        %run_scoped3A = tpu.sem_alloc : memref<!tpu.dma_semaphore, #tpu.memory_space<semaphore_mem>>
        %dma_start3A_697 = tpu.memref_slice %arg3[%add3A_687] : memref<327680xi32, #tpu.memory_space<hbm>> -> memref<128xi32, #tpu.memory_space<hbm>>
        %dma_start3A_698 = tpu.memref_slice %arg3[%add3A_687] : memref<327680xi32, #tpu.memory_space<hbm>> -> memref<128xi32, #tpu.memory_space<hbm>>
        tpu.enqueue_dma source(%dma_start3A_698 : memref<128xi32, #tpu.memory_space<hbm>>) target(%arg8 : memref<128xi32, #tpu.memory_space<vmem>>) target_semaphore(%run_scoped3A : memref<!tpu.dma_semaphore, #tpu.memory_space<semaphore_mem>>)
        %dma_wait3A_699 = tpu.memref_slice %arg3[%add3A_687] : memref<327680xi32, #tpu.memory_space<hbm>> -> memref<128xi32, #tpu.memory_space<hbm>>
        %dma_wait3A_700 = tpu.memref_slice %arg3[%add3A_687] : memref<327680xi32, #tpu.memory_space<hbm>> -> memref<128xi32, #tpu.memory_space<hbm>>
        tpu.wait_dma2 semaphore(%run_scoped3A : memref<!tpu.dma_semaphore, #tpu.memory_space<semaphore_mem>>) src(%dma_wait3A_700 : memref<128xi32, #tpu.memory_space<hbm>>) dst(%arg8 : memref<128xi32, #tpu.memory_space<vmem>>)
        tpu.yield
      }) : () -> ()
      "tpu.region"() ({
        %run_scoped3A = tpu.sem_alloc : memref<!tpu.dma_semaphore, #tpu.memory_space<semaphore_mem>>
        %dma_start3A_697 = tpu.memref_slice %arg4[%add3A_687] : memref<327680xf32, #tpu.memory_space<hbm>> -> memref<128xf32, #tpu.memory_space<hbm>>
        %dma_start3A_698 = tpu.memref_slice %arg4[%add3A_687] : memref<327680xf32, #tpu.memory_space<hbm>> -> memref<128xf32, #tpu.memory_space<hbm>>
        tpu.enqueue_dma source(%dma_start3A_698 : memref<128xf32, #tpu.memory_space<hbm>>) target(%arg9 : memref<128xf32, #tpu.memory_space<vmem>>) target_semaphore(%run_scoped3A : memref<!tpu.dma_semaphore, #tpu.memory_space<semaphore_mem>>)
        %dma_wait3A_699 = tpu.memref_slice %arg4[%add3A_687] : memref<327680xf32, #tpu.memory_space<hbm>> -> memref<128xf32, #tpu.memory_space<hbm>>
        %dma_wait3A_700 = tpu.memref_slice %arg4[%add3A_687] : memref<327680xf32, #tpu.memory_space<hbm>> -> memref<128xf32, #tpu.memory_space<hbm>>
        tpu.wait_dma2 semaphore(%run_scoped3A : memref<!tpu.dma_semaphore, #tpu.memory_space<semaphore_mem>>) src(%dma_wait3A_700 : memref<128xf32, #tpu.memory_space<hbm>>) dst(%arg9 : memref<128xf32, #tpu.memory_space<vmem>>)
        tpu.yield
      }) : () -> ()
      %dma_start3A = arith.constant 0 : i32
      %dma_start3A_688 = arith.constant 0 : i32
      %dma_start3A_689 = tpu.memref_slice %arg5[%dma_start3A, %dma_start3A_688] : memref<10240x128xf32, #tpu.memory_space<hbm>> -> memref<10240x128xf32, #tpu.memory_space<hbm>>
      tpu.enqueue_indirect_dma source(%dma_start3A_689 : memref<10240x128xf32, #tpu.memory_space<hbm>>) target(%arg10 : memref<128x128xf32, #tpu.memory_space<vmem>>) offsets(%arg7 : memref<128xi32, #tpu.memory_space<vmem>>) semaphore(%arg13 : memref<!tpu.dma_semaphore, #tpu.memory_space<semaphore_mem>>)
      %dma_wait3A = arith.constant 0 : i32
      %dma_wait3A_690 = arith.constant 0 : i32
      %dma_wait3A_691 = tpu.memref_slice %arg5[%dma_wait3A, %dma_wait3A_690] : memref<10240x128xf32, #tpu.memory_space<hbm>> -> memref<10240x128xf32, #tpu.memory_space<hbm>>
      tpu.wait_indirect_dma semaphore(%arg13 : memref<!tpu.dma_semaphore, #tpu.memory_space<semaphore_mem>>) src(%dma_wait3A_691 : memref<10240x128xf32, #tpu.memory_space<hbm>>) dst(%arg10 : memref<128x128xf32, #tpu.memory_space<vmem>>)
      %scan3A_692 = arith.constant 0 : i32
      %scan3A_693 = arith.constant 128 : i32
      %scan3A_694 = arith.addi %scan3A_692, %scan3A_693 : i32
      %scan3A_695 = arith.constant 1 : i32
      scf.for %scan3A_697 = %scan3A_692 to %scan3A_694 step %scan3A_695  : i32 {
        %broadcast_in_dim3A_698 = vector.broadcast %scan3A_697 : i32 to vector<16xi32>
        %gather3A = tpu.vector_load_idx %arg9[%broadcast_in_dim3A_698] : memref<128xf32, #tpu.memory_space<vmem>>[vector<16xi32>], vector<16xf32>,
        %get3A = arith.index_cast %scan3A_697 : i32 to index
        %get3A_699 = arith.constant 0 : index
        %get3A_700 = tpu.vector_load %arg10[%get3A, %get3A_699] {strides = array<i32>} : memref<128x128xf32, #tpu.memory_space<vmem>>, vector<16xf32>,
        %mul3A_701 = arith.mulf %get3A_700, %gather3A : vector<16xf32>
        %swap3A_702 = arith.index_cast %scan3A_697 : i32 to index
        %swap3A_703 = arith.constant 0 : index
        %swap3A_704 = tpu.vector_load %arg10[%swap3A_702, %swap3A_703] {strides = array<i32>} : memref<128x128xf32, #tpu.memory_space<vmem>>, vector<16xf32>,
        tpu.vector_store %arg10[%swap3A_702, %swap3A_703], %mul3A_701 {strides = array<i32>} : memref<128x128xf32, #tpu.memory_space<vmem>>, vector<16xf32>,
        %get3A_705 = arith.index_cast %scan3A_697 : i32 to index
        %get3A_706 = arith.constant 16 : index
        %get3A_707 = tpu.vector_load %arg10[%get3A_705, %get3A_706] {strides = array<i32>} : memref<128x128xf32, #tpu.memory_space<vmem>>, vector<16xf32>,
        %mul3A_708 = arith.mulf %get3A_707, %gather3A : vector<16xf32>
        %swap3A_709 = arith.index_cast %scan3A_697 : i32 to index
        %swap3A_710 = arith.constant 16 : index
        %swap3A_711 = tpu.vector_load %arg10[%swap3A_709, %swap3A_710] {strides = array<i32>} : memref<128x128xf32, #tpu.memory_space<vmem>>, vector<16xf32>,
        tpu.vector_store %arg10[%swap3A_709, %swap3A_710], %mul3A_708 {strides = array<i32>} : memref<128x128xf32, #tpu.memory_space<vmem>>, vector<16xf32>,
        %get3A_712 = arith.index_cast %scan3A_697 : i32 to index
        %get3A_713 = arith.constant 32 : index
        %get3A_714 = tpu.vector_load %arg10[%get3A_712, %get3A_713] {strides = array<i32>} : memref<128x128xf32, #tpu.memory_space<vmem>>, vector<16xf32>,
        %mul3A_715 = arith.mulf %get3A_714, %gather3A : vector<16xf32>
        %swap3A_716 = arith.index_cast %scan3A_697 : i32 to index
        %swap3A_717 = arith.constant 32 : index
        %swap3A_718 = tpu.vector_load %arg10[%swap3A_716, %swap3A_717] {strides = array<i32>} : memref<128x128xf32, #tpu.memory_space<vmem>>, vector<16xf32>,
        tpu.vector_store %arg10[%swap3A_716, %swap3A_717], %mul3A_715 {strides = array<i32>} : memref<128x128xf32, #tpu.memory_space<vmem>>, vector<16xf32>,
        %get3A_719 = arith.index_cast %scan3A_697 : i32 to index
        %get3A_720 = arith.constant 48 : index
        %get3A_721 = tpu.vector_load %arg10[%get3A_719, %get3A_720] {strides = array<i32>} : memref<128x128xf32, #tpu.memory_space<vmem>>, vector<16xf32>,
        %mul3A_722 = arith.mulf %get3A_721, %gather3A : vector<16xf32>
        %swap3A_723 = arith.index_cast %scan3A_697 : i32 to index
        %swap3A_724 = arith.constant 48 : index
        %swap3A_725 = tpu.vector_load %arg10[%swap3A_723, %swap3A_724] {strides = array<i32>} : memref<128x128xf32, #tpu.memory_space<vmem>>, vector<16xf32>,
        tpu.vector_store %arg10[%swap3A_723, %swap3A_724], %mul3A_722 {strides = array<i32>} : memref<128x128xf32, #tpu.memory_space<vmem>>, vector<16xf32>,
        %get3A_726 = arith.index_cast %scan3A_697 : i32 to index
        %get3A_727 = arith.constant 64 : index
        %get3A_728 = tpu.vector_load %arg10[%get3A_726, %get3A_727] {strides = array<i32>} : memref<128x128xf32, #tpu.memory_space<vmem>>, vector<16xf32>,
        %mul3A_729 = arith.mulf %get3A_728, %gather3A : vector<16xf32>
        %swap3A_730 = arith.index_cast %scan3A_697 : i32 to index
        %swap3A_731 = arith.constant 64 : index
        %swap3A_732 = tpu.vector_load %arg10[%swap3A_730, %swap3A_731] {strides = array<i32>} : memref<128x128xf32, #tpu.memory_space<vmem>>, vector<16xf32>,
        tpu.vector_store %arg10[%swap3A_730, %swap3A_731], %mul3A_729 {strides = array<i32>} : memref<128x128xf32, #tpu.memory_space<vmem>>, vector<16xf32>,
        %get3A_733 = arith.index_cast %scan3A_697 : i32 to index
        %get3A_734 = arith.constant 80 : index
        %get3A_735 = tpu.vector_load %arg10[%get3A_733, %get3A_734] {strides = array<i32>} : memref<128x128xf32, #tpu.memory_space<vmem>>, vector<16xf32>,
        %mul3A_736 = arith.mulf %get3A_735, %gather3A : vector<16xf32>
        %swap3A_737 = arith.index_cast %scan3A_697 : i32 to index
        %swap3A_738 = arith.constant 80 : index
        %swap3A_739 = tpu.vector_load %arg10[%swap3A_737, %swap3A_738] {strides = array<i32>} : memref<128x128xf32, #tpu.memory_space<vmem>>, vector<16xf32>,
        tpu.vector_store %arg10[%swap3A_737, %swap3A_738], %mul3A_736 {strides = array<i32>} : memref<128x128xf32, #tpu.memory_space<vmem>>, vector<16xf32>,
        %get3A_740 = arith.index_cast %scan3A_697 : i32 to index
        %get3A_741 = arith.constant 96 : index
        %get3A_742 = tpu.vector_load %arg10[%get3A_740, %get3A_741] {strides = array<i32>} : memref<128x128xf32, #tpu.memory_space<vmem>>, vector<16xf32>,
        %mul3A_743 = arith.mulf %get3A_742, %gather3A : vector<16xf32>
        %swap3A_744 = arith.index_cast %scan3A_697 : i32 to index
        %swap3A_745 = arith.constant 96 : index
        %swap3A_746 = tpu.vector_load %arg10[%swap3A_744, %swap3A_745] {strides = array<i32>} : memref<128x128xf32, #tpu.memory_space<vmem>>, vector<16xf32>,
        tpu.vector_store %arg10[%swap3A_744, %swap3A_745], %mul3A_743 {strides = array<i32>} : memref<128x128xf32, #tpu.memory_space<vmem>>, vector<16xf32>,
        %get3A_747 = arith.index_cast %scan3A_697 : i32 to index
        %get3A_748 = arith.constant 112 : index
        %get3A_749 = tpu.vector_load %arg10[%get3A_747, %get3A_748] {strides = array<i32>} : memref<128x128xf32, #tpu.memory_space<vmem>>, vector<16xf32>,
        %mul3A_750 = arith.mulf %get3A_749, %gather3A : vector<16xf32>
        %swap3A_751 = arith.index_cast %scan3A_697 : i32 to index
        %swap3A_752 = arith.constant 112 : index
        %swap3A_753 = tpu.vector_load %arg10[%swap3A_751, %swap3A_752] {strides = array<i32>} : memref<128x128xf32, #tpu.memory_space<vmem>>, vector<16xf32>,
        tpu.vector_store %arg10[%swap3A_751, %swap3A_752], %mul3A_750 {strides = array<i32>} : memref<128x128xf32, #tpu.memory_space<vmem>>, vector<16xf32>,
      }
      %scan3A_696 = arith.constant 128 : i32
      "tpu.region"() ({
        %run_scoped3A = tpu.sem_alloc : memref<!tpu.dma_semaphore, #tpu.memory_space<semaphore_mem>>
        %dma_start3A_697 = arith.constant 0 : i32
        %dma_start3A_698 = arith.constant 0 : i32
        %dma_start3A_699 = tpu.memref_slice %arg12[%dma_start3A_697, %dma_start3A_698] : memref<10240x128xf32, #tpu.memory_space<vmem_shared>> -> memref<10240x128xf32, #tpu.memory_space<vmem_shared>>
        tpu.enqueue_indirect_dma source(%arg10 : memref<128x128xf32, #tpu.memory_space<vmem>>) target(%dma_start3A_699 : memref<10240x128xf32, #tpu.memory_space<vmem_shared>>) offsets(%arg8 : memref<128xi32, #tpu.memory_space<vmem>>) semaphore(%run_scoped3A : memref<!tpu.dma_semaphore, #tpu.memory_space<semaphore_mem>>) {add = true}
        %dma_wait3A_700 = arith.constant 0 : i32
        %dma_wait3A_701 = arith.constant 0 : i32
        %dma_wait3A_702 = tpu.memref_slice %arg12[%dma_wait3A_700, %dma_wait3A_701] : memref<10240x128xf32, #tpu.memory_space<vmem_shared>> -> memref<10240x128xf32, #tpu.memory_space<vmem_shared>>
        tpu.wait_indirect_dma semaphore(%run_scoped3A : memref<!tpu.dma_semaphore, #tpu.memory_space<semaphore_mem>>) src(%arg10 : memref<128x128xf32, #tpu.memory_space<vmem>>) dst(%dma_wait3A_702 : memref<10240x128xf32, #tpu.memory_space<vmem_shared>>)
        tpu.yield
      }) : () -> ()
    }
    %scan3A_676 = arith.constant 80 : i32
    %barrier3A_677 = arith.constant 0 : index
    tpu.barrier barrier_id(%barrier3A_677)
    %mul3A_678 = arith.constant 640 : i32
    %mul3A_679 = arith.muli %arg1, %mul3A_678 : i32
    %mul3A_680 = arith.constant 640 : i32
    %mul3A_681 = arith.muli %arg1, %mul3A_680 : i32
    "tpu.region"() ({
      %run_scoped3A = tpu.sem_alloc : memref<!tpu.dma_semaphore, #tpu.memory_space<semaphore_mem>>
      %dma_start3A = arith.constant 0 : i32
      %dma_start3A_682 = tpu.memref_slice %arg6[%arg0, %mul3A_681, %dma_start3A] : memref<2x10240x128xf32, #tpu.memory_space<hbm>> -> memref<1x640x128xf32, #tpu.memory_space<hbm>>
      %dma_start3A_683 = tpu.memref_squeeze %dma_start3A_682 : memref<1x640x128xf32, #tpu.memory_space<hbm>> -> memref<640x128xf32, #tpu.memory_space<hbm>>
      %dma_start3A_684 = arith.constant 0 : i32
      %dma_start3A_685 = tpu.memref_slice %arg12[%mul3A_679, %dma_start3A_684] : memref<10240x128xf32, #tpu.memory_space<vmem_shared>> -> memref<640x128xf32, #tpu.memory_space<vmem_shared>>
      tpu.enqueue_dma source(%dma_start3A_685 : memref<640x128xf32, #tpu.memory_space<vmem_shared>>) target(%dma_start3A_683 : memref<640x128xf32, #tpu.memory_space<hbm>>) target_semaphore(%run_scoped3A : memref<!tpu.dma_semaphore, #tpu.memory_space<semaphore_mem>>)
      %dma_wait3A = arith.constant 0 : i32
      %dma_wait3A_686 = tpu.memref_slice %arg6[%arg0, %mul3A_681, %dma_wait3A] : memref<2x10240x128xf32, #tpu.memory_space<hbm>> -> memref<1x640x128xf32, #tpu.memory_space<hbm>>
      %dma_wait3A_687 = tpu.memref_squeeze %dma_wait3A_686 : memref<1x640x128xf32, #tpu.memory_space<hbm>> -> memref<640x128xf32, #tpu.memory_space<hbm>>
      %dma_wait3A_688 = arith.constant 0 : i32
      %dma_wait3A_689 = tpu.memref_slice %arg12[%mul3A_679, %dma_wait3A_688] : memref<10240x128xf32, #tpu.memory_space<vmem_shared>> -> memref<640x128xf32, #tpu.memory_space<vmem_shared>>
      tpu.wait_dma2 semaphore(%run_scoped3A : memref<!tpu.dma_semaphore, #tpu.memory_space<semaphore_mem>>) src(%dma_wait3A_689 : memref<640x128xf32, #tpu.memory_space<vmem_shared>>) dst(%dma_wait3A_687 : memref<640x128xf32, #tpu.memory_space<hbm>>)
      tpu.yield
    }) : () -> ()
    return
  }
}

module attributes {stable_mosaic.version = 14 : i64} {
  func.func @_tc1_body(%arg0: i32, %arg1: memref<2x1280xf32, #tpu.memory_space<vmem>>, %arg2: memref<1x128xf32, #tpu.memory_space<vmem>>, %arg3: memref<1x128xf32, #tpu.memory_space<vmem>>, %arg4: memref<1280x1xf32, #tpu.memory_space<vmem>>, %arg5: memref<1280x128xf32, #tpu.memory_space<vmem>>) attributes {dimension_semantics = [#tpu.dimension_semantics<arbitrary>], iteration_bounds = array<i64: 8>, scalar_prefetch = 0 : i64, scratch_operands = 0 : i64, tpu.core_type = #tpu.core_type<tc>, window_params = [{transform_indices = @transform_0, window_bounds = array<i64: 2, 1280>}, {pipeline_mode = #tpu.pipeline_mode<synchronous>, transform_indices = @transform_1, window_bounds = array<i64: 1, 128>}, {pipeline_mode = #tpu.pipeline_mode<synchronous>, transform_indices = @transform_2, window_bounds = array<i64: 1, 128>}, {transform_indices = @transform_3, window_bounds = array<i64: 1280, 1>}, {transform_indices = @transform_4, window_bounds = array<i64: 1280, 128>}]} {
    %get3A = arith.constant 0 : index
    %get3A_0 = arith.constant 0 : index
    %get3A_1 = vector.load %arg1[%get3A, %get3A_0] : memref<2x1280xf32, #tpu.memory_space<vmem>>, vector<2x1280xf32>
    %slice3A = vector.extract_strided_slice %get3A_1 {offsets = [0, 0], sizes = [1, 1280], strides = [1, 1]} : vector<2x1280xf32> to vector<1x1280xf32>
    %squeeze3A = vector.shape_cast %slice3A : vector<1x1280xf32> to vector<1280xf32>
    %slice3A_2 = vector.extract_strided_slice %get3A_1 {offsets = [1, 0], sizes = [1, 1280], strides = [1, 1]} : vector<2x1280xf32> to vector<1x1280xf32>
    %squeeze3A_3 = vector.shape_cast %slice3A_2 : vector<1x1280xf32> to vector<1280xf32>
    %add3A = arith.addf %squeeze3A, %squeeze3A_3 : vector<1280xf32>
    %broadcast_in_dim3A = vector.shape_cast %add3A : vector<1280xf32> to vector<1280x1xf32>
    %swap3A = arith.constant 0 : index
    %swap3A_4 = arith.constant 0 : index
    %swap3A_5 = vector.load %arg4[%swap3A, %swap3A_4] : memref<1280x1xf32, #tpu.memory_space<vmem>>, vector<1280x1xf32>
    tpu.vector_store %arg4[%swap3A, %swap3A_4], %broadcast_in_dim3A {strides = array<i32>} : memref<1280x1xf32, #tpu.memory_space<vmem>>, vector<1280x1xf32>,
    %get3A_6 = arith.constant 0 : index
    %get3A_7 = arith.constant 0 : index
    %get3A_8 = vector.load %arg2[%get3A_6, %get3A_7] : memref<1x128xf32, #tpu.memory_space<vmem>>, vector<1x128xf32>
    %mul3A = vector.broadcast %broadcast_in_dim3A : vector<1280x1xf32> to vector<1280x128xf32>
    %mul3A_9 = vector.broadcast %get3A_8 : vector<1x128xf32> to vector<1280x128xf32>
    %mul3A_10 = arith.mulf %mul3A, %mul3A_9 : vector<1280x128xf32>
    %get3A_11 = arith.constant 0 : index
    %get3A_12 = arith.constant 0 : index
    %get3A_13 = vector.load %arg3[%get3A_11, %get3A_12] : memref<1x128xf32, #tpu.memory_space<vmem>>, vector<1x128xf32>
    %add3A_14 = vector.broadcast %get3A_13 : vector<1x128xf32> to vector<1280x128xf32>
    %add3A_15 = arith.addf %mul3A_10, %add3A_14 : vector<1280x128xf32>
    %max3A = arith.constant 0.000000e+00 : f32
    %max3A_16 = vector.broadcast %max3A : f32 to vector<1280x128xf32>
    %max3A_17 = arith.maximumf %add3A_15, %max3A_16 : vector<1280x128xf32>
    %swap3A_18 = arith.constant 0 : index
    %swap3A_19 = arith.constant 0 : index
    %swap3A_20 = vector.load %arg5[%swap3A_18, %swap3A_19] : memref<1280x128xf32, #tpu.memory_space<vmem>>, vector<1280x128xf32>
    tpu.vector_store %arg5[%swap3A_18, %swap3A_19], %max3A_17 {strides = array<i32>} : memref<1280x128xf32, #tpu.memory_space<vmem>>, vector<1280x128xf32>,
    return
  }
  func.func @transform_0(%arg0: i32) -> (i32, i32) {
    %c0_i32 = arith.constant 0 : i32
    %c0_i32_0 = arith.constant 0 : i32
    return %c0_i32, %arg0 : i32, i32
  }
  func.func @transform_1(%arg0: i32) -> (i32, i32) {
    %c0_i32 = arith.constant 0 : i32
    %c0_i32_0 = arith.constant 0 : i32
    %c0_i32_1 = arith.constant 0 : i32
    return %c0_i32, %c0_i32_0 : i32, i32
  }
  func.func @transform_2(%arg0: i32) -> (i32, i32) {
    %c0_i32 = arith.constant 0 : i32
    %c0_i32_0 = arith.constant 0 : i32
    %c0_i32_1 = arith.constant 0 : i32
    return %c0_i32, %c0_i32_0 : i32, i32
  }
  func.func @transform_3(%arg0: i32) -> (i32, i32) {
    %c0_i32 = arith.constant 0 : i32
    %c0_i32_0 = arith.constant 0 : i32
    return %arg0, %c0_i32 : i32, i32
  }
  func.func @transform_4(%arg0: i32) -> (i32, i32) {
    %c0_i32 = arith.constant 0 : i32
    %c0_i32_0 = arith.constant 0 : i32
    return %arg0, %c0_i32 : i32, i32
  }
}

module attributes {stable_mosaic.version = 14 : i64} {
  func.func @_tc2_body(%arg0: i32, %arg1: memref<2x1280x128xf32, #tpu.memory_space<vmem>>, %arg2: memref<1280x1xf32, #tpu.memory_space<vmem>>, %arg3: memref<128x129xf32, #tpu.memory_space<vmem>>, %arg4: memref<1x129xf32, #tpu.memory_space<vmem>>, %arg5: memref<1x129xf32, #tpu.memory_space<vmem>>, %arg6: memref<1280x129xf32, #tpu.memory_space<vmem>>) attributes {dimension_semantics = [#tpu.dimension_semantics<arbitrary>], iteration_bounds = array<i64: 8>, scalar_prefetch = 0 : i64, scratch_operands = 0 : i64, tpu.core_type = #tpu.core_type<tc>, window_params = [{transform_indices = @transform_0, window_bounds = array<i64: 2, 1280, 128>}, {transform_indices = @transform_1, window_bounds = array<i64: 1280, 1>}, {pipeline_mode = #tpu.pipeline_mode<synchronous>, transform_indices = @transform_2, window_bounds = array<i64: 128, 129>}, {pipeline_mode = #tpu.pipeline_mode<synchronous>, transform_indices = @transform_3, window_bounds = array<i64: 1, 129>}, {pipeline_mode = #tpu.pipeline_mode<synchronous>, transform_indices = @transform_4, window_bounds = array<i64: 1, 129>}, {transform_indices = @transform_5, window_bounds = array<i64: 1280, 129>}]} {
    %get3A = arith.constant 0 : index
    %get3A_0 = arith.constant 0 : index
    %get3A_1 = arith.constant 0 : index
    %get3A_2 = vector.load %arg1[%get3A, %get3A_0, %get3A_1] : memref<2x1280x128xf32, #tpu.memory_space<vmem>>, vector<1x1280x128xf32>
    %get3A_3 = vector.shape_cast %get3A_2 : vector<1x1280x128xf32> to vector<1280x128xf32>
    %get3A_4 = arith.constant 1 : index
    %get3A_5 = arith.constant 0 : index
    %get3A_6 = arith.constant 0 : index
    %get3A_7 = vector.load %arg1[%get3A_4, %get3A_5, %get3A_6] : memref<2x1280x128xf32, #tpu.memory_space<vmem>>, vector<1x1280x128xf32>
    %get3A_8 = vector.shape_cast %get3A_7 : vector<1x1280x128xf32> to vector<1280x128xf32>
    %add3A = arith.addf %get3A_3, %get3A_8 : vector<1280x128xf32>
    %get3A_9 = arith.constant 0 : index
    %get3A_10 = arith.constant 0 : index
    %get3A_11 = vector.load %arg3[%get3A_9, %get3A_10] : memref<128x129xf32, #tpu.memory_space<vmem>>, vector<128x129xf32>
    %dot_general3A = arith.constant dense<0.000000e+00> : vector<1280x129xf32>
    %dot_general3A_12 = tpu.matmul %add3A, %get3A_11, %dot_general3A {dimension_numbers = #tpu.dot_dimension_numbers<[1], [0], [0], [1], [0, 0, 1, 1], [], []>, precision = #tpu.contract_precision<fp32>, transpose_lhs_hint = false} : vector<1280x128xf32>, vector<128x129xf32>, vector<1280x129xf32> -> vector<1280x129xf32>
    %get3A_13 = arith.constant 0 : index
    %get3A_14 = arith.constant 0 : index
    %get3A_15 = vector.load %arg2[%get3A_13, %get3A_14] : memref<1280x1xf32, #tpu.memory_space<vmem>>, vector<1280x1xf32>
    %get3A_16 = arith.constant 0 : index
    %get3A_17 = arith.constant 0 : index
    %get3A_18 = vector.load %arg4[%get3A_16, %get3A_17] : memref<1x129xf32, #tpu.memory_space<vmem>>, vector<1x129xf32>
    %mul3A = vector.broadcast %get3A_15 : vector<1280x1xf32> to vector<1280x129xf32>
    %mul3A_19 = vector.broadcast %get3A_18 : vector<1x129xf32> to vector<1280x129xf32>
    %mul3A_20 = arith.mulf %mul3A, %mul3A_19 : vector<1280x129xf32>
    %add3A_21 = arith.addf %dot_general3A_12, %mul3A_20 : vector<1280x129xf32>
    %get3A_22 = arith.constant 0 : index
    %get3A_23 = arith.constant 0 : index
    %get3A_24 = vector.load %arg5[%get3A_22, %get3A_23] : memref<1x129xf32, #tpu.memory_space<vmem>>, vector<1x129xf32>
    %add3A_25 = vector.broadcast %get3A_24 : vector<1x129xf32> to vector<1280x129xf32>
    %add3A_26 = arith.addf %add3A_21, %add3A_25 : vector<1280x129xf32>
    %max3A = arith.constant 0.000000e+00 : f32
    %max3A_27 = vector.broadcast %max3A : f32 to vector<1280x129xf32>
    %max3A_28 = arith.maximumf %add3A_26, %max3A_27 : vector<1280x129xf32>
    %swap3A = arith.constant 0 : index
    %swap3A_29 = arith.constant 0 : index
    %swap3A_30 = vector.load %arg6[%swap3A, %swap3A_29] : memref<1280x129xf32, #tpu.memory_space<vmem>>, vector<1280x129xf32>
    tpu.vector_store %arg6[%swap3A, %swap3A_29], %max3A_28 {strides = array<i32>} : memref<1280x129xf32, #tpu.memory_space<vmem>>, vector<1280x129xf32>,
    return
  }
  func.func @transform_0(%arg0: i32) -> (i32, i32, i32) {
    %c0_i32 = arith.constant 0 : i32
    %c0_i32_0 = arith.constant 0 : i32
    %c0_i32_1 = arith.constant 0 : i32
    return %c0_i32, %arg0, %c0_i32_0 : i32, i32, i32
  }
  func.func @transform_1(%arg0: i32) -> (i32, i32) {
    %c0_i32 = arith.constant 0 : i32
    %c0_i32_0 = arith.constant 0 : i32
    return %arg0, %c0_i32 : i32, i32
  }
  func.func @transform_2(%arg0: i32) -> (i32, i32) {
    %c0_i32 = arith.constant 0 : i32
    %c0_i32_0 = arith.constant 0 : i32
    %c0_i32_1 = arith.constant 0 : i32
    return %c0_i32, %c0_i32_0 : i32, i32
  }
  func.func @transform_3(%arg0: i32) -> (i32, i32) {
    %c0_i32 = arith.constant 0 : i32
    %c0_i32_0 = arith.constant 0 : i32
    %c0_i32_1 = arith.constant 0 : i32
    return %c0_i32, %c0_i32_0 : i32, i32
  }
  func.func @transform_4(%arg0: i32) -> (i32, i32) {
    %c0_i32 = arith.constant 0 : i32
    %c0_i32_0 = arith.constant 0 : i32
    %c0_i32_1 = arith.constant 0 : i32
    return %c0_i32, %c0_i32_0 : i32, i32
  }
  func.func @transform_5(%arg0: i32) -> (i32, i32) {
    %c0_i32 = arith.constant 0 : i32
    %c0_i32_0 = arith.constant 0 : i32
    return %arg0, %c0_i32 : i32, i32
  }
}

module attributes {stable_mosaic.version = 14 : i64} {
  func.func @_tc3_body(%arg0: i32, %arg1: memref<2x64x1280xf32, #tpu.memory_space<vmem>>, %arg2: memref<1280x129xf32, #tpu.memory_space<vmem>>, %arg3: memref<1280x128xf32, #tpu.memory_space<vmem>>, %arg4: memref<80x128xi32, #tpu.memory_space<vmem>>, %arg5: memref<129x257xf32, #tpu.memory_space<vmem>>, %arg6: memref<128x257xf32, #tpu.memory_space<vmem>>, %arg7: memref<1x257xf32, #tpu.memory_space<vmem>>, %arg8: memref<1x257xf32, #tpu.memory_space<vmem>>, %arg9: memref<1x257xf32, #tpu.memory_space<vmem>>, %arg10: memref<257x1xf32, #tpu.memory_space<vmem>>, %arg11: memref<1x1xf32, #tpu.memory_space<vmem>>, %arg12: memref<64x1xf32, #tpu.memory_space<vmem>>, %arg13: memref<64x129xf32, #tpu.memory_space<vmem>>, %arg14: memref<64x128xf32, #tpu.memory_space<vmem>>) attributes {dimension_semantics = [#tpu.dimension_semantics<arbitrary>], iteration_bounds = array<i64: 8>, scalar_prefetch = 0 : i64, scratch_operands = 2 : i64, tpu.core_type = #tpu.core_type<tc>, window_params = [{transform_indices = @transform_0, window_bounds = array<i64: 2, 64, 1280>}, {transform_indices = @transform_1, window_bounds = array<i64: 1280, 129>}, {transform_indices = @transform_2, window_bounds = array<i64: 1280, 128>}, {pipeline_mode = #tpu.pipeline_mode<synchronous>, transform_indices = @transform_3, window_bounds = array<i64: 80, 128>}, {pipeline_mode = #tpu.pipeline_mode<synchronous>, transform_indices = @transform_4, window_bounds = array<i64: 129, 257>}, {pipeline_mode = #tpu.pipeline_mode<synchronous>, transform_indices = @transform_5, window_bounds = array<i64: 128, 257>}, {pipeline_mode = #tpu.pipeline_mode<synchronous>, transform_indices = @transform_6, window_bounds = array<i64: 1, 257>}, {pipeline_mode = #tpu.pipeline_mode<synchronous>, transform_indices = @transform_7, window_bounds = array<i64: 1, 257>}, {pipeline_mode = #tpu.pipeline_mode<synchronous>, transform_indices = @transform_8, window_bounds = array<i64: 1, 257>}, {pipeline_mode = #tpu.pipeline_mode<synchronous>, transform_indices = @transform_9, window_bounds = array<i64: 257, 1>}, {pipeline_mode = #tpu.pipeline_mode<synchronous>, transform_indices = @transform_10, window_bounds = array<i64: 1, 1>}, {pipeline_mode = #tpu.pipeline_mode<synchronous>, transform_indices = @transform_11, window_bounds = array<i64: 64, 1>}]} {
    %eq3A = arith.constant 0 : i32
    %eq3A_0 = arith.cmpi eq, %arg0, %eq3A : i32
    %convert_element_type3A = arith.extui %eq3A_0 : i1 to i32
    %cond3A = arith.constant 0 : i32
    %cond3A_1 = arith.cmpi ne, %convert_element_type3A, %cond3A : i32
    scf.if %cond3A_1 {
      %broadcast_in_dim3A = arith.constant 0.000000e+00 : f32
      %broadcast_in_dim3A_38 = vector.broadcast %broadcast_in_dim3A : f32 to vector<64x129xf32>
      %swap3A_39 = arith.constant 0 : index
      %swap3A_40 = arith.constant 0 : index
      %swap3A_41 = vector.load %arg13[%swap3A_39, %swap3A_40] : memref<64x129xf32, #tpu.memory_space<vmem>>, vector<64x129xf32>
      tpu.vector_store %arg13[%swap3A_39, %swap3A_40], %broadcast_in_dim3A_38 {strides = array<i32>} : memref<64x129xf32, #tpu.memory_space<vmem>>, vector<64x129xf32>,
      %broadcast_in_dim3A_42 = arith.constant 0.000000e+00 : f32
      %broadcast_in_dim3A_43 = vector.broadcast %broadcast_in_dim3A_42 : f32 to vector<64x128xf32>
      %swap3A_44 = arith.constant 0 : index
      %swap3A_45 = arith.constant 0 : index
      %swap3A_46 = vector.load %arg14[%swap3A_44, %swap3A_45] : memref<64x128xf32, #tpu.memory_space<vmem>>, vector<64x128xf32>
      tpu.vector_store %arg14[%swap3A_44, %swap3A_45], %broadcast_in_dim3A_43 {strides = array<i32>} : memref<64x128xf32, #tpu.memory_space<vmem>>, vector<64x128xf32>,
    } else {
    }
    %get3A = arith.constant 0 : index
    %get3A_2 = arith.constant 0 : index
    %get3A_3 = arith.constant 0 : index
    %get3A_4 = vector.load %arg1[%get3A, %get3A_2, %get3A_3] : memref<2x64x1280xf32, #tpu.memory_space<vmem>>, vector<1x64x1280xf32>
    %get3A_5 = vector.shape_cast %get3A_4 : vector<1x64x1280xf32> to vector<64x1280xf32>
    %get3A_6 = arith.constant 1 : index
    %get3A_7 = arith.constant 0 : index
    %get3A_8 = arith.constant 0 : index
    %get3A_9 = vector.load %arg1[%get3A_6, %get3A_7, %get3A_8] : memref<2x64x1280xf32, #tpu.memory_space<vmem>>, vector<1x64x1280xf32>
    %get3A_10 = vector.shape_cast %get3A_9 : vector<1x64x1280xf32> to vector<64x1280xf32>
    %add3A = arith.addf %get3A_5, %get3A_10 : vector<64x1280xf32>
    %get3A_11 = arith.constant 0 : index
    %get3A_12 = arith.constant 0 : index
    %get3A_13 = vector.load %arg13[%get3A_11, %get3A_12] : memref<64x129xf32, #tpu.memory_space<vmem>>, vector<64x129xf32>
    %get3A_14 = arith.constant 0 : index
    %get3A_15 = arith.constant 0 : index
    %get3A_16 = vector.load %arg2[%get3A_14, %get3A_15] : memref<1280x129xf32, #tpu.memory_space<vmem>>, vector<1280x129xf32>
    %dot_general3A = arith.constant dense<0.000000e+00> : vector<64x129xf32>
    %dot_general3A_17 = tpu.matmul %add3A, %get3A_16, %dot_general3A {dimension_numbers = #tpu.dot_dimension_numbers<[1], [0], [0], [1], [0, 0, 1, 1], [], []>, precision = #tpu.contract_precision<fp32>, transpose_lhs_hint = false} : vector<64x1280xf32>, vector<1280x129xf32>, vector<64x129xf32> -> vector<64x129xf32>
    %add3A_18 = arith.addf %get3A_13, %dot_general3A_17 : vector<64x129xf32>
    %swap3A = arith.constant 0 : index
    %swap3A_19 = arith.constant 0 : index
    %swap3A_20 = vector.load %arg13[%swap3A, %swap3A_19] : memref<64x129xf32, #tpu.memory_space<vmem>>, vector<64x129xf32>
    tpu.vector_store %arg13[%swap3A, %swap3A_19], %add3A_18 {strides = array<i32>} : memref<64x129xf32, #tpu.memory_space<vmem>>, vector<64x129xf32>,
    %get3A_21 = arith.constant 0 : index
    %get3A_22 = arith.constant 0 : index
    %get3A_23 = vector.load %arg14[%get3A_21, %get3A_22] : memref<64x128xf32, #tpu.memory_space<vmem>>, vector<64x128xf32>
    %get3A_24 = arith.constant 0 : index
    %get3A_25 = arith.constant 0 : index
    %get3A_26 = vector.load %arg3[%get3A_24, %get3A_25] : memref<1280x128xf32, #tpu.memory_space<vmem>>, vector<1280x128xf32>
    %dot_general3A_27 = arith.constant dense<0.000000e+00> : vector<64x128xf32>
    %dot_general3A_28 = tpu.matmul %add3A, %get3A_26, %dot_general3A_27 {dimension_numbers = #tpu.dot_dimension_numbers<[1], [0], [0], [1], [0, 0, 1, 1], [], []>, precision = #tpu.contract_precision<fp32>, transpose_lhs_hint = false} : vector<64x1280xf32>, vector<1280x128xf32>, vector<64x128xf32> -> vector<64x128xf32>
    %add3A_29 = arith.addf %get3A_23, %dot_general3A_28 : vector<64x128xf32>
    %swap3A_30 = arith.constant 0 : index
    %swap3A_31 = arith.constant 0 : index
    %swap3A_32 = vector.load %arg14[%swap3A_30, %swap3A_31] : memref<64x128xf32, #tpu.memory_space<vmem>>, vector<64x128xf32>
    tpu.vector_store %arg14[%swap3A_30, %swap3A_31], %add3A_29 {strides = array<i32>} : memref<64x128xf32, #tpu.memory_space<vmem>>, vector<64x128xf32>,
    %eq3A_33 = arith.constant 7 : i32
    %eq3A_34 = arith.cmpi eq, %arg0, %eq3A_33 : i32
    %convert_element_type3A_35 = arith.extui %eq3A_34 : i1 to i32
    %cond3A_36 = arith.constant 0 : i32
    %cond3A_37 = arith.cmpi ne, %convert_element_type3A_35, %cond3A_36 : i32
    scf.if %cond3A_37 {
      %get3A_38 = arith.constant 0 : index
      %get3A_39 = arith.constant 0 : index
      %get3A_40 = vector.load %arg4[%get3A_38, %get3A_39] : memref<80x128xi32, #tpu.memory_space<vmem>>, vector<80x128xi32>
      %iota3A = tpu.iota {dimensions = array<i32: 0>} : vector<64x80x128xi32>
      %broadcast_in_dim3A = vector.shape_cast %get3A_40 : vector<80x128xi32> to vector<1x80x128xi32>
      %eq3A_41 = vector.broadcast %broadcast_in_dim3A : vector<1x80x128xi32> to vector<64x80x128xi32>
      %eq3A_42 = arith.cmpi eq, %eq3A_41, %iota3A : vector<64x80x128xi32>
      %convert_element_type3A_43 = arith.extui %eq3A_42 : vector<64x80x128xi1> to vector<64x80x128xi32>
      %convert_element_type3A_44 = arith.sitofp %convert_element_type3A_43 : vector<64x80x128xi32> to vector<64x80x128xf32>
      %reduce_sum3A = arith.constant dense<0.000000e+00> : vector<64xf32>
      %reduce_sum3A_45 = vector.multi_reduction <add>, %convert_element_type3A_44, %reduce_sum3A [1, 2] : vector<64x80x128xf32> to vector<64xf32>
      %get3A_46 = arith.constant 0 : index
      %get3A_47 = arith.constant 0 : index
      %get3A_48 = vector.load %arg13[%get3A_46, %get3A_47] : memref<64x129xf32, #tpu.memory_space<vmem>>, vector<64x129xf32>
      %get3A_49 = arith.constant 0 : index
      %get3A_50 = arith.constant 0 : index
      %get3A_51 = vector.load %arg5[%get3A_49, %get3A_50] : memref<129x257xf32, #tpu.memory_space<vmem>>, vector<129x257xf32>
      %dot_general3A_52 = arith.constant dense<0.000000e+00> : vector<64x257xf32>
      %dot_general3A_53 = tpu.matmul %get3A_48, %get3A_51, %dot_general3A_52 {dimension_numbers = #tpu.dot_dimension_numbers<[1], [0], [0], [1], [0, 0, 1, 1], [], []>, precision = #tpu.contract_precision<fp32>, transpose_lhs_hint = false} : vector<64x129xf32>, vector<129x257xf32>, vector<64x257xf32> -> vector<64x257xf32>
      %get3A_54 = arith.constant 0 : index
      %get3A_55 = arith.constant 0 : index
      %get3A_56 = vector.load %arg14[%get3A_54, %get3A_55] : memref<64x128xf32, #tpu.memory_space<vmem>>, vector<64x128xf32>
      %get3A_57 = arith.constant 0 : index
      %get3A_58 = arith.constant 0 : index
      %get3A_59 = vector.load %arg6[%get3A_57, %get3A_58] : memref<128x257xf32, #tpu.memory_space<vmem>>, vector<128x257xf32>
      %dot_general3A_60 = arith.constant dense<0.000000e+00> : vector<64x257xf32>
      %dot_general3A_61 = tpu.matmul %get3A_56, %get3A_59, %dot_general3A_60 {dimension_numbers = #tpu.dot_dimension_numbers<[1], [0], [0], [1], [0, 0, 1, 1], [], []>, precision = #tpu.contract_precision<fp32>, transpose_lhs_hint = false} : vector<64x128xf32>, vector<128x257xf32>, vector<64x257xf32> -> vector<64x257xf32>
      %add3A_62 = arith.addf %dot_general3A_53, %dot_general3A_61 : vector<64x257xf32>
      %broadcast_in_dim3A_63 = vector.shape_cast %reduce_sum3A_45 : vector<64xf32> to vector<64x1xf32>
      %get3A_64 = arith.constant 0 : index
      %get3A_65 = arith.constant 0 : index
      %get3A_66 = vector.load %arg7[%get3A_64, %get3A_65] : memref<1x257xf32, #tpu.memory_space<vmem>>, vector<1x257xf32>
      %mul3A = vector.broadcast %broadcast_in_dim3A_63 : vector<64x1xf32> to vector<64x257xf32>
      %mul3A_67 = vector.broadcast %get3A_66 : vector<1x257xf32> to vector<64x257xf32>
      %mul3A_68 = arith.mulf %mul3A, %mul3A_67 : vector<64x257xf32>
      %add3A_69 = arith.addf %add3A_62, %mul3A_68 : vector<64x257xf32>
      %max3A = arith.constant 1.000000e+00 : f32
      %max3A_70 = vector.broadcast %max3A : f32 to vector<64xf32>
      %max3A_71 = arith.maximumf %reduce_sum3A_45, %max3A_70 : vector<64xf32>
      %broadcast_in_dim3A_72 = vector.shape_cast %max3A_71 : vector<64xf32> to vector<64x1xf32>
      %div3A = vector.broadcast %broadcast_in_dim3A_72 : vector<64x1xf32> to vector<64x257xf32>
      %div3A_73 = arith.divf %add3A_69, %div3A : vector<64x257xf32>
      %reduce_sum3A_74 = arith.constant dense<0.000000e+00> : vector<257xf32>
      %reduce_sum3A_75 = vector.multi_reduction <add>, %div3A_73, %reduce_sum3A_74 [0] : vector<64x257xf32> to vector<257xf32>
      %broadcast_in_dim3A_76 = vector.shape_cast %reduce_sum3A_75 : vector<257xf32> to vector<1x257xf32>
      %div3A_77 = arith.constant 6.400000e+01 : f32
      %div3A_78 = vector.broadcast %div3A_77 : f32 to vector<1x257xf32>
      %div3A_79 = arith.divf %broadcast_in_dim3A_76, %div3A_78 : vector<1x257xf32>
      %sub3A = vector.broadcast %div3A_79 : vector<1x257xf32> to vector<64x257xf32>
      %sub3A_80 = arith.subf %div3A_73, %sub3A : vector<64x257xf32>
      %integer_pow3A = arith.mulf %sub3A_80, %sub3A_80 : vector<64x257xf32>
      %reduce_sum3A_81 = arith.constant dense<0.000000e+00> : vector<257xf32>
      %reduce_sum3A_82 = vector.multi_reduction <add>, %integer_pow3A, %reduce_sum3A_81 [0] : vector<64x257xf32> to vector<257xf32>
      %broadcast_in_dim3A_83 = vector.shape_cast %reduce_sum3A_82 : vector<257xf32> to vector<1x257xf32>
      %div3A_84 = arith.constant 6.400000e+01 : f32
      %div3A_85 = vector.broadcast %div3A_84 : f32 to vector<1x257xf32>
      %div3A_86 = arith.divf %broadcast_in_dim3A_83, %div3A_85 : vector<1x257xf32>
      %sub3A_87 = vector.broadcast %div3A_79 : vector<1x257xf32> to vector<64x257xf32>
      %sub3A_88 = arith.subf %div3A_73, %sub3A_87 : vector<64x257xf32>
      %add3A_89 = arith.constant 9.99999974E-6 : f32
      %add3A_90 = vector.broadcast %add3A_89 : f32 to vector<1x257xf32>
      %add3A_91 = arith.addf %div3A_86, %add3A_90 : vector<1x257xf32>
      %rsqrt3A = math.rsqrt %add3A_91 : vector<1x257xf32>
      %mul3A_92 = vector.broadcast %rsqrt3A : vector<1x257xf32> to vector<64x257xf32>
      %mul3A_93 = arith.mulf %sub3A_88, %mul3A_92 : vector<64x257xf32>
      %get3A_94 = arith.constant 0 : index
      %get3A_95 = arith.constant 0 : index
      %get3A_96 = vector.load %arg8[%get3A_94, %get3A_95] : memref<1x257xf32, #tpu.memory_space<vmem>>, vector<1x257xf32>
      %mul3A_97 = vector.broadcast %get3A_96 : vector<1x257xf32> to vector<64x257xf32>
      %mul3A_98 = arith.mulf %mul3A_93, %mul3A_97 : vector<64x257xf32>
      %get3A_99 = arith.constant 0 : index
      %get3A_100 = arith.constant 0 : index
      %get3A_101 = vector.load %arg9[%get3A_99, %get3A_100] : memref<1x257xf32, #tpu.memory_space<vmem>>, vector<1x257xf32>
      %add3A_102 = vector.broadcast %get3A_101 : vector<1x257xf32> to vector<64x257xf32>
      %add3A_103 = arith.addf %mul3A_98, %add3A_102 : vector<64x257xf32>
      %get3A_104 = arith.constant 0 : index
      %get3A_105 = arith.constant 0 : index
      %get3A_106 = vector.load %arg10[%get3A_104, %get3A_105] : memref<257x1xf32, #tpu.memory_space<vmem>>, vector<257x1xf32>
      %dot_general3A_107 = arith.constant dense<0.000000e+00> : vector<64x1xf32>
      %dot_general3A_108 = tpu.matmul %add3A_103, %get3A_106, %dot_general3A_107 {dimension_numbers = #tpu.dot_dimension_numbers<[1], [0], [0], [1], [0, 0, 1, 1], [], []>, precision = #tpu.contract_precision<fp32>, transpose_lhs_hint = false} : vector<64x257xf32>, vector<257x1xf32>, vector<64x1xf32> -> vector<64x1xf32>
      %get3A_109 = arith.constant 0 : index
      %get3A_110 = arith.constant 0 : index
      %get3A_111 = vector.load %arg11[%get3A_109, %get3A_110] : memref<1x1xf32, #tpu.memory_space<vmem>>, vector<1x1xf32>
      %add3A_112 = vector.broadcast %get3A_111 : vector<1x1xf32> to vector<64x1xf32>
      %add3A_113 = arith.addf %dot_general3A_108, %add3A_112 : vector<64x1xf32>
      %swap3A_114 = arith.constant 0 : index
      %swap3A_115 = arith.constant 0 : index
      %swap3A_116 = vector.load %arg12[%swap3A_114, %swap3A_115] : memref<64x1xf32, #tpu.memory_space<vmem>>, vector<64x1xf32>
      tpu.vector_store %arg12[%swap3A_114, %swap3A_115], %add3A_113 {strides = array<i32>} : memref<64x1xf32, #tpu.memory_space<vmem>>, vector<64x1xf32>,
    } else {
    }
    return
  }
  func.func @transform_0(%arg0: i32) -> (i32, i32, i32) {
    %c0_i32 = arith.constant 0 : i32
    %c0_i32_0 = arith.constant 0 : i32
    %c0_i32_1 = arith.constant 0 : i32
    return %c0_i32, %c0_i32_0, %arg0 : i32, i32, i32
  }
  func.func @transform_1(%arg0: i32) -> (i32, i32) {
    %c0_i32 = arith.constant 0 : i32
    %c0_i32_0 = arith.constant 0 : i32
    return %arg0, %c0_i32 : i32, i32
  }
  func.func @transform_2(%arg0: i32) -> (i32, i32) {
    %c0_i32 = arith.constant 0 : i32
    %c0_i32_0 = arith.constant 0 : i32
    return %arg0, %c0_i32 : i32, i32
  }
  func.func @transform_3(%arg0: i32) -> (i32, i32) {
    %c0_i32 = arith.constant 0 : i32
    %c0_i32_0 = arith.constant 0 : i32
    %c0_i32_1 = arith.constant 0 : i32
    return %c0_i32, %c0_i32_0 : i32, i32
  }
  func.func @transform_4(%arg0: i32) -> (i32, i32) {
    %c0_i32 = arith.constant 0 : i32
    %c0_i32_0 = arith.constant 0 : i32
    %c0_i32_1 = arith.constant 0 : i32
    return %c0_i32, %c0_i32_0 : i32, i32
  }
  func.func @transform_5(%arg0: i32) -> (i32, i32) {
    %c0_i32 = arith.constant 0 : i32
    %c0_i32_0 = arith.constant 0 : i32
    %c0_i32_1 = arith.constant 0 : i32
    return %c0_i32, %c0_i32_0 : i32, i32
  }
  func.func @transform_6(%arg0: i32) -> (i32, i32) {
    %c0_i32 = arith.constant 0 : i32
    %c0_i32_0 = arith.constant 0 : i32
    %c0_i32_1 = arith.constant 0 : i32
    return %c0_i32, %c0_i32_0 : i32, i32
  }
  func.func @transform_7(%arg0: i32) -> (i32, i32) {
    %c0_i32 = arith.constant 0 : i32
    %c0_i32_0 = arith.constant 0 : i32
    %c0_i32_1 = arith.constant 0 : i32
    return %c0_i32, %c0_i32_0 : i32, i32
  }
  func.func @transform_8(%arg0: i32) -> (i32, i32) {
    %c0_i32 = arith.constant 0 : i32
    %c0_i32_0 = arith.constant 0 : i32
    %c0_i32_1 = arith.constant 0 : i32
    return %c0_i32, %c0_i32_0 : i32, i32
  }
  func.func @transform_9(%arg0: i32) -> (i32, i32) {
    %c0_i32 = arith.constant 0 : i32
    %c0_i32_0 = arith.constant 0 : i32
    %c0_i32_1 = arith.constant 0 : i32
    return %c0_i32, %c0_i32_0 : i32, i32
  }
  func.func @transform_10(%arg0: i32) -> (i32, i32) {
    %c0_i32 = arith.constant 0 : i32
    %c0_i32_0 = arith.constant 0 : i32
    %c0_i32_1 = arith.constant 0 : i32
    return %c0_i32, %c0_i32_0 : i32, i32
  }
  func.func @transform_11(%arg0: i32) -> (i32, i32) {
    %c0_i32 = arith.constant 0 : i32
    %c0_i32_0 = arith.constant 0 : i32
    %c0_i32_1 = arith.constant 0 : i32
    return %c0_i32, %c0_i32_0 : i32, i32
  }
}

</mosaic_0001>

<sc_bundles>
// kernel: kernel.10.cloned.1.call-start
scs
__scs_entry_jumppad:
0x0: {  	(pc) =	sbr.rel $0x88, $3  }
0x1: {  	(tag) =	ssettag $0x0;
	lr =	simm.s32 $0x1  }
0x2: {  	[smem:$0x3F93] =	sst lr;
	_ =	strace $0xD0000000  }
0x3: {  	_ = 	snop  }
0x4: {  	_ = 	snop  }
0x5: {  	_ = 	snop  }
0x6: {  	_ = 	snop  }
0x7: {  	_ = 	snop  }
__scs_overlays_trampoline_lowered:
0x8: {  	[smem:$0x3FA2] =	sst s0  }
0x9: {  	[smem:$0x3FA3] =	sst s1  }
0xa: {  	[smem:$0x3FA4] =	sst s2  }
0xb: {  	[smem:$0x3FA5] =	sst s3  }
0xc: {  	[smem:$0x3FA6] =	sst s4  }
0xd: {  	[smem:$0x3FA7] =	sst s5  }
0xe: {  	[smem:$0x3FA8] =	sst s6  }
0xf: {  	[smem:$0x3FA9] =	sst s7  }
0x10: {  	[smem:$0x3FAA] =	sst s8  }
0x11: {  	[smem:$0x3FAB] =	sst s9;
	s0 =	simm.s32 @!p0 $0x0  }
0x12: {  	s1 =	sld [smem:$0x3F91];
	s0 =	simm.s32 @p0 $0x1  }
0x13: {  	[smem:$0x3FAC] =	sst s0;
	s0 =	simm.s32 @!p1 $0x0  }
0x14: {  	s2 =	sld [smem:$0x3F90];
	s0 =	simm.s32 @p1 $0x1  }
0x15: {  	[smem:$0x3FAD] =	sst s0;
	s0 =	simm.s32 @!p2 $0x0  }
0x16: {  	s3 =	sld [smem:$0x3FDB];
	s0 =	simm.s32 @p2 $0x1  }
0x17: {  	s4 =	simm.s32 $0x1BF5;
	[smem:$0x3FAF] =	sst s0  }
0x18: {  	s0 =	sld [smem:$0x3F92];
	_ =	swait.ge [sflag:s4], $0x0  }
0x19: {  	s7 =	sld [smem:$0x3F93]  }
0x1a: {  	s8 =	sadd.s32 $0xFFFFE003, lr  }
0x1b: {  	s9 =	sadd.s32 $0xFFFFFEF7, lr;
	s5 =	simm.s32 $0xFFFFFFFF;
	p2 =	slt.u32 s8, $0xFFFFF086  }
0x1c: {  	p1 =	slt.u32 s9, $0xF7A;
	s5 =	simm.s32 @!p2 $0x0  }
0x1d: {  	s5 =	simm.s32 @p1 $0x1;
	p0 =	seq.s32 s7, s2  }
0x1e: {  	s7 =	smul.u32 @!p0 $0xF7A, s2;
	p2 =	seq.s32 @!p0 s5, $0x0  }
0x1f: {  	s9 =	smul.u32 $0xF7A, s1;
	s8 =	simm.s32 @!p0 $0x1BF5;
	p2 =	por !p2, p0  }
0x20: {  	[sflag:s8] =	ssyncset.s32 @!p0 $0xFFFFF086;
	s6 =	sadd.s32 @!p0 s3, s7;
	s7 =	simm.s32 @!p0 $0x108  }
0x21: {  	s3 =	sadd.s32 s3, s9;
	s6 =	sadd.s32 @!p0 $0x88, s6;
	s7 =	simm.s32 @p2 $0x1082  }
0x22: {  	[simem:s7], [sflag:s8] =	dma.local @!p0 [hbm:s6], $0xF7A  }
0x23: {  	s9 =	sor.u32 $0xD0000000, s2;
	s6 =	simm.s32 $0x108;
	_ =	swait.ge @!p0 [sflag:s8], $0x0  }
0x24: {  	s3 =	sadd.s32 $0x88, s3;
	s6 =	simm.s32 @!p1 $0x1082;
	[sflag:s4] =	ssyncset.s32 $0xFFFFF086  }
0x25: {  	[simem:s6], [sflag:s4] =	dma.local [hbm:s3], $0xF7A  }
0x26: {  	[smem:$0x3F93] =	sst s1;
	(tag) =	ssettag s2;
	_ =	strace s9  }
0x27: {  	s1 =	sld [smem:$0x3FA3]  }
0x28: {  	s2 =	sld [smem:$0x3FA4]  }
0x29: {  	s4 =	sld [smem:$0x3FA6]  }
0x2a: {  	p0 =	seq.s32 s5, $0x0;
	s5 =	sld [smem:$0x3FA7]  }
0x2b: {  	s6 =	sld [smem:$0x3FA8]  }
0x2c: {  	s7 =	sld [smem:$0x3FA9]  }
0x2d: {  	s3 =	simm.s32 $0x108;
	s8 =	sld [smem:$0x3FAA]  }
0x2e: {  	s3 =	simm.s32 @!p0 $0x1082;
	s9 =	sld [smem:$0x3FAB]  }
0x2f: {  	lr =	sadd.s32 s0, s3;
	s0 =	sld [smem:$0x3FA2]  }
0x30: {  	s3 =	sld [smem:$0x3FA5]  }
0x31: {  	[smem:$0x3FAE] =	sst s10  }
0x32: {  	s10 =	sld [smem:$0x3FAC];
	_ =	sdelay $0x3  }
0x33: {  	p0 =	seq.s32 s10, $0x1;
	s10 =	sld [smem:$0x3FAE];
	_ =	sdelay $0x3  }
0x34: {  	[smem:$0x3FAE] =	sst s10  }
0x35: {  	s10 =	sld [smem:$0x3FAD];
	_ =	sdelay $0x3  }
0x36: {  	p1 =	seq.s32 s10, $0x1;
	s10 =	sld [smem:$0x3FAE];
	_ =	sdelay $0x3  }
0x37: {  	[smem:$0x3FAE] =	sst s10  }
0x38: {  	s10 =	sld [smem:$0x3FAF]  }
0x39: {  	_ = 	snop;
	(pc) =	sbr.ind lr, $3  }
0x3a: {  	_ = 	snop  }
0x3b: {  	_ = 	snop  }
0x3c: {  	p2 =	seq.s32 s10, $0x1;
	s10 =	sld [smem:$0x3FAE]  }
0x3d: {  	_ =	shalt  }
0x3e: {  	_ =	shalt  }
0x3f: {  	_ =	shalt  }
0x40: {  	_ =	shalt  }
0x41: {  	_ =	shalt  }
0x42: {  	_ =	shalt  }
0x43: {  	_ =	shalt  }
0x44: {  	_ =	shalt  }
0x45: {  	_ =	shalt  }
0x46: {  	_ =	shalt  }
0x47: {  	_ =	shalt  }
0x48: {  	_ =	shalt  }
0x49: {  	_ =	shalt  }
0x4a: {  	_ =	shalt  }
0x4b: {  	_ =	shalt  }
0x4c: {  	_ =	shalt  }
0x4d: {  	_ =	shalt  }
0x4e: {  	_ =	shalt  }
0x4f: {  	_ =	shalt  }
0x50: {  	_ =	shalt  }
0x51: {  	_ =	shalt  }
0x52: {  	_ =	shalt  }
0x53: {  	_ =	shalt  }
0x54: {  	_ =	shalt  }
0x55: {  	_ =	shalt  }
0x56: {  	_ =	shalt  }
0x57: {  	_ =	shalt  }
0x58: {  	_ =	shalt  }
0x59: {  	_ =	shalt  }
0x5a: {  	_ =	shalt  }
0x5b: {  	_ =	shalt  }
0x5c: {  	_ =	shalt  }
0x5d: {  	_ =	shalt  }
0x5e: {  	_ =	shalt  }
0x5f: {  	_ =	shalt  }
0x60: {  	_ =	shalt  }
0x61: {  	_ =	shalt  }
0x62: {  	_ =	shalt  }
0x63: {  	_ =	shalt  }
0x64: {  	_ =	shalt  }
0x65: {  	_ =	shalt  }
0x66: {  	_ =	shalt  }
0x67: {  	_ =	shalt  }
0x68: {  	_ =	shalt  }
0x69: {  	_ =	shalt  }
0x6a: {  	_ =	shalt  }
0x6b: {  	_ =	shalt  }
0x6c: {  	_ =	shalt  }
0x6d: {  	_ =	shalt  }
0x6e: {  	_ =	shalt  }
0x6f: {  	_ =	shalt  }
0x70: {  	_ =	shalt  }
0x71: {  	_ =	shalt  }
0x72: {  	_ =	shalt  }
0x73: {  	_ =	shalt  }
0x74: {  	_ =	shalt  }
0x75: {  	_ =	shalt  }
0x76: {  	_ =	shalt  }
0x77: {  	_ =	shalt  }
0x78: {  	_ =	shalt  }
0x79: {  	_ =	shalt  }
0x7a: {  	_ =	shalt  }
0x7b: {  	_ =	shalt  }
0x7c: {  	_ =	shalt  }
0x7d: {  	_ =	shalt  }
0x7e: {  	_ =	shalt  }
0x7f: {  	_ =	shalt  }
0x80: {  	_ =	shalt  }
0x81: {  	_ =	shalt  }
0x82: {  	_ =	shalt  }
0x83: {  	_ =	shalt  }
0x84: {  	_ =	shalt  }
0x85: {  	_ =	shalt  }
0x86: {  	_ =	shalt  }
0x87: {  	_ =	shalt  }
.Lfunc_end0:
.L_simem_size_0:
called_computation.1_lowered:
.L_overlay_start_0:
0x88: {  	s2 =	sld [smem:$0x3FD9]  }
0x89: {  	s3 =	sld [smem:$0x3FFE];
	_ =	sdelay $0x1  }
0x8a: {  	s1 =	srdreg.scid  }
0x8b: {  	s0 =	sand.u32 $0x1, s1  }
0x8c: {  	s16 =	sshll.u32 s0, $0xA;
	s2 =	sadd.s32 s3, s2  }
0x8d: {  	s2 =	sadd.s32 s2, s16  }
0x8e: {  	[smem:$0x3FBA] =	sst s2  }
0x8f: {  	_ = 	snop  }
0x90: {  	(tm) =	ssettm $0x1  }
0x91: {  	s17 =	sld [smem:$0x3FFB];
	_ =	sdelay $0x3  }
0x92: {  	_ =	strace s17  }
0x93: {  	s2 =	sld [smem:$0x3FFC];
	_ =	sdelay $0x3  }
0x94: {  	_ =	strace s2  }
0x95: {  	s2 =	sld [smem:$0x3FFD];
	_ =	sdelay $0x3  }
0x96: {  	_ =	strace s2  }
0x97: {  	_ =	strace $0x8FFFFFFF  }
0x98: {  	s18 =	sld [smem:$0x3FDB];
	_ =	sdelay $0x1  }
0x99: {  	s19 =	simm.s32 $_scs_section_size  }
0x9a: {  	s4 =	simm.s32 $_size__tile_overlayer_lowered;
	s5 =	simm.s32 $_tile_overlayer_lowered  }
0x9b: {  	s22 =	simm.s32 $0x1BFF;
	s21 =	sshll.u32 s5, $0x1;
	s2 =	sadd.s32 s19, s18  }
0x9c: {  	s6 =	simm.s32 $0x0;
	s20 =	sshll.u32 s4, $0x1;
	s4 =	sadd.s32 s21, s2  }
0x9d: {  	[timem:s6], [sflag:s22] =	dma.local [hbm:s4], s20  }
0x9e: {  	_ =	swait.ge [sflag:s22], s20  }
0x9f: {  	s3 =	ssub.s32 $0x0, s20;
	[sflag:s22] =	ssyncset.done $0x0  }
0xa0: {  	[sflag:s22] =	ssyncadd.s32 s3;
	_ =	sdelay $0x1  }
0xa1: {  	s23 =	simm.s32 $0x1B8B  }
0xa2: {  	_ =	swait.ge [sflag:s23], $0x1  }
0xa3: {  	[sflag:s23] =	ssyncset.done $0x0  }
0xa4: {  	s25 =	simm.s32 $0x1B8E;
	s24 =	sld [smem:$0x3FFE];
	[sflag:s23] =	ssyncadd.s32 $0xFFFFFFFF  }
0xa5: {  	s26 =	simm.s32 $execute0_lowered;
	[smem:$0x3FD2] =	sst s25  }
0xa6: {  	s4 =	sshll.u32 s26, $0x1;
	_ =	strace $0x80000049;
	[dreg:$0x1] =	wrdreg $0xFFFFFFFF  }
0xa7: {  	s28 =	simm.s32 $_size_execute0_lowered;
	s2 =	sadd.s32 s2, s4;
	[dreg:$0x0] =	wrdreg $0x0  }
0xa8: {  	s4 =	sshll.u32 s28, $0x1;
	[dreg:$0x2] =	wrdreg s2  }
0xa9: {  	[dreg:$0x3] =	wrdreg s4  }
0xaa: {  	[dreg:$0x4] =	wrdreg $0xC0  }
0xab: {  	_ =	task [dreg:s6], $0x5FFFF  }
0xac: {  	[dreg:$0x1] =	wrdreg $0xFFFFFFFF  }
0xad: {  	[dreg:$0x0] =	wrdreg $0x60  }
0xae: {  	[dreg:$0x2] =	wrdreg s24  }
0xaf: {  	[dreg:$0x3] =	wrdreg $0x49800  }
0xb0: {  	[dreg:$0x4] =	wrdreg $0x9  }
0xb1: {  	_ =	task.clear_ibuf [dreg:s6], $0x5FFFF;
	_ =	strace $0x90000049  }
0xb2: {  	s29 =	simm.s32 $0x9;
	_ =	strace $0x8000004B  }
0xb3: {  	_ =	swait.ge [sflag:s29], $0x1  }
0xb4: {  	[sflag:s29] =	ssyncadd.s32 $0xFFFFFFFF  }
0xb5: {  	_ =	strace $0x9000004B  }
0xb6: {  	_ =	sfence  }
0xb7: {  	s30 =	sld [smem:$0x0];
	_ =	sdelay $0x2  }
0xb8: {  	s31 =	sshll.u32 s1, $0xD;
	s1 =	sshrl.u32 s1, $0x2  }
0xb9: {  	s3 =	sand.u32 $0x4000, s31;
	s1 =	sadd.s32 s1, s30  }
0xba: {  	s0 =	sor.u32 s3, s0;
	s1 =	sshll.u32 s1, $0x11  }
0xbb: {  	s0 =	sor.u32 s1, s0  }
0xbc: {  	s0 =	sadd.s32 $0x8F2B, s0  }
0xbd: {  	[sflag:s0] =	ssyncadd.remote.s32 $0x1  }
0xbe: {  	_ =	sfence.sel $0xFFFF  }
0xbf: {  	[dreg:$0x0] =	wrdreg $0xFFFFFFFF;
	(pc) =	sbr.abs _section_cstart, $3  }
0xc0: {  	[dreg:$0x1] =	wrdreg $0xFFFFFFFF  }
0xc1: {  	_ =	task.clear_ibuf [dreg:s6], $0x2FFFF;
	_ =	strace $0x9FFFFFFF  }
0xc2: {  	(tm) =	ssettm $0x7FFFFFFF  }
0xc3: {  	_ =	shalt  }
tec
execute0_lowered:
.L_overlay_start_1:
0x0: {  	(tag) =	ssettag $0x1  }
0x1: {  	s0 =	rddreg [dreg:$0x0]  }
0x2: {  	s1 =	rddreg [dreg:$0x1];
	s11 =	stileid.u32  }
0x3: {  	s2 =	srdreg.scid;
	s7 =	smul.u32 $0x14000, s11  }
0x4: {  	s3 =	simm.s32 $0x0;
	s2 =	sand.u32 $0x1, s2;
	s9 =	smul.u32 $0x50000, s11  }
0x5: {  	[smem:$0x7FF] =	sst s3;
	s6 =	smul.u32 $0x140000, s2;
	s14 =	ssub.s32 $0x2, s2  }
0x6: {  	s4 =	sadd.s32 $0x3200, s0;
	s5 =	sadd.s32 $0xD200, s0;
	s10 =	sshrl.u32 s14, $0x1  }
0x7: {  	s9 =	sshrl.u32 s9, $0x2;
	s7 =	sadd.s32 s7, s6;
	s6 =	sadd.s32 $0x17200, s0  }
0x8: {  	s10 =	ssub.s32 s14, s10;
	s8 =	sshrl.u32 s7, $0x3;
	s7 =	sadd.s32 $0x4A800, s0  }
0x9: {  	s12 =	smax.u32 s10, $0x1;
	s0 =	sadd.s32 s8, s0;
	s8 =	sadd.s32 s9, s1  }
0xa: {  	_ =	strace $0x8000004A;
	[dreg:$0x12] =	wrdreg s12;
	s9 =	sadd.s32 $0x800, s8  }
0xb: {  	s15 =	sadd.s32 $0x1000, s8;
	[dreg:$0x3] =	wrdreg s9  }
0xc: {  	s16 =	sadd.s32 $0x1800, s8;
	[dreg:$0x4] =	wrdreg s15  }
0xd: {  	s17 =	sadd.s32 $0x2000, s8;
	[dreg:$0x5] =	wrdreg s16  }
0xe: {  	s18 =	sadd.s32 $0x2800, s8;
	[dreg:$0x6] =	wrdreg s17  }
0xf: {  	s19 =	sadd.s32 $0x3000, s8;
	[dreg:$0x7] =	wrdreg s18  }
0x10: {  	s20 =	sadd.s32 $0x3800, s8;
	[dreg:$0x8] =	wrdreg s19  }
0x11: {  	s21 =	sadd.s32 $0x4000, s8;
	[dreg:$0x9] =	wrdreg s20  }
0x12: {  	s22 =	sadd.s32 $0x4800, s8;
	[dreg:$0xa] =	wrdreg s21  }
0x13: {  	s23 =	sadd.s32 $0x5000, s8;
	[dreg:$0xb] =	wrdreg s22  }
0x14: {  	s24 =	sadd.s32 $0x5800, s8;
	[dreg:$0xc] =	wrdreg s23  }
0x15: {  	s25 =	sadd.s32 $0x6000, s8;
	[dreg:$0xd] =	wrdreg s24  }
0x16: {  	s11 =	sshll.u32 s11, $0x1;
	s26 =	sadd.s32 $0x6800, s8;
	[dreg:$0xe] =	wrdreg s25  }
0x17: {  	s2 =	sor.u32 s2, s11;
	s11 =	sadd.s32 $0x7000, s8;
	[dreg:$0xf] =	wrdreg s26  }
0x18: {  	s0 =	sadd.s32 $0x72800, s0;
	[dreg:$0x10] =	wrdreg s11  }
0x19: {  	s13 =	sadd.s32 $0x7800, s8;
	[dreg:$0x11] =	wrdreg s0  }
0x1a: {  	s14 =	sadd.s32 $0x8000, s8;
	[dreg:$0x13] =	wrdreg s13  }
0x1b: {  	[dreg:$0x14] =	wrdreg s14;
	s15 =	sadd.s32 $0x8800, s8  }
0x1c: {  	s16 =	sadd.s32 $0x9000, s8;
	[dreg:$0x15] =	wrdreg s15  }
0x1d: {  	s17 =	sadd.s32 $0x9800, s8;
	[dreg:$0x16] =	wrdreg s16  }
0x1e: {  	s29 =	simm.s32 $0x4180;
	s18 =	sadd.s32 $0xA000, s8;
	[dreg:$0x17] =	wrdreg s17  }
0x1f: {  	s30 =	simm.s32 $0x2;
	s19 =	sadd.s32 $0xA800, s8;
	[dreg:$0x18] =	wrdreg s18  }
0x20: {  	s31 =	simm.s32 $0x80;
	s20 =	sadd.s32 $0xB000, s8;
	[dreg:$0x19] =	wrdreg s19  }
0x21: {  	s28 =	sadd.s32 $0x13800, s8;
	s21 =	sadd.s32 $0xB800, s8;
	[dreg:$0x1a] =	wrdreg s20  }
0x22: {  	s23 =	smul.u32 $0x50, s2;
	s22 =	sadd.s32 $0xC000, s8;
	[dreg:$0x1b] =	wrdreg s21  }
0x23: {  	s24 =	sadd.s32 $0xC800, s8;
	s25 =	sadd.s32 $0xD000, s8;
	[dreg:$0x1c] =	wrdreg s22  }
0x24: {  	s26 =	sadd.s32 $0xD800, s8;
	s0 =	simm.s32 $0x100;
	[dreg:$0x1d] =	wrdreg s24  }
0x25: {  	s2 =	simm.s32 $0x180;
	s9 =	simm.s32 $0x1;
	[dreg:$0x1e] =	wrdreg s25  }
0x26: {  	[dreg:$0x1f] =	wrdreg s26;
	s15 =	sadd.s32 $0xE000, s8;
	s16 =	sadd.s32 $0xE800, s8  }
0x27: {  	s17 =	sadd.s32 $0xF000, s8;
	s18 =	sadd.s32 $0xF800, s8;
	s19 =	sadd.s32 $0x10000, s8  }
0x28: {  	s20 =	sadd.s32 $0x10800, s8;
	s21 =	sadd.s32 $0x11000, s8;
	s22 =	sadd.s32 $0x11800, s8  }
0x29: {  	v0 =	vimm.f32 $0.0e+00;
	s24 =	sadd.s32 $0x12000, s8;
	s25 =	sadd.s32 $0x12800, s8;
	s26 =	sadd.s32 $0x13000, s8  }
.LBB2_1:
0x2a: {  	[tilespmem:$0x4180] =	vst v0  }
0x2b: {  	[tilespmem:$0x4190] =	vst v0  }
0x2c: {  	[tilespmem:$0x41A0] =	vst v0  }
0x2d: {  	[tilespmem:$0x41B0] =	vst v0  }
0x2e: {  	[tilespmem:$0x41C0] =	vst v0  }
0x2f: {  	[tilespmem:$0x41D0] =	vst v0  }
0x30: {  	[tilespmem:$0x41E0] =	vst v0  }
0x31: {  	[tilespmem:$0x41F0] =	vst v0  }
0x32: {  	[tilespmem:$0x4200] =	vst v0  }
0x33: {  	[tilespmem:$0x4210] =	vst v0  }
0x34: {  	[tilespmem:$0x4220] =	vst v0  }
0x35: {  	[tilespmem:$0x4230] =	vst v0  }
0x36: {  	[tilespmem:$0x4240] =	vst v0  }
0x37: {  	[tilespmem:$0x4250] =	vst v0  }
0x38: {  	[tilespmem:$0x4260] =	vst v0  }
0x39: {  	[tilespmem:$0x4270] =	vst v0  }
0x3a: {  	[tilespmem:$0x4280] =	vst v0  }
0x3b: {  	[tilespmem:$0x4290] =	vst v0  }
0x3c: {  	[tilespmem:$0x42A0] =	vst v0  }
0x3d: {  	[tilespmem:$0x42B0] =	vst v0  }
0x3e: {  	[tilespmem:$0x42C0] =	vst v0  }
0x3f: {  	[tilespmem:$0x42D0] =	vst v0  }
0x40: {  	[tilespmem:$0x42E0] =	vst v0  }
0x41: {  	[tilespmem:$0x42F0] =	vst v0  }
0x42: {  	[tilespmem:$0x4300] =	vst v0  }
0x43: {  	[tilespmem:$0x4310] =	vst v0  }
0x44: {  	[tilespmem:$0x4320] =	vst v0  }
0x45: {  	[tilespmem:$0x4330] =	vst v0  }
0x46: {  	[tilespmem:$0x4340] =	vst v0  }
0x47: {  	[tilespmem:$0x4350] =	vst v0  }
0x48: {  	[tilespmem:$0x4360] =	vst v0  }
0x49: {  	[tilespmem:$0x4370] =	vst v0  }
0x4a: {  	[tilespmem:$0x4380] =	vst v0  }
0x4b: {  	[tilespmem:$0x4390] =	vst v0  }
0x4c: {  	[tilespmem:$0x43A0] =	vst v0  }
0x4d: {  	[tilespmem:$0x43B0] =	vst v0  }
0x4e: {  	[tilespmem:$0x43C0] =	vst v0  }
0x4f: {  	[tilespmem:$0x43D0] =	vst v0  }
0x50: {  	[tilespmem:$0x43E0] =	vst v0  }
0x51: {  	[tilespmem:$0x43F0] =	vst v0  }
0x52: {  	[tilespmem:$0x4400] =	vst v0  }
0x53: {  	[tilespmem:$0x4410] =	vst v0  }
0x54: {  	[tilespmem:$0x4420] =	vst v0  }
0x55: {  	[tilespmem:$0x4430] =	vst v0  }
0x56: {  	[tilespmem:$0x4440] =	vst v0  }
0x57: {  	[tilespmem:$0x4450] =	vst v0  }
0x58: {  	[tilespmem:$0x4460] =	vst v0  }
0x59: {  	[tilespmem:$0x4470] =	vst v0  }
0x5a: {  	[tilespmem:$0x4480] =	vst v0  }
0x5b: {  	[tilespmem:$0x4490] =	vst v0  }
0x5c: {  	[tilespmem:$0x44A0] =	vst v0  }
0x5d: {  	[tilespmem:$0x44B0] =	vst v0  }
0x5e: {  	[tilespmem:$0x44C0] =	vst v0  }
0x5f: {  	[tilespmem:$0x44D0] =	vst v0  }
0x60: {  	[tilespmem:$0x44E0] =	vst v0  }
0x61: {  	[tilespmem:$0x44F0] =	vst v0  }
0x62: {  	[tilespmem:$0x4500] =	vst v0  }
0x63: {  	[tilespmem:$0x4510] =	vst v0  }
0x64: {  	[tilespmem:$0x4520] =	vst v0  }
0x65: {  	[tilespmem:$0x4530] =	vst v0  }
0x66: {  	[tilespmem:$0x4540] =	vst v0  }
0x67: {  	[tilespmem:$0x4550] =	vst v0  }
0x68: {  	[tilespmem:$0x4560] =	vst v0  }
0x69: {  	[tilespmem:$0x4570] =	vst v0  }
0x6a: {  	[tilespmem:$0x4580] =	vst v0  }
0x6b: {  	[tilespmem:$0x4590] =	vst v0  }
0x6c: {  	[tilespmem:$0x45A0] =	vst v0  }
0x6d: {  	[tilespmem:$0x45B0] =	vst v0  }
0x6e: {  	[tilespmem:$0x45C0] =	vst v0  }
0x6f: {  	[tilespmem:$0x45D0] =	vst v0  }
0x70: {  	[tilespmem:$0x45E0] =	vst v0  }
0x71: {  	[tilespmem:$0x45F0] =	vst v0  }
0x72: {  	[tilespmem:$0x4600] =	vst v0  }
0x73: {  	[tilespmem:$0x4610] =	vst v0  }
0x74: {  	[tilespmem:$0x4620] =	vst v0  }
0x75: {  	[tilespmem:$0x4630] =	vst v0  }
0x76: {  	[tilespmem:$0x4640] =	vst v0  }
0x77: {  	[tilespmem:$0x4650] =	vst v0  }
0x78: {  	[tilespmem:$0x4660] =	vst v0  }
0x79: {  	[tilespmem:$0x4670] =	vst v0  }
0x7a: {  	[tilespmem:$0x4680] =	vst v0  }
0x7b: {  	[tilespmem:$0x4690] =	vst v0  }
0x7c: {  	[tilespmem:$0x46A0] =	vst v0  }
0x7d: {  	[tilespmem:$0x46B0] =	vst v0  }
0x7e: {  	[tilespmem:$0x46C0] =	vst v0  }
0x7f: {  	[tilespmem:$0x46D0] =	vst v0  }
0x80: {  	[tilespmem:$0x46E0] =	vst v0  }
0x81: {  	[tilespmem:$0x46F0] =	vst v0  }
0x82: {  	[tilespmem:$0x4700] =	vst v0  }
0x83: {  	[tilespmem:$0x4710] =	vst v0  }
0x84: {  	[tilespmem:$0x4720] =	vst v0  }
0x85: {  	[tilespmem:$0x4730] =	vst v0  }
0x86: {  	[tilespmem:$0x4740] =	vst v0  }
0x87: {  	[tilespmem:$0x4750] =	vst v0  }
0x88: {  	[tilespmem:$0x4760] =	vst v0  }
0x89: {  	[tilespmem:$0x4770] =	vst v0  }
0x8a: {  	[tilespmem:$0x4780] =	vst v0  }
0x8b: {  	[tilespmem:$0x4790] =	vst v0  }
0x8c: {  	[tilespmem:$0x47A0] =	vst v0  }
0x8d: {  	[tilespmem:$0x47B0] =	vst v0  }
0x8e: {  	[tilespmem:$0x47C0] =	vst v0  }
0x8f: {  	[tilespmem:$0x47D0] =	vst v0  }
0x90: {  	[tilespmem:$0x47E0] =	vst v0  }
0x91: {  	[tilespmem:$0x47F0] =	vst v0  }
0x92: {  	[tilespmem:$0x4800] =	vst v0  }
0x93: {  	[tilespmem:$0x4810] =	vst v0  }
0x94: {  	[tilespmem:$0x4820] =	vst v0  }
0x95: {  	[tilespmem:$0x4830] =	vst v0  }
0x96: {  	[tilespmem:$0x4840] =	vst v0  }
0x97: {  	[tilespmem:$0x4850] =	vst v0  }
0x98: {  	[tilespmem:$0x4860] =	vst v0  }
0x99: {  	[tilespmem:$0x4870] =	vst v0  }
0x9a: {  	[tilespmem:$0x4880] =	vst v0  }
0x9b: {  	[tilespmem:$0x4890] =	vst v0  }
0x9c: {  	[tilespmem:$0x48A0] =	vst v0  }
0x9d: {  	[tilespmem:$0x48B0] =	vst v0  }
0x9e: {  	[tilespmem:$0x48C0] =	vst v0  }
0x9f: {  	[tilespmem:$0x48D0] =	vst v0  }
0xa0: {  	[tilespmem:$0x48E0] =	vst v0  }
0xa1: {  	[tilespmem:$0x48F0] =	vst v0  }
0xa2: {  	[tilespmem:$0x4900] =	vst v0  }
0xa3: {  	[tilespmem:$0x4910] =	vst v0  }
0xa4: {  	[tilespmem:$0x4920] =	vst v0  }
0xa5: {  	[tilespmem:$0x4930] =	vst v0  }
0xa6: {  	[tilespmem:$0x4940] =	vst v0  }
0xa7: {  	[tilespmem:$0x4950] =	vst v0  }
0xa8: {  	[tilespmem:$0x4960] =	vst v0  }
0xa9: {  	[tilespmem:$0x4970] =	vst v0  }
0xaa: {  	[spmem:s8] =	stream.linear.scatter [tilespmem:s29], [sflag:$0x2], $0x800, $0x38;
	[tilespmem:$0x18980] =	vst v63  }
0xab: {  	_ =	swait.ge [sflag:s30], $0x800  }
0xac: {  	[sflag:s30] =	ssyncset.done $0x0  }
0xad: {  	s10 =	rddreg [dreg:$0x3];
	[sflag:s30] =	ssyncadd.s32 $0xFFFFF800  }
0xae: {  	[spmem:s10] =	stream.linear.scatter [tilespmem:s29], [sflag:$0x2], $0x800, $0x38;
	[tilespmem:$0x18980] =	vst v63  }
0xaf: {  	_ =	swait.ge [sflag:s30], $0x800  }
0xb0: {  	[sflag:s30] =	ssyncset.done $0x0  }
0xb1: {  	s13 =	rddreg [dreg:$0x4];
	[sflag:s30] =	ssyncadd.s32 $0xFFFFF800  }
0xb2: {  	[spmem:s13] =	stream.linear.scatter [tilespmem:s29], [sflag:$0x2], $0x800, $0x38;
	[tilespmem:$0x18980] =	vst v63  }
0xb3: {  	_ =	swait.ge [sflag:s30], $0x800  }
0xb4: {  	[sflag:s30] =	ssyncset.done $0x0  }
0xb5: {  	s14 =	rddreg [dreg:$0x5];
	[sflag:s30] =	ssyncadd.s32 $0xFFFFF800  }
0xb6: {  	[spmem:s14] =	stream.linear.scatter [tilespmem:s29], [sflag:$0x2], $0x800, $0x38;
	[tilespmem:$0x18980] =	vst v63  }
0xb7: {  	_ =	swait.ge [sflag:s30], $0x800  }
0xb8: {  	[sflag:s30] =	ssyncset.done $0x0  }
0xb9: {  	s11 =	rddreg [dreg:$0x6];
	[sflag:s30] =	ssyncadd.s32 $0xFFFFF800  }
0xba: {  	[spmem:s11] =	stream.linear.scatter [tilespmem:s29], [sflag:$0x2], $0x800, $0x38;
	[tilespmem:$0x18980] =	vst v63  }
0xbb: {  	_ =	swait.ge [sflag:s30], $0x800  }
0xbc: {  	[sflag:s30] =	ssyncset.done $0x0  }
0xbd: {  	s12 =	rddreg [dreg:$0x7];
	[sflag:s30] =	ssyncadd.s32 $0xFFFFF800  }
0xbe: {  	[spmem:s12] =	stream.linear.scatter [tilespmem:s29], [sflag:$0x2], $0x800, $0x38;
	[tilespmem:$0x18980] =	vst v63  }
0xbf: {  	_ =	swait.ge [sflag:s30], $0x800  }
0xc0: {  	[sflag:s30] =	ssyncset.done $0x0  }
0xc1: {  	s13 =	rddreg [dreg:$0x8];
	[sflag:s30] =	ssyncadd.s32 $0xFFFFF800  }
0xc2: {  	[spmem:s13] =	stream.linear.scatter [tilespmem:s29], [sflag:$0x2], $0x800, $0x38;
	[tilespmem:$0x18980] =	vst v63  }
0xc3: {  	_ =	swait.ge [sflag:s30], $0x800  }
0xc4: {  	[sflag:s30] =	ssyncset.done $0x0  }
0xc5: {  	s14 =	rddreg [dreg:$0x9];
	[sflag:s30] =	ssyncadd.s32 $0xFFFFF800  }
0xc6: {  	[spmem:s14] =	stream.linear.scatter [tilespmem:s29], [sflag:$0x2], $0x800, $0x38;
	[tilespmem:$0x18980] =	vst v63  }
0xc7: {  	_ =	swait.ge [sflag:s30], $0x800  }
0xc8: {  	[sflag:s30] =	ssyncset.done $0x0  }
0xc9: {  	s11 =	rddreg [dreg:$0xa];
	[sflag:s30] =	ssyncadd.s32 $0xFFFFF800  }
0xca: {  	[spmem:s11] =	stream.linear.scatter [tilespmem:s29], [sflag:$0x2], $0x800, $0x38;
	[tilespmem:$0x18980] =	vst v63  }
0xcb: {  	_ =	swait.ge [sflag:s30], $0x800  }
0xcc: {  	[sflag:s30] =	ssyncset.done $0x0  }
0xcd: {  	s12 =	rddreg [dreg:$0xb];
	[sflag:s30] =	ssyncadd.s32 $0xFFFFF800  }
0xce: {  	[spmem:s12] =	stream.linear.scatter [tilespmem:s29], [sflag:$0x2], $0x800, $0x38;
	[tilespmem:$0x18980] =	vst v63  }
0xcf: {  	_ =	swait.ge [sflag:s30], $0x800  }
0xd0: {  	[sflag:s30] =	ssyncset.done $0x0  }
0xd1: {  	s13 =	rddreg [dreg:$0xc];
	[sflag:s30] =	ssyncadd.s32 $0xFFFFF800  }
0xd2: {  	[spmem:s13] =	stream.linear.scatter [tilespmem:s29], [sflag:$0x2], $0x800, $0x38;
	[tilespmem:$0x18980] =	vst v63  }
0xd3: {  	_ =	swait.ge [sflag:s30], $0x800  }
0xd4: {  	[sflag:s30] =	ssyncset.done $0x0  }
0xd5: {  	s14 =	rddreg [dreg:$0xd];
	[sflag:s30] =	ssyncadd.s32 $0xFFFFF800  }
0xd6: {  	[spmem:s14] =	stream.linear.scatter [tilespmem:s29], [sflag:$0x2], $0x800, $0x38;
	[tilespmem:$0x18980] =	vst v63  }
0xd7: {  	_ =	swait.ge [sflag:s30], $0x800  }
0xd8: {  	[sflag:s30] =	ssyncset.done $0x0  }
0xd9: {  	s11 =	rddreg [dreg:$0xe];
	[sflag:s30] =	ssyncadd.s32 $0xFFFFF800  }
0xda: {  	[spmem:s11] =	stream.linear.scatter [tilespmem:s29], [sflag:$0x2], $0x800, $0x38;
	[tilespmem:$0x18980] =	vst v63  }
0xdb: {  	_ =	swait.ge [sflag:s30], $0x800  }
0xdc: {  	[sflag:s30] =	ssyncset.done $0x0  }
0xdd: {  	s12 =	rddreg [dreg:$0xf];
	[sflag:s30] =	ssyncadd.s32 $0xFFFFF800  }
0xde: {  	[spmem:s12] =	stream.linear.scatter [tilespmem:s29], [sflag:$0x2], $0x800, $0x38;
	[tilespmem:$0x18980] =	vst v63  }
0xdf: {  	_ =	swait.ge [sflag:s30], $0x800  }
0xe0: {  	[sflag:s30] =	ssyncset.done $0x0  }
0xe1: {  	s13 =	rddreg [dreg:$0x10];
	[sflag:s30] =	ssyncadd.s32 $0xFFFFF800  }
0xe2: {  	[spmem:s13] =	stream.linear.scatter [tilespmem:s29], [sflag:$0x2], $0x800, $0x38;
	[tilespmem:$0x18980] =	vst v63  }
0xe3: {  	_ =	swait.ge [sflag:s30], $0x800  }
0xe4: {  	[sflag:s30] =	ssyncset.done $0x0  }
0xe5: {  	s14 =	rddreg [dreg:$0x13];
	[sflag:s30] =	ssyncadd.s32 $0xFFFFF800  }
0xe6: {  	[spmem:s14] =	stream.linear.scatter [tilespmem:s29], [sflag:$0x2], $0x800, $0x38;
	[tilespmem:$0x18980] =	vst v63  }
0xe7: {  	_ =	swait.ge [sflag:s30], $0x800  }
0xe8: {  	[sflag:s30] =	ssyncset.done $0x0  }
0xe9: {  	s11 =	rddreg [dreg:$0x14];
	[sflag:s30] =	ssyncadd.s32 $0xFFFFF800  }
0xea: {  	[spmem:s11] =	stream.linear.scatter [tilespmem:s29], [sflag:$0x2], $0x800, $0x38;
	[tilespmem:$0x18980] =	vst v63  }
0xeb: {  	_ =	swait.ge [sflag:s30], $0x800  }
0xec: {  	[sflag:s30] =	ssyncset.done $0x0  }
0xed: {  	s12 =	rddreg [dreg:$0x15];
	[sflag:s30] =	ssyncadd.s32 $0xFFFFF800  }
0xee: {  	[spmem:s12] =	stream.linear.scatter [tilespmem:s29], [sflag:$0x2], $0x800, $0x38;
	[tilespmem:$0x18980] =	vst v63  }
0xef: {  	_ =	swait.ge [sflag:s30], $0x800  }
0xf0: {  	[sflag:s30] =	ssyncset.done $0x0  }
0xf1: {  	s13 =	rddreg [dreg:$0x16];
	[sflag:s30] =	ssyncadd.s32 $0xFFFFF800  }
0xf2: {  	[spmem:s13] =	stream.linear.scatter [tilespmem:s29], [sflag:$0x2], $0x800, $0x38;
	[tilespmem:$0x18980] =	vst v63  }
0xf3: {  	_ =	swait.ge [sflag:s30], $0x800  }
0xf4: {  	[sflag:s30] =	ssyncset.done $0x0  }
0xf5: {  	s14 =	rddreg [dreg:$0x17];
	[sflag:s30] =	ssyncadd.s32 $0xFFFFF800  }
0xf6: {  	[spmem:s14] =	stream.linear.scatter [tilespmem:s29], [sflag:$0x2], $0x800, $0x38;
	[tilespmem:$0x18980] =	vst v63  }
0xf7: {  	_ =	swait.ge [sflag:s30], $0x800  }
0xf8: {  	[sflag:s30] =	ssyncset.done $0x0  }
0xf9: {  	s11 =	rddreg [dreg:$0x18];
	[sflag:s30] =	ssyncadd.s32 $0xFFFFF800  }
0xfa: {  	[spmem:s11] =	stream.linear.scatter [tilespmem:s29], [sflag:$0x2], $0x800, $0x38;
	[tilespmem:$0x18980] =	vst v63  }
0xfb: {  	_ =	swait.ge [sflag:s30], $0x800  }
0xfc: {  	[sflag:s30] =	ssyncset.done $0x0  }
0xfd: {  	s12 =	rddreg [dreg:$0x19];
	[sflag:s30] =	ssyncadd.s32 $0xFFFFF800  }
0xfe: {  	[spmem:s12] =	stream.linear.scatter [tilespmem:s29], [sflag:$0x2], $0x800, $0x38;
	[tilespmem:$0x18980] =	vst v63  }
0xff: {  	_ =	swait.ge [sflag:s30], $0x800  }
0x100: {  	[sflag:s30] =	ssyncset.done $0x0  }
0x101: {  	s13 =	rddreg [dreg:$0x1a];
	[sflag:s30] =	ssyncadd.s32 $0xFFFFF800  }
0x102: {  	[spmem:s13] =	stream.linear.scatter [tilespmem:s29], [sflag:$0x2], $0x800, $0x38;
	[tilespmem:$0x18980] =	vst v63  }
0x103: {  	_ =	swait.ge [sflag:s30], $0x800  }
0x104: {  	[sflag:s30] =	ssyncset.done $0x0  }
0x105: {  	s14 =	rddreg [dreg:$0x1b];
	[sflag:s30] =	ssyncadd.s32 $0xFFFFF800  }
0x106: {  	[spmem:s14] =	stream.linear.scatter [tilespmem:s29], [sflag:$0x2], $0x800, $0x38;
	[tilespmem:$0x18980] =	vst v63  }
0x107: {  	_ =	swait.ge [sflag:s30], $0x800  }
0x108: {  	[sflag:s30] =	ssyncset.done $0x0  }
0x109: {  	s11 =	rddreg [dreg:$0x1c];
	[sflag:s30] =	ssyncadd.s32 $0xFFFFF800  }
0x10a: {  	[spmem:s11] =	stream.linear.scatter [tilespmem:s29], [sflag:$0x2], $0x800, $0x38;
	[tilespmem:$0x18980] =	vst v63  }
0x10b: {  	_ =	swait.ge [sflag:s30], $0x800  }
0x10c: {  	[sflag:s30] =	ssyncset.done $0x0  }
0x10d: {  	s12 =	rddreg [dreg:$0x1d];
	[sflag:s30] =	ssyncadd.s32 $0xFFFFF800  }
0x10e: {  	[spmem:s12] =	stream.linear.scatter [tilespmem:s29], [sflag:$0x2], $0x800, $0x38;
	[tilespmem:$0x18980] =	vst v63  }
0x10f: {  	_ =	swait.ge [sflag:s30], $0x800  }
0x110: {  	[sflag:s30] =	ssyncset.done $0x0  }
0x111: {  	s13 =	rddreg [dreg:$0x1e];
	[sflag:s30] =	ssyncadd.s32 $0xFFFFF800  }
0x112: {  	[spmem:s13] =	stream.linear.scatter [tilespmem:s29], [sflag:$0x2], $0x800, $0x38;
	[tilespmem:$0x18980] =	vst v63  }
0x113: {  	_ =	swait.ge [sflag:s30], $0x800  }
0x114: {  	[sflag:s30] =	ssyncset.done $0x0  }
0x115: {  	s14 =	rddreg [dreg:$0x1f];
	[sflag:s30] =	ssyncadd.s32 $0xFFFFF800  }
0x116: {  	[spmem:s14] =	stream.linear.scatter [tilespmem:s29], [sflag:$0x2], $0x800, $0x38;
	[tilespmem:$0x18980] =	vst v63  }
0x117: {  	_ =	swait.ge [sflag:s30], $0x800  }
0x118: {  	[sflag:s30] =	ssyncset.done $0x0  }
0x119: {  	[sflag:s30] =	ssyncadd.s32 $0xFFFFF800  }
0x11a: {  	[spmem:s15] =	stream.linear.scatter [tilespmem:s29], [sflag:$0x2], $0x800, $0x38;
	[tilespmem:$0x18980] =	vst v63  }
0x11b: {  	_ =	swait.ge [sflag:s30], $0x800  }
0x11c: {  	[sflag:s30] =	ssyncset.done $0x0  }
0x11d: {  	[sflag:s30] =	ssyncadd.s32 $0xFFFFF800  }
0x11e: {  	[spmem:s16] =	stream.linear.scatter [tilespmem:s29], [sflag:$0x2], $0x800, $0x38;
	[tilespmem:$0x18980] =	vst v63  }
0x11f: {  	_ =	swait.ge [sflag:s30], $0x800  }
0x120: {  	[sflag:s30] =	ssyncset.done $0x0  }
0x121: {  	[sflag:s30] =	ssyncadd.s32 $0xFFFFF800  }
0x122: {  	[spmem:s17] =	stream.linear.scatter [tilespmem:s29], [sflag:$0x2], $0x800, $0x38;
	[tilespmem:$0x18980] =	vst v63  }
0x123: {  	_ =	swait.ge [sflag:s30], $0x800  }
0x124: {  	[sflag:s30] =	ssyncset.done $0x0  }
0x125: {  	[sflag:s30] =	ssyncadd.s32 $0xFFFFF800  }
0x126: {  	[spmem:s18] =	stream.linear.scatter [tilespmem:s29], [sflag:$0x2], $0x800, $0x38;
	[tilespmem:$0x18980] =	vst v63  }
0x127: {  	_ =	swait.ge [sflag:s30], $0x800  }
0x128: {  	[sflag:s30] =	ssyncset.done $0x0  }
0x129: {  	[sflag:s30] =	ssyncadd.s32 $0xFFFFF800  }
0x12a: {  	[spmem:s19] =	stream.linear.scatter [tilespmem:s29], [sflag:$0x2], $0x800, $0x38;
	[tilespmem:$0x18980] =	vst v63  }
0x12b: {  	_ =	swait.ge [sflag:s30], $0x800  }
0x12c: {  	[sflag:s30] =	ssyncset.done $0x0  }
0x12d: {  	[sflag:s30] =	ssyncadd.s32 $0xFFFFF800  }
0x12e: {  	[spmem:s20] =	stream.linear.scatter [tilespmem:s29], [sflag:$0x2], $0x800, $0x38;
	[tilespmem:$0x18980] =	vst v63  }
0x12f: {  	_ =	swait.ge [sflag:s30], $0x800  }
0x130: {  	[sflag:s30] =	ssyncset.done $0x0  }
0x131: {  	[sflag:s30] =	ssyncadd.s32 $0xFFFFF800  }
0x132: {  	[spmem:s21] =	stream.linear.scatter [tilespmem:s29], [sflag:$0x2], $0x800, $0x38;
	[tilespmem:$0x18980] =	vst v63  }
0x133: {  	_ =	swait.ge [sflag:s30], $0x800  }
0x134: {  	[sflag:s30] =	ssyncset.done $0x0  }
0x135: {  	[sflag:s30] =	ssyncadd.s32 $0xFFFFF800  }
0x136: {  	[spmem:s22] =	stream.linear.scatter [tilespmem:s29], [sflag:$0x2], $0x800, $0x38;
	[tilespmem:$0x18980] =	vst v63  }
0x137: {  	_ =	swait.ge [sflag:s30], $0x800  }
0x138: {  	[sflag:s30] =	ssyncset.done $0x0  }
0x139: {  	[sflag:s30] =	ssyncadd.s32 $0xFFFFF800  }
0x13a: {  	[spmem:s24] =	stream.linear.scatter [tilespmem:s29], [sflag:$0x2], $0x800, $0x38;
	[tilespmem:$0x18980] =	vst v63  }
0x13b: {  	_ =	swait.ge [sflag:s30], $0x800  }
0x13c: {  	[sflag:s30] =	ssyncset.done $0x0  }
0x13d: {  	[sflag:s30] =	ssyncadd.s32 $0xFFFFF800  }
0x13e: {  	[spmem:s25] =	stream.linear.scatter [tilespmem:s29], [sflag:$0x2], $0x800, $0x38;
	[tilespmem:$0x18980] =	vst v63  }
0x13f: {  	_ =	swait.ge [sflag:s30], $0x800  }
0x140: {  	[sflag:s30] =	ssyncset.done $0x0  }
0x141: {  	[sflag:s30] =	ssyncadd.s32 $0xFFFFF800  }
0x142: {  	[spmem:s26] =	stream.linear.scatter [tilespmem:s29], [sflag:$0x2], $0x800, $0x38;
	[tilespmem:$0x18980] =	vst v63  }
0x143: {  	_ =	swait.ge [sflag:s30], $0x800  }
0x144: {  	[sflag:s30] =	ssyncset.done $0x0  }
0x145: {  	[sflag:s30] =	ssyncadd.s32 $0xFFFFF800  }
0x146: {  	[spmem:s28] =	stream.linear.scatter [tilespmem:s29], [sflag:$0x2], $0x800, $0x38;
	[tilespmem:$0x18980] =	vst v63  }
0x147: {  	_ =	swait.ge [sflag:s30], $0x800  }
0x148: {  	[sflag:s30] =	ssyncset.done $0x0  }
0x149: {  	[sflag:s30] =	ssyncadd.s32 $0xFFFFF800  }
0x14a: {  	s10 =	simm.s32 $0x0;
	[bflag:$0x0] =	sbarrier.arrive $0xFFFF  }
.LBB2_2:
0x14b: {  	s11 =	sadd.s32 s23, s10  }
0x14c: {  	s11 =	sshll.u32 s11, $0x4  }
0x14d: {  	s13 =	simm.s32 $0x0;
	s12 =	sadd.s32 s4, s11  }
0x14e: {  	[tilespmem:s13], [sflag:$0x2] =	stream.linear.gather [hbm4b:s12+s13], $0x80, $0x38;
	[tilespmem:$0x18980] =	vst v63  }
0x14f: {  	_ =	swait.ge [sflag:s30], $0x80  }
0x150: {  	[sflag:s30] =	ssyncset.done $0x0  }
0x151: {  	s14 =	sadd.s32 s5, s11;
	[sflag:s30] =	ssyncadd.s32 $0xFFFFFF80  }
0x152: {  	[tilespmem:s31], [sflag:$0x2] =	stream.linear.gather [hbm4b:s14+s13], $0x80, $0x38;
	[tilespmem:$0x18980] =	vst v63  }
0x153: {  	_ =	swait.ge [sflag:s30], $0x80  }
0x154: {  	[sflag:s30] =	ssyncset.done $0x0  }
0x155: {  	s11 =	sadd.s32 s6, s11;
	[sflag:s30] =	ssyncadd.s32 $0xFFFFFF80  }
0x156: {  	[tilespmem:s0], [sflag:$0x2] =	stream.linear.gather [hbm4b:s11+s13], $0x80, $0x38;
	[tilespmem:$0x18980] =	vst v63  }
0x157: {  	_ =	swait.ge [sflag:s30], $0x80  }
0x158: {  	[sflag:s30] =	ssyncset.done $0x0  }
0x159: {  	[sflag:s30] =	ssyncadd.s32 $0xFFFFFF80  }
0x15a: {  	[tilespmem:s2], [sflag:$0x1] =	stream.indirect.gather [hbm4b:s7+s31], $0x80, s13, s31, $0xb8;
	[tilespmem:$0x18980] =	vst v63  }
0x15b: {  	_ =	swait.ge [sflag:s9], $0x4000  }
0x15c: {  	v1 =	vmov s13;
	[sflag:s9] =	ssyncset.done $0x0  }
0x15d: {  	s11 =	simm.s32 $0x1C0;
	[sflag:s9] =	ssyncadd.s32 $0xFFFFC000  }
0x15e: {  	v5 =	vld [tilespmem:s11+$0x30]  }
0x15f: {  	v8 =	vld [tilespmem:s11+$0x10]  }
0x160: {  	v6 =	vld [tilespmem:s11+$0xFFFFFFC0]  }
0x161: {  	v2 =	vld.idx.msk [tilespmem:v1+s0+$0x0], $0xffff  }
0x162: {  	v10 =	vld [tilespmem:s11+$0xFFFFFFE0]  }
0x163: {  	v1 =	vld [tilespmem:s11+$0xFFFFFFF0]  }
0x164: {  	v3 =	vld [tilespmem:s11+$0x20]  }
0x165: {  	v4 =	vld [tilespmem:s11+$0xFFFFFFD0]  }
0x166: {  	v9 =	vmul.f32 v5, v2;
	v5 =	vld [tilespmem:s11+$0x0]  }
0x167: {  	v7 =	vmul.f32 v6, v2  }
0x168: {  	s12 =	simm.s32 $0x1;
	s13 =	simm.s32 $0x1C0;
	v6 =	vmul.f32 v10, v2;
	v8 =	vmul.f32 v8, v2  }
.LBB2_3:
0x169: {  	p0 =	sne.s32 s12, $0x7F  }
0x16a: {  	v4 =	vmul.f32 v4, v2;
	v3 =	vmul.f32 v3, v2;
	[tilespmem:s11+$0x30] =	vst v9;
	s13 =	sadd.s32 $0x80, s13;
	s14 =	smov.u32 s12;
	s12 =	sadd.s32 $0x1, s12  }
0x16b: {  	[tilespmem:s11+$0xFFFFFFC0] =	vst v7;
	v7 =	vmul.f32 v1, v2;
	v2 =	vmul.f32 v5, v2  }
0x16c: {  	[tilespmem:s11+$0x10] =	vst v8  }
0x16d: {  	v5 =	vmov s14;
	[tilespmem:s11+$0xFFFFFFE0] =	vst v6  }
0x16e: {  	v1 =	vld [tilespmem:s13+$0xFFFFFFF0];
	[tilespmem:s11+$0xFFFFFFF0] =	vst v7  }
0x16f: {  	v6 =	vld [tilespmem:s13+$0x30];
	[tilespmem:s11+$0x0] =	vst v2  }
0x170: {  	v8 =	vld [tilespmem:s13+$0x10];
	[tilespmem:s11+$0x20] =	vst v3  }
0x171: {  	v7 =	vld [tilespmem:s13+$0xFFFFFFC0];
	[tilespmem:s11+$0xFFFFFFD0] =	vst v4;
	s11 =	smov.u32 s13  }
0x172: {  	v2 =	vld.idx.msk [tilespmem:v5+s0+$0x0], $0xffff  }
0x173: {  	v10 =	vld [tilespmem:s13+$0xFFFFFFE0]  }
0x174: {  	v3 =	vld [tilespmem:s13+$0x20]  }
.Ltmp0:
0x175: {  	v4 =	vld [tilespmem:s13+$0xFFFFFFD0];
	(pc) =	sbr.rel @p0 .LBB2_3-.Ltmp0, $3  }
0x176: {  	v5 =	vld [tilespmem:s13+$0x0];
	_ =	sdelay $0x1  }
0x177: {  	v7 =	vmul.f32 v7, v2;
	v9 =	vmul.f32 v6, v2  }
0x178: {  	v8 =	vmul.f32 v8, v2;
	v6 =	vmul.f32 v10, v2  }
0x179: {  	[tilespmem:s11+$0x30] =	vst v9  }
0x17a: {  	[tilespmem:s11+$0xFFFFFFC0] =	vst v7  }
0x17b: {  	v1 =	vmul.f32 v1, v2;
	[tilespmem:s11+$0x10] =	vst v8  }
0x17c: {  	v3 =	vmul.f32 v3, v2;
	[tilespmem:s11+$0xFFFFFFE0] =	vst v6  }
0x17d: {  	v5 =	vmul.f32 v5, v2;
	[tilespmem:s11+$0xFFFFFFF0] =	vst v1  }
0x17e: {  	s10 =	sadd.s32 $0x1, s10;
	v1 =	vmul.f32 v4, v2;
	[tilespmem:s11+$0x20] =	vst v3  }
0x17f: {  	p0 =	sne.s32 s10, $0x50;
	[tilespmem:s11+$0x0] =	vst v5  }
.Ltmp1:
0x180: {  	[tilespmem:s11+$0xFFFFFFD0] =	vst v1;
	(pc) =	sbr.rel @p0 .LBB2_2-.Ltmp1, $4  }
0x181: {  	[spmem:s1] =	stream.indirect.scatter.add.f32 [tilespmem:s2], [sflag:$0x2], $0x80, s31, s31, $0xb8;
	[tilespmem:$0x18980] =	vst v63  }
0x182: {  	_ =	swait.ge [sflag:s30], $0x4000  }
0x183: {  	[sflag:s30] =	ssyncset.done $0x0  }
0x184: {  	[sflag:s30] =	ssyncadd.s32 $0xFFFFC000  }
0x185: {  	s10 =	stileid.u32  }
0x186: {  	[bflag:$0x0] =	sbarrier.arrive $0xFFFF;
	s10 =	sshll.u32 s10, $0x6  }
0x187: {  	s11 =	sshrl.u32 s8, $0x3;
	s12 =	rddreg [dreg:$0x11];
	s10 =	sor.u32 $0x1C02, s10  }
0x188: {  	[hbm:s12], [sflag:s10] =	dma.local [spmem:s11], $0x2800  }
0x189: {  	_ =	swait.ge [sflag:s30], $0x2800  }
0x18a: {  	s3 =	sadd.s32 $0x1, s3;
	s14 =	rddreg [dreg:$0x12]  }
0x18b: {  	p0 =	sne.s32 s3, s14  }
.Ltmp2:
0x18c: {  	_ = 	snop;
	(pc) =	sbr.rel @p0 .LBB2_1-.Ltmp2, $3  }
0x18d: {  	_ =	sdelay $0x1  }
0x18e: {  	[sflag:s30] =	ssyncset.done $0x0  }
0x18f: {  	[sflag:s30] =	ssyncadd.s32 $0xFFFFD800  }
0x190: {  	_ =	sfence.sel $0x180000  }
0x191: {  	[bflag:$0x0] =	sbarrier.arrive $0xFFFF  }
0x192: {  	_ =	strace $0x9000004A  }
0x193: {  	s0 =	stileid.u32;
	[bflag:$0x2] =	sbarrier.arrive $0xFFFF  }
0x194: {  	p0 =	sne.s32 s0, $0x0;
	s0 =	rddreg [dreg:$0x2]  }
0x195: {  	s0 =	sadd.s32 @!p0 $0x100000, s0  }
0x196: {  	[sflag:s0] =	ssyncadd.tile.s32 @!p0 $0x1;
	_ =	shalt  }
.Lfunc_end2:
_tile_overlayer_lowered:
.L_overlay_start_2:
0x197: {  	(tag) =	ssettag $0x2  }
0x198: {  	s0 =	rddreg [dreg:$0x0];
	s2 =	stileid.u32  }
0x199: {  	s1 =	rddreg [dreg:$0x1];
	p0 =	sne.s32 s2, $0x0  }
0x19a: {  	s3 =	rddreg [dreg:$0x2];
	[bflag:$0x3] =	sbarrier.arrive $0xFFFF;
	s2 =	simm.s32 @!p0 $0x1C02  }
0x19b: {  	[timem:s3], [sflag:s2] =	dma.local @!p0 [hbm:s0], s1  }
0x19c: {  	s0 =	simm.s32 @!p0 $0x2  }
0x19d: {  	_ =	swait.ge @!p0 [sflag:s0], s1  }
0x19e: {  	s1 =	ssub.s32 @!p0 $0x0, s1;
	[sflag:s0] =	ssyncset.done @!p0 $0x0  }
0x19f: {  	[sflag:s0] =	ssyncadd.s32 @!p0 s1  }
0x1a0: {  	[bflag:$0x3] =	sbarrier.arrive $0xFFFF  }
0x1a1: {  	_ =	shalt  }

// kernel: kernel.7.cloned.1.call-start
scs
__scs_entry_jumppad:
0x0: {  	(pc) =	sbr.rel $0x88, $3  }
0x1: {  	(tag) =	ssettag $0x0;
	lr =	simm.s32 $0x1  }
0x2: {  	[smem:$0x3F93] =	sst lr;
	_ =	strace $0xD0000000  }
0x3: {  	_ = 	snop  }
0x4: {  	_ = 	snop  }
0x5: {  	_ = 	snop  }
0x6: {  	_ = 	snop  }
0x7: {  	_ = 	snop  }
__scs_overlays_trampoline_lowered:
0x8: {  	[smem:$0x3FA2] =	sst s0  }
0x9: {  	[smem:$0x3FA3] =	sst s1  }
0xa: {  	[smem:$0x3FA4] =	sst s2  }
0xb: {  	[smem:$0x3FA5] =	sst s3  }
0xc: {  	[smem:$0x3FA6] =	sst s4  }
0xd: {  	[smem:$0x3FA7] =	sst s5  }
0xe: {  	[smem:$0x3FA8] =	sst s6  }
0xf: {  	[smem:$0x3FA9] =	sst s7  }
0x10: {  	[smem:$0x3FAA] =	sst s8  }
0x11: {  	[smem:$0x3FAB] =	sst s9;
	s0 =	simm.s32 @!p0 $0x0  }
0x12: {  	s1 =	sld [smem:$0x3F91];
	s0 =	simm.s32 @p0 $0x1  }
0x13: {  	[smem:$0x3FAC] =	sst s0;
	s0 =	simm.s32 @!p1 $0x0  }
0x14: {  	s2 =	sld [smem:$0x3F90];
	s0 =	simm.s32 @p1 $0x1  }
0x15: {  	[smem:$0x3FAD] =	sst s0;
	s0 =	simm.s32 @!p2 $0x0  }
0x16: {  	s3 =	sld [smem:$0x3FDB];
	s0 =	simm.s32 @p2 $0x1  }
0x17: {  	s4 =	simm.s32 $0x1BF5;
	[smem:$0x3FAF] =	sst s0  }
0x18: {  	s0 =	sld [smem:$0x3F92];
	_ =	swait.ge [sflag:s4], $0x0  }
0x19: {  	s7 =	sld [smem:$0x3F93]  }
0x1a: {  	s8 =	sadd.s32 $0xFFFFE003, lr  }
0x1b: {  	s9 =	sadd.s32 $0xFFFFFEF7, lr;
	s5 =	simm.s32 $0xFFFFFFFF;
	p2 =	slt.u32 s8, $0xFFFFF086  }
0x1c: {  	p1 =	slt.u32 s9, $0xF7A;
	s5 =	simm.s32 @!p2 $0x0  }
0x1d: {  	s5 =	simm.s32 @p1 $0x1;
	p0 =	seq.s32 s7, s2  }
0x1e: {  	s7 =	smul.u32 @!p0 $0xF7A, s2;
	p2 =	seq.s32 @!p0 s5, $0x0  }
0x1f: {  	s9 =	smul.u32 $0xF7A, s1;
	s8 =	simm.s32 @!p0 $0x1BF5;
	p2 =	por !p2, p0  }
0x20: {  	[sflag:s8] =	ssyncset.s32 @!p0 $0xFFFFF086;
	s6 =	sadd.s32 @!p0 s3, s7;
	s7 =	simm.s32 @!p0 $0x108  }
0x21: {  	s3 =	sadd.s32 s3, s9;
	s6 =	sadd.s32 @!p0 $0x88, s6;
	s7 =	simm.s32 @p2 $0x1082  }
0x22: {  	[simem:s7], [sflag:s8] =	dma.local @!p0 [hbm:s6], $0xF7A  }
0x23: {  	s9 =	sor.u32 $0xD0000000, s2;
	s6 =	simm.s32 $0x108;
	_ =	swait.ge @!p0 [sflag:s8], $0x0  }
0x24: {  	s3 =	sadd.s32 $0x88, s3;
	s6 =	simm.s32 @!p1 $0x1082;
	[sflag:s4] =	ssyncset.s32 $0xFFFFF086  }
0x25: {  	[simem:s6], [sflag:s4] =	dma.local [hbm:s3], $0xF7A  }
0x26: {  	[smem:$0x3F93] =	sst s1;
	(tag) =	ssettag s2;
	_ =	strace s9  }
0x27: {  	s1 =	sld [smem:$0x3FA3]  }
0x28: {  	s2 =	sld [smem:$0x3FA4]  }
0x29: {  	s4 =	sld [smem:$0x3FA6]  }
0x2a: {  	p0 =	seq.s32 s5, $0x0;
	s5 =	sld [smem:$0x3FA7]  }
0x2b: {  	s6 =	sld [smem:$0x3FA8]  }
0x2c: {  	s7 =	sld [smem:$0x3FA9]  }
0x2d: {  	s3 =	simm.s32 $0x108;
	s8 =	sld [smem:$0x3FAA]  }
0x2e: {  	s3 =	simm.s32 @!p0 $0x1082;
	s9 =	sld [smem:$0x3FAB]  }
0x2f: {  	lr =	sadd.s32 s0, s3;
	s0 =	sld [smem:$0x3FA2]  }
0x30: {  	s3 =	sld [smem:$0x3FA5]  }
0x31: {  	[smem:$0x3FAE] =	sst s10  }
0x32: {  	s10 =	sld [smem:$0x3FAC];
	_ =	sdelay $0x3  }
0x33: {  	p0 =	seq.s32 s10, $0x1;
	s10 =	sld [smem:$0x3FAE];
	_ =	sdelay $0x3  }
0x34: {  	[smem:$0x3FAE] =	sst s10  }
0x35: {  	s10 =	sld [smem:$0x3FAD];
	_ =	sdelay $0x3  }
0x36: {  	p1 =	seq.s32 s10, $0x1;
	s10 =	sld [smem:$0x3FAE];
	_ =	sdelay $0x3  }
0x37: {  	[smem:$0x3FAE] =	sst s10  }
0x38: {  	s10 =	sld [smem:$0x3FAF]  }
0x39: {  	_ = 	snop;
	(pc) =	sbr.ind lr, $3  }
0x3a: {  	_ = 	snop  }
0x3b: {  	_ = 	snop  }
0x3c: {  	p2 =	seq.s32 s10, $0x1;
	s10 =	sld [smem:$0x3FAE]  }
0x3d: {  	_ =	shalt  }
0x3e: {  	_ =	shalt  }
0x3f: {  	_ =	shalt  }
0x40: {  	_ =	shalt  }
0x41: {  	_ =	shalt  }
0x42: {  	_ =	shalt  }
0x43: {  	_ =	shalt  }
0x44: {  	_ =	shalt  }
0x45: {  	_ =	shalt  }
0x46: {  	_ =	shalt  }
0x47: {  	_ =	shalt  }
0x48: {  	_ =	shalt  }
0x49: {  	_ =	shalt  }
0x4a: {  	_ =	shalt  }
0x4b: {  	_ =	shalt  }
0x4c: {  	_ =	shalt  }
0x4d: {  	_ =	shalt  }
0x4e: {  	_ =	shalt  }
0x4f: {  	_ =	shalt  }
0x50: {  	_ =	shalt  }
0x51: {  	_ =	shalt  }
0x52: {  	_ =	shalt  }
0x53: {  	_ =	shalt  }
0x54: {  	_ =	shalt  }
0x55: {  	_ =	shalt  }
0x56: {  	_ =	shalt  }
0x57: {  	_ =	shalt  }
0x58: {  	_ =	shalt  }
0x59: {  	_ =	shalt  }
0x5a: {  	_ =	shalt  }
0x5b: {  	_ =	shalt  }
0x5c: {  	_ =	shalt  }
0x5d: {  	_ =	shalt  }
0x5e: {  	_ =	shalt  }
0x5f: {  	_ =	shalt  }
0x60: {  	_ =	shalt  }
0x61: {  	_ =	shalt  }
0x62: {  	_ =	shalt  }
0x63: {  	_ =	shalt  }
0x64: {  	_ =	shalt  }
0x65: {  	_ =	shalt  }
0x66: {  	_ =	shalt  }
0x67: {  	_ =	shalt  }
0x68: {  	_ =	shalt  }
0x69: {  	_ =	shalt  }
0x6a: {  	_ =	shalt  }
0x6b: {  	_ =	shalt  }
0x6c: {  	_ =	shalt  }
0x6d: {  	_ =	shalt  }
0x6e: {  	_ =	shalt  }
0x6f: {  	_ =	shalt  }
0x70: {  	_ =	shalt  }
0x71: {  	_ =	shalt  }
0x72: {  	_ =	shalt  }
0x73: {  	_ =	shalt  }
0x74: {  	_ =	shalt  }
0x75: {  	_ =	shalt  }
0x76: {  	_ =	shalt  }
0x77: {  	_ =	shalt  }
0x78: {  	_ =	shalt  }
0x79: {  	_ =	shalt  }
0x7a: {  	_ =	shalt  }
0x7b: {  	_ =	shalt  }
0x7c: {  	_ =	shalt  }
0x7d: {  	_ =	shalt  }
0x7e: {  	_ =	shalt  }
0x7f: {  	_ =	shalt  }
0x80: {  	_ =	shalt  }
0x81: {  	_ =	shalt  }
0x82: {  	_ =	shalt  }
0x83: {  	_ =	shalt  }
0x84: {  	_ =	shalt  }
0x85: {  	_ =	shalt  }
0x86: {  	_ =	shalt  }
0x87: {  	_ =	shalt  }
.Lfunc_end0:
.L_simem_size_0:
called_computation_lowered:
.L_overlay_start_0:
0x88: {  	s2 =	sld [smem:$0x3FD9]  }
0x89: {  	s3 =	sld [smem:$0x3FFE];
	_ =	sdelay $0x1  }
0x8a: {  	s1 =	srdreg.scid  }
0x8b: {  	s0 =	sand.u32 $0x1, s1  }
0x8c: {  	s16 =	sshll.u32 s0, $0xA;
	s2 =	sadd.s32 s3, s2  }
0x8d: {  	s2 =	sadd.s32 s2, s16  }
0x8e: {  	[smem:$0x3FBA] =	sst s2  }
0x8f: {  	_ = 	snop  }
0x90: {  	(tm) =	ssettm $0x1  }
0x91: {  	s17 =	sld [smem:$0x3FFB];
	_ =	sdelay $0x3  }
0x92: {  	_ =	strace s17  }
0x93: {  	s2 =	sld [smem:$0x3FFC];
	_ =	sdelay $0x3  }
0x94: {  	_ =	strace s2  }
0x95: {  	s2 =	sld [smem:$0x3FFD];
	_ =	sdelay $0x3  }
0x96: {  	_ =	strace s2  }
0x97: {  	_ =	strace $0x8FFFFFFF  }
0x98: {  	s18 =	sld [smem:$0x3FDB];
	_ =	sdelay $0x1  }
0x99: {  	s19 =	simm.s32 $_scs_section_size  }
0x9a: {  	s4 =	simm.s32 $_size__tile_overlayer_lowered;
	s5 =	simm.s32 $_tile_overlayer_lowered  }
0x9b: {  	s22 =	simm.s32 $0x1BFF;
	s21 =	sshll.u32 s5, $0x1;
	s2 =	sadd.s32 s19, s18  }
0x9c: {  	s6 =	simm.s32 $0x0;
	s20 =	sshll.u32 s4, $0x1;
	s4 =	sadd.s32 s21, s2  }
0x9d: {  	[timem:s6], [sflag:s22] =	dma.local [hbm:s4], s20  }
0x9e: {  	_ =	swait.ge [sflag:s22], s20  }
0x9f: {  	s3 =	ssub.s32 $0x0, s20;
	[sflag:s22] =	ssyncset.done $0x0  }
0xa0: {  	[sflag:s22] =	ssyncadd.s32 s3;
	_ =	sdelay $0x1  }
0xa1: {  	s23 =	simm.s32 $0x1B8B  }
0xa2: {  	_ =	swait.ge [sflag:s23], $0x1  }
0xa3: {  	[sflag:s23] =	ssyncset.done $0x0  }
0xa4: {  	s25 =	simm.s32 $0x1B8E;
	s24 =	sld [smem:$0x3FFE];
	[sflag:s23] =	ssyncadd.s32 $0xFFFFFFFF  }
0xa5: {  	s26 =	simm.s32 $execute0_lowered;
	[smem:$0x3FD2] =	sst s25  }
0xa6: {  	s4 =	sshll.u32 s26, $0x1;
	_ =	strace $0x80000046;
	[dreg:$0x1] =	wrdreg $0xFFFFFFFF  }
0xa7: {  	s28 =	simm.s32 $_size_execute0_lowered;
	s2 =	sadd.s32 s2, s4;
	[dreg:$0x0] =	wrdreg $0x0  }
0xa8: {  	s4 =	sshll.u32 s28, $0x1;
	[dreg:$0x2] =	wrdreg s2  }
0xa9: {  	[dreg:$0x3] =	wrdreg s4  }
0xaa: {  	[dreg:$0x4] =	wrdreg $0xC0  }
0xab: {  	_ =	task [dreg:s6], $0x5FFFF  }
0xac: {  	[dreg:$0x1] =	wrdreg $0xFFFFFFFF  }
0xad: {  	[dreg:$0x0] =	wrdreg $0x60  }
0xae: {  	[dreg:$0x2] =	wrdreg s24  }
0xaf: {  	[dreg:$0x3] =	wrdreg $0x5A800  }
0xb0: {  	[dreg:$0x4] =	wrdreg $0x5D000  }
0xb1: {  	[dreg:$0x5] =	wrdreg $0x9  }
0xb2: {  	_ =	task.clear_ibuf [dreg:s6], $0x6FFFF;
	_ =	strace $0x90000046  }
0xb3: {  	s29 =	simm.s32 $0x9;
	_ =	strace $0x80000048  }
0xb4: {  	_ =	swait.ge [sflag:s29], $0x1  }
0xb5: {  	[sflag:s29] =	ssyncadd.s32 $0xFFFFFFFF  }
0xb6: {  	_ =	strace $0x90000048  }
0xb7: {  	_ =	sfence  }
0xb8: {  	s30 =	sld [smem:$0x0];
	_ =	sdelay $0x2  }
0xb9: {  	s31 =	sshll.u32 s1, $0xD;
	s1 =	sshrl.u32 s1, $0x2  }
0xba: {  	s3 =	sand.u32 $0x4000, s31;
	s1 =	sadd.s32 s1, s30  }
0xbb: {  	s0 =	sor.u32 s3, s0;
	s1 =	sshll.u32 s1, $0x11  }
0xbc: {  	s0 =	sor.u32 s1, s0  }
0xbd: {  	s0 =	sadd.s32 $0x8F2B, s0  }
0xbe: {  	[sflag:s0] =	ssyncadd.remote.s32 $0x1  }
0xbf: {  	_ =	sfence.sel $0xFFFF  }
0xc0: {  	[dreg:$0x0] =	wrdreg $0xFFFFFFFF;
	(pc) =	sbr.abs _section_cstart, $3  }
0xc1: {  	[dreg:$0x1] =	wrdreg $0xFFFFFFFF  }
0xc2: {  	_ =	task.clear_ibuf [dreg:s6], $0x2FFFF;
	_ =	strace $0x9FFFFFFF  }
0xc3: {  	(tm) =	ssettm $0x7FFFFFFF  }
tec
execute0_lowered:
.L_overlay_start_1:
0x0: {  	(tag) =	ssettag $0x1  }
0x1: {  	s0 =	rddreg [dreg:$0x0]  }
0x2: {  	s2 =	rddreg [dreg:$0x1]  }
0x3: {  	s3 =	rddreg [dreg:$0x2];
	s10 =	stileid.u32  }
0x4: {  	s4 =	simm.s32 $0x0;
	s5 =	srdreg.scid;
	s1 =	smul.u32 $0xA00, s10  }
0x5: {  	[smem:$0x7FF] =	sst s4;
	s6 =	smul.u32 $0x500, s10  }
0x6: {  	s5 =	sand.u32 $0x1, s5;
	s7 =	smul.u32 $0x14000, s10;
	s8 =	sadd.s32 $0x21200, s0  }
0x7: {  	s11 =	sadd.s32 $0x21800, s0;
	_ =	strace $0x80000047;
	[dreg:$0x4] =	wrdreg s8  }
0x8: {  	s23 =	smul.u32 $0x28000, s10;
	s22 =	sshll.u32 s5, $0x7;
	[dreg:$0x5] =	wrdreg s11  }
0x9: {  	s24 =	ssub.s32 $0x2, s5;
	s17 =	smul.u32 $0x500, s5;
	s9 =	sadd.s32 s1, s0  }
0xa: {  	s6 =	sor.u32 s22, s6;
	s7 =	sor.u32 s22, s7;
	s25 =	sshrl.u32 s24, $0x1  }
0xb: {  	s1 =	sshrl.u32 s1, $0x2;
	s8 =	sshrl.u32 s23, $0x2;
	s6 =	sshrl.u32 s6, $0x3  }
0xc: {  	s7 =	sshrl.u32 s7, $0x3;
	s10 =	ssub.s32 s24, s25;
	s8 =	sadd.s32 s8, s3  }
0xd: {  	s22 =	sadd.s32 s17, s9;
	s9 =	simm.s32 $0x1;
	s17 =	simm.s32 $0x20  }
0xe: {  	s6 =	sadd.s32 s6, s0;
	s0 =	sadd.s32 s7, s0;
	s26 =	sadd.s32 $0x800, s8  }
0xf: {  	s7 =	sadd.s32 s1, s2;
	s28 =	sadd.s32 $0x1000, s8;
	[dreg:$0x6] =	wrdreg s26  }
0x10: {  	s11 =	sadd.s32 $0x1800, s8;
	s12 =	sadd.s32 $0x2000, s8;
	[dreg:$0x7] =	wrdreg s28  }
0x11: {  	s13 =	sadd.s32 $0x2800, s8;
	s14 =	sadd.s32 $0x3000, s8;
	[dreg:$0x8] =	wrdreg s11  }
0x12: {  	s15 =	sadd.s32 $0x3800, s8;
	s16 =	sadd.s32 $0x4000, s8;
	[dreg:$0x9] =	wrdreg s12  }
0x13: {  	s18 =	sadd.s32 $0x4800, s8;
	s19 =	sadd.s32 $0x5000, s8;
	[dreg:$0xa] =	wrdreg s13  }
0x14: {  	s20 =	sadd.s32 $0x5800, s8;
	s25 =	smax.u32 s10, $0x1;
	[dreg:$0xb] =	wrdreg s14  }
0x15: {  	s23 =	sadd.s32 $0x17200, s22;
	s24 =	sadd.s32 $0xD200, s22;
	[dreg:$0xc] =	wrdreg s15  }
0x16: {  	s29 =	sadd.s32 $0x7000, s8;
	s30 =	sadd.s32 $0x7800, s8;
	[dreg:$0xd] =	wrdreg s16  }
0x17: {  	s31 =	sadd.s32 $0x8000, s8;
	s1 =	sadd.s32 $0x9000, s8;
	[dreg:$0xe] =	wrdreg s18  }
0x18: {  	s5 =	sadd.s32 $0x9800, s8;
	s10 =	simm.s32 $0x2800;
	[dreg:$0xf] =	wrdreg s19  }
0x19: {  	[dreg:$0x10] =	wrdreg s20;
	s21 =	sadd.s32 $0x21E00, s6;
	s0 =	sadd.s32 $0x22800, s0  }
0x1a: {  	[dreg:$0x13] =	wrdreg s25;
	s25 =	sadd.s32 $0x3200, s22;
	s26 =	sadd.s32 $0x6000, s8  }
0x1b: {  	s28 =	sadd.s32 $0x6800, s8;
	s6 =	simm.s32 $0x5280;
	s11 =	simm.s32 $0x5000  }
0x1c: {  	s12 =	simm.s32 $0x5080;
	s13 =	simm.s32 $0x5100;
	[dreg:$0x11] =	wrdreg s21  }
0x1d: {  	s14 =	simm.s32 $0x80;
	s15 =	simm.s32 $0x5180;
	[dreg:$0x12] =	wrdreg s0  }
0x1e: {  	s16 =	simm.s32 $0x5200;
	s18 =	simm.s32 $0x10;
	[dreg:$0x14] =	wrdreg s26  }
0x1f: {  	v0 =	vimm.f32 $0.0e+00;
	s19 =	simm.s32 $0x0;
	[dreg:$0x15] =	wrdreg s28;
	s0 =	sadd.s32 $0x8800, s8  }
.LBB2_1:
0x20: {  	s20 =	simm.s32 $0x40;
	s21 =	simm.s32 $0x0  }
.LBB2_2:
0x21: {  	p0 =	sne.s32 s20, $0x1FC0;
	[tilespmem:s21+$0x5280] =	vst v0;
	s21 =	smov.u32 s20;
	s20 =	sadd.s32 $0x40, s20  }
.Ltmp0:
0x22: {  	(pc) =	sbr.rel @p0 .LBB2_2-.Ltmp0, $2  }
0x23: {  	_ =	sdelay $0x2  }
0x24: {  	s21 =	sshra.s32 s21, $0x2  }
0x25: {  	[tilespmem:s21+$0x5280] =	vst v0  }
0x26: {  	[spmem:s7] =	stream.linear.scatter [tilespmem:s6], [sflag:$0x1], $0x280, $0x38;
	[tilespmem:$0xFD00] =	vst v63  }
0x27: {  	_ =	swait.ge [sflag:s9], $0x280  }
0x28: {  	[sflag:s9] =	ssyncset.done $0x0  }
0x29: {  	[sflag:s9] =	ssyncadd.s32 $0xFFFFFD80  }
0x2a: {  	[spmem:s8] =	stream.linear.scatter [tilespmem:s6], [sflag:$0x1], $0x800, $0x38;
	[tilespmem:$0xFD00] =	vst v63  }
0x2b: {  	_ =	swait.ge [sflag:s9], $0x800  }
0x2c: {  	[sflag:s9] =	ssyncset.done $0x0  }
0x2d: {  	s20 =	rddreg [dreg:$0x6];
	[sflag:s9] =	ssyncadd.s32 $0xFFFFF800  }
0x2e: {  	[spmem:s20] =	stream.linear.scatter [tilespmem:s6], [sflag:$0x1], $0x800, $0x38;
	[tilespmem:$0xFD00] =	vst v63  }
0x2f: {  	_ =	swait.ge [sflag:s9], $0x800  }
0x30: {  	[sflag:s9] =	ssyncset.done $0x0  }
0x31: {  	s22 =	rddreg [dreg:$0x7];
	[sflag:s9] =	ssyncadd.s32 $0xFFFFF800  }
0x32: {  	[spmem:s22] =	stream.linear.scatter [tilespmem:s6], [sflag:$0x1], $0x800, $0x38;
	[tilespmem:$0xFD00] =	vst v63  }
0x33: {  	_ =	swait.ge [sflag:s9], $0x800  }
0x34: {  	[sflag:s9] =	ssyncset.done $0x0  }
0x35: {  	s26 =	rddreg [dreg:$0x8];
	[sflag:s9] =	ssyncadd.s32 $0xFFFFF800  }
0x36: {  	[spmem:s26] =	stream.linear.scatter [tilespmem:s6], [sflag:$0x1], $0x800, $0x38;
	[tilespmem:$0xFD00] =	vst v63  }
0x37: {  	_ =	swait.ge [sflag:s9], $0x800  }
0x38: {  	[sflag:s9] =	ssyncset.done $0x0  }
0x39: {  	s28 =	rddreg [dreg:$0x9];
	[sflag:s9] =	ssyncadd.s32 $0xFFFFF800  }
0x3a: {  	[spmem:s28] =	stream.linear.scatter [tilespmem:s6], [sflag:$0x1], $0x800, $0x38;
	[tilespmem:$0xFD00] =	vst v63  }
0x3b: {  	_ =	swait.ge [sflag:s9], $0x800  }
0x3c: {  	[sflag:s9] =	ssyncset.done $0x0  }
0x3d: {  	s21 =	rddreg [dreg:$0xa];
	[sflag:s9] =	ssyncadd.s32 $0xFFFFF800  }
0x3e: {  	[spmem:s21] =	stream.linear.scatter [tilespmem:s6], [sflag:$0x1], $0x800, $0x38;
	[tilespmem:$0xFD00] =	vst v63  }
0x3f: {  	_ =	swait.ge [sflag:s9], $0x800  }
0x40: {  	[sflag:s9] =	ssyncset.done $0x0  }
0x41: {  	s22 =	rddreg [dreg:$0xb];
	[sflag:s9] =	ssyncadd.s32 $0xFFFFF800  }
0x42: {  	[spmem:s22] =	stream.linear.scatter [tilespmem:s6], [sflag:$0x1], $0x800, $0x38;
	[tilespmem:$0xFD00] =	vst v63  }
0x43: {  	_ =	swait.ge [sflag:s9], $0x800  }
0x44: {  	[sflag:s9] =	ssyncset.done $0x0  }
0x45: {  	s26 =	rddreg [dreg:$0xc];
	[sflag:s9] =	ssyncadd.s32 $0xFFFFF800  }
0x46: {  	[spmem:s26] =	stream.linear.scatter [tilespmem:s6], [sflag:$0x1], $0x800, $0x38;
	[tilespmem:$0xFD00] =	vst v63  }
0x47: {  	_ =	swait.ge [sflag:s9], $0x800  }
0x48: {  	[sflag:s9] =	ssyncset.done $0x0  }
0x49: {  	s28 =	rddreg [dreg:$0xd];
	[sflag:s9] =	ssyncadd.s32 $0xFFFFF800  }
0x4a: {  	[spmem:s28] =	stream.linear.scatter [tilespmem:s6], [sflag:$0x1], $0x800, $0x38;
	[tilespmem:$0xFD00] =	vst v63  }
0x4b: {  	_ =	swait.ge [sflag:s9], $0x800  }
0x4c: {  	[sflag:s9] =	ssyncset.done $0x0  }
0x4d: {  	s21 =	rddreg [dreg:$0xe];
	[sflag:s9] =	ssyncadd.s32 $0xFFFFF800  }
0x4e: {  	[spmem:s21] =	stream.linear.scatter [tilespmem:s6], [sflag:$0x1], $0x800, $0x38;
	[tilespmem:$0xFD00] =	vst v63  }
0x4f: {  	_ =	swait.ge [sflag:s9], $0x800  }
0x50: {  	[sflag:s9] =	ssyncset.done $0x0  }
0x51: {  	s22 =	rddreg [dreg:$0xf];
	[sflag:s9] =	ssyncadd.s32 $0xFFFFF800  }
0x52: {  	[spmem:s22] =	stream.linear.scatter [tilespmem:s6], [sflag:$0x1], $0x800, $0x38;
	[tilespmem:$0xFD00] =	vst v63  }
0x53: {  	_ =	swait.ge [sflag:s9], $0x800  }
0x54: {  	[sflag:s9] =	ssyncset.done $0x0  }
0x55: {  	s26 =	rddreg [dreg:$0x10];
	[sflag:s9] =	ssyncadd.s32 $0xFFFFF800  }
0x56: {  	[spmem:s26] =	stream.linear.scatter [tilespmem:s6], [sflag:$0x1], $0x800, $0x38;
	[tilespmem:$0xFD00] =	vst v63  }
0x57: {  	_ =	swait.ge [sflag:s9], $0x800  }
0x58: {  	[sflag:s9] =	ssyncset.done $0x0  }
0x59: {  	s28 =	rddreg [dreg:$0x14];
	[sflag:s9] =	ssyncadd.s32 $0xFFFFF800  }
0x5a: {  	[spmem:s28] =	stream.linear.scatter [tilespmem:s6], [sflag:$0x1], $0x800, $0x38;
	[tilespmem:$0xFD00] =	vst v63  }
0x5b: {  	_ =	swait.ge [sflag:s9], $0x800  }
0x5c: {  	[sflag:s9] =	ssyncset.done $0x0  }
0x5d: {  	s21 =	rddreg [dreg:$0x15];
	[sflag:s9] =	ssyncadd.s32 $0xFFFFF800  }
0x5e: {  	[spmem:s21] =	stream.linear.scatter [tilespmem:s6], [sflag:$0x1], $0x800, $0x38;
	[tilespmem:$0xFD00] =	vst v63  }
0x5f: {  	_ =	swait.ge [sflag:s9], $0x800  }
0x60: {  	[sflag:s9] =	ssyncset.done $0x0  }
0x61: {  	[sflag:s9] =	ssyncadd.s32 $0xFFFFF800  }
0x62: {  	[spmem:s29] =	stream.linear.scatter [tilespmem:s6], [sflag:$0x1], $0x800, $0x38;
	[tilespmem:$0xFD00] =	vst v63  }
0x63: {  	_ =	swait.ge [sflag:s9], $0x800  }
0x64: {  	[sflag:s9] =	ssyncset.done $0x0  }
0x65: {  	[sflag:s9] =	ssyncadd.s32 $0xFFFFF800  }
0x66: {  	[spmem:s30] =	stream.linear.scatter [tilespmem:s6], [sflag:$0x1], $0x800, $0x38;
	[tilespmem:$0xFD00] =	vst v63  }
0x67: {  	_ =	swait.ge [sflag:s9], $0x800  }
0x68: {  	[sflag:s9] =	ssyncset.done $0x0  }
0x69: {  	[sflag:s9] =	ssyncadd.s32 $0xFFFFF800  }
0x6a: {  	[spmem:s31] =	stream.linear.scatter [tilespmem:s6], [sflag:$0x1], $0x800, $0x38;
	[tilespmem:$0xFD00] =	vst v63  }
0x6b: {  	_ =	swait.ge [sflag:s9], $0x800  }
0x6c: {  	[sflag:s9] =	ssyncset.done $0x0  }
0x6d: {  	[sflag:s9] =	ssyncadd.s32 $0xFFFFF800  }
0x6e: {  	[spmem:s0] =	stream.linear.scatter [tilespmem:s6], [sflag:$0x1], $0x800, $0x38;
	[tilespmem:$0xFD00] =	vst v63  }
0x6f: {  	_ =	swait.ge [sflag:s9], $0x800  }
0x70: {  	[sflag:s9] =	ssyncset.done $0x0  }
0x71: {  	[sflag:s9] =	ssyncadd.s32 $0xFFFFF800  }
0x72: {  	[spmem:s1] =	stream.linear.scatter [tilespmem:s6], [sflag:$0x1], $0x800, $0x38;
	[tilespmem:$0xFD00] =	vst v63  }
0x73: {  	_ =	swait.ge [sflag:s9], $0x800  }
0x74: {  	[sflag:s9] =	ssyncset.done $0x0  }
0x75: {  	[sflag:s9] =	ssyncadd.s32 $0xFFFFF800  }
0x76: {  	[spmem:s5] =	stream.linear.scatter [tilespmem:s6], [sflag:$0x1], $0x800, $0x38;
	[tilespmem:$0xFD00] =	vst v63  }
0x77: {  	_ =	swait.ge [sflag:s9], $0x800  }
0x78: {  	[sflag:s9] =	ssyncset.done $0x0  }
0x79: {  	s22 =	simm.s32 $0x0;
	s26 =	rddreg [dreg:$0x4];
	[sflag:s9] =	ssyncadd.s32 $0xFFFFF800  }
0x7a: {  	[tilespmem:s22], [sflag:$0x1] =	stream.linear.gather [hbm4b:s26+s22], $0x2800, $0x38;
	[tilespmem:$0xFD00] =	vst v63  }
0x7b: {  	_ =	swait.ge [sflag:s9], $0x2800  }
0x7c: {  	[sflag:s9] =	ssyncset.done $0x0  }
0x7d: {  	s28 =	rddreg [dreg:$0x5];
	[sflag:s9] =	ssyncadd.s32 $0xFFFFD800  }
0x7e: {  	[tilespmem:s10], [sflag:$0x1] =	stream.linear.gather [hbm4b:s28+s22], $0x2800, $0x38;
	[tilespmem:$0xFD00] =	vst v63  }
0x7f: {  	_ =	swait.ge [sflag:s9], $0x2800  }
0x80: {  	[sflag:s9] =	ssyncset.done $0x0  }
0x81: {  	[sflag:s9] =	ssyncadd.s32 $0xFFFFD800  }
0x82: {  	s22 =	sadd.s32 $0x0, s25;
	[bflag:$0x0] =	sbarrier.arrive $0xFFFF  }
0x83: {  	[tilespmem:s11], [sflag:$0x1] =	stream.linear.gather [hbm4b:s22+s4], $0x80, $0x38;
	[tilespmem:$0xFD00] =	vst v63  }
0x84: {  	_ =	swait.ge [sflag:s9], $0x80  }
0x85: {  	[sflag:s9] =	ssyncset.done $0x0  }
0x86: {  	s26 =	sadd.s32 $0x0, s24;
	[sflag:s9] =	ssyncadd.s32 $0xFFFFFF80  }
0x87: {  	[tilespmem:s12], [sflag:$0x1] =	stream.linear.gather [hbm4b:s26+s4], $0x80, $0x38;
	[tilespmem:$0xFD00] =	vst v63  }
0x88: {  	_ =	swait.ge [sflag:s9], $0x80  }
0x89: {  	[sflag:s9] =	ssyncset.done $0x0  }
0x8a: {  	s28 =	sadd.s32 $0x0, s23;
	[sflag:s9] =	ssyncadd.s32 $0xFFFFFF80  }
0x8b: {  	[tilespmem:s13], [sflag:$0x1] =	stream.linear.gather [hbm4b:s28+s4], $0x80, $0x38;
	[tilespmem:$0xFD00] =	vst v63  }
0x8c: {  	_ =	swait.ge [sflag:s9], $0x80  }
0x8d: {  	[sflag:s9] =	ssyncset.done $0x0  }
0x8e: {  	[sflag:s9] =	ssyncadd.s32 $0xFFFFFF80  }
0x8f: {  	v1 =	vld [tilespmem:$0x5000];
	_ =	sdelay $0x5  }
0x90: {  	v2 =	vld [tilespmem:$0x5100]  }
0x91: {  	v4 =	vld [tilespmem:$0x5080]  }
0x92: {  	v3 =	vld.idx.msk [tilespmem:v1+s4+$0x0], $0xffff;
	_ =	sdelay $0x4  }
0x93: {  	v2 =	vmul.f32 v3, v2;
	_ =	sdelay $0x1  }
0x94: {  	[tilespmem:$0x5180] =	vst v2  }
0x95: {  	v2 =	vld.idx.msk [tilespmem:v4+s10+$0x0], $0xffff  }
0x96: {  	v3 =	vld [tilespmem:$0x5010];
	_ =	sdelay $0x3  }
0x97: {  	v2 =	vmul.u32 $0x2800, v2;
	_ =	sdelay $0x1  }
0x98: {  	v57 =	vld [tilespmem:$0x5090];
	v1 =	vadd.s32 v1, v2  }
0x99: {  	[tilespmem:$0x5200] =	vst v1;
	v1 =	vld [tilespmem:$0x5110]  }
0x9a: {  	v2 =	vld.idx.msk [tilespmem:v3+s4+$0x0], $0xffff;
	_ =	sdelay $0x4  }
0x9b: {  	v1 =	vmul.f32 v2, v1;
	_ =	sdelay $0x1  }
0x9c: {  	[tilespmem:$0x5190] =	vst v1  }
0x9d: {  	v1 =	vld.idx.msk [tilespmem:v57+s10+$0x0], $0xffff  }
0x9e: {  	v2 =	vld [tilespmem:$0x5020];
	_ =	sdelay $0x3  }
0x9f: {  	v1 =	vmul.u32 $0x2800, v1;
	_ =	sdelay $0x1  }
0xa0: {  	v58 =	vld [tilespmem:$0x50A0];
	v1 =	vadd.s32 v3, v1  }
0xa1: {  	[tilespmem:$0x5210] =	vst v1;
	v1 =	vld [tilespmem:$0x5120]  }
0xa2: {  	v3 =	vld.idx.msk [tilespmem:v2+s4+$0x0], $0xffff;
	_ =	sdelay $0x4  }
0xa3: {  	v1 =	vmul.f32 v3, v1;
	_ =	sdelay $0x1  }
0xa4: {  	[tilespmem:$0x51A0] =	vst v1  }
0xa5: {  	v1 =	vld.idx.msk [tilespmem:v58+s10+$0x0], $0xffff  }
0xa6: {  	v3 =	vld [tilespmem:$0x5030];
	_ =	sdelay $0x3  }
0xa7: {  	v1 =	vmul.u32 $0x2800, v1;
	_ =	sdelay $0x1  }
0xa8: {  	v59 =	vld [tilespmem:$0x50B0];
	v1 =	vadd.s32 v2, v1  }
0xa9: {  	[tilespmem:$0x5220] =	vst v1;
	v1 =	vld [tilespmem:$0x5130]  }
0xaa: {  	v2 =	vld.idx.msk [tilespmem:v3+s4+$0x0], $0xffff;
	_ =	sdelay $0x4  }
0xab: {  	v1 =	vmul.f32 v2, v1;
	_ =	sdelay $0x1  }
0xac: {  	[tilespmem:$0x51B0] =	vst v1  }
0xad: {  	v1 =	vld.idx.msk [tilespmem:v59+s10+$0x0], $0xffff  }
0xae: {  	v2 =	vld [tilespmem:$0x5040];
	_ =	sdelay $0x3  }
0xaf: {  	v1 =	vmul.u32 $0x2800, v1;
	_ =	sdelay $0x1  }
0xb0: {  	v60 =	vld [tilespmem:$0x50C0];
	v1 =	vadd.s32 v3, v1  }
0xb1: {  	[tilespmem:$0x5230] =	vst v1;
	v1 =	vld [tilespmem:$0x5140]  }
0xb2: {  	v3 =	vld.idx.msk [tilespmem:v2+s4+$0x0], $0xffff;
	_ =	sdelay $0x4  }
0xb3: {  	v1 =	vmul.f32 v3, v1;
	_ =	sdelay $0x1  }
0xb4: {  	[tilespmem:$0x51C0] =	vst v1  }
0xb5: {  	v1 =	vld.idx.msk [tilespmem:v60+s10+$0x0], $0xffff  }
0xb6: {  	v3 =	vld [tilespmem:$0x5050];
	_ =	sdelay $0x3  }
0xb7: {  	v1 =	vmul.u32 $0x2800, v1;
	_ =	sdelay $0x1  }
0xb8: {  	v61 =	vld [tilespmem:$0x50D0];
	v1 =	vadd.s32 v2, v1  }
0xb9: {  	[tilespmem:$0x5240] =	vst v1;
	v1 =	vld [tilespmem:$0x5150]  }
0xba: {  	v2 =	vld.idx.msk [tilespmem:v3+s4+$0x0], $0xffff;
	_ =	sdelay $0x4  }
0xbb: {  	v1 =	vmul.f32 v2, v1;
	_ =	sdelay $0x1  }
0xbc: {  	[tilespmem:$0x51D0] =	vst v1  }
0xbd: {  	v1 =	vld.idx.msk [tilespmem:v61+s10+$0x0], $0xffff  }
0xbe: {  	v2 =	vld [tilespmem:$0x5060];
	_ =	sdelay $0x3  }
0xbf: {  	v1 =	vmul.u32 $0x2800, v1;
	_ =	sdelay $0x1  }
0xc0: {  	v62 =	vld [tilespmem:$0x50E0];
	v1 =	vadd.s32 v3, v1  }
0xc1: {  	[tilespmem:$0x5250] =	vst v1;
	v1 =	vld [tilespmem:$0x5160]  }
0xc2: {  	v3 =	vld.idx.msk [tilespmem:v2+s4+$0x0], $0xffff;
	_ =	sdelay $0x4  }
0xc3: {  	v1 =	vmul.f32 v3, v1;
	_ =	sdelay $0x1  }
0xc4: {  	[tilespmem:$0x51E0] =	vst v1  }
0xc5: {  	v1 =	vld.idx.msk [tilespmem:v62+s10+$0x0], $0xffff  }
0xc6: {  	v3 =	vld [tilespmem:$0x5070];
	_ =	sdelay $0x3  }
0xc7: {  	v1 =	vmul.u32 $0x2800, v1;
	_ =	sdelay $0x1  }
0xc8: {  	v63 =	vld [tilespmem:$0x50F0];
	v1 =	vadd.s32 v2, v1  }
0xc9: {  	[tilespmem:$0x5260] =	vst v1;
	v1 =	vld [tilespmem:$0x5170]  }
0xca: {  	v2 =	vld.idx.msk [tilespmem:v3+s4+$0x0], $0xffff;
	_ =	sdelay $0x4  }
0xcb: {  	v1 =	vmul.f32 v2, v1;
	_ =	sdelay $0x1  }
0xcc: {  	[tilespmem:$0x51F0] =	vst v1  }
0xcd: {  	v1 =	vld.idx.msk [tilespmem:v63+s10+$0x0], $0xffff;
	_ =	sdelay $0x4  }
0xce: {  	v1 =	vmul.u32 $0x2800, v1;
	_ =	sdelay $0x1  }
0xcf: {  	v1 =	vadd.s32 v3, v1  }
0xd0: {  	[tilespmem:$0x5270] =	vst v1  }
0xd1: {  	[spmem:s2] =	stream.indirect.scatter.add.f32 [tilespmem:s15], [sflag:$0x1], $0x1, s12, s14, $0xb8;
	[tilespmem:$0xFD00] =	vst v63  }
0xd2: {  	_ =	swait.ge [sflag:s9], $0x80  }
0xd3: {  	[sflag:s9] =	ssyncset.done $0x0  }
0xd4: {  	[sflag:s9] =	ssyncadd.s32 $0xFFFFFF80  }
0xd5: {  	[spmem:s3] =	stream.indirect.scatter.add.f32 [tilespmem:s13], [sflag:$0x1], $0x1, s16, s14, $0xb8;
	[tilespmem:$0xFD00] =	vst v63  }
0xd6: {  	_ =	swait.ge [sflag:s9], $0x80  }
0xd7: {  	s20 =	simm.s32 $0x10;
	s21 =	simm.s32 $0x20;
	[sflag:s9] =	ssyncset.done $0x0  }
.LBB2_4:
0xd8: {  	s26 =	sadd.s32 s20, s25  }
0xd9: {  	[sflag:s9] =	ssyncadd.s32 $0xFFFFFF80;
	s28 =	smov.u32 s21;
	s22 =	sadd.s32 $0x10, s21  }
0xda: {  	[tilespmem:s11], [sflag:$0x1] =	stream.linear.gather [hbm4b:s26+s4], $0x80, $0x38;
	[tilespmem:$0xFD00] =	vst v63  }
0xdb: {  	p0 =	sne.s32 s21, $0x4F0;
	_ =	swait.ge [sflag:s9], $0x80  }
0xdc: {  	[sflag:s9] =	ssyncset.done $0x0  }
0xdd: {  	s21 =	sadd.s32 s20, s24;
	[sflag:s9] =	ssyncadd.s32 $0xFFFFFF80  }
0xde: {  	[tilespmem:s12], [sflag:$0x1] =	stream.linear.gather [hbm4b:s21+s4], $0x80, $0x38;
	[tilespmem:$0xFD00] =	vst v63  }
0xdf: {  	_ =	swait.ge [sflag:s9], $0x80  }
0xe0: {  	[sflag:s9] =	ssyncset.done $0x0  }
0xe1: {  	s21 =	sadd.s32 s20, s23;
	s20 =	smov.u32 s28;
	[sflag:s9] =	ssyncadd.s32 $0xFFFFFF80  }
0xe2: {  	[tilespmem:s13], [sflag:$0x1] =	stream.linear.gather [hbm4b:s21+s4], $0x80, $0x38;
	[tilespmem:$0xFD00] =	vst v63  }
0xe3: {  	_ =	swait.ge [sflag:s9], $0x80  }
0xe4: {  	[sflag:s9] =	ssyncset.done $0x0  }
0xe5: {  	[sflag:s9] =	ssyncadd.s32 $0xFFFFFF80  }
0xe6: {  	v1 =	vld [tilespmem:$0x5000];
	_ =	sdelay $0x6  }
0xe7: {  	v2 =	vld [tilespmem:$0x5100]  }
0xe8: {  	v3 =	vld.idx.msk [tilespmem:v1+s4+$0x0], $0xffff  }
0xe9: {  	v4 =	vld [tilespmem:$0x5080];
	_ =	sdelay $0x4  }
0xea: {  	v2 =	vmul.f32 v3, v2;
	_ =	sdelay $0x1  }
0xeb: {  	[tilespmem:$0x5180] =	vst v2  }
0xec: {  	v2 =	vld.idx.msk [tilespmem:v4+s10+$0x0], $0xffff;
	_ =	sdelay $0x1  }
0xed: {  	v3 =	vld [tilespmem:$0x5010];
	_ =	sdelay $0x3  }
0xee: {  	v2 =	vmul.u32 $0x2800, v2;
	_ =	sdelay $0x1  }
0xef: {  	v1 =	vadd.s32 v1, v2  }
0xf0: {  	[tilespmem:$0x5200] =	vst v1;
	v1 =	vld [tilespmem:$0x5110]  }
0xf1: {  	v2 =	vld.idx.msk [tilespmem:v3+s4+$0x0], $0xffff  }
0xf2: {  	v4 =	vld [tilespmem:$0x5090];
	_ =	sdelay $0x4  }
0xf3: {  	v1 =	vmul.f32 v2, v1;
	_ =	sdelay $0x1  }
0xf4: {  	[tilespmem:$0x5190] =	vst v1  }
0xf5: {  	v1 =	vld.idx.msk [tilespmem:v4+s10+$0x0], $0xffff;
	_ =	sdelay $0x1  }
0xf6: {  	v2 =	vld [tilespmem:$0x5020];
	_ =	sdelay $0x3  }
0xf7: {  	v1 =	vmul.u32 $0x2800, v1;
	_ =	sdelay $0x1  }
0xf8: {  	v1 =	vadd.s32 v3, v1  }
0xf9: {  	[tilespmem:$0x5210] =	vst v1;
	v1 =	vld [tilespmem:$0x5120]  }
0xfa: {  	v3 =	vld.idx.msk [tilespmem:v2+s4+$0x0], $0xffff  }
0xfb: {  	v4 =	vld [tilespmem:$0x50A0];
	_ =	sdelay $0x4  }
0xfc: {  	v1 =	vmul.f32 v3, v1;
	_ =	sdelay $0x1  }
0xfd: {  	[tilespmem:$0x51A0] =	vst v1  }
0xfe: {  	v1 =	vld.idx.msk [tilespmem:v4+s10+$0x0], $0xffff;
	_ =	sdelay $0x1  }
0xff: {  	v3 =	vld [tilespmem:$0x5030];
	_ =	sdelay $0x3  }
0x100: {  	v1 =	vmul.u32 $0x2800, v1;
	_ =	sdelay $0x1  }
0x101: {  	v1 =	vadd.s32 v2, v1  }
0x102: {  	[tilespmem:$0x5220] =	vst v1;
	v1 =	vld [tilespmem:$0x5130]  }
0x103: {  	v2 =	vld.idx.msk [tilespmem:v3+s4+$0x0], $0xffff  }
0x104: {  	v4 =	vld [tilespmem:$0x50B0];
	_ =	sdelay $0x4  }
0x105: {  	v1 =	vmul.f32 v2, v1;
	_ =	sdelay $0x1  }
0x106: {  	[tilespmem:$0x51B0] =	vst v1  }
0x107: {  	v1 =	vld.idx.msk [tilespmem:v4+s10+$0x0], $0xffff;
	_ =	sdelay $0x1  }
0x108: {  	v2 =	vld [tilespmem:$0x5040];
	_ =	sdelay $0x3  }
0x109: {  	v1 =	vmul.u32 $0x2800, v1;
	_ =	sdelay $0x1  }
0x10a: {  	v1 =	vadd.s32 v3, v1  }
0x10b: {  	[tilespmem:$0x5230] =	vst v1;
	v1 =	vld [tilespmem:$0x5140]  }
0x10c: {  	v3 =	vld.idx.msk [tilespmem:v2+s4+$0x0], $0xffff  }
0x10d: {  	v4 =	vld [tilespmem:$0x50C0];
	_ =	sdelay $0x4  }
0x10e: {  	v1 =	vmul.f32 v3, v1;
	_ =	sdelay $0x1  }
0x10f: {  	[tilespmem:$0x51C0] =	vst v1  }
0x110: {  	v1 =	vld.idx.msk [tilespmem:v4+s10+$0x0], $0xffff;
	_ =	sdelay $0x1  }
0x111: {  	v3 =	vld [tilespmem:$0x5050];
	_ =	sdelay $0x3  }
0x112: {  	v1 =	vmul.u32 $0x2800, v1;
	_ =	sdelay $0x1  }
0x113: {  	v1 =	vadd.s32 v2, v1  }
0x114: {  	[tilespmem:$0x5240] =	vst v1;
	v1 =	vld [tilespmem:$0x5150]  }
0x115: {  	v2 =	vld.idx.msk [tilespmem:v3+s4+$0x0], $0xffff  }
0x116: {  	v4 =	vld [tilespmem:$0x50D0];
	_ =	sdelay $0x4  }
0x117: {  	v1 =	vmul.f32 v2, v1;
	_ =	sdelay $0x1  }
0x118: {  	[tilespmem:$0x51D0] =	vst v1  }
0x119: {  	v1 =	vld.idx.msk [tilespmem:v4+s10+$0x0], $0xffff;
	_ =	sdelay $0x1  }
0x11a: {  	v2 =	vld [tilespmem:$0x5060];
	_ =	sdelay $0x3  }
0x11b: {  	v1 =	vmul.u32 $0x2800, v1;
	_ =	sdelay $0x1  }
0x11c: {  	v1 =	vadd.s32 v3, v1  }
0x11d: {  	[tilespmem:$0x5250] =	vst v1;
	v1 =	vld [tilespmem:$0x5160]  }
0x11e: {  	v3 =	vld.idx.msk [tilespmem:v2+s4+$0x0], $0xffff  }
0x11f: {  	v4 =	vld [tilespmem:$0x50E0];
	_ =	sdelay $0x4  }
0x120: {  	v1 =	vmul.f32 v3, v1;
	_ =	sdelay $0x1  }
0x121: {  	[tilespmem:$0x51E0] =	vst v1  }
0x122: {  	v1 =	vld.idx.msk [tilespmem:v4+s10+$0x0], $0xffff;
	_ =	sdelay $0x1  }
0x123: {  	v3 =	vld [tilespmem:$0x5070];
	_ =	sdelay $0x3  }
0x124: {  	v1 =	vmul.u32 $0x2800, v1;
	_ =	sdelay $0x1  }
0x125: {  	v1 =	vadd.s32 v2, v1  }
0x126: {  	[tilespmem:$0x5260] =	vst v1;
	v1 =	vld [tilespmem:$0x5170]  }
0x127: {  	v2 =	vld.idx.msk [tilespmem:v3+s4+$0x0], $0xffff  }
0x128: {  	v4 =	vld [tilespmem:$0x50F0];
	_ =	sdelay $0x4  }
0x129: {  	v1 =	vmul.f32 v2, v1;
	_ =	sdelay $0x1  }
0x12a: {  	[tilespmem:$0x51F0] =	vst v1  }
0x12b: {  	v1 =	vld.idx.msk [tilespmem:v4+s10+$0x0], $0xffff;
	_ =	sdelay $0x5  }
0x12c: {  	v1 =	vmul.u32 $0x2800, v1;
	_ =	sdelay $0x1  }
0x12d: {  	v1 =	vadd.s32 v3, v1  }
0x12e: {  	[tilespmem:$0x5270] =	vst v1  }
0x12f: {  	[spmem:s2] =	stream.indirect.scatter.add.f32 [tilespmem:s15], [sflag:$0x1], $0x1, s12, s14, $0xb8;
	[tilespmem:$0xFD00] =	vst v63  }
0x130: {  	_ =	swait.ge [sflag:s9], $0x80  }
.Ltmp1:
0x131: {  	[sflag:s9] =	ssyncset.done $0x0;
	(pc) =	sbr.rel @p0 .LBB2_4-.Ltmp1, $4  }
0x132: {  	[sflag:s9] =	ssyncadd.s32 $0xFFFFFF80  }
0x133: {  	[spmem:s3] =	stream.indirect.scatter.add.f32 [tilespmem:s13], [sflag:$0x1], $0x1, s16, s14, $0xb8;
	[tilespmem:$0xFD00] =	vst v63  }
0x134: {  	_ =	swait.ge [sflag:s9], $0x80  }
0x135: {  	s21 =	smov.u32 s22;
	[sflag:s9] =	ssyncset.done $0x0  }
0x136: {  	s21 =	sadd.s32 s20, s25;
	[sflag:s9] =	ssyncadd.s32 $0xFFFFFF80  }
0x137: {  	[tilespmem:s11], [sflag:$0x1] =	stream.linear.gather [hbm4b:s21+s4], $0x80, $0x38;
	[tilespmem:$0xFD00] =	vst v63  }
0x138: {  	_ =	swait.ge [sflag:s9], $0x80  }
0x139: {  	[sflag:s9] =	ssyncset.done $0x0  }
0x13a: {  	s28 =	sadd.s32 s20, s24;
	[sflag:s9] =	ssyncadd.s32 $0xFFFFFF80  }
0x13b: {  	[tilespmem:s12], [sflag:$0x1] =	stream.linear.gather [hbm4b:s28+s4], $0x80, $0x38;
	[tilespmem:$0xFD00] =	vst v63  }
0x13c: {  	_ =	swait.ge [sflag:s9], $0x80  }
0x13d: {  	[sflag:s9] =	ssyncset.done $0x0  }
0x13e: {  	s22 =	sadd.s32 s20, s23;
	[sflag:s9] =	ssyncadd.s32 $0xFFFFFF80  }
0x13f: {  	[tilespmem:s13], [sflag:$0x1] =	stream.linear.gather [hbm4b:s22+s4], $0x80, $0x38;
	[tilespmem:$0xFD00] =	vst v63  }
0x140: {  	_ =	swait.ge [sflag:s9], $0x80  }
0x141: {  	[sflag:s9] =	ssyncset.done $0x0  }
0x142: {  	[sflag:s9] =	ssyncadd.s32 $0xFFFFFF80  }
0x143: {  	v1 =	vld [tilespmem:$0x5000];
	_ =	sdelay $0x5  }
0x144: {  	v2 =	vld [tilespmem:$0x5100]  }
0x145: {  	v4 =	vld [tilespmem:$0x5080]  }
0x146: {  	v3 =	vld.idx.msk [tilespmem:v1+s4+$0x0], $0xffff;
	_ =	sdelay $0x4  }
0x147: {  	v2 =	vmul.f32 v3, v2;
	_ =	sdelay $0x1  }
0x148: {  	[tilespmem:$0x5180] =	vst v2  }
0x149: {  	v2 =	vld.idx.msk [tilespmem:v4+s10+$0x0], $0xffff  }
0x14a: {  	v3 =	vld [tilespmem:$0x5010];
	_ =	sdelay $0x3  }
0x14b: {  	v2 =	vmul.u32 $0x2800, v2;
	_ =	sdelay $0x1  }
0x14c: {  	v57 =	vld [tilespmem:$0x5090];
	v1 =	vadd.s32 v1, v2  }
0x14d: {  	[tilespmem:$0x5200] =	vst v1;
	v1 =	vld [tilespmem:$0x5110]  }
0x14e: {  	v2 =	vld.idx.msk [tilespmem:v3+s4+$0x0], $0xffff;
	_ =	sdelay $0x4  }
0x14f: {  	v1 =	vmul.f32 v2, v1;
	_ =	sdelay $0x1  }
0x150: {  	[tilespmem:$0x5190] =	vst v1  }
0x151: {  	v1 =	vld.idx.msk [tilespmem:v57+s10+$0x0], $0xffff  }
0x152: {  	v2 =	vld [tilespmem:$0x5020];
	_ =	sdelay $0x3  }
0x153: {  	v1 =	vmul.u32 $0x2800, v1;
	_ =	sdelay $0x1  }
0x154: {  	v58 =	vld [tilespmem:$0x50A0];
	v1 =	vadd.s32 v3, v1  }
0x155: {  	[tilespmem:$0x5210] =	vst v1;
	v1 =	vld [tilespmem:$0x5120]  }
0x156: {  	v3 =	vld.idx.msk [tilespmem:v2+s4+$0x0], $0xffff;
	_ =	sdelay $0x4  }
0x157: {  	v1 =	vmul.f32 v3, v1;
	_ =	sdelay $0x1  }
0x158: {  	[tilespmem:$0x51A0] =	vst v1  }
0x159: {  	v1 =	vld.idx.msk [tilespmem:v58+s10+$0x0], $0xffff  }
0x15a: {  	v3 =	vld [tilespmem:$0x5030];
	_ =	sdelay $0x3  }
0x15b: {  	v1 =	vmul.u32 $0x2800, v1;
	_ =	sdelay $0x1  }
0x15c: {  	v59 =	vld [tilespmem:$0x50B0];
	v1 =	vadd.s32 v2, v1  }
0x15d: {  	[tilespmem:$0x5220] =	vst v1;
	v1 =	vld [tilespmem:$0x5130]  }
0x15e: {  	v2 =	vld.idx.msk [tilespmem:v3+s4+$0x0], $0xffff;
	_ =	sdelay $0x4  }
0x15f: {  	v1 =	vmul.f32 v2, v1;
	_ =	sdelay $0x1  }
0x160: {  	[tilespmem:$0x51B0] =	vst v1  }
0x161: {  	v1 =	vld.idx.msk [tilespmem:v59+s10+$0x0], $0xffff  }
0x162: {  	v2 =	vld [tilespmem:$0x5040];
	_ =	sdelay $0x3  }
0x163: {  	v1 =	vmul.u32 $0x2800, v1;
	_ =	sdelay $0x1  }
0x164: {  	v60 =	vld [tilespmem:$0x50C0];
	v1 =	vadd.s32 v3, v1  }
0x165: {  	[tilespmem:$0x5230] =	vst v1;
	v1 =	vld [tilespmem:$0x5140]  }
0x166: {  	v3 =	vld.idx.msk [tilespmem:v2+s4+$0x0], $0xffff;
	_ =	sdelay $0x4  }
0x167: {  	v1 =	vmul.f32 v3, v1;
	_ =	sdelay $0x1  }
0x168: {  	[tilespmem:$0x51C0] =	vst v1  }
0x169: {  	v1 =	vld.idx.msk [tilespmem:v60+s10+$0x0], $0xffff  }
0x16a: {  	v3 =	vld [tilespmem:$0x5050];
	_ =	sdelay $0x3  }
0x16b: {  	v1 =	vmul.u32 $0x2800, v1;
	_ =	sdelay $0x1  }
0x16c: {  	v61 =	vld [tilespmem:$0x50D0];
	v1 =	vadd.s32 v2, v1  }
0x16d: {  	[tilespmem:$0x5240] =	vst v1;
	v1 =	vld [tilespmem:$0x5150]  }
0x16e: {  	v2 =	vld.idx.msk [tilespmem:v3+s4+$0x0], $0xffff;
	_ =	sdelay $0x4  }
0x16f: {  	v1 =	vmul.f32 v2, v1;
	_ =	sdelay $0x1  }
0x170: {  	[tilespmem:$0x51D0] =	vst v1  }
0x171: {  	v1 =	vld.idx.msk [tilespmem:v61+s10+$0x0], $0xffff  }
0x172: {  	v2 =	vld [tilespmem:$0x5060];
	_ =	sdelay $0x3  }
0x173: {  	v1 =	vmul.u32 $0x2800, v1;
	_ =	sdelay $0x1  }
0x174: {  	v62 =	vld [tilespmem:$0x50E0];
	v1 =	vadd.s32 v3, v1  }
0x175: {  	[tilespmem:$0x5250] =	vst v1;
	v1 =	vld [tilespmem:$0x5160]  }
0x176: {  	v3 =	vld.idx.msk [tilespmem:v2+s4+$0x0], $0xffff;
	_ =	sdelay $0x4  }
0x177: {  	v1 =	vmul.f32 v3, v1;
	_ =	sdelay $0x1  }
0x178: {  	[tilespmem:$0x51E0] =	vst v1  }
0x179: {  	v1 =	vld.idx.msk [tilespmem:v62+s10+$0x0], $0xffff  }
0x17a: {  	v3 =	vld [tilespmem:$0x5070];
	_ =	sdelay $0x3  }
0x17b: {  	v1 =	vmul.u32 $0x2800, v1;
	_ =	sdelay $0x1  }
0x17c: {  	v63 =	vld [tilespmem:$0x50F0];
	v1 =	vadd.s32 v2, v1  }
0x17d: {  	[tilespmem:$0x5260] =	vst v1;
	v1 =	vld [tilespmem:$0x5170]  }
0x17e: {  	v2 =	vld.idx.msk [tilespmem:v3+s4+$0x0], $0xffff;
	_ =	sdelay $0x4  }
0x17f: {  	v1 =	vmul.f32 v2, v1;
	_ =	sdelay $0x1  }
0x180: {  	[tilespmem:$0x51F0] =	vst v1  }
0x181: {  	v1 =	vld.idx.msk [tilespmem:v63+s10+$0x0], $0xffff;
	_ =	sdelay $0x4  }
0x182: {  	v1 =	vmul.u32 $0x2800, v1;
	_ =	sdelay $0x1  }
0x183: {  	v1 =	vadd.s32 v3, v1  }
0x184: {  	[tilespmem:$0x5270] =	vst v1  }
0x185: {  	[spmem:s2] =	stream.indirect.scatter.add.f32 [tilespmem:s15], [sflag:$0x1], $0x1, s12, s14, $0xb8;
	[tilespmem:$0xFD00] =	vst v63  }
0x186: {  	_ =	swait.ge [sflag:s9], $0x80  }
0x187: {  	[sflag:s9] =	ssyncset.done $0x0  }
0x188: {  	[sflag:s9] =	ssyncadd.s32 $0xFFFFFF80  }
0x189: {  	[spmem:s3] =	stream.indirect.scatter.add.f32 [tilespmem:s13], [sflag:$0x1], $0x1, s16, s14, $0xb8;
	[tilespmem:$0xFD00] =	vst v63  }
0x18a: {  	_ =	swait.ge [sflag:s9], $0x80  }
0x18b: {  	[sflag:s9] =	ssyncset.done $0x0  }
0x18c: {  	s26 =	stileid.u32;
	[sflag:s9] =	ssyncadd.s32 $0xFFFFFF80  }
0x18d: {  	s20 =	sshll.u32 s26, $0x6;
	[bflag:$0x0] =	sbarrier.arrive $0xFFFF  }
0x18e: {  	s20 =	sor.u32 $0x1C01, s20;
	s28 =	sshrl.u32 s7, $0x3;
	s22 =	rddreg [dreg:$0x11]  }
0x18f: {  	[hbm:s22@s17], [sflag:s20] =	dma.strided [spmem:s28@s18], $0x50, s9, $0x10   }
0x190: {  	_ =	swait.ge [sflag:s9], $0x50  }
0x191: {  	[sflag:s9] =	ssyncset.done $0x0  }
0x192: {  	s22 =	sshrl.u32 s8, $0x3;
	s26 =	rddreg [dreg:$0x12];
	[sflag:s9] =	ssyncadd.s32 $0xFFFFFFB0  }
0x193: {  	[hbm:s26@s17], [sflag:s20] =	dma.strided [spmem:s22@s18], $0x1400, s9, $0x10   }
0x194: {  	_ =	swait.ge [sflag:s9], $0x1400  }
0x195: {  	s19 =	sadd.s32 $0x1, s19;
	s28 =	rddreg [dreg:$0x13]  }
0x196: {  	p0 =	sne.s32 s19, s28  }
.Ltmp2:
0x197: {  	_ = 	snop;
	(pc) =	sbr.rel @p0 .LBB2_1-.Ltmp2, $3  }
0x198: {  	_ =	sdelay $0x1  }
0x199: {  	[sflag:s9] =	ssyncset.done $0x0  }
0x19a: {  	[sflag:s9] =	ssyncadd.s32 $0xFFFFEC00  }
0x19b: {  	_ =	sfence.sel $0x180000  }
0x19c: {  	[bflag:$0x0] =	sbarrier.arrive $0xFFFF  }
0x19d: {  	_ =	strace $0x90000047  }
0x19e: {  	s0 =	stileid.u32;
	[bflag:$0x2] =	sbarrier.arrive $0xFFFF  }
0x19f: {  	p0 =	sne.s32 s0, $0x0;
	s0 =	rddreg [dreg:$0x3]  }
0x1a0: {  	s0 =	sadd.s32 @!p0 $0x100000, s0  }
0x1a1: {  	[sflag:s0] =	ssyncadd.tile.s32 @!p0 $0x1;
	_ =	shalt  }
.Lfunc_end2:
_tile_overlayer_lowered:
.L_overlay_start_2:
0x1a2: {  	(tag) =	ssettag $0x2  }
0x1a3: {  	s0 =	rddreg [dreg:$0x0];
	s2 =	stileid.u32  }
0x1a4: {  	s1 =	rddreg [dreg:$0x1];
	p0 =	sne.s32 s2, $0x0  }
0x1a5: {  	s3 =	rddreg [dreg:$0x2];
	[bflag:$0x3] =	sbarrier.arrive $0xFFFF;
	s2 =	simm.s32 @!p0 $0x1C01  }
0x1a6: {  	[timem:s3], [sflag:s2] =	dma.local @!p0 [hbm:s0], s1  }
0x1a7: {  	s0 =	simm.s32 @!p0 $0x1  }
0x1a8: {  	_ =	swait.ge @!p0 [sflag:s0], s1  }
0x1a9: {  	s1 =	ssub.s32 @!p0 $0x0, s1;
	[sflag:s0] =	ssyncset.done @!p0 $0x0  }
0x1aa: {  	[sflag:s0] =	ssyncadd.s32 @!p0 s1  }
0x1ab: {  	[bflag:$0x3] =	sbarrier.arrive $0xFFFF  }
0x1ac: {  	_ =	shalt  }

</sc_bundles>
